<compile_context>
chip_gen: v7x
topology: tpu7x:2x2x1
jax: 0.10.2.dev20260603
libtpu: 0.0.44.dev20260713+nightly
codegen_flags: <defaults>
</compile_context>

<pallas_src>
import functools
import jax
import jax.numpy as jnp
from jax import lax
from jax.experimental import pallas as pl
from jax.experimental.pallas import tpu as pltpu

N = 10000
E = 320000
NP_ = 10240
K1, K2, K3 = 2560, 640, 256
k1, k2, k3 = 2500, 625, 157


def _pick(b, d):
    for c in b:
        if d % c == 0:
            return c
    return d


def _mm_body(a_ref, b_ref, o_ref):
    @pl.when(pl.program_id(2) == 0)
    def _():
        o_ref[...] = jnp.zeros_like(o_ref)

    o_ref[...] += jnp.dot(a_ref[...], b_ref[...],
                          preferred_element_type=jnp.float32)


def _mm(a, b, cast_bf16=False):
    if cast_bf16:
        a = a.astype(jnp.bfloat16)
        b = b.astype(jnp.bfloat16)
    m, k = a.shape
    _, n = b.shape
    bm = _pick((512, 256, 128), m)
    bn = _pick((512, 256, 128), n)
    bk = _pick((2048, 1024, 512, 256, 128), k)
    return pl.pallas_call(
        _mm_body,
        grid=(m // bm, n // bn, k // bk),
        in_specs=[
            pl.BlockSpec((bm, bk), lambda i, j, t: (i, t)),
            pl.BlockSpec((bk, bn), lambda i, j, t: (t, j)),
        ],
        out_specs=pl.BlockSpec((bm, bn), lambda i, j, t: (i, j)),
        out_shape=jax.ShapeDtypeStruct((m, n), jnp.float32),
        compiler_params=pltpu.CompilerParams(
            dimension_semantics=("parallel", "parallel", "arbitrary")),
    )(a, b)


def _pad2(w, r, c):
    return jnp.zeros((r, c), jnp.float32).at[:w.shape[0], :w.shape[1]].set(w)


def _pad1(v, n):
    return jnp.zeros((n,), jnp.float32).at[:v.shape[0]].set(v)


def _gcn_dense(As, xw, b):
    n = As.shape[0]
    deg = _mm(As, jnp.ones((n, 128), jnp.float32))[:, 0] + 2.0
    dinv = deg ** -0.5
    y = dinv[:, None] * xw
    z = _mm(As, y)
    return dinv[:, None] * (z + 2.0 * y) + b


def _scatter_rows(y, src, dst):
    return jnp.zeros_like(y).at[src].add(y[dst])


def _topk_sorted(score, kk):
    vals, perm = lax.top_k(score, kk)
    order = jnp.argsort(perm)
    return vals[order], perm[order]


def kernel(x, edge_index, Wd0, bd0, Wd1, bd1, Wd2, bd2, Wd3, bd3,
           p0, p1, p2, Wu0, bu0, Wu1, bu1, Wu2, bu2):
    src, dst = edge_index[0], edge_index[1]
    xp = _pad2(x, NP_, 128)
    Wd0p, bd0p = _pad2(Wd0, 128, 128), _pad1(bd0, 128)
    Wd1p, bd1p = _pad2(Wd1, 128, 128), _pad1(bd1, 128)
    Wd2p, bd2p = _pad2(Wd2, 128, 128), _pad1(bd2, 128)
    Wd3p, bd3p = _pad2(Wd3, 128, 128), _pad1(bd3, 128)
    Wu0p, bu0p = _pad2(Wu0, 128, 128), _pad1(bu0, 128)
    Wu1p, bu1p = _pad2(Wu1, 128, 128), _pad1(bu1, 128)
    Wu2p, bu2p = _pad2(Wu2, 128, 128), _pad1(bu2, 128)
    p0p, p1p, p2p = _pad1(p0, 128), _pad1(p1, 128), _pad1(p2, 128)

    deg0 = jnp.zeros((NP_,), jnp.float32).at[src].add(1.0) + 2.0
    dinv0 = deg0 ** -0.5

    xw = _mm(xp, Wd0p)
    y = dinv0[:, None] * xw
    z = _scatter_rows(y, src, dst)
    x0 = jax.nn.relu(dinv0[:, None] * (z + 2.0 * y) + bd0p)

    s1 = jnp.tanh((x0 @ p0p) / jnp.linalg.norm(p0))
    s1 = jnp.where(jnp.arange(NP_) < N, s1, -2.0)
    vals1, perm1 = _topk_sorted(s1, k1)
    inv1 = jnp.full((NP_,), -1, jnp.int32).at[perm1].set(
        jnp.arange(k1, dtype=jnp.int32))

    nd = src != dst
    ivd, ivs = inv1[dst], inv1[src]
    wC = jnp.where(nd & (ivd >= 0), 1.0, 0.0)
    jC = jnp.where(ivd >= 0, ivd, 0)
    Cp = jnp.zeros((NP_, K1), jnp.float32).at[src, jC].add(wC)
    wR = jnp.where(nd & (ivs >= 0), 1.0, 0.0)
    iR = jnp.where(ivs >= 0, ivs, 0)
    R1 = jnp.zeros((K1, NP_), jnp.float32).at[iR, dst].add(wR)

    M1 = _mm(R1, Cp, cast_bf16=True)
    perm1p = jnp.concatenate(
        [perm1, jnp.full((K1 - k1,), NP_ - 1, jnp.int32)])
    As1 = (M1 + 2.0 * Cp[perm1p]) * (1.0 - jnp.eye(K1, dtype=jnp.float32))

    xp1 = _pad2(x0[perm1] * vals1[:, None], K1, 128)
    x1 = jax.nn.relu(_gcn_dense(As1, _mm(xp1, Wd1p), bd1p))

    s2 = jnp.tanh((x1 @ p1p) / jnp.linalg.norm(p1))
    s2 = jnp.where(jnp.arange(K1) < k1, s2, -2.0)
    vals2, perm2 = _topk_sorted(s2, k2)
    perm2p = jnp.concatenate(
        [perm2, jnp.full((K2 - k2,), K1 - 1, jnp.int32)])
    P2 = As1[perm2p]
    M2 = _mm(P2, As1[:, perm2p], cast_bf16=True) + 2.0 * P2[:, perm2p]
    As2 = M2 * (1.0 - jnp.eye(K2, dtype=jnp.float32))

    xp2 = _pad2(x1[perm2] * vals2[:, None], K2, 128)
    x2 = jax.nn.relu(_gcn_dense(As2, _mm(xp2, Wd2p), bd2p))

    s3 = jnp.tanh((x2 @ p2p) / jnp.linalg.norm(p2))
    s3 = jnp.where(jnp.arange(K2) < k2, s3, -2.0)
    vals3, perm3 = _topk_sorted(s3, k3)
    perm3p = jnp.concatenate(
        [perm3, jnp.full((K3 - k3,), K2 - 1, jnp.int32)])
    P3 = As2[perm3p]
    M3 = _mm(P3, As2[:, perm3p]) + 2.0 * P3[:, perm3p]
    As3 = M3 * (1.0 - jnp.eye(K3, dtype=jnp.float32))

    xp3 = _pad2(x2[perm3] * vals3[:, None], K3, 128)
    x3 = jax.nn.relu(_gcn_dense(As3, _mm(xp3, Wd3p), bd3p))

    up = jnp.zeros((K2, 128), jnp.float32).at[perm3].set(x3[:k3])
    xu = x2 + up
    u = jax.nn.relu(_gcn_dense(As2, _mm(xu, Wu0p), bu0p))

    up = jnp.zeros((K1, 128), jnp.float32).at[perm2].set(u[:k2])
    xu = x1 + up
    u = jax.nn.relu(_gcn_dense(As1, _mm(xu, Wu1p), bu1p))

    up = jnp.zeros((NP_, 128), jnp.float32).at[perm1].set(u[:k1])
    xu = x0 + up
    xwf = _mm(xu, Wu2p)
    yf = dinv0[:, None] * xwf
    zf = _scatter_rows(yf, src, dst)
    out = dinv0[:, None] * (zf + 2.0 * yf) + bu2p
    return out[:N, :40]

# --- scband reference (transcript-rebuilt; emitter-appended) ---
"""Pipeline reference for scband-gunet-30210799960815 (READ-ONLY COPY).

The authoritative reference and input builder live on the scoring server;
editing this copy changes nothing except your own understanding.
"""

import jax, jax.numpy as jnp
import numpy as np

N = 10000
E = 320000
D_IN = 128
HID = 32
OUT = 40
DEPTH = 3
RATIOS = [0.25, 0.25, 0.25]


def _glorot(k, shape):
    lim = float(np.sqrt(6.0 / (shape[0] + shape[1])))
    return jax.random.uniform(k, shape, jnp.float32, -lim, lim)


def setup_inputs(seed: int = 0):
    key = jax.random.key(seed)
    ks = jax.random.split(key, 16)
    inp = {}
    inp['x'] = jax.random.normal(ks[0], (N, D_IN), dtype=jnp.float32)
    inp['edge_index'] = jax.random.randint(ks[1], (2, E), 0, N, dtype=jnp.int32)
    inp['Wd0'] = _glorot(ks[2], (D_IN, HID)); inp['bd0'] = jnp.zeros((HID,), jnp.float32)
    inp['Wd1'] = _glorot(ks[3], (HID, HID)); inp['bd1'] = jnp.zeros((HID,), jnp.float32)
    inp['Wd2'] = _glorot(ks[4], (HID, HID)); inp['bd2'] = jnp.zeros((HID,), jnp.float32)
    inp['Wd3'] = _glorot(ks[5], (HID, HID)); inp['bd3'] = jnp.zeros((HID,), jnp.float32)
    inp['p0'] = jax.random.normal(ks[6], (HID,), jnp.float32) * 0.1
    inp['p1'] = jax.random.normal(ks[7], (HID,), jnp.float32) * 0.1
    inp['p2'] = jax.random.normal(ks[8], (HID,), jnp.float32) * 0.1
    inp['Wu0'] = _glorot(ks[9], (HID, HID)); inp['bu0'] = jnp.zeros((HID,), jnp.float32)
    inp['Wu1'] = _glorot(ks[10], (HID, HID)); inp['bu1'] = jnp.zeros((HID,), jnp.float32)
    inp['Wu2'] = _glorot(ks[11], (HID, OUT)); inp['bu2'] = jnp.zeros((OUT,), jnp.float32)
    return inp


def _dense_adj(edge_index, n):
    A = jnp.zeros((n, n), jnp.float32)
    # edge_weight = ones; duplicate edges accumulate, matching message-passing semantics
    A = A.at[edge_index[0], edge_index[1]].add(1.0)
    return A


def _gcn(x, A, W, b):
    # GCNConv(improved=True): add self-loops with weight 2, symmetric normalization
    n = A.shape[0]
    Ah = A + 2.0 * jnp.eye(n, dtype=A.dtype)
    deg = Ah.sum(axis=1)
    dinv = jnp.where(deg > 0, deg ** -0.5, 0.0)
    An = dinv[:, None] * Ah * dinv[None, :]
    return An @ (x @ W) + b


def _augment(A):
    # remove self loops, add self loops (w=1), A @ A (spspmm), remove self loops
    n = A.shape[0]
    eye = jnp.eye(n, dtype=A.dtype)
    A = A * (1.0 - eye) + eye
    A = A @ A
    return A * (1.0 - eye)


def _topk_pool(x, A, p, ratio):
    # TopKPooling: score = tanh((x . p)/||p||); keep ceil(ratio*N); x = x[perm]*score[perm]
    score = jnp.tanh((x @ p) / jnp.linalg.norm(p))
    k = int(np.ceil(ratio * x.shape[0]))
    vals, perm = jax.lax.top_k(score, k)
    xp = x[perm] * vals[:, None]
    Ap = A[perm][:, perm]
    return xp, Ap, perm


def _unet(x, A, Wd, ps, Wu):
    x = jax.nn.relu(_gcn(x, A, Wd[0][0], Wd[0][1]))
    xs = [x]; As = [A]; perms = []
    for i in range(1, DEPTH + 1):
        A = _augment(A)
        x, A, perm = _topk_pool(x, A, ps[i - 1], RATIOS[i - 1])
        x = jax.nn.relu(_gcn(x, A, Wd[i][0], Wd[i][1]))
        if i < DEPTH:
            xs.append(x); As.append(A)
        perms.append(perm)
    for i in range(DEPTH):
        j = DEPTH - 1 - i
        res = xs[j]; A = As[j]; perm = perms[j]
        up = jnp.zeros_like(res).at[perm].set(x)
        x = res + up  # sum_res=True
        x = _gcn(x, A, Wu[i][0], Wu[i][1])
        if i < DEPTH - 1:
            x = jax.nn.relu(x)
    return x


def reference(x, edge_index, Wd0, bd0, Wd1, bd1, Wd2, bd2, Wd3, bd3, p0, p1, p2, Wu0, bu0, Wu1, bu1, Wu2, bu2):
    # eval mode: dropout_adj and F.dropout are identity
    A = _dense_adj(edge_index, x.shape[0])
    Wd = [(Wd0, bd0), (Wd1, bd1), (Wd2, bd2), (Wd3, bd3)]
    ps = [p0, p1, p2]
    Wu = [(Wu0, bu0), (Wu1, bu1), (Wu2, bu2)]
    return _unet(x, A, Wd, ps, Wu)

if __name__ == "__main__":
    import jax
    _d = setup_inputs()
    print(jax.jit(kernel)(*tuple(_d.values())))

</pallas_src>

<mosaic_0001>
module attributes {stable_mosaic.version = 14 : i64} {
  func.func @_mm_body(%arg0: i32, %arg1: i32, %arg2: i32, %arg3: memref<512x128xf32, #tpu.memory_space<vmem>>, %arg4: memref<128x128xf32, #tpu.memory_space<vmem>>, %arg5: memref<512x128xf32, #tpu.memory_space<vmem>>) attributes {dimension_semantics = [#tpu.dimension_semantics<parallel>, #tpu.dimension_semantics<parallel>, #tpu.dimension_semantics<arbitrary>], iteration_bounds = array<i64: 20, 1, 1>, scalar_prefetch = 0 : i64, scratch_operands = 0 : i64, tpu.core_type = #tpu.core_type<tc>, window_params = [{transform_indices = @transform_0, window_bounds = array<i64: 512, 128>}, {transform_indices = @transform_1, window_bounds = array<i64: 128, 128>}, {transform_indices = @transform_2, window_bounds = array<i64: 512, 128>}]} {
    %eq3A = arith.constant 0 : i32
    %eq3A_0 = arith.cmpi eq, %arg2, %eq3A : i32
    %convert_element_type3A = arith.extui %eq3A_0 : i1 to i32
    %cond3A = arith.constant 0 : i32
    %cond3A_1 = arith.cmpi ne, %convert_element_type3A, %cond3A : i32
    scf.if %cond3A_1 {
      %broadcast_in_dim3A = arith.constant 0.000000e+00 : f32
      %broadcast_in_dim3A_13 = vector.broadcast %broadcast_in_dim3A : f32 to vector<512x128xf32>
      %swap3A_14 = arith.constant 0 : index
      %swap3A_15 = arith.constant 0 : index
      %swap3A_16 = vector.load %arg5[%swap3A_14, %swap3A_15] : memref<512x128xf32, #tpu.memory_space<vmem>>, vector<512x128xf32>
      tpu.vector_store %arg5[%swap3A_14, %swap3A_15], %broadcast_in_dim3A_13 {strides = array<i32>} : memref<512x128xf32, #tpu.memory_space<vmem>>, vector<512x128xf32>,
    } else {
    }
    %get3A = arith.constant 0 : index
    %get3A_2 = arith.constant 0 : index
    %get3A_3 = vector.load %arg5[%get3A, %get3A_2] : memref<512x128xf32, #tpu.memory_space<vmem>>, vector<512x128xf32>
    %get3A_4 = arith.constant 0 : index
    %get3A_5 = arith.constant 0 : index
    %get3A_6 = vector.load %arg3[%get3A_4, %get3A_5] : memref<512x128xf32, #tpu.memory_space<vmem>>, vector<512x128xf32>
    %get3A_7 = arith.constant 0 : index
    %get3A_8 = arith.constant 0 : index
    %get3A_9 = vector.load %arg4[%get3A_7, %get3A_8] : memref<128x128xf32, #tpu.memory_space<vmem>>, vector<128x128xf32>
    %dot_general3A = arith.constant dense<0.000000e+00> : vector<512x128xf32>
    %dot_general3A_10 = tpu.matmul %get3A_6, %get3A_9, %dot_general3A {dimension_numbers = #tpu.dot_dimension_numbers<[1], [0], [0], [1], [0, 0, 1, 1], [], []>, transpose_lhs_hint = false} : vector<512x128xf32>, vector<128x128xf32>, vector<512x128xf32> -> vector<512x128xf32>
    %add3A = arith.addf %get3A_3, %dot_general3A_10 : vector<512x128xf32>
    %swap3A = arith.constant 0 : index
    %swap3A_11 = arith.constant 0 : index
    %swap3A_12 = vector.load %arg5[%swap3A, %swap3A_11] : memref<512x128xf32, #tpu.memory_space<vmem>>, vector<512x128xf32>
    tpu.vector_store %arg5[%swap3A, %swap3A_11], %add3A {strides = array<i32>} : memref<512x128xf32, #tpu.memory_space<vmem>>, vector<512x128xf32>,
    return
  }
  func.func @transform_0(%arg0: i32, %arg1: i32, %arg2: i32) -> (i32, i32) {
    %c0_i32 = arith.constant 0 : i32
    return %arg0, %arg2 : i32, i32
  }
  func.func @transform_1(%arg0: i32, %arg1: i32, %arg2: i32) -> (i32, i32) {
    %c0_i32 = arith.constant 0 : i32
    return %arg2, %arg1 : i32, i32
  }
  func.func @transform_2(%arg0: i32, %arg1: i32, %arg2: i32) -> (i32, i32) {
    %c0_i32 = arith.constant 0 : i32
    return %arg0, %arg1 : i32, i32
  }
}

module attributes {stable_mosaic.version = 14 : i64} {
  func.func @_mm_body(%arg0: i32, %arg1: i32, %arg2: i32, %arg3: memref<512x128xf32, #tpu.memory_space<vmem>>, %arg4: memref<128x128xf32, #tpu.memory_space<vmem>>, %arg5: memref<512x128xf32, #tpu.memory_space<vmem>>) attributes {dimension_semantics = [#tpu.dimension_semantics<parallel>, #tpu.dimension_semantics<parallel>, #tpu.dimension_semantics<arbitrary>], iteration_bounds = array<i64: 5, 1, 1>, scalar_prefetch = 0 : i64, scratch_operands = 0 : i64, tpu.core_type = #tpu.core_type<tc>, window_params = [{transform_indices = @transform_0, window_bounds = array<i64: 512, 128>}, {transform_indices = @transform_1, window_bounds = array<i64: 128, 128>}, {transform_indices = @transform_2, window_bounds = array<i64: 512, 128>}]} {
    %eq3A = arith.constant 0 : i32
    %eq3A_0 = arith.cmpi eq, %arg2, %eq3A : i32
    %convert_element_type3A = arith.extui %eq3A_0 : i1 to i32
    %cond3A = arith.constant 0 : i32
    %cond3A_1 = arith.cmpi ne, %convert_element_type3A, %cond3A : i32
    scf.if %cond3A_1 {
      %broadcast_in_dim3A = arith.constant 0.000000e+00 : f32
      %broadcast_in_dim3A_13 = vector.broadcast %broadcast_in_dim3A : f32 to vector<512x128xf32>
      %swap3A_14 = arith.constant 0 : index
      %swap3A_15 = arith.constant 0 : index
      %swap3A_16 = vector.load %arg5[%swap3A_14, %swap3A_15] : memref<512x128xf32, #tpu.memory_space<vmem>>, vector<512x128xf32>
      tpu.vector_store %arg5[%swap3A_14, %swap3A_15], %broadcast_in_dim3A_13 {strides = array<i32>} : memref<512x128xf32, #tpu.memory_space<vmem>>, vector<512x128xf32>,
    } else {
    }
    %get3A = arith.constant 0 : index
    %get3A_2 = arith.constant 0 : index
    %get3A_3 = vector.load %arg5[%get3A, %get3A_2] : memref<512x128xf32, #tpu.memory_space<vmem>>, vector<512x128xf32>
    %get3A_4 = arith.constant 0 : index
    %get3A_5 = arith.constant 0 : index
    %get3A_6 = vector.load %arg3[%get3A_4, %get3A_5] : memref<512x128xf32, #tpu.memory_space<vmem>>, vector<512x128xf32>
    %get3A_7 = arith.constant 0 : index
    %get3A_8 = arith.constant 0 : index
    %get3A_9 = vector.load %arg4[%get3A_7, %get3A_8] : memref<128x128xf32, #tpu.memory_space<vmem>>, vector<128x128xf32>
    %dot_general3A = arith.constant dense<0.000000e+00> : vector<512x128xf32>
    %dot_general3A_10 = tpu.matmul %get3A_6, %get3A_9, %dot_general3A {dimension_numbers = #tpu.dot_dimension_numbers<[1], [0], [0], [1], [0, 0, 1, 1], [], []>, transpose_lhs_hint = false} : vector<512x128xf32>, vector<128x128xf32>, vector<512x128xf32> -> vector<512x128xf32>
    %add3A = arith.addf %get3A_3, %dot_general3A_10 : vector<512x128xf32>
    %swap3A = arith.constant 0 : index
    %swap3A_11 = arith.constant 0 : index
    %swap3A_12 = vector.load %arg5[%swap3A, %swap3A_11] : memref<512x128xf32, #tpu.memory_space<vmem>>, vector<512x128xf32>
    tpu.vector_store %arg5[%swap3A, %swap3A_11], %add3A {strides = array<i32>} : memref<512x128xf32, #tpu.memory_space<vmem>>, vector<512x128xf32>,
    return
  }
  func.func @transform_0(%arg0: i32, %arg1: i32, %arg2: i32) -> (i32, i32) {
    %c0_i32 = arith.constant 0 : i32
    return %arg0, %arg2 : i32, i32
  }
  func.func @transform_1(%arg0: i32, %arg1: i32, %arg2: i32) -> (i32, i32) {
    %c0_i32 = arith.constant 0 : i32
    return %arg2, %arg1 : i32, i32
  }
  func.func @transform_2(%arg0: i32, %arg1: i32, %arg2: i32) -> (i32, i32) {
    %c0_i32 = arith.constant 0 : i32
    return %arg0, %arg1 : i32, i32
  }
}

module attributes {stable_mosaic.version = 14 : i64} {
  func.func @_mm_body(%arg0: i32, %arg1: i32, %arg2: i32, %arg3: memref<512x2048xbf16, #tpu.memory_space<vmem>>, %arg4: memref<2048x512xbf16, #tpu.memory_space<vmem>>, %arg5: memref<512x512xf32, #tpu.memory_space<vmem>>) attributes {dimension_semantics = [#tpu.dimension_semantics<parallel>, #tpu.dimension_semantics<parallel>, #tpu.dimension_semantics<arbitrary>], iteration_bounds = array<i64: 5, 5, 5>, scalar_prefetch = 0 : i64, scratch_operands = 0 : i64, tpu.core_type = #tpu.core_type<tc>, window_params = [{transform_indices = @transform_0, window_bounds = array<i64: 512, 2048>}, {transform_indices = @transform_1, window_bounds = array<i64: 2048, 512>}, {transform_indices = @transform_2, window_bounds = array<i64: 512, 512>}]} {
    %eq3A = arith.constant 0 : i32
    %eq3A_0 = arith.cmpi eq, %arg2, %eq3A : i32
    %convert_element_type3A = arith.extui %eq3A_0 : i1 to i32
    %cond3A = arith.constant 0 : i32
    %cond3A_1 = arith.cmpi ne, %convert_element_type3A, %cond3A : i32
    scf.if %cond3A_1 {
      %broadcast_in_dim3A = arith.constant 0.000000e+00 : f32
      %broadcast_in_dim3A_13 = vector.broadcast %broadcast_in_dim3A : f32 to vector<512x512xf32>
      %swap3A_14 = arith.constant 0 : index
      %swap3A_15 = arith.constant 0 : index
      %swap3A_16 = vector.load %arg5[%swap3A_14, %swap3A_15] : memref<512x512xf32, #tpu.memory_space<vmem>>, vector<512x512xf32>
      tpu.vector_store %arg5[%swap3A_14, %swap3A_15], %broadcast_in_dim3A_13 {strides = array<i32>} : memref<512x512xf32, #tpu.memory_space<vmem>>, vector<512x512xf32>,
    } else {
    }
    %get3A = arith.constant 0 : index
    %get3A_2 = arith.constant 0 : index
    %get3A_3 = vector.load %arg5[%get3A, %get3A_2] : memref<512x512xf32, #tpu.memory_space<vmem>>, vector<512x512xf32>
    %get3A_4 = arith.constant 0 : index
    %get3A_5 = arith.constant 0 : index
    %get3A_6 = vector.load %arg3[%get3A_4, %get3A_5] : memref<512x2048xbf16, #tpu.memory_space<vmem>>, vector<512x2048xbf16>
    %get3A_7 = arith.constant 0 : index
    %get3A_8 = arith.constant 0 : index
    %get3A_9 = vector.load %arg4[%get3A_7, %get3A_8] : memref<2048x512xbf16, #tpu.memory_space<vmem>>, vector<2048x512xbf16>
    %dot_general3A = arith.constant dense<0.000000e+00> : vector<512x512xf32>
    %dot_general3A_10 = tpu.matmul %get3A_6, %get3A_9, %dot_general3A {dimension_numbers = #tpu.dot_dimension_numbers<[1], [0], [0], [1], [0, 0, 1, 1], [], []>, transpose_lhs_hint = false} : vector<512x2048xbf16>, vector<2048x512xbf16>, vector<512x512xf32> -> vector<512x512xf32>
    %add3A = arith.addf %get3A_3, %dot_general3A_10 : vector<512x512xf32>
    %swap3A = arith.constant 0 : index
    %swap3A_11 = arith.constant 0 : index
    %swap3A_12 = vector.load %arg5[%swap3A, %swap3A_11] : memref<512x512xf32, #tpu.memory_space<vmem>>, vector<512x512xf32>
    tpu.vector_store %arg5[%swap3A, %swap3A_11], %add3A {strides = array<i32>} : memref<512x512xf32, #tpu.memory_space<vmem>>, vector<512x512xf32>,
    return
  }
  func.func @transform_0(%arg0: i32, %arg1: i32, %arg2: i32) -> (i32, i32) {
    %c0_i32 = arith.constant 0 : i32
    return %arg0, %arg2 : i32, i32
  }
  func.func @transform_1(%arg0: i32, %arg1: i32, %arg2: i32) -> (i32, i32) {
    %c0_i32 = arith.constant 0 : i32
    return %arg2, %arg1 : i32, i32
  }
  func.func @transform_2(%arg0: i32, %arg1: i32, %arg2: i32) -> (i32, i32) {
    %c0_i32 = arith.constant 0 : i32
    return %arg0, %arg1 : i32, i32
  }
}

module attributes {stable_mosaic.version = 14 : i64} {
  func.func @_mm_body(%arg0: i32, %arg1: i32, %arg2: i32, %arg3: memref<512x512xf32, #tpu.memory_space<vmem>>, %arg4: memref<512x128xf32, #tpu.memory_space<vmem>>, %arg5: memref<512x128xf32, #tpu.memory_space<vmem>>) attributes {dimension_semantics = [#tpu.dimension_semantics<parallel>, #tpu.dimension_semantics<parallel>, #tpu.dimension_semantics<arbitrary>], iteration_bounds = array<i64: 5, 1, 5>, scalar_prefetch = 0 : i64, scratch_operands = 0 : i64, tpu.core_type = #tpu.core_type<tc>, window_params = [{transform_indices = @transform_0, window_bounds = array<i64: 512, 512>}, {transform_indices = @transform_1, window_bounds = array<i64: 512, 128>}, {transform_indices = @transform_2, window_bounds = array<i64: 512, 128>}]} {
    %eq3A = arith.constant 0 : i32
    %eq3A_0 = arith.cmpi eq, %arg2, %eq3A : i32
    %convert_element_type3A = arith.extui %eq3A_0 : i1 to i32
    %cond3A = arith.constant 0 : i32
    %cond3A_1 = arith.cmpi ne, %convert_element_type3A, %cond3A : i32
    scf.if %cond3A_1 {
      %broadcast_in_dim3A = arith.constant 0.000000e+00 : f32
      %broadcast_in_dim3A_13 = vector.broadcast %broadcast_in_dim3A : f32 to vector<512x128xf32>
      %swap3A_14 = arith.constant 0 : index
      %swap3A_15 = arith.constant 0 : index
      %swap3A_16 = vector.load %arg5[%swap3A_14, %swap3A_15] : memref<512x128xf32, #tpu.memory_space<vmem>>, vector<512x128xf32>
      tpu.vector_store %arg5[%swap3A_14, %swap3A_15], %broadcast_in_dim3A_13 {strides = array<i32>} : memref<512x128xf32, #tpu.memory_space<vmem>>, vector<512x128xf32>,
    } else {
    }
    %get3A = arith.constant 0 : index
    %get3A_2 = arith.constant 0 : index
    %get3A_3 = vector.load %arg5[%get3A, %get3A_2] : memref<512x128xf32, #tpu.memory_space<vmem>>, vector<512x128xf32>
    %get3A_4 = arith.constant 0 : index
    %get3A_5 = arith.constant 0 : index
    %get3A_6 = vector.load %arg3[%get3A_4, %get3A_5] : memref<512x512xf32, #tpu.memory_space<vmem>>, vector<512x512xf32>
    %get3A_7 = arith.constant 0 : index
    %get3A_8 = arith.constant 0 : index
    %get3A_9 = vector.load %arg4[%get3A_7, %get3A_8] : memref<512x128xf32, #tpu.memory_space<vmem>>, vector<512x128xf32>
    %dot_general3A = arith.constant dense<0.000000e+00> : vector<512x128xf32>
    %dot_general3A_10 = tpu.matmul %get3A_6, %get3A_9, %dot_general3A {dimension_numbers = #tpu.dot_dimension_numbers<[1], [0], [0], [1], [0, 0, 1, 1], [], []>, transpose_lhs_hint = false} : vector<512x512xf32>, vector<512x128xf32>, vector<512x128xf32> -> vector<512x128xf32>
    %add3A = arith.addf %get3A_3, %dot_general3A_10 : vector<512x128xf32>
    %swap3A = arith.constant 0 : index
    %swap3A_11 = arith.constant 0 : index
    %swap3A_12 = vector.load %arg5[%swap3A, %swap3A_11] : memref<512x128xf32, #tpu.memory_space<vmem>>, vector<512x128xf32>
    tpu.vector_store %arg5[%swap3A, %swap3A_11], %add3A {strides = array<i32>} : memref<512x128xf32, #tpu.memory_space<vmem>>, vector<512x128xf32>,
    return
  }
  func.func @transform_0(%arg0: i32, %arg1: i32, %arg2: i32) -> (i32, i32) {
    %c0_i32 = arith.constant 0 : i32
    return %arg0, %arg2 : i32, i32
  }
  func.func @transform_1(%arg0: i32, %arg1: i32, %arg2: i32) -> (i32, i32) {
    %c0_i32 = arith.constant 0 : i32
    return %arg2, %arg1 : i32, i32
  }
  func.func @transform_2(%arg0: i32, %arg1: i32, %arg2: i32) -> (i32, i32) {
    %c0_i32 = arith.constant 0 : i32
    return %arg0, %arg1 : i32, i32
  }
}

module attributes {stable_mosaic.version = 14 : i64} {
  func.func @_mm_body(%arg0: i32, %arg1: i32, %arg2: i32, %arg3: memref<128x512xbf16, #tpu.memory_space<vmem>>, %arg4: memref<512x128xbf16, #tpu.memory_space<vmem>>, %arg5: memref<128x128xf32, #tpu.memory_space<vmem>>) attributes {dimension_semantics = [#tpu.dimension_semantics<parallel>, #tpu.dimension_semantics<parallel>, #tpu.dimension_semantics<arbitrary>], iteration_bounds = array<i64: 5, 5, 5>, scalar_prefetch = 0 : i64, scratch_operands = 0 : i64, tpu.core_type = #tpu.core_type<tc>, window_params = [{transform_indices = @transform_0, window_bounds = array<i64: 128, 512>}, {transform_indices = @transform_1, window_bounds = array<i64: 512, 128>}, {transform_indices = @transform_2, window_bounds = array<i64: 128, 128>}]} {
    %eq3A = arith.constant 0 : i32
    %eq3A_0 = arith.cmpi eq, %arg2, %eq3A : i32
    %convert_element_type3A = arith.extui %eq3A_0 : i1 to i32
    %cond3A = arith.constant 0 : i32
    %cond3A_1 = arith.cmpi ne, %convert_element_type3A, %cond3A : i32
    scf.if %cond3A_1 {
      %broadcast_in_dim3A = arith.constant 0.000000e+00 : f32
      %broadcast_in_dim3A_13 = vector.broadcast %broadcast_in_dim3A : f32 to vector<128x128xf32>
      %swap3A_14 = arith.constant 0 : index
      %swap3A_15 = arith.constant 0 : index
      %swap3A_16 = vector.load %arg5[%swap3A_14, %swap3A_15] : memref<128x128xf32, #tpu.memory_space<vmem>>, vector<128x128xf32>
      tpu.vector_store %arg5[%swap3A_14, %swap3A_15], %broadcast_in_dim3A_13 {strides = array<i32>} : memref<128x128xf32, #tpu.memory_space<vmem>>, vector<128x128xf32>,
    } else {
    }
    %get3A = arith.constant 0 : index
    %get3A_2 = arith.constant 0 : index
    %get3A_3 = vector.load %arg5[%get3A, %get3A_2] : memref<128x128xf32, #tpu.memory_space<vmem>>, vector<128x128xf32>
    %get3A_4 = arith.constant 0 : index
    %get3A_5 = arith.constant 0 : index
    %get3A_6 = vector.load %arg3[%get3A_4, %get3A_5] : memref<128x512xbf16, #tpu.memory_space<vmem>>, vector<128x512xbf16>
    %get3A_7 = arith.constant 0 : index
    %get3A_8 = arith.constant 0 : index
    %get3A_9 = vector.load %arg4[%get3A_7, %get3A_8] : memref<512x128xbf16, #tpu.memory_space<vmem>>, vector<512x128xbf16>
    %dot_general3A = arith.constant dense<0.000000e+00> : vector<128x128xf32>
    %dot_general3A_10 = tpu.matmul %get3A_6, %get3A_9, %dot_general3A {dimension_numbers = #tpu.dot_dimension_numbers<[1], [0], [0], [1], [0, 0, 1, 1], [], []>, transpose_lhs_hint = false} : vector<128x512xbf16>, vector<512x128xbf16>, vector<128x128xf32> -> vector<128x128xf32>
    %add3A = arith.addf %get3A_3, %dot_general3A_10 : vector<128x128xf32>
    %swap3A = arith.constant 0 : index
    %swap3A_11 = arith.constant 0 : index
    %swap3A_12 = vector.load %arg5[%swap3A, %swap3A_11] : memref<128x128xf32, #tpu.memory_space<vmem>>, vector<128x128xf32>
    tpu.vector_store %arg5[%swap3A, %swap3A_11], %add3A {strides = array<i32>} : memref<128x128xf32, #tpu.memory_space<vmem>>, vector<128x128xf32>,
    return
  }
  func.func @transform_0(%arg0: i32, %arg1: i32, %arg2: i32) -> (i32, i32) {
    %c0_i32 = arith.constant 0 : i32
    return %arg0, %arg2 : i32, i32
  }
  func.func @transform_1(%arg0: i32, %arg1: i32, %arg2: i32) -> (i32, i32) {
    %c0_i32 = arith.constant 0 : i32
    return %arg2, %arg1 : i32, i32
  }
  func.func @transform_2(%arg0: i32, %arg1: i32, %arg2: i32) -> (i32, i32) {
    %c0_i32 = arith.constant 0 : i32
    return %arg0, %arg1 : i32, i32
  }
}

module attributes {stable_mosaic.version = 14 : i64} {
  func.func @_mm_body(%arg0: i32, %arg1: i32, %arg2: i32, %arg3: memref<128x128xf32, #tpu.memory_space<vmem>>, %arg4: memref<128x128xf32, #tpu.memory_space<vmem>>, %arg5: memref<128x128xf32, #tpu.memory_space<vmem>>) attributes {dimension_semantics = [#tpu.dimension_semantics<parallel>, #tpu.dimension_semantics<parallel>, #tpu.dimension_semantics<arbitrary>], iteration_bounds = array<i64: 5, 1, 5>, scalar_prefetch = 0 : i64, scratch_operands = 0 : i64, tpu.core_type = #tpu.core_type<tc>, window_params = [{transform_indices = @transform_0, window_bounds = array<i64: 128, 128>}, {transform_indices = @transform_1, window_bounds = array<i64: 128, 128>}, {transform_indices = @transform_2, window_bounds = array<i64: 128, 128>}]} {
    %eq3A = arith.constant 0 : i32
    %eq3A_0 = arith.cmpi eq, %arg2, %eq3A : i32
    %convert_element_type3A = arith.extui %eq3A_0 : i1 to i32
    %cond3A = arith.constant 0 : i32
    %cond3A_1 = arith.cmpi ne, %convert_element_type3A, %cond3A : i32
    scf.if %cond3A_1 {
      %broadcast_in_dim3A = arith.constant 0.000000e+00 : f32
      %broadcast_in_dim3A_13 = vector.broadcast %broadcast_in_dim3A : f32 to vector<128x128xf32>
      %swap3A_14 = arith.constant 0 : index
      %swap3A_15 = arith.constant 0 : index
      %swap3A_16 = vector.load %arg5[%swap3A_14, %swap3A_15] : memref<128x128xf32, #tpu.memory_space<vmem>>, vector<128x128xf32>
      tpu.vector_store %arg5[%swap3A_14, %swap3A_15], %broadcast_in_dim3A_13 {strides = array<i32>} : memref<128x128xf32, #tpu.memory_space<vmem>>, vector<128x128xf32>,
    } else {
    }
    %get3A = arith.constant 0 : index
    %get3A_2 = arith.constant 0 : index
    %get3A_3 = vector.load %arg5[%get3A, %get3A_2] : memref<128x128xf32, #tpu.memory_space<vmem>>, vector<128x128xf32>
    %get3A_4 = arith.constant 0 : index
    %get3A_5 = arith.constant 0 : index
    %get3A_6 = vector.load %arg3[%get3A_4, %get3A_5] : memref<128x128xf32, #tpu.memory_space<vmem>>, vector<128x128xf32>
    %get3A_7 = arith.constant 0 : index
    %get3A_8 = arith.constant 0 : index
    %get3A_9 = vector.load %arg4[%get3A_7, %get3A_8] : memref<128x128xf32, #tpu.memory_space<vmem>>, vector<128x128xf32>
    %dot_general3A = arith.constant dense<0.000000e+00> : vector<128x128xf32>
    %dot_general3A_10 = tpu.matmul %get3A_6, %get3A_9, %dot_general3A {dimension_numbers = #tpu.dot_dimension_numbers<[1], [0], [0], [1], [0, 0, 1, 1], [], []>, transpose_lhs_hint = false} : vector<128x128xf32>, vector<128x128xf32>, vector<128x128xf32> -> vector<128x128xf32>
    %add3A = arith.addf %get3A_3, %dot_general3A_10 : vector<128x128xf32>
    %swap3A = arith.constant 0 : index
    %swap3A_11 = arith.constant 0 : index
    %swap3A_12 = vector.load %arg5[%swap3A, %swap3A_11] : memref<128x128xf32, #tpu.memory_space<vmem>>, vector<128x128xf32>
    tpu.vector_store %arg5[%swap3A, %swap3A_11], %add3A {strides = array<i32>} : memref<128x128xf32, #tpu.memory_space<vmem>>, vector<128x128xf32>,
    return
  }
  func.func @transform_0(%arg0: i32, %arg1: i32, %arg2: i32) -> (i32, i32) {
    %c0_i32 = arith.constant 0 : i32
    return %arg0, %arg2 : i32, i32
  }
  func.func @transform_1(%arg0: i32, %arg1: i32, %arg2: i32) -> (i32, i32) {
    %c0_i32 = arith.constant 0 : i32
    return %arg2, %arg1 : i32, i32
  }
  func.func @transform_2(%arg0: i32, %arg1: i32, %arg2: i32) -> (i32, i32) {
    %c0_i32 = arith.constant 0 : i32
    return %arg0, %arg1 : i32, i32
  }
}

module attributes {stable_mosaic.version = 14 : i64} {
  func.func @_mm_body(%arg0: i32, %arg1: i32, %arg2: i32, %arg3: memref<128x128xf32, #tpu.memory_space<vmem>>, %arg4: memref<128x128xf32, #tpu.memory_space<vmem>>, %arg5: memref<128x128xf32, #tpu.memory_space<vmem>>) attributes {dimension_semantics = [#tpu.dimension_semantics<parallel>, #tpu.dimension_semantics<parallel>, #tpu.dimension_semantics<arbitrary>], iteration_bounds = array<i64: 5, 1, 1>, scalar_prefetch = 0 : i64, scratch_operands = 0 : i64, tpu.core_type = #tpu.core_type<tc>, window_params = [{transform_indices = @transform_0, window_bounds = array<i64: 128, 128>}, {transform_indices = @transform_1, window_bounds = array<i64: 128, 128>}, {transform_indices = @transform_2, window_bounds = array<i64: 128, 128>}]} {
    %eq3A = arith.constant 0 : i32
    %eq3A_0 = arith.cmpi eq, %arg2, %eq3A : i32
    %convert_element_type3A = arith.extui %eq3A_0 : i1 to i32
    %cond3A = arith.constant 0 : i32
    %cond3A_1 = arith.cmpi ne, %convert_element_type3A, %cond3A : i32
    scf.if %cond3A_1 {
      %broadcast_in_dim3A = arith.constant 0.000000e+00 : f32
      %broadcast_in_dim3A_13 = vector.broadcast %broadcast_in_dim3A : f32 to vector<128x128xf32>
      %swap3A_14 = arith.constant 0 : index
      %swap3A_15 = arith.constant 0 : index
      %swap3A_16 = vector.load %arg5[%swap3A_14, %swap3A_15] : memref<128x128xf32, #tpu.memory_space<vmem>>, vector<128x128xf32>
      tpu.vector_store %arg5[%swap3A_14, %swap3A_15], %broadcast_in_dim3A_13 {strides = array<i32>} : memref<128x128xf32, #tpu.memory_space<vmem>>, vector<128x128xf32>,
    } else {
    }
    %get3A = arith.constant 0 : index
    %get3A_2 = arith.constant 0 : index
    %get3A_3 = vector.load %arg5[%get3A, %get3A_2] : memref<128x128xf32, #tpu.memory_space<vmem>>, vector<128x128xf32>
    %get3A_4 = arith.constant 0 : index
    %get3A_5 = arith.constant 0 : index
    %get3A_6 = vector.load %arg3[%get3A_4, %get3A_5] : memref<128x128xf32, #tpu.memory_space<vmem>>, vector<128x128xf32>
    %get3A_7 = arith.constant 0 : index
    %get3A_8 = arith.constant 0 : index
    %get3A_9 = vector.load %arg4[%get3A_7, %get3A_8] : memref<128x128xf32, #tpu.memory_space<vmem>>, vector<128x128xf32>
    %dot_general3A = arith.constant dense<0.000000e+00> : vector<128x128xf32>
    %dot_general3A_10 = tpu.matmul %get3A_6, %get3A_9, %dot_general3A {dimension_numbers = #tpu.dot_dimension_numbers<[1], [0], [0], [1], [0, 0, 1, 1], [], []>, transpose_lhs_hint = false} : vector<128x128xf32>, vector<128x128xf32>, vector<128x128xf32> -> vector<128x128xf32>
    %add3A = arith.addf %get3A_3, %dot_general3A_10 : vector<128x128xf32>
    %swap3A = arith.constant 0 : index
    %swap3A_11 = arith.constant 0 : index
    %swap3A_12 = vector.load %arg5[%swap3A, %swap3A_11] : memref<128x128xf32, #tpu.memory_space<vmem>>, vector<128x128xf32>
    tpu.vector_store %arg5[%swap3A, %swap3A_11], %add3A {strides = array<i32>} : memref<128x128xf32, #tpu.memory_space<vmem>>, vector<128x128xf32>,
    return
  }
  func.func @transform_0(%arg0: i32, %arg1: i32, %arg2: i32) -> (i32, i32) {
    %c0_i32 = arith.constant 0 : i32
    return %arg0, %arg2 : i32, i32
  }
  func.func @transform_1(%arg0: i32, %arg1: i32, %arg2: i32) -> (i32, i32) {
    %c0_i32 = arith.constant 0 : i32
    return %arg2, %arg1 : i32, i32
  }
  func.func @transform_2(%arg0: i32, %arg1: i32, %arg2: i32) -> (i32, i32) {
    %c0_i32 = arith.constant 0 : i32
    return %arg0, %arg1 : i32, i32
  }
}

module attributes {stable_mosaic.version = 14 : i64} {
  func.func @_mm_body(%arg0: i32, %arg1: i32, %arg2: i32, %arg3: memref<256x128xf32, #tpu.memory_space<vmem>>, %arg4: memref<128x256xf32, #tpu.memory_space<vmem>>, %arg5: memref<256x256xf32, #tpu.memory_space<vmem>>) attributes {dimension_semantics = [#tpu.dimension_semantics<parallel>, #tpu.dimension_semantics<parallel>, #tpu.dimension_semantics<arbitrary>], iteration_bounds = array<i64: 1, 1, 5>, scalar_prefetch = 0 : i64, scratch_operands = 0 : i64, tpu.core_type = #tpu.core_type<tc>, window_params = [{transform_indices = @transform_0, window_bounds = array<i64: 256, 128>}, {transform_indices = @transform_1, window_bounds = array<i64: 128, 256>}, {transform_indices = @transform_2, window_bounds = array<i64: 256, 256>}]} {
    %eq3A = arith.constant 0 : i32
    %eq3A_0 = arith.cmpi eq, %arg2, %eq3A : i32
    %convert_element_type3A = arith.extui %eq3A_0 : i1 to i32
    %cond3A = arith.constant 0 : i32
    %cond3A_1 = arith.cmpi ne, %convert_element_type3A, %cond3A : i32
    scf.if %cond3A_1 {
      %broadcast_in_dim3A = arith.constant 0.000000e+00 : f32
      %broadcast_in_dim3A_13 = vector.broadcast %broadcast_in_dim3A : f32 to vector<256x256xf32>
      %swap3A_14 = arith.constant 0 : index
      %swap3A_15 = arith.constant 0 : index
      %swap3A_16 = vector.load %arg5[%swap3A_14, %swap3A_15] : memref<256x256xf32, #tpu.memory_space<vmem>>, vector<256x256xf32>
      tpu.vector_store %arg5[%swap3A_14, %swap3A_15], %broadcast_in_dim3A_13 {strides = array<i32>} : memref<256x256xf32, #tpu.memory_space<vmem>>, vector<256x256xf32>,
    } else {
    }
    %get3A = arith.constant 0 : index
    %get3A_2 = arith.constant 0 : index
    %get3A_3 = vector.load %arg5[%get3A, %get3A_2] : memref<256x256xf32, #tpu.memory_space<vmem>>, vector<256x256xf32>
    %get3A_4 = arith.constant 0 : index
    %get3A_5 = arith.constant 0 : index
    %get3A_6 = vector.load %arg3[%get3A_4, %get3A_5] : memref<256x128xf32, #tpu.memory_space<vmem>>, vector<256x128xf32>
    %get3A_7 = arith.constant 0 : index
    %get3A_8 = arith.constant 0 : index
    %get3A_9 = vector.load %arg4[%get3A_7, %get3A_8] : memref<128x256xf32, #tpu.memory_space<vmem>>, vector<128x256xf32>
    %dot_general3A = arith.constant dense<0.000000e+00> : vector<256x256xf32>
    %dot_general3A_10 = tpu.matmul %get3A_6, %get3A_9, %dot_general3A {dimension_numbers = #tpu.dot_dimension_numbers<[1], [0], [0], [1], [0, 0, 1, 1], [], []>, transpose_lhs_hint = false} : vector<256x128xf32>, vector<128x256xf32>, vector<256x256xf32> -> vector<256x256xf32>
    %add3A = arith.addf %get3A_3, %dot_general3A_10 : vector<256x256xf32>
    %swap3A = arith.constant 0 : index
    %swap3A_11 = arith.constant 0 : index
    %swap3A_12 = vector.load %arg5[%swap3A, %swap3A_11] : memref<256x256xf32, #tpu.memory_space<vmem>>, vector<256x256xf32>
    tpu.vector_store %arg5[%swap3A, %swap3A_11], %add3A {strides = array<i32>} : memref<256x256xf32, #tpu.memory_space<vmem>>, vector<256x256xf32>,
    return
  }
  func.func @transform_0(%arg0: i32, %arg1: i32, %arg2: i32) -> (i32, i32) {
    %c0_i32 = arith.constant 0 : i32
    return %arg0, %arg2 : i32, i32
  }
  func.func @transform_1(%arg0: i32, %arg1: i32, %arg2: i32) -> (i32, i32) {
    %c0_i32 = arith.constant 0 : i32
    return %arg2, %arg1 : i32, i32
  }
  func.func @transform_2(%arg0: i32, %arg1: i32, %arg2: i32) -> (i32, i32) {
    %c0_i32 = arith.constant 0 : i32
    return %arg0, %arg1 : i32, i32
  }
}

module attributes {stable_mosaic.version = 14 : i64} {
  func.func @_mm_body(%arg0: i32, %arg1: i32, %arg2: i32, %arg3: memref<256x256xf32, #tpu.memory_space<vmem>>, %arg4: memref<256x128xf32, #tpu.memory_space<vmem>>, %arg5: memref<256x128xf32, #tpu.memory_space<vmem>>) attributes {dimension_semantics = [#tpu.dimension_semantics<parallel>, #tpu.dimension_semantics<parallel>, #tpu.dimension_semantics<arbitrary>], iteration_bounds = array<i64: 1, 1, 1>, scalar_prefetch = 0 : i64, scratch_operands = 0 : i64, tpu.core_type = #tpu.core_type<tc>, window_params = [{transform_indices = @transform_0, window_bounds = array<i64: 256, 256>}, {transform_indices = @transform_1, window_bounds = array<i64: 256, 128>}, {transform_indices = @transform_2, window_bounds = array<i64: 256, 128>}]} {
    %eq3A = arith.constant 0 : i32
    %eq3A_0 = arith.cmpi eq, %arg2, %eq3A : i32
    %convert_element_type3A = arith.extui %eq3A_0 : i1 to i32
    %cond3A = arith.constant 0 : i32
    %cond3A_1 = arith.cmpi ne, %convert_element_type3A, %cond3A : i32
    scf.if %cond3A_1 {
      %broadcast_in_dim3A = arith.constant 0.000000e+00 : f32
      %broadcast_in_dim3A_13 = vector.broadcast %broadcast_in_dim3A : f32 to vector<256x128xf32>
      %swap3A_14 = arith.constant 0 : index
      %swap3A_15 = arith.constant 0 : index
      %swap3A_16 = vector.load %arg5[%swap3A_14, %swap3A_15] : memref<256x128xf32, #tpu.memory_space<vmem>>, vector<256x128xf32>
      tpu.vector_store %arg5[%swap3A_14, %swap3A_15], %broadcast_in_dim3A_13 {strides = array<i32>} : memref<256x128xf32, #tpu.memory_space<vmem>>, vector<256x128xf32>,
    } else {
    }
    %get3A = arith.constant 0 : index
    %get3A_2 = arith.constant 0 : index
    %get3A_3 = vector.load %arg5[%get3A, %get3A_2] : memref<256x128xf32, #tpu.memory_space<vmem>>, vector<256x128xf32>
    %get3A_4 = arith.constant 0 : index
    %get3A_5 = arith.constant 0 : index
    %get3A_6 = vector.load %arg3[%get3A_4, %get3A_5] : memref<256x256xf32, #tpu.memory_space<vmem>>, vector<256x256xf32>
    %get3A_7 = arith.constant 0 : index
    %get3A_8 = arith.constant 0 : index
    %get3A_9 = vector.load %arg4[%get3A_7, %get3A_8] : memref<256x128xf32, #tpu.memory_space<vmem>>, vector<256x128xf32>
    %dot_general3A = arith.constant dense<0.000000e+00> : vector<256x128xf32>
    %dot_general3A_10 = tpu.matmul %get3A_6, %get3A_9, %dot_general3A {dimension_numbers = #tpu.dot_dimension_numbers<[1], [0], [0], [1], [0, 0, 1, 1], [], []>, transpose_lhs_hint = false} : vector<256x256xf32>, vector<256x128xf32>, vector<256x128xf32> -> vector<256x128xf32>
    %add3A = arith.addf %get3A_3, %dot_general3A_10 : vector<256x128xf32>
    %swap3A = arith.constant 0 : index
    %swap3A_11 = arith.constant 0 : index
    %swap3A_12 = vector.load %arg5[%swap3A, %swap3A_11] : memref<256x128xf32, #tpu.memory_space<vmem>>, vector<256x128xf32>
    tpu.vector_store %arg5[%swap3A, %swap3A_11], %add3A {strides = array<i32>} : memref<256x128xf32, #tpu.memory_space<vmem>>, vector<256x128xf32>,
    return
  }
  func.func @transform_0(%arg0: i32, %arg1: i32, %arg2: i32) -> (i32, i32) {
    %c0_i32 = arith.constant 0 : i32
    return %arg0, %arg2 : i32, i32
  }
  func.func @transform_1(%arg0: i32, %arg1: i32, %arg2: i32) -> (i32, i32) {
    %c0_i32 = arith.constant 0 : i32
    return %arg2, %arg1 : i32, i32
  }
  func.func @transform_2(%arg0: i32, %arg1: i32, %arg2: i32) -> (i32, i32) {
    %c0_i32 = arith.constant 0 : i32
    return %arg0, %arg1 : i32, i32
  }
}

module attributes {stable_mosaic.version = 14 : i64} {
  func.func @_mm_body(%arg0: i32, %arg1: i32, %arg2: i32, %arg3: memref<256x128xf32, #tpu.memory_space<vmem>>, %arg4: memref<128x128xf32, #tpu.memory_space<vmem>>, %arg5: memref<256x128xf32, #tpu.memory_space<vmem>>) attributes {dimension_semantics = [#tpu.dimension_semantics<parallel>, #tpu.dimension_semantics<parallel>, #tpu.dimension_semantics<arbitrary>], iteration_bounds = array<i64: 1, 1, 1>, scalar_prefetch = 0 : i64, scratch_operands = 0 : i64, tpu.core_type = #tpu.core_type<tc>, window_params = [{transform_indices = @transform_0, window_bounds = array<i64: 256, 128>}, {transform_indices = @transform_1, window_bounds = array<i64: 128, 128>}, {transform_indices = @transform_2, window_bounds = array<i64: 256, 128>}]} {
    %eq3A = arith.constant 0 : i32
    %eq3A_0 = arith.cmpi eq, %arg2, %eq3A : i32
    %convert_element_type3A = arith.extui %eq3A_0 : i1 to i32
    %cond3A = arith.constant 0 : i32
    %cond3A_1 = arith.cmpi ne, %convert_element_type3A, %cond3A : i32
    scf.if %cond3A_1 {
      %broadcast_in_dim3A = arith.constant 0.000000e+00 : f32
      %broadcast_in_dim3A_13 = vector.broadcast %broadcast_in_dim3A : f32 to vector<256x128xf32>
      %swap3A_14 = arith.constant 0 : index
      %swap3A_15 = arith.constant 0 : index
      %swap3A_16 = vector.load %arg5[%swap3A_14, %swap3A_15] : memref<256x128xf32, #tpu.memory_space<vmem>>, vector<256x128xf32>
      tpu.vector_store %arg5[%swap3A_14, %swap3A_15], %broadcast_in_dim3A_13 {strides = array<i32>} : memref<256x128xf32, #tpu.memory_space<vmem>>, vector<256x128xf32>,
    } else {
    }
    %get3A = arith.constant 0 : index
    %get3A_2 = arith.constant 0 : index
    %get3A_3 = vector.load %arg5[%get3A, %get3A_2] : memref<256x128xf32, #tpu.memory_space<vmem>>, vector<256x128xf32>
    %get3A_4 = arith.constant 0 : index
    %get3A_5 = arith.constant 0 : index
    %get3A_6 = vector.load %arg3[%get3A_4, %get3A_5] : memref<256x128xf32, #tpu.memory_space<vmem>>, vector<256x128xf32>
    %get3A_7 = arith.constant 0 : index
    %get3A_8 = arith.constant 0 : index
    %get3A_9 = vector.load %arg4[%get3A_7, %get3A_8] : memref<128x128xf32, #tpu.memory_space<vmem>>, vector<128x128xf32>
    %dot_general3A = arith.constant dense<0.000000e+00> : vector<256x128xf32>
    %dot_general3A_10 = tpu.matmul %get3A_6, %get3A_9, %dot_general3A {dimension_numbers = #tpu.dot_dimension_numbers<[1], [0], [0], [1], [0, 0, 1, 1], [], []>, transpose_lhs_hint = false} : vector<256x128xf32>, vector<128x128xf32>, vector<256x128xf32> -> vector<256x128xf32>
    %add3A = arith.addf %get3A_3, %dot_general3A_10 : vector<256x128xf32>
    %swap3A = arith.constant 0 : index
    %swap3A_11 = arith.constant 0 : index
    %swap3A_12 = vector.load %arg5[%swap3A, %swap3A_11] : memref<256x128xf32, #tpu.memory_space<vmem>>, vector<256x128xf32>
    tpu.vector_store %arg5[%swap3A, %swap3A_11], %add3A {strides = array<i32>} : memref<256x128xf32, #tpu.memory_space<vmem>>, vector<256x128xf32>,
    return
  }
  func.func @transform_0(%arg0: i32, %arg1: i32, %arg2: i32) -> (i32, i32) {
    %c0_i32 = arith.constant 0 : i32
    return %arg0, %arg2 : i32, i32
  }
  func.func @transform_1(%arg0: i32, %arg1: i32, %arg2: i32) -> (i32, i32) {
    %c0_i32 = arith.constant 0 : i32
    return %arg2, %arg1 : i32, i32
  }
  func.func @transform_2(%arg0: i32, %arg1: i32, %arg2: i32) -> (i32, i32) {
    %c0_i32 = arith.constant 0 : i32
    return %arg0, %arg1 : i32, i32
  }
}

</mosaic_0001>

<sc_bundles>
// kernel: gather_offload_async_start
scs
__scs_entry_jumppad:
0x0: {  	(pc) =	sbr.rel $0x88, $3  }
0x1: {  	(tag) =	ssettag $0x0;
	lr =	simm.s32 $0x1  }
0x2: {  	[smem:$0x3F8E] =	sst lr;
	_ =	strace $0xD0000000  }
0x3: {  	_ = 	snop  }
0x4: {  	_ = 	snop  }
0x5: {  	_ = 	snop  }
0x6: {  	_ = 	snop  }
0x7: {  	_ = 	snop  }
__scs_overlays_trampoline_lowered:
0x8: {  	[smem:$0x3F9D] =	sst s0  }
0x9: {  	[smem:$0x3F9E] =	sst s1  }
0xa: {  	[smem:$0x3F9F] =	sst s2  }
0xb: {  	[smem:$0x3FA0] =	sst s3  }
0xc: {  	[smem:$0x3FA1] =	sst s4  }
0xd: {  	[smem:$0x3FA2] =	sst s5  }
0xe: {  	[smem:$0x3FA3] =	sst s6  }
0xf: {  	[smem:$0x3FA4] =	sst s7  }
0x10: {  	[smem:$0x3FA5] =	sst s8  }
0x11: {  	[smem:$0x3FA6] =	sst s9;
	s0 =	simm.s32 @!p0 $0x0  }
0x12: {  	s1 =	sld [smem:$0x3F8C];
	s0 =	simm.s32 @p0 $0x1  }
0x13: {  	[smem:$0x3FA7] =	sst s0;
	s0 =	simm.s32 @!p1 $0x0  }
0x14: {  	s2 =	sld [smem:$0x3F8B];
	s0 =	simm.s32 @p1 $0x1  }
0x15: {  	[smem:$0x3FA8] =	sst s0;
	s0 =	simm.s32 @!p2 $0x0  }
0x16: {  	s3 =	sld [smem:$0x3FDB];
	s0 =	simm.s32 @p2 $0x1  }
0x17: {  	s4 =	simm.s32 $0x1BF5;
	[smem:$0x3FAA] =	sst s0  }
0x18: {  	s0 =	sld [smem:$0x3F8D];
	_ =	swait.ge [sflag:s4], $0x0  }
0x19: {  	s7 =	sld [smem:$0x3F8E]  }
0x1a: {  	s8 =	sadd.s32 $0xFFFFE003, lr  }
0x1b: {  	s9 =	sadd.s32 $0xFFFFFEF7, lr;
	s5 =	simm.s32 $0xFFFFFFFF;
	p2 =	slt.u32 s8, $0xFFFFF086  }
0x1c: {  	p1 =	slt.u32 s9, $0xF7A;
	s5 =	simm.s32 @!p2 $0x0  }
0x1d: {  	s5 =	simm.s32 @p1 $0x1;
	p0 =	seq.s32 s7, s2  }
0x1e: {  	s7 =	smul.u32 @!p0 $0xF7A, s2;
	p2 =	seq.s32 @!p0 s5, $0x0  }
0x1f: {  	s9 =	smul.u32 $0xF7A, s1;
	s8 =	simm.s32 @!p0 $0x1BF5;
	p2 =	por !p2, p0  }
0x20: {  	[sflag:s8] =	ssyncset.s32 @!p0 $0xFFFFF086;
	s6 =	sadd.s32 @!p0 s3, s7;
	s7 =	simm.s32 @!p0 $0x108  }
0x21: {  	s3 =	sadd.s32 s3, s9;
	s6 =	sadd.s32 @!p0 $0x88, s6;
	s7 =	simm.s32 @p2 $0x1082  }
0x22: {  	[simem:s7], [sflag:s8] =	dma.local @!p0 [hbm:s6], $0xF7A  }
0x23: {  	s9 =	sor.u32 $0xD0000000, s2;
	s6 =	simm.s32 $0x108;
	_ =	swait.ge @!p0 [sflag:s8], $0x0  }
0x24: {  	s3 =	sadd.s32 $0x88, s3;
	s6 =	simm.s32 @!p1 $0x1082;
	[sflag:s4] =	ssyncset.s32 $0xFFFFF086  }
0x25: {  	[simem:s6], [sflag:s4] =	dma.local [hbm:s3], $0xF7A  }
0x26: {  	[smem:$0x3F8E] =	sst s1;
	(tag) =	ssettag s2;
	_ =	strace s9  }
0x27: {  	s1 =	sld [smem:$0x3F9E]  }
0x28: {  	s2 =	sld [smem:$0x3F9F]  }
0x29: {  	s4 =	sld [smem:$0x3FA1]  }
0x2a: {  	p0 =	seq.s32 s5, $0x0;
	s5 =	sld [smem:$0x3FA2]  }
0x2b: {  	s6 =	sld [smem:$0x3FA3]  }
0x2c: {  	s7 =	sld [smem:$0x3FA4]  }
0x2d: {  	s3 =	simm.s32 $0x108;
	s8 =	sld [smem:$0x3FA5]  }
0x2e: {  	s3 =	simm.s32 @!p0 $0x1082;
	s9 =	sld [smem:$0x3FA6]  }
0x2f: {  	lr =	sadd.s32 s0, s3;
	s0 =	sld [smem:$0x3F9D]  }
0x30: {  	s3 =	sld [smem:$0x3FA0]  }
0x31: {  	[smem:$0x3FA9] =	sst s10  }
0x32: {  	s10 =	sld [smem:$0x3FA7];
	_ =	sdelay $0x3  }
0x33: {  	p0 =	seq.s32 s10, $0x1;
	s10 =	sld [smem:$0x3FA9];
	_ =	sdelay $0x3  }
0x34: {  	[smem:$0x3FA9] =	sst s10  }
0x35: {  	s10 =	sld [smem:$0x3FA8];
	_ =	sdelay $0x3  }
0x36: {  	p1 =	seq.s32 s10, $0x1;
	s10 =	sld [smem:$0x3FA9];
	_ =	sdelay $0x3  }
0x37: {  	[smem:$0x3FA9] =	sst s10  }
0x38: {  	s10 =	sld [smem:$0x3FAA]  }
0x39: {  	_ = 	snop;
	(pc) =	sbr.ind lr, $3  }
0x3a: {  	_ = 	snop  }
0x3b: {  	_ = 	snop  }
0x3c: {  	p2 =	seq.s32 s10, $0x1;
	s10 =	sld [smem:$0x3FA9]  }
0x3d: {  	_ =	shalt  }
0x3e: {  	_ =	shalt  }
0x3f: {  	_ =	shalt  }
0x40: {  	_ =	shalt  }
0x41: {  	_ =	shalt  }
0x42: {  	_ =	shalt  }
0x43: {  	_ =	shalt  }
0x44: {  	_ =	shalt  }
0x45: {  	_ =	shalt  }
0x46: {  	_ =	shalt  }
0x47: {  	_ =	shalt  }
0x48: {  	_ =	shalt  }
0x49: {  	_ =	shalt  }
0x4a: {  	_ =	shalt  }
0x4b: {  	_ =	shalt  }
0x4c: {  	_ =	shalt  }
0x4d: {  	_ =	shalt  }
0x4e: {  	_ =	shalt  }
0x4f: {  	_ =	shalt  }
0x50: {  	_ =	shalt  }
0x51: {  	_ =	shalt  }
0x52: {  	_ =	shalt  }
0x53: {  	_ =	shalt  }
0x54: {  	_ =	shalt  }
0x55: {  	_ =	shalt  }
0x56: {  	_ =	shalt  }
0x57: {  	_ =	shalt  }
0x58: {  	_ =	shalt  }
0x59: {  	_ =	shalt  }
0x5a: {  	_ =	shalt  }
0x5b: {  	_ =	shalt  }
0x5c: {  	_ =	shalt  }
0x5d: {  	_ =	shalt  }
0x5e: {  	_ =	shalt  }
0x5f: {  	_ =	shalt  }
0x60: {  	_ =	shalt  }
0x61: {  	_ =	shalt  }
0x62: {  	_ =	shalt  }
0x63: {  	_ =	shalt  }
0x64: {  	_ =	shalt  }
0x65: {  	_ =	shalt  }
0x66: {  	_ =	shalt  }
0x67: {  	_ =	shalt  }
0x68: {  	_ =	shalt  }
0x69: {  	_ =	shalt  }
0x6a: {  	_ =	shalt  }
0x6b: {  	_ =	shalt  }
0x6c: {  	_ =	shalt  }
0x6d: {  	_ =	shalt  }
0x6e: {  	_ =	shalt  }
0x6f: {  	_ =	shalt  }
0x70: {  	_ =	shalt  }
0x71: {  	_ =	shalt  }
0x72: {  	_ =	shalt  }
0x73: {  	_ =	shalt  }
0x74: {  	_ =	shalt  }
0x75: {  	_ =	shalt  }
0x76: {  	_ =	shalt  }
0x77: {  	_ =	shalt  }
0x78: {  	_ =	shalt  }
0x79: {  	_ =	shalt  }
0x7a: {  	_ =	shalt  }
0x7b: {  	_ =	shalt  }
0x7c: {  	_ =	shalt  }
0x7d: {  	_ =	shalt  }
0x7e: {  	_ =	shalt  }
0x7f: {  	_ =	shalt  }
0x80: {  	_ =	shalt  }
0x81: {  	_ =	shalt  }
0x82: {  	_ =	shalt  }
0x83: {  	_ =	shalt  }
0x84: {  	_ =	shalt  }
0x85: {  	_ =	shalt  }
0x86: {  	_ =	shalt  }
0x87: {  	_ =	shalt  }
.Lfunc_end0:
.L_simem_size_0:
called_computation.5_lowered:
.L_overlay_start_0:
0x88: {  	s2 =	sld [smem:$0x3FD9]  }
0x89: {  	s3 =	sld [smem:$0x3FFE];
	_ =	sdelay $0x1  }
0x8a: {  	s1 =	srdreg.scid  }
0x8b: {  	s0 =	sand.u32 $0x1, s1  }
0x8c: {  	s17 =	sshll.u32 s0, $0xA;
	s2 =	sadd.s32 s3, s2  }
0x8d: {  	s2 =	sadd.s32 s2, s17  }
0x8e: {  	[smem:$0x3FB5] =	sst s2  }
0x8f: {  	_ = 	snop  }
0x90: {  	(tm) =	ssettm $0x1  }
0x91: {  	s18 =	sld [smem:$0x3FFB];
	_ =	sdelay $0x3  }
0x92: {  	_ =	strace s18  }
0x93: {  	s2 =	sld [smem:$0x3FFC];
	_ =	sdelay $0x3  }
0x94: {  	_ =	strace s2  }
0x95: {  	s2 =	sld [smem:$0x3FFD];
	_ =	sdelay $0x3  }
0x96: {  	_ =	strace s2  }
0x97: {  	_ =	strace $0x8FFFFFFF  }
0x98: {  	s19 =	sld [smem:$0x3FDB];
	_ =	sdelay $0x1  }
0x99: {  	s20 =	simm.s32 $_scs_section_size  }
0x9a: {  	s4 =	simm.s32 $_size__tile_overlayer_lowered;
	s5 =	simm.s32 $_tile_overlayer_lowered  }
0x9b: {  	s6 =	simm.s32 $0x1BFF;
	s21 =	sshll.u32 s5, $0x1;
	s3 =	sadd.s32 s20, s19  }
0x9c: {  	s22 =	simm.s32 $0x0;
	s4 =	sshll.u32 s4, $0x1;
	s5 =	sadd.s32 s21, s3  }
0x9d: {  	[timem:s22], [sflag:s6] =	dma.local [hbm:s5], s4  }
0x9e: {  	_ =	swait.ge [sflag:s6], s4  }
0x9f: {  	s4 =	ssub.s32 $0x0, s4;
	[sflag:s6] =	ssyncset.done $0x0  }
0xa0: {  	[sflag:s6] =	ssyncadd.s32 s4;
	_ =	sdelay $0x1  }
0xa1: {  	s23 =	simm.s32 $0x1B8B  }
0xa2: {  	_ =	swait.ge [sflag:s23], $0x1  }
0xa3: {  	[sflag:s23] =	ssyncset.done $0x0  }
0xa4: {  	[sflag:s23] =	ssyncadd.s32 $0xFFFFFFFF  }
0xa5: {  	s4 =	sld [smem:$0x0]  }
0xa6: {  	s5 =	sand.u32 $0xFFFFFFFE, s1  }
0xa7: {  	p0 =	sne.s32 s1, s5  }
0xa8: {  	s5 =	sshll.u32 @p0 s5, $0xE  }
0xa9: {  	s5 =	sadd.s32 @p0 $0x11B8D, s5;
	s6 =	sshll.u32 @p0 s4, $0x11  }
0xaa: {  	s5 =	sor.u32 @p0 s6, s5  }
0xab: {  	[sflag:s5] =	ssyncadd.remote.s32 @p0 $0x1;
	_ =	sdelay $0x1  }
0xac: {  	s5 =	simm.s32 @p0 $0x1B8D  }
0xad: {  	_ =	swait.eq @p0 [sflag:s5], $0x1  }
0xae: {  	[sflag:s5] =	ssyncadd.s32 @p0 $0xFFFFFFFF  }
0xaf: {  	s6 =	sshll.u32 @!p0 s1, $0xE  }
0xb0: {  	s6 =	sor.u32 @!p0 $0x4000, s6;
	s5 =	simm.s32 @!p0 $0x1B8D  }
0xb1: {  	s4 =	sshll.u32 @!p0 s4, $0x11;
	s6 =	sadd.s32 @!p0 $0x11B8D, s6;
	_ =	swait.eq @!p0 [sflag:s5], $0x1  }
0xb2: {  	s4 =	sor.u32 @!p0 s4, s6;
	[sflag:s5] =	ssyncadd.s32 @!p0 $0xFFFFFFFF  }
0xb3: {  	s25 =	simm.s32 $0x1B8E;
	s24 =	sld [smem:$0x3FFE];
	[sflag:s4] =	ssyncadd.remote.s32 @!p0 $0x1  }
0xb4: {  	s26 =	simm.s32 $execute0_lowered;
	[smem:$0x3FD2] =	sst s25  }
0xb5: {  	s5 =	sshll.u32 s26, $0x1;
	_ =	strace $0x80000058;
	[dreg:$0x1] =	wrdreg $0xFFFFFFFF  }
0xb6: {  	s28 =	simm.s32 $_size_execute0_lowered;
	s3 =	sadd.s32 s3, s5;
	[dreg:$0x0] =	wrdreg $0x0  }
0xb7: {  	s5 =	sshll.u32 s28, $0x1;
	[dreg:$0x2] =	wrdreg s3  }
0xb8: {  	[dreg:$0x3] =	wrdreg s5  }
0xb9: {  	[dreg:$0x4] =	wrdreg $0xC0  }
0xba: {  	_ =	task [dreg:s22], $0x5FFFF  }
0xbb: {  	[dreg:$0x1] =	wrdreg $0xFFFFFFFF  }
0xbc: {  	[dreg:$0x0] =	wrdreg $0x60  }
0xbd: {  	[dreg:$0x2] =	wrdreg s24  }
0xbe: {  	[dreg:$0x3] =	wrdreg $0xB  }
0xbf: {  	_ =	task.clear_ibuf [dreg:s22], $0x4FFFF;
	_ =	strace $0x90000058  }
0xc0: {  	s29 =	simm.s32 $0xB;
	_ =	strace $0x8000005A  }
0xc1: {  	_ =	swait.ge [sflag:s29], $0x1  }
0xc2: {  	[sflag:s29] =	ssyncadd.s32 $0xFFFFFFFF  }
0xc3: {  	_ =	strace $0x9000005A  }
0xc4: {  	_ =	sfence  }
0xc5: {  	s30 =	sld [smem:$0x0];
	_ =	sdelay $0x2  }
0xc6: {  	s31 =	sshll.u32 s1, $0xD;
	s1 =	sshrl.u32 s1, $0x2  }
0xc7: {  	s4 =	sand.u32 $0x4000, s31;
	s1 =	sadd.s32 s1, s30  }
0xc8: {  	s0 =	sor.u32 s4, s0;
	s1 =	sshll.u32 s1, $0x11  }
0xc9: {  	s0 =	sor.u32 s1, s0  }
0xca: {  	s0 =	sadd.s32 $0x8F2B, s0  }
0xcb: {  	[sflag:s0] =	ssyncadd.remote.s32 $0x1  }
0xcc: {  	_ =	sfence.sel $0xFFFF  }
0xcd: {  	[dreg:$0x0] =	wrdreg $0xFFFFFFFF;
	(pc) =	sbr.abs _section_cstart, $3  }
0xce: {  	[dreg:$0x1] =	wrdreg $0xFFFFFFFF  }
0xcf: {  	_ =	task.clear_ibuf [dreg:s22], $0x2FFFF;
	_ =	strace $0x9FFFFFFF  }
0xd0: {  	(tm) =	ssettm $0x7FFFFFFF  }
0xd1: {  	_ =	shalt  }
tec
execute0_lowered:
.L_overlay_start_1:
0x0: {  	(tag) =	ssettag $0x1  }
0x1: {  	s7 =	rddreg [dreg:$0x0]  }
0x2: {  	s1 =	srdreg.scid;
	s0 =	rddreg [dreg:$0x1]  }
0x3: {  	_ =	strace $0x80000059;
	s3 =	simm.s32 $0x1;
	s5 =	simm.s32 $0x2  }
0x4: {  	s9 =	simm.s32 $0x3;
	s11 =	simm.s32 $0x0;
	s2 =	sshll.u32 s1, $0x4  }
.Ltmp0:
0x5: {  	s1 =	stileid.u32;
	s4 =	sand.u32 $0x10, s2;
	(pc) =	sbr.rel .LBB2_1-.Ltmp0, $4  }
0x6: {  	p0 =	por $0x0, $0x0;
	[sflag:s3] =	ssyncpa.u1 $0x0;
	s4 =	sor.u32 s1, s4  }
0x7: {  	s6 =	sadd.s32 $0x49200, s7;
	[sflag:s5] =	ssyncpa.u1 $0x0;
	s4 =	smul.u32 $0x50, s4  }
0x8: {  	s2 =	sadd.s32 $0xA09600, s7;
	s7 =	sadd.s32 $0x3C9600, s7;
	[sflag:s9] =	ssyncpa.u1 $0x0  }
0x9: {  	vm0 =	vmmov $0xff;
	vm1 =	vcmask $0x3F20;
	s9 =	simm.s32 $0x0;
	s8 =	sadd.s32 $0x50, s4;
	s10 =	smov.u32 s4  }
.LBB2_4:
0xa: {  	_ =	sdelay $0x3  }
0xb: {  	[tilespmem:s16], [sflag:$0x1] =	stream.indirect_vreg.gather [hbm:s2], $0x80, v0, vm1, $0x38;
	[tilespmem:$0x14020] =	vst v63  }
0xc: {  	s14 =	sshrl.u32 s11, $0x3;
	s31 =	sshll.u32 s11, $0x4  }
0xd: {  	_ =	swait.ge [sflag:s3], $0xA000;
	s11 =	sand.u32 $0x70, s31;
	s14 =	smul.u32 $0xA00, s14  }
0xe: {  	[sflag:s3] =	ssyncset.done $0x0;
	s11 =	sadd.s32 s7, s11  }
0xf: {  	[sflag:s3] =	ssyncadd.s32 $0xFFFF6000;
	s11 =	sadd.s32 s14, s11  }
0x10: {  	[hbm:s11] =	stream.linear.scatter [tilespmem:s13], [sflag:$0x3], $0x5000, $0x38;
	[tilespmem:$0x14020] =	vst v63  }
0x11: {  	s12 =	sadd.s32 $0x5020, s12;
	s11 =	sadd.s32 $0xA00, s11  }
0x12: {  	[hbm:s11] =	stream.linear.scatter [tilespmem:s12], [sflag:$0x3], $0x5000, $0x38;
	[tilespmem:$0x14020] =	vst v63  }
.LBB2_5:
0x13: {  	p1 =	slt.u32 s9, $0x2;
	s11 =	sadd.s32 $0x10, s10  }
0x14: {  	s13 =	smov.u32 s4;
	s9 =	sadd.s32 $0x1, s9;
	p2 =	slt.s32 s11, s8  }
0x15: {  	s13 =	smov.u32 @p2 s11;
	p2 =	sne.s32 s9, $0x7  }
.Ltmp1:
0x16: {  	_ = 	snop;
	(pc) =	sbr.rel @!p2 .LBB2_6-.Ltmp1, $4  }
0x17: {  	s12 =	simm.s32 @!p1 $0x3  }
0x18: {  	_ =	swait.ge @!p1 [sflag:s12], $0xA000  }
0x19: {  	p0 =	por !p0, !p0;
	[sflag:s12] =	ssyncset.done @!p1 $0x0  }
0x1a: {  	s11 =	smov.u32 s10;
	s10 =	smov.u32 s13;
	[sflag:s12] =	ssyncadd.s32 @!p1 $0xFFFF6000  }
.LBB2_1:
0x1b: {  	p1 =	sgt.u32 s9, $0x4  }
0x1c: {  	s12 =	sxor.u32 @!p1 $0xFFFFFFFF, s9  }
0x1d: {  	s31 =	sadd.s32 $0xFFFFFFFF, s9;
	s13 =	sshrl.u32 @!p1 s10, $0x3;
	s12 =	sshll.u32 @!p1 s12, $0x4  }
0x1e: {  	s14 =	sand.u32 @!p1 $0x7, s10;
	s13 =	sadd.s32 @!p1 s6, s13;
	s12 =	sand.u32 @!p1 $0x10, s12  }
0x1f: {  	[tilespmem:s12], [sflag:$0x2] =	stream.linear.gather @!p1 [hbm4b:s13+s14], $0x10, $0x38;
	[tilespmem:$0x14020] =	vst v63  }
0x20: {  	p1 =	sgt.u32 s31, $0x4  }
.Ltmp2:
0x21: {  	_ = 	snop;
	(pc) =	sbr.rel @p1 .LBB2_5-.Ltmp2, $1  }
0x22: {  	_ =	sdelay $0x3  }
0x23: {  	_ =	swait.ge [sflag:s5], $0x10  }
0x24: {  	s12 =	sand.u32 $0x1, s9;
	[sflag:s5] =	ssyncset.done $0x0  }
0x25: {  	s13 =	sshll.u32 s12, $0x4;
	[sflag:s5] =	ssyncadd.s32 $0xFFFFFFF0  }
0x26: {  	v0 =	vld.msk [tilespmem:s13+$0x0 ss:$0x1], $0xffff;
	_ =	sdelay $0x4  }
0x27: {  	vm2 =	vgt.s32 v0, $0x0  }
0x28: {  	v0 =	vnsel vm2, $0x0, v0  }
0x29: {  	v0 =	vmin.u32 v0, $0x27FF  }
0x2a: {  	v1 =	vshrl.u32 v0, $0x3  }
0x2b: {  	v0 =	vshll.u32 v0, $0x7;
	v1 =	vmul.u32 $0x5000, v1  }
0x2c: {  	s13 =	simm.s32 $0x1;
	v0 =	vand.u32 $0x380, v0  }
0x2d: {  	s13 =	simm.s32 @!p0 $0x0;
	v0 =	vor.u32 v0, v1  }
0x2e: {  	s13 =	smul.u32 $0x28000, s13;
	v0 =	vshrl.u32 v0, $0x3;
	_ =	sdelay $0x1  }
0x2f: {  	s12 =	smul.u32 $0x28000, s12;
	s13 =	sshrl.u32 s13, $0x2  }
0x30: {  	s14 =	sor.u32 $0x20, s13  }
0x31: {  	s12 =	sshrl.u32 s12, $0x2;
	s16 =	sadd.s32 $0x0, s14  }
0x32: {  	[tilespmem:s16], [sflag:$0x1] =	stream.indirect_vreg.gather [hbm:s2], $0x80, v0, vm0, $0x38;
	[tilespmem:$0x14020] =	vst v63  }
0x33: {  	s15 =	simm.s32 $0x1000;
	s13 =	sor.u32 $0x20, s12;
	v1 =	vadd.s32 $0x80, v0;
	s16 =	sadd.s32 $0x5000, s16  }
.LBB2_3:
0x34: {  	[tilespmem:s16], [sflag:$0x1] =	stream.indirect_vreg.gather [hbm:s2], $0x80, v0, vm1, $0x38;
	[tilespmem:$0x14020] =	vst v63  }
0x35: {  	v0 =	vmov v1;
	s16 =	smov.u32 s15;
	p1 =	sne.s32 s15, $0x13000  }
.Ltmp3:
0x36: {  	s15 =	sadd.s32 $0x1000, s15;
	(pc) =	sbr.rel @p1 .LBB2_3-.Ltmp3, $4  }
0x37: {  	s16 =	sshra.s32 s16, $0x2  }
0x38: {  	s16 =	sadd.s32 s16, s14  }
0x39: {  	[tilespmem:s16], [sflag:$0x1] =	stream.indirect_vreg.gather [hbm:s2], $0x80, v1, vm0, $0x38;
	[tilespmem:$0x14020] =	vst v63  }
0x3a: {  	s16 =	sadd.s32 $0x5000, s16;
	v1 =	vadd.s32 $0x80, v1  }
.Ltmp4:
0x3b: {  	_ = 	snop;
	(pc) =	sbr.rel .LBB2_4-.Ltmp4, $1  }
0x3c: {  	_ =	sdelay $0x3  }
.LBB2_6:
0x3d: {  	_ =	sfence.sel $0x180000  }
0x3e: {  	s2 =	simm.s32 $0x2;
	[bflag:$0x0] =	sbarrier.arrive $0xFFFF  }
0x3f: {  	s30 =	simm.s32 $0x3;
	[sflag:s2] =	ssyncpa.u1 $0x1  }
0x40: {  	s31 =	simm.s32 $0x1;
	[sflag:s30] =	ssyncpa.u1 $0x1  }
0x41: {  	[sflag:s31] =	ssyncpa.u1 $0x1  }
0x42: {  	p0 =	sne.s32 s1, $0x0;
	_ =	strace $0x90000059  }
0x43: {  	s0 =	sadd.s32 @!p0 $0x100000, s0;
	[bflag:$0x2] =	sbarrier.arrive $0xFFFF  }
0x44: {  	[sflag:s0] =	ssyncadd.tile.s32 @!p0 $0x1;
	_ =	shalt  }
.Lfunc_end2:
_tile_overlayer_lowered:
.L_overlay_start_2:
0x45: {  	(tag) =	ssettag $0x2  }
0x46: {  	s0 =	rddreg [dreg:$0x0];
	s2 =	stileid.u32  }
0x47: {  	s1 =	rddreg [dreg:$0x1];
	p0 =	sne.s32 s2, $0x0  }
0x48: {  	s3 =	rddreg [dreg:$0x2];
	[bflag:$0x3] =	sbarrier.arrive $0xFFFF;
	s2 =	simm.s32 @!p0 $0x1C01  }
0x49: {  	[timem:s3], [sflag:s2] =	dma.local @!p0 [hbm:s0], s1  }
0x4a: {  	s0 =	simm.s32 @!p0 $0x1  }
0x4b: {  	_ =	swait.ge @!p0 [sflag:s0], s1  }
0x4c: {  	s1 =	ssub.s32 @!p0 $0x0, s1;
	[sflag:s0] =	ssyncset.done @!p0 $0x0  }
0x4d: {  	[sflag:s0] =	ssyncadd.s32 @!p0 s1  }
0x4e: {  	[bflag:$0x3] =	sbarrier.arrive $0xFFFF  }
0x4f: {  	_ =	shalt  }

// kernel: scatter_offload_async_start.1
scs
__scs_entry_jumppad:
0x0: {  	(pc) =	sbr.rel $0x88, $3  }
0x1: {  	(tag) =	ssettag $0x0;
	lr =	simm.s32 $0x1  }
0x2: {  	[smem:$0x3F8E] =	sst lr;
	_ =	strace $0xD0000000  }
0x3: {  	_ = 	snop  }
0x4: {  	_ = 	snop  }
0x5: {  	_ = 	snop  }
0x6: {  	_ = 	snop  }
0x7: {  	_ = 	snop  }
__scs_overlays_trampoline_lowered:
0x8: {  	[smem:$0x3F9D] =	sst s0  }
0x9: {  	[smem:$0x3F9E] =	sst s1  }
0xa: {  	[smem:$0x3F9F] =	sst s2  }
0xb: {  	[smem:$0x3FA0] =	sst s3  }
0xc: {  	[smem:$0x3FA1] =	sst s4  }
0xd: {  	[smem:$0x3FA2] =	sst s5  }
0xe: {  	[smem:$0x3FA3] =	sst s6  }
0xf: {  	[smem:$0x3FA4] =	sst s7  }
0x10: {  	[smem:$0x3FA5] =	sst s8  }
0x11: {  	[smem:$0x3FA6] =	sst s9;
	s0 =	simm.s32 @!p0 $0x0  }
0x12: {  	s1 =	sld [smem:$0x3F8C];
	s0 =	simm.s32 @p0 $0x1  }
0x13: {  	[smem:$0x3FA7] =	sst s0;
	s0 =	simm.s32 @!p1 $0x0  }
0x14: {  	s2 =	sld [smem:$0x3F8B];
	s0 =	simm.s32 @p1 $0x1  }
0x15: {  	[smem:$0x3FA8] =	sst s0;
	s0 =	simm.s32 @!p2 $0x0  }
0x16: {  	s3 =	sld [smem:$0x3FDB];
	s0 =	simm.s32 @p2 $0x1  }
0x17: {  	s4 =	simm.s32 $0x1BF5;
	[smem:$0x3FAA] =	sst s0  }
0x18: {  	s0 =	sld [smem:$0x3F8D];
	_ =	swait.ge [sflag:s4], $0x0  }
0x19: {  	s7 =	sld [smem:$0x3F8E]  }
0x1a: {  	s8 =	sadd.s32 $0xFFFFE003, lr  }
0x1b: {  	s9 =	sadd.s32 $0xFFFFFEF7, lr;
	s5 =	simm.s32 $0xFFFFFFFF;
	p2 =	slt.u32 s8, $0xFFFFF086  }
0x1c: {  	p1 =	slt.u32 s9, $0xF7A;
	s5 =	simm.s32 @!p2 $0x0  }
0x1d: {  	s5 =	simm.s32 @p1 $0x1;
	p0 =	seq.s32 s7, s2  }
0x1e: {  	s7 =	smul.u32 @!p0 $0xF7A, s2;
	p2 =	seq.s32 @!p0 s5, $0x0  }
0x1f: {  	s9 =	smul.u32 $0xF7A, s1;
	s8 =	simm.s32 @!p0 $0x1BF5;
	p2 =	por !p2, p0  }
0x20: {  	[sflag:s8] =	ssyncset.s32 @!p0 $0xFFFFF086;
	s6 =	sadd.s32 @!p0 s3, s7;
	s7 =	simm.s32 @!p0 $0x108  }
0x21: {  	s3 =	sadd.s32 s3, s9;
	s6 =	sadd.s32 @!p0 $0x88, s6;
	s7 =	simm.s32 @p2 $0x1082  }
0x22: {  	[simem:s7], [sflag:s8] =	dma.local @!p0 [hbm:s6], $0xF7A  }
0x23: {  	s9 =	sor.u32 $0xD0000000, s2;
	s6 =	simm.s32 $0x108;
	_ =	swait.ge @!p0 [sflag:s8], $0x0  }
0x24: {  	s3 =	sadd.s32 $0x88, s3;
	s6 =	simm.s32 @!p1 $0x1082;
	[sflag:s4] =	ssyncset.s32 $0xFFFFF086  }
0x25: {  	[simem:s6], [sflag:s4] =	dma.local [hbm:s3], $0xF7A  }
0x26: {  	[smem:$0x3F8E] =	sst s1;
	(tag) =	ssettag s2;
	_ =	strace s9  }
0x27: {  	s1 =	sld [smem:$0x3F9E]  }
0x28: {  	s2 =	sld [smem:$0x3F9F]  }
0x29: {  	s4 =	sld [smem:$0x3FA1]  }
0x2a: {  	p0 =	seq.s32 s5, $0x0;
	s5 =	sld [smem:$0x3FA2]  }
0x2b: {  	s6 =	sld [smem:$0x3FA3]  }
0x2c: {  	s7 =	sld [smem:$0x3FA4]  }
0x2d: {  	s3 =	simm.s32 $0x108;
	s8 =	sld [smem:$0x3FA5]  }
0x2e: {  	s3 =	simm.s32 @!p0 $0x1082;
	s9 =	sld [smem:$0x3FA6]  }
0x2f: {  	lr =	sadd.s32 s0, s3;
	s0 =	sld [smem:$0x3F9D]  }
0x30: {  	s3 =	sld [smem:$0x3FA0]  }
0x31: {  	[smem:$0x3FA9] =	sst s10  }
0x32: {  	s10 =	sld [smem:$0x3FA7];
	_ =	sdelay $0x3  }
0x33: {  	p0 =	seq.s32 s10, $0x1;
	s10 =	sld [smem:$0x3FA9];
	_ =	sdelay $0x3  }
0x34: {  	[smem:$0x3FA9] =	sst s10  }
0x35: {  	s10 =	sld [smem:$0x3FA8];
	_ =	sdelay $0x3  }
0x36: {  	p1 =	seq.s32 s10, $0x1;
	s10 =	sld [smem:$0x3FA9];
	_ =	sdelay $0x3  }
0x37: {  	[smem:$0x3FA9] =	sst s10  }
0x38: {  	s10 =	sld [smem:$0x3FAA]  }
0x39: {  	_ = 	snop;
	(pc) =	sbr.ind lr, $3  }
0x3a: {  	_ = 	snop  }
0x3b: {  	_ = 	snop  }
0x3c: {  	p2 =	seq.s32 s10, $0x1;
	s10 =	sld [smem:$0x3FA9]  }
0x3d: {  	_ =	shalt  }
0x3e: {  	_ =	shalt  }
0x3f: {  	_ =	shalt  }
0x40: {  	_ =	shalt  }
0x41: {  	_ =	shalt  }
0x42: {  	_ =	shalt  }
0x43: {  	_ =	shalt  }
0x44: {  	_ =	shalt  }
0x45: {  	_ =	shalt  }
0x46: {  	_ =	shalt  }
0x47: {  	_ =	shalt  }
0x48: {  	_ =	shalt  }
0x49: {  	_ =	shalt  }
0x4a: {  	_ =	shalt  }
0x4b: {  	_ =	shalt  }
0x4c: {  	_ =	shalt  }
0x4d: {  	_ =	shalt  }
0x4e: {  	_ =	shalt  }
0x4f: {  	_ =	shalt  }
0x50: {  	_ =	shalt  }
0x51: {  	_ =	shalt  }
0x52: {  	_ =	shalt  }
0x53: {  	_ =	shalt  }
0x54: {  	_ =	shalt  }
0x55: {  	_ =	shalt  }
0x56: {  	_ =	shalt  }
0x57: {  	_ =	shalt  }
0x58: {  	_ =	shalt  }
0x59: {  	_ =	shalt  }
0x5a: {  	_ =	shalt  }
0x5b: {  	_ =	shalt  }
0x5c: {  	_ =	shalt  }
0x5d: {  	_ =	shalt  }
0x5e: {  	_ =	shalt  }
0x5f: {  	_ =	shalt  }
0x60: {  	_ =	shalt  }
0x61: {  	_ =	shalt  }
0x62: {  	_ =	shalt  }
0x63: {  	_ =	shalt  }
0x64: {  	_ =	shalt  }
0x65: {  	_ =	shalt  }
0x66: {  	_ =	shalt  }
0x67: {  	_ =	shalt  }
0x68: {  	_ =	shalt  }
0x69: {  	_ =	shalt  }
0x6a: {  	_ =	shalt  }
0x6b: {  	_ =	shalt  }
0x6c: {  	_ =	shalt  }
0x6d: {  	_ =	shalt  }
0x6e: {  	_ =	shalt  }
0x6f: {  	_ =	shalt  }
0x70: {  	_ =	shalt  }
0x71: {  	_ =	shalt  }
0x72: {  	_ =	shalt  }
0x73: {  	_ =	shalt  }
0x74: {  	_ =	shalt  }
0x75: {  	_ =	shalt  }
0x76: {  	_ =	shalt  }
0x77: {  	_ =	shalt  }
0x78: {  	_ =	shalt  }
0x79: {  	_ =	shalt  }
0x7a: {  	_ =	shalt  }
0x7b: {  	_ =	shalt  }
0x7c: {  	_ =	shalt  }
0x7d: {  	_ =	shalt  }
0x7e: {  	_ =	shalt  }
0x7f: {  	_ =	shalt  }
0x80: {  	_ =	shalt  }
0x81: {  	_ =	shalt  }
0x82: {  	_ =	shalt  }
0x83: {  	_ =	shalt  }
0x84: {  	_ =	shalt  }
0x85: {  	_ =	shalt  }
0x86: {  	_ =	shalt  }
0x87: {  	_ =	shalt  }
.Lfunc_end0:
.L_simem_size_0:
called_computation.1_lowered:
.L_overlay_start_0:
0x88: {  	s2 =	sld [smem:$0x3FD9]  }
0x89: {  	s3 =	sld [smem:$0x3FFE];
	_ =	sdelay $0x1  }
0x8a: {  	s1 =	srdreg.scid  }
0x8b: {  	s0 =	sand.u32 $0x1, s1  }
0x8c: {  	s15 =	sshll.u32 s0, $0xA;
	s2 =	sadd.s32 s3, s2  }
0x8d: {  	s2 =	sadd.s32 s2, s15  }
0x8e: {  	[smem:$0x3FB5] =	sst s2  }
0x8f: {  	_ = 	snop  }
0x90: {  	(tm) =	ssettm $0x1  }
0x91: {  	s16 =	sld [smem:$0x3FFB];
	_ =	sdelay $0x3  }
0x92: {  	_ =	strace s16  }
0x93: {  	s2 =	sld [smem:$0x3FFC];
	_ =	sdelay $0x3  }
0x94: {  	_ =	strace s2  }
0x95: {  	s2 =	sld [smem:$0x3FFD];
	_ =	sdelay $0x3  }
0x96: {  	_ =	strace s2  }
0x97: {  	_ =	strace $0x8FFFFFFF  }
0x98: {  	s17 =	sld [smem:$0x3FDB];
	_ =	sdelay $0x1  }
0x99: {  	s18 =	simm.s32 $_scs_section_size  }
0x9a: {  	s4 =	simm.s32 $_size__tile_overlayer_lowered;
	s5 =	simm.s32 $_tile_overlayer_lowered  }
0x9b: {  	s21 =	simm.s32 $0x1BFF;
	s20 =	sshll.u32 s5, $0x1;
	s2 =	sadd.s32 s18, s17  }
0x9c: {  	s6 =	simm.s32 $0x0;
	s19 =	sshll.u32 s4, $0x1;
	s4 =	sadd.s32 s20, s2  }
0x9d: {  	[timem:s6], [sflag:s21] =	dma.local [hbm:s4], s19  }
0x9e: {  	_ =	swait.ge [sflag:s21], s19  }
0x9f: {  	s3 =	ssub.s32 $0x0, s19;
	[sflag:s21] =	ssyncset.done $0x0  }
0xa0: {  	[sflag:s21] =	ssyncadd.s32 s3;
	_ =	sdelay $0x1  }
0xa1: {  	s22 =	simm.s32 $0x1B8B  }
0xa2: {  	_ =	swait.ge [sflag:s22], $0x1  }
0xa3: {  	[sflag:s22] =	ssyncset.done $0x0  }
0xa4: {  	s23 =	sld [smem:$0x3FFE];
	[sflag:s22] =	ssyncadd.s32 $0xFFFFFFFF  }
0xa5: {  	s25 =	simm.s32 $0x1B8E;
	s24 =	sld [smem:$0x0]  }
0xa6: {  	s26 =	simm.s32 $execute0_lowered;
	[smem:$0x3FD2] =	sst s25  }
0xa7: {  	s5 =	sshll.u32 s26, $0x1;
	_ =	strace $0x80000049;
	[dreg:$0x1] =	wrdreg $0xFFFFFFFF  }
0xa8: {  	s28 =	simm.s32 $_size_execute0_lowered;
	s2 =	sadd.s32 s2, s5;
	[dreg:$0x0] =	wrdreg $0x0  }
0xa9: {  	s5 =	sshll.u32 s28, $0x1;
	[dreg:$0x2] =	wrdreg s2  }
0xaa: {  	[dreg:$0x3] =	wrdreg s5  }
0xab: {  	[dreg:$0x4] =	wrdreg $0xC0  }
0xac: {  	_ =	task [dreg:s6], $0x5FFFF  }
0xad: {  	[dreg:$0x1] =	wrdreg $0xFFFFFFFF  }
0xae: {  	[dreg:$0x0] =	wrdreg $0x60  }
0xaf: {  	[dreg:$0x2] =	wrdreg s23  }
0xb0: {  	[dreg:$0x3] =	wrdreg s1  }
0xb1: {  	[dreg:$0x4] =	wrdreg s24  }
0xb2: {  	[dreg:$0x5] =	wrdreg $0x9  }
0xb3: {  	_ =	task.clear_ibuf [dreg:s6], $0x6FFFF;
	_ =	strace $0x90000049  }
0xb4: {  	s29 =	simm.s32 $0x9;
	_ =	strace $0x8000004B  }
0xb5: {  	_ =	swait.ge [sflag:s29], $0x1  }
0xb6: {  	[sflag:s29] =	ssyncadd.s32 $0xFFFFFFFF  }
0xb7: {  	_ =	strace $0x9000004B  }
0xb8: {  	_ =	sfence  }
0xb9: {  	s30 =	sld [smem:$0x0];
	_ =	sdelay $0x2  }
0xba: {  	s31 =	sshll.u32 s1, $0xD;
	s1 =	sshrl.u32 s1, $0x2  }
0xbb: {  	s3 =	sand.u32 $0x4000, s31;
	s1 =	sadd.s32 s1, s30  }
0xbc: {  	s0 =	sor.u32 s3, s0;
	s1 =	sshll.u32 s1, $0x11  }
0xbd: {  	s0 =	sor.u32 s1, s0  }
0xbe: {  	s0 =	sadd.s32 $0x8F2B, s0  }
0xbf: {  	[sflag:s0] =	ssyncadd.remote.s32 $0x1  }
0xc0: {  	_ =	sfence.sel $0xFFFF  }
0xc1: {  	[dreg:$0x0] =	wrdreg $0xFFFFFFFF;
	(pc) =	sbr.abs _section_cstart, $3  }
0xc2: {  	[dreg:$0x1] =	wrdreg $0xFFFFFFFF  }
0xc3: {  	_ =	task.clear_ibuf [dreg:s6], $0x2FFFF;
	_ =	strace $0x9FFFFFFF  }
0xc4: {  	(tm) =	ssettm $0x7FFFFFFF  }
0xc5: {  	_ =	shalt  }
tec
execute0_lowered:
.L_overlay_start_1:
0x0: {  	(tag) =	ssettag $0x1  }
0x1: {  	s1 =	rddreg [dreg:$0x0]  }
0x2: {  	s2 =	rddreg [dreg:$0x1];
	_ =	strace $0x8000004A;
	s0 =	simm.s32 $0x1  }
0x3: {  	v0 =	vimm.s32 $0x0;
	[sflag:s0] =	ssyncpa.u1 $0x0;
	s0 =	simm.s32 $0x108  }
0x4: {  	[tilespmem:s0+$0x70] =	vst v0  }
0x5: {  	[tilespmem:s0+$0x60] =	vst v0  }
0x6: {  	[tilespmem:s0+$0x50] =	vst v0  }
0x7: {  	[tilespmem:s0+$0x40] =	vst v0  }
0x8: {  	[tilespmem:s0+$0x30] =	vst v0  }
0x9: {  	s3 =	simm.s32 $0x40;
	s15 =	sadd.s32 $0x50000, s1;
	[tilespmem:s0+$0x20] =	vst v0  }
0xa: {  	s6 =	sadd.s32 $0x6DA00, s1;
	s14 =	sadd.s32 $0x59E00, s1;
	s5 =	sand.u32 $0x1, s2;
	[tilespmem:s0+$0x10] =	vst v0  }
.LBB2_1:
0xb: {  	s3 =	sadd.s32 $0x40, s3;
	[tilespmem:s0+$0x0] =	vst v0;
	s0 =	sadd.s32 $0x80, s0  }
0xc: {  	p0 =	slt.u32 s3, $0x3C40;
	[tilespmem:s0+$0x70] =	vst v0  }
0xd: {  	[tilespmem:s0+$0x60] =	vst v0  }
.Ltmp0:
0xe: {  	[tilespmem:s0+$0x50] =	vst v0;
	(pc) =	sbr.rel @p0 .LBB2_1-.Ltmp0, $4  }
0xf: {  	[tilespmem:s0+$0x40] =	vst v0  }
0x10: {  	[tilespmem:s0+$0x30] =	vst v0  }
0x11: {  	[tilespmem:s0+$0x20] =	vst v0  }
0x12: {  	[tilespmem:s0+$0x10] =	vst v0  }
0x13: {  	s9 =	stileid.u32  }
0x14: {  	s2 =	smul.u32 $0x29, s9  }
0x15: {  	s3 =	smin.u32 s9, $0xB  }
0x16: {  	s2 =	sadd.s32 s3, s2  }
0x17: {  	p0 =	slt.u32 s9, $0xB;
	s7 =	smul.u32 $0xF0, s2;
	s2 =	simm.s32 $0x2760  }
0x18: {  	s2 =	simm.s32 @!p0 $0x2670  }
0x19: {  	s2 =	sadd.s32 s2, s7  }
0x1a: {  	s8 =	smin.u32 s2, $0x27100  }
0x1b: {  	s2 =	ssub.s32 s8, s7  }
0x1c: {  	p0 =	sgt.s32 s2, $0x0  }
0x1d: {  	s29 =	simm.s32 $0x2;
	s10 =	simm.s32 $0x9;
	s2 =	simm.s32 @!p0 $0x0  }
0x1e: {  	s4 =	simm.s32 $0xA;
	s11 =	simm.s32 $0xB;
	s28 =	smulhi.u32 $0x88888889, s2  }
0x1f: {  	[dreg:$0x4] =	wrdreg s5;
	s31 =	smul.u32 $0x4E20, s5;
	s12 =	simm.s32 $0x1  }
0x20: {  	s22 =	simm.s32 $0x0;
	s18 =	simm.s32 $0xC;
	s30 =	sshrl.u32 s28, $0x7  }
0x21: {  	s20 =	simm.s32 $0x0;
	s21 =	simm.s32 $0x0;
	s3 =	smul.u32 $0xF0, s30  }
.Ltmp1:
0x22: {  	[tilespmem:s0+$0x0] =	vst v0;
	v0 =	vimm.s32 $0xFFFFFFFF;
	[sflag:s29] =	ssyncpa.u1 $0x0;
	s16 =	sshll.u32 s9, $0x8;
	(pc) =	sbr.rel .LBB2_3-.Ltmp1, $4  }
0x23: {  	[tilespmem:$0xF208] =	vst v0;
	[sflag:s10] =	ssyncpa.u1 $0x0;
	p0 =	sne.s32 s2, s3;
	s2 =	simm.s32 $0x1  }
0x24: {  	s14 =	sadd.s32 s31, s14;
	[sflag:s4] =	ssyncpa.u1 $0x0;
	s2 =	simm.s32 @!p0 $0x0  }
0x25: {  	s15 =	sadd.s32 s31, s15;
	[sflag:s11] =	ssyncpa.u1 $0x0;
	s13 =	sadd.s32 s2, s30  }
0x26: {  	v0 =	vlaneseq.u32;
	s19 =	smov.u32 s7;
	p0 =	por $0x0, $0x0;
	s17 =	sadd.s32 $0x1, s13  }
.LBB2_18:
0x27: {  	s0 =	sshrl.u32 s31, $0x2  }
.LBB2_20:
0x28: {  	_ =	swait.ge [sflag:s18], s0  }
0x29: {  	s31 =	ssub.s32 $0x0, s0;
	v1 =	vmov s24;
	vm0 =	veq.s32 v0, $0x0;
	[sflag:s18] =	ssyncset.done $0x0  }
0x2a: {  	vm15 =	veq.s32 v0, $0x2;
	v1 =	vsel vm0, s30, v1;
	[sflag:s18] =	ssyncadd.s32 s31  }
0x2b: {  	v1 =	vsel vm15, s22, v1;
	[sflag:s18] =	ssyncpa.u1 $0x1  }
0x2c: {  	[tilespmem:$0xF208] =	vst v1  }
.LBB2_21:
0x2d: {  	s0 =	sadd.s32 $0xF0, s19  }
0x2e: {  	s2 =	smov.u32 s7;
	p1 =	slt.s32 s0, s8  }
0x2f: {  	s2 =	smov.u32 @p1 s0;
	p1 =	sne.s32 s21, s17  }
.Ltmp2:
0x30: {  	_ = 	snop;
	(pc) =	sbr.rel @!p1 .LBB2_22-.Ltmp2, $3  }
0x31: {  	_ =	sdelay $0x1  }
0x32: {  	s22 =	smov.u32 s20;
	s31 =	sadd.s32 $0x1, s21;
	s20 =	smov.u32 s19  }
0x33: {  	p0 =	por !p0, !p0;
	s21 =	smov.u32 s31;
	s19 =	smov.u32 s2  }
.LBB2_3:
0x34: {  	p1 =	sge.u32 s21, s13  }
0x35: {  	s0 =	smulhi.u32 @!p1 $0xAAAAAAAB, s21  }
0x36: {  	s2 =	smov.u32 s19;
	p2 =	sgt.s32 @!p1 s19, $0x27010  }
0x37: {  	s3 =	sshra.s32 @!p1 s19, $0x1F;
	p2 =	por !p2, p1;
	s0 =	sshrl.u32 @!p1 s0, $0x1  }
0x38: {  	s3 =	sand.u32 @!p1 s3, s19;
	s2 =	simm.s32 @p2 $0x27010;
	s0 =	smul.u32 @!p1 $0x3, s0  }
0x39: {  	s2 =	ssub.s32 @!p1 s2, s3  }
0x3a: {  	s2 =	sadd.s32 @!p1 $0xFFFD8FF0, s2;
	s0 =	ssub.s32 @!p1 s21, s0  }
0x3b: {  	s3 =	sshll.u32 @!p1 s2, $0x2;
	p2 =	sgt.s32 @!p1 s2, $0xEF;
	s0 =	smul.u32 @!p1 $0x3C0, s0  }
0x3c: {  	s4 =	sand.u32 @!p1 $0x7, s19;
	s2 =	ssub.s32 @!p1 $0x3C0, s3;
	p2 =	por !p2, p1  }
0x3d: {  	s3 =	sshrl.u32 @!p1 s19, $0x3;
	s2 =	sshrl.u32 @!p1 s2, $0x2;
	s0 =	sshrl.u32 @!p1 s0, $0x2  }
0x3e: {  	s3 =	sadd.s32 @!p1 s3, s14;
	s2 =	simm.s32 @!p2 $0x0;
	s0 =	sadd.s32 @!p1 $0x10248, s0  }
0x3f: {  	[tilespmem:s0], [sflag:$0xA] =	stream.linear.gather @!p1 [hbm4b:s3+s4], s2, $0x38;
	[tilespmem:$0x1F6F8] =	vst v63  }
0x40: {  	s0 =	sadd.s32 $0xFFFFFFFF, s21  }
0x41: {  	p1 =	sge.u32 s0, s13  }
0x42: {  	p2 =	sgt.s32 @!p1 s20, $0x27010  }
0x43: {  	s2 =	smov.u32 s20;
	s3 =	sshra.s32 @!p1 s20, $0x1F;
	p2 =	por !p2, p1  }
0x44: {  	s3 =	sand.u32 @!p1 s3, s20;
	s2 =	simm.s32 @p2 $0x27010  }
0x45: {  	s2 =	ssub.s32 @!p1 s2, s3  }
0x46: {  	s2 =	sadd.s32 @!p1 $0xFFFD8FF0, s2  }
0x47: {  	s4 =	sand.u32 @!p1 $0x1, s0;
	s3 =	sshll.u32 @!p1 s2, $0x2  }
0x48: {  	p2 =	sgt.s32 @!p1 s2, $0xEF;
	s2 =	ssub.s32 @!p1 $0x3C0, s3;
	s3 =	smulhi.u32 @!p1 $0xAAAAAAAB, s0  }
0x49: {  	s23 =	smul.u32 @!p1 $0x3C0, s4;
	p2 =	por !p2, p1;
	s2 =	sshrl.u32 @!p1 s2, $0x2  }
0x4a: {  	s5 =	simm.s32 @!p1 $0xA;
	s2 =	simm.s32 @!p2 $0x0;
	s3 =	sshrl.u32 @!p1 s3, $0x1  }
0x4b: {  	s23 =	sshrl.u32 @!p1 s23, $0x2;
	_ =	swait.ge @!p1 [sflag:s5], s2;
	s3 =	smul.u32 @!p1 $0x3, s3  }
0x4c: {  	s23 =	sadd.s32 @!p1 $0x10518, s23;
	s24 =	ssub.s32 @!p1 $0x0, s2;
	[sflag:s5] =	ssyncset.done @!p1 $0x0  }
0x4d: {  	[sflag:s5] =	ssyncadd.s32 @!p1 s24;
	s5 =	sshrl.u32 @!p1 s20, $0x3;
	s0 =	ssub.s32 @!p1 s0, s3  }
0x4e: {  	s24 =	sand.u32 @!p1 $0x7, s20;
	s5 =	sadd.s32 @!p1 s5, s15;
	s0 =	smul.u32 @!p1 $0x3C0, s0  }
0x4f: {  	[tilespmem:s23], [sflag:$0xB] =	stream.linear.gather @!p1 [hbm4b:s5+s24], s2, $0x38;
	[tilespmem:$0x1F6F8] =	vst v63  }
0x50: {  	s3 =	ssub.s32 @!p1 $0x27100, s20;
	s2 =	smul.u32 @!p1 $0x1E000, s4  }
0x51: {  	p2 =	slt.s32 @!p1 s3, $0xF0  }
0x52: {  	p2 =	por !p2, p1;
	s0 =	sshrl.u32 @!p1 s0, $0x2;
	s2 =	sshrl.u32 @!p1 s2, $0x2  }
0x53: {  	s3 =	simm.s32 @p2 $0xF0;
	s0 =	sadd.s32 @!p1 $0x10248, s0;
	s2 =	sor.u32 @!p1 $0x106F8, s2  }
0x54: {  	[tilespmem:s2], [sflag:$0x9] =	stream.indirect.gather @!p1 [hbm4b:s6+s3], $0x80, s0, s3, $0xb8;
	[tilespmem:$0x1F6F8] =	vst v63  }
0x55: {  	p1 =	slt.u32 s21, $0x2  }
.Ltmp3:
0x56: {  	_ = 	snop;
	(pc) =	sbr.rel @p1 .LBB2_21-.Ltmp3, $1  }
0x57: {  	_ =	sdelay $0x3  }
0x58: {  	p1 =	sgt.s32 s22, $0x27010  }
0x59: {  	s0 =	smov.u32 s22;
	s2 =	sshra.s32 s22, $0x1F;
	s3 =	ssub.s32 $0x27100, s22  }
0x5a: {  	s0 =	simm.s32 @!p1 $0x27010;
	s2 =	sand.u32 s2, s22;
	p1 =	slt.s32 s3, $0xF0  }
0x5b: {  	s0 =	ssub.s32 s0, s2;
	s3 =	simm.s32 @!p1 $0xF0  }
0x5c: {  	s0 =	sadd.s32 $0xFFFD8FF0, s0;
	s25 =	sshll.u32 s3, $0x7  }
0x5d: {  	s26 =	sshll.u32 s0, $0x2;
	s2 =	sand.u32 $0x3FFFFF80, s25  }
0x5e: {  	p1 =	sgt.s32 s0, $0xEF;
	s29 =	ssub.s32 $0x3C0, s26;
	_ =	swait.ge [sflag:s10], s2  }
0x5f: {  	s2 =	ssub.s32 $0x0, s2;
	[sflag:s10] =	ssyncset.done $0x0;
	s0 =	sshrl.u32 s29, $0x2  }
0x60: {  	[sflag:s10] =	ssyncadd.s32 s2;
	s0 =	simm.s32 @p1 $0x0  }
0x61: {  	_ =	swait.ge [sflag:s11], s0  }
0x62: {  	s0 =	ssub.s32 $0x0, s0;
	[sflag:s11] =	ssyncset.done $0x0  }
0x63: {  	[sflag:s11] =	ssyncadd.s32 s0  }
0x64: {  	v1 =	vld [tilespmem:$0xF208];
	_ =	sdelay $0x4  }
0x65: {  	(v2sf) =	vpush v1, $0x0  }
0x66: {  	(v2sf) =	vpush v1, $0x1  }
0x67: {  	(v2sf) =	vpush v1, $0x2;
	_ =	sdelay $0x3  }
0x68: {  	s0 =	sadd.s32 $0xF0, s22  }
0x69: {  	s2 =	ssub.s32 $0x4E200, s22;
	p1 =	slt.s32 s8, s0  }
0x6a: {  	s0 =	smov.u32 @p1 s8;
	p1 =	sgt.s32 s2, $0x0  }
0x6b: {  	s26 =	ssub.s32 s0, s22;
	s2 =	simm.s32 @!p1 $0x0  }
0x6c: {  	p1 =	slt.s32 s2, s26  }
0x6d: {  	s26 =	smov.u32 @p1 s2  }
0x6e: {  	s25 =	simm.s32 $0x1;
	p1 =	slt.s32 s26, $0x1  }
.Ltmp4:
0x6f: {  	s25 =	simm.s32 @!p0 $0x0;
	(pc) =	sbr.rel @p1 .LBB2_8-.Ltmp4, $4  }
0x70: {  	s31 =	smul.u32 $0x3C0, s25  }
0x71: {  	s28 =	spop (v2sf)  }
0x72: {  	s0 =	sshrl.u32 s31, $0x2;
	s30 =	spop (v2sf)  }
0x73: {  	s23 =	sadd.s32 $0x10518, s0;
	s22 =	spop (v2sf)  }
0x74: {  	s0 =	smin.u32 s26, $0x10  }
0x75: {  	v1 =	vmov s0  }
0x76: {  	p2 =	sgt.s32 s26, $0x10;
	vm1 =	vgt.u32 v1, v0  }
.Ltmp5:
0x77: {  	_ = 	snop;
	(pc) =	sbr.rel @!p2 .LBB2_7-.Ltmp5, $2  }
0x78: {  	_ =	sdelay $0x2  }
0x79: {  	s4 =	simm.s32 $0x10;
	s24 =	sadd.s32 $0xFFFFFFF0, s26;
	s0 =	smov.u32 s23;
	vm0 =	vmmov vm1  }
.LBB2_6:
0x7a: {  	s2 =	smin.u32 s24, $0x10;
	s4 =	sadd.s32 $0x10, s4;
	v1 =	vld.msk [tilespmem:s0+$0x0 ss:$0x1], vm1  }
0x7b: {  	v2 =	vmov s2;
	p2 =	slt.s32 s4, s26  }
0x7c: {  	vm1 =	vgt.u32 v2, v0  }
.Ltmp6:
0x7d: {  	(pc) =	sbr.rel @p2 .LBB2_6-.Ltmp6, $3  }
0x7e: {  	_ =	sdelay $0x1  }
0x7f: {  	v1 =	vshll.u32 v1, $0x4  }
0x80: {  	s24 =	sadd.s32 $0xFFFFFFF0, s24;
	[tilespmem:s0+$0x0] =	vst.msk vm0, v1;
	s0 =	sadd.s32 $0x10, s0;
	vm0 =	vmmov vm1  }
.LBB2_7:
0x81: {  	_ =	sdelay $0x4  }
0x82: {  	v1 =	vld.msk [tilespmem:s0+$0x0 ss:$0x1], vm1;
	_ =	sdelay $0x4  }
0x83: {  	v1 =	vshll.u32 v1, $0x4  }
0x84: {  	[tilespmem:s0+$0x0] =	vst.msk vm0, v1  }
.LBB2_8:
0x85: {  	s0 =	sand.u32 $0x1, s21  }
0x86: {  	s0 =	smul.u32 $0xF0, s0  }
0x87: {  	p2 =	sne.s32 s30, $0xFFFFFFFF  }
0x88: {  	v1 =	vld.msk @!p2 [tilespmem:s0+$0x10518], $0x1;
	_ =	sdelay $0x4  }
0x89: {  	(v2sf) =	vpush @!p2 v1, $0x0;
	_ =	sdelay $0xc  }
.Ltmp7:
0x8a: {  	_ = 	snop;
	(pc) =	sbr.rel @p1 .LBB2_19-.Ltmp7, $4  }
0x8b: {  	_ = 	snop  }
0x8c: {  	s29 =	spop @!p2 (v2sf)  }
0x8d: {  	s22 =	simm.s32 @!p2 $0x0;
	s24 =	smov.u32 s29  }
0x8e: {  	[sflag:s18] =	ssyncpa.u1 $0x0;
	s29 =	smov.u32 @p2 s28;
	s24 =	smov.u32 @p2 s30  }
0x8f: {  	v1 =	vld.msk [tilespmem:s23+$0x0], $0x1;
	_ =	sdelay $0x4  }
0x90: {  	(v2sf) =	vpush v1, $0x0;
	_ =	sdelay $0xe  }
0x91: {  	s2 =	smul.u32 $0x1E000, s25;
	s0 =	spop (v2sf)  }
0x92: {  	s26 =	ssub.s32 $0x0, s26;
	p1 =	seq.s32 s29, s0  }
0x93: {  	s30 =	sadd.s32 $0x1, s26;
	s2 =	sshrl.u32 s2, $0x2;
	p2 =	sgt.s32 @!p1 s29, $0x0  }
0x94: {  	s25 =	sor.u32 $0x10738, s2;
	s2 =	smov.u32 s29;
	p2 =	por !p2, p1  }
0x95: {  	s2 =	simm.s32 @p2 $0x0;
	p2 =	seq.s32 s30, $0x0  }
.Ltmp8:
0x96: {  	_ = 	snop;
	(pc) =	sbr.rel @p2 .LBB2_11-.Ltmp8, $4  }
0x97: {  	_ = 	snop  }
0x98: {  	s28 =	simm.s32 $0x0;
	s31 =	sadd.s32 $0x1, s23;
	s2 =	smin.u32 @!p1 s2, $0x27FF0  }
0x99: {  	s4 =	simm.s32 @!p1 $0x1;
	s5 =	simm.s32 @!p1 $0x7988;
	s3 =	sand.u32 @!p1 $0x3FFF8, s2  }
0x9a: {  	s4 =	smov.u32 @p1 s28;
	s2 =	sand.u32 @!p1 $0x7, s2;
	s3 =	sadd.s32 @!p1 s1, s3  }
.LBB2_10:
0x9b: {  	s9 =	smov.u32 s4  }
0x9c: {  	[tilespmem:s5], [sflag:$0x2] =	stream.linear.gather @!p1 [hbm4b:s3+s2], $0x80, $0x38;
	[tilespmem:$0x1F6F8] =	vst v63  }
0x9d: {  	s30 =	sadd.s32 $0x1, s30;
	s2 =	smov.u32 s0;
	v1 =	vld.msk [tilespmem:s31+$0x0], $0x1  }
0x9e: {  	p2 =	seq.s32 s30, $0x0;
	_ =	sdelay $0x3  }
0x9f: {  	(v2sf) =	vpush v1, $0x0;
	_ =	sdelay $0xe  }
0xa0: {  	s0 =	spop (v2sf)  }
0xa1: {  	p1 =	seq.s32 s2, s0  }
0xa2: {  	p3 =	sgt.s32 @!p1 s2, $0x0;
	s3 =	sshll.u32 @!p1 s4, $0x9;
	s4 =	sadd.s32 @!p1 $0x1, s4  }
.Ltmp9:
0xa3: {  	p3 =	por !p3, p1;
	s3 =	sshra.s32 @!p1 s3, $0x2;
	(pc) =	sbr.rel @!p2 .LBB2_10-.Ltmp9, $4  }
0xa4: {  	s4 =	smov.u32 @p1 s9;
	s2 =	simm.s32 @p3 $0x0;
	s5 =	sadd.s32 @!p1 $0x7988, s3  }
0xa5: {  	s2 =	smin.u32 @!p1 s2, $0x27FF0  }
0xa6: {  	s3 =	sand.u32 @!p1 $0x3FFF8, s2;
	s2 =	sand.u32 @!p1 $0x7, s2  }
0xa7: {  	s31 =	sadd.s32 $0x1, s31;
	s3 =	sadd.s32 @!p1 s1, s3  }
.LBB2_11:
0xa8: {  	[tilespmem:s5], [sflag:$0x2] =	stream.linear.gather @!p1 [hbm4b:s3+s2], $0x80, $0x38;
	[tilespmem:$0x1F6F8] =	vst v63  }
.Ltmp10:
0xa9: {  	s0 =	sshll.u32 s4, $0x7;
	(pc) =	sbr.rel .LBB2_12-.Ltmp10, $4  }
0xaa: {  	s30 =	simm.s32 $0x2;
	s0 =	sand.u32 $0x3FFFFF80, s0  }
0xab: {  	_ =	swait.ge [sflag:s30], s0  }
0xac: {  	s0 =	ssub.s32 $0x0, s0;
	[sflag:s30] =	ssyncset.done $0x0  }
0xad: {  	s31 =	simm.s32 $0x0;
	[sflag:s30] =	ssyncadd.s32 s0  }
.LBB2_13:
0xae: {  	v1 =	vld [tilespmem:s25+$0xFFFFFFC0];
	_ =	sdelay $0x3  }
0xaf: {  	s0 =	sshra.s32 s0, $0x2  }
0xb0: {  	[tilespmem:s0+$0x108] =	vst.add.f32.msk $0xffff, v1  }
0xb1: {  	v1 =	vld [tilespmem:s25+$0xFFFFFFD0];
	_ =	sdelay $0x4  }
0xb2: {  	[tilespmem:s0+$0x118] =	vst.add.f32.msk $0xffff, v1  }
0xb3: {  	v1 =	vld [tilespmem:s25+$0xFFFFFFE0];
	_ =	sdelay $0x4  }
0xb4: {  	[tilespmem:s0+$0x128] =	vst.add.f32.msk $0xffff, v1  }
0xb5: {  	v1 =	vld [tilespmem:s25+$0xFFFFFFF0];
	_ =	sdelay $0x4  }
0xb6: {  	[tilespmem:s0+$0x138] =	vst.add.f32.msk $0xffff, v1  }
0xb7: {  	v1 =	vld [tilespmem:s25+$0x0];
	_ =	sdelay $0x4  }
0xb8: {  	[tilespmem:s0+$0x148] =	vst.add.f32.msk $0xffff, v1  }
0xb9: {  	v1 =	vld [tilespmem:s25+$0x10];
	_ =	sdelay $0x4  }
0xba: {  	[tilespmem:s0+$0x158] =	vst.add.f32.msk $0xffff, v1  }
0xbb: {  	v1 =	vld [tilespmem:s25+$0x20];
	_ =	sdelay $0x4  }
0xbc: {  	[tilespmem:s0+$0x168] =	vst.add.f32.msk $0xffff, v1  }
0xbd: {  	v1 =	vld [tilespmem:s25+$0x30];
	_ =	sdelay $0x4  }
0xbe: {  	[tilespmem:s0+$0x178] =	vst.add.f32.msk $0xffff, v1  }
.LBB2_17:
0xbf: {  	s26 =	sadd.s32 $0x1, s26  }
0xc0: {  	p1 =	seq.s32 s26, $0x0  }
.Ltmp11:
0xc1: {  	_ = 	snop;
	(pc) =	sbr.rel @p1 .LBB2_18-.Ltmp11, $2  }
0xc2: {  	_ =	sdelay $0x2  }
0xc3: {  	s23 =	sadd.s32 $0x1, s23;
	s25 =	sadd.s32 $0x80, s25;
	s29 =	smov.u32 s30  }
.LBB2_12:
0xc4: {  	v1 =	vld.msk [tilespmem:s23+$0x0], $0x1;
	_ =	sdelay $0x4  }
0xc5: {  	(v2sf) =	vpush v1, $0x0;
	_ =	sdelay $0xe  }
0xc6: {  	s30 =	spop (v2sf)  }
0xc7: {  	p1 =	sne.s32 s29, s30  }
.Ltmp12:
0xc8: {  	_ = 	snop;
	(pc) =	sbr.rel @!p1 .LBB2_13-.Ltmp12, $2  }
0xc9: {  	_ =	sdelay $0x2  }
0xca: {  	s0 =	sshll.u32 s22, $0x9  }
0xcb: {  	p1 =	seq.s32 s29, s24  }
.Ltmp13:
0xcc: {  	_ = 	snop;
	(pc) =	sbr.rel @!p1 .LBB2_15-.Ltmp13, $1  }
0xcd: {  	_ =	sdelay $0x3  }
0xce: {  	s0 =	sshra.s32 s0, $0x2  }
.Ltmp14:
0xcf: {  	s0 =	sadd.s32 $0x108, s0;
	(pc) =	sbr.rel .LBB2_16-.Ltmp14, $4  }
0xd0: {  	[spmem:s16] =	stream.linear.scatter [tilespmem:s0], [sflag:$0x1], $0x80, $0x38;
	[tilespmem:$0x1F6F8] =	vst v63  }
0xd1: {  	_ =	swait.ge [sflag:s12], $0x80  }
0xd2: {  	[sflag:s12] =	ssyncset.done $0x0  }
0xd3: {  	[sflag:s12] =	ssyncadd.s32 $0xFFFFFF80  }
.LBB2_15:
0xd4: {  	s2 =	sshll.u32 s28, $0x9  }
0xd5: {  	s2 =	sshra.s32 s2, $0x2  }
0xd6: {  	v1 =	vld [tilespmem:s2+$0x7988];
	_ =	sdelay $0x3  }
0xd7: {  	s0 =	sshra.s32 s0, $0x2  }
0xd8: {  	[tilespmem:s0+$0x108] =	vst.add.f32.msk $0xffff, v1  }
0xd9: {  	v1 =	vld [tilespmem:s2+$0x7998];
	_ =	sdelay $0x4  }
0xda: {  	[tilespmem:s0+$0x118] =	vst.add.f32.msk $0xffff, v1  }
0xdb: {  	v1 =	vld [tilespmem:s2+$0x79A8];
	_ =	sdelay $0x4  }
0xdc: {  	[tilespmem:s0+$0x128] =	vst.add.f32.msk $0xffff, v1  }
0xdd: {  	v1 =	vld [tilespmem:s2+$0x79B8];
	_ =	sdelay $0x4  }
0xde: {  	[tilespmem:s0+$0x138] =	vst.add.f32.msk $0xffff, v1  }
0xdf: {  	v1 =	vld [tilespmem:s2+$0x79C8];
	_ =	sdelay $0x4  }
0xe0: {  	[tilespmem:s0+$0x148] =	vst.add.f32.msk $0xffff, v1  }
0xe1: {  	v1 =	vld [tilespmem:s2+$0x79D8];
	_ =	sdelay $0x4  }
0xe2: {  	[tilespmem:s0+$0x158] =	vst.add.f32.msk $0xffff, v1  }
0xe3: {  	v1 =	vld [tilespmem:s2+$0x79E8];
	_ =	sdelay $0x4  }
0xe4: {  	[tilespmem:s0+$0x168] =	vst.add.f32.msk $0xffff, v1  }
0xe5: {  	v1 =	vld [tilespmem:s2+$0x79F8];
	_ =	sdelay $0x2  }
0xe6: {  	p1 =	sgt.u32 s29, $0x27FF0  }
0xe7: {  	s2 =	sand.u32 @!p1 $0x3FFF8, s29  }
0xe8: {  	s3 =	sadd.s32 $0x108, s0;
	[tilespmem:s0+$0x178] =	vst.add.f32.msk $0xffff, v1;
	s0 =	sadd.s32 @!p1 s1, s2;
	s2 =	sand.u32 @!p1 $0x7, s29  }
0xe9: {  	[hbm4b:s0+s2] =	stream.linear.scatter @!p1 [tilespmem:s3], [sflag:$0xC], $0x80, $0x38;
	[tilespmem:$0x1F6F8] =	vst v63  }
0xea: {  	s0 =	simm.s32 $0x0  }
0xeb: {  	s0 =	simm.s32 @!p1 $0x200  }
0xec: {  	s31 =	sadd.s32 s0, s31  }
.LBB2_16:
0xed: {  	s0 =	sadd.s32 $0x1, s22  }
0xee: {  	s2 =	smulhi.u32 $0x88888889, s0;
	_ =	sdelay $0x1  }
0xef: {  	v1 =	vld [tilespmem:s25+$0xFFFFFFC0];
	s2 =	sshrl.u32 s2, $0x7  }
0xf0: {  	s2 =	smul.u32 $0xF0, s2;
	_ =	sdelay $0x1  }
0xf1: {  	s22 =	ssub.s32 s0, s2  }
0xf2: {  	s0 =	sshll.u32 s22, $0x7  }
0xf3: {  	[tilespmem:s0+$0x108] =	vst v1  }
0xf4: {  	v1 =	vld [tilespmem:s25+$0xFFFFFFD0];
	_ =	sdelay $0x4  }
0xf5: {  	[tilespmem:s0+$0x118] =	vst v1  }
0xf6: {  	v1 =	vld [tilespmem:s25+$0xFFFFFFE0];
	_ =	sdelay $0x4  }
0xf7: {  	[tilespmem:s0+$0x128] =	vst v1  }
0xf8: {  	v1 =	vld [tilespmem:s25+$0xFFFFFFF0];
	_ =	sdelay $0x4  }
0xf9: {  	[tilespmem:s0+$0x138] =	vst v1  }
0xfa: {  	v1 =	vld [tilespmem:s25+$0x0];
	_ =	sdelay $0x4  }
0xfb: {  	[tilespmem:s0+$0x148] =	vst v1  }
0xfc: {  	v1 =	vld [tilespmem:s25+$0x10];
	_ =	sdelay $0x4  }
0xfd: {  	[tilespmem:s0+$0x158] =	vst v1  }
0xfe: {  	v1 =	vld [tilespmem:s25+$0x20];
	_ =	sdelay $0x4  }
0xff: {  	[tilespmem:s0+$0x168] =	vst v1  }
0x100: {  	v1 =	vld [tilespmem:s25+$0x30]  }
.Ltmp15:
0x101: {  	_ = 	snop;
	(pc) =	sbr.rel .LBB2_17-.Ltmp15, $2  }
0x102: {  	_ =	sdelay $0x2  }
0x103: {  	s28 =	sadd.s32 $0x1, s28;
	[tilespmem:s0+$0x178] =	vst v1  }
.LBB2_19:
.Ltmp16:
0x104: {  	(pc) =	sbr.rel .LBB2_20-.Ltmp16, $4  }
0x105: {  	_ = 	snop  }
0x106: {  	s0 =	simm.s32 $0x2  }
0x107: {  	_ =	swait.ge [sflag:s0], $0x0  }
0x108: {  	s30 =	smov.u32 s29;
	[sflag:s0] =	ssyncset.done $0x0;
	s0 =	simm.s32 $0x0  }
.LBB2_22:
0x109: {  	_ =	sfence.sel $0x180000  }
0x10a: {  	s0 =	simm.s32 $0x9;
	[bflag:$0x0] =	sbarrier.arrive $0xFFFF  }
0x10b: {  	s24 =	simm.s32 $0xA;
	[sflag:s0] =	ssyncpa.u1 $0x1  }
0x10c: {  	s25 =	simm.s32 $0xB;
	[sflag:s24] =	ssyncpa.u1 $0x1  }
0x10d: {  	s26 =	simm.s32 $0x2;
	[sflag:s25] =	ssyncpa.u1 $0x1  }
0x10e: {  	[sflag:s26] =	ssyncpa.u1 $0x1  }
0x10f: {  	v0 =	vld [tilespmem:$0xF208];
	_ =	sdelay $0x4  }
0x110: {  	(v2sf) =	vpush v0, $0x0  }
0x111: {  	(v2sf) =	vpush v0, $0x1;
	_ =	sdelay $0x1  }
0x112: {  	(v2sf) =	vpush v0, $0x2;
	_ =	sdelay $0xb  }
0x113: {  	s0 =	spop (v2sf)  }
0x114: {  	s2 =	spop (v2sf)  }
0x115: {  	s3 =	smov.u32 s0;
	p0 =	sne.s32 s0, s2  }
0x116: {  	s4 =	spop (v2sf);
	s3 =	simm.s32 @!p0 $0xFFFFFFFF  }
0x117: {  	v2 =	vimm.s32 $0x1;
	v3 =	vlaneseq.u32;
	p0 =	seq.s32 s4, $0xFFFFFFFF;
	v1 =	vmov s3  }
0x118: {  	s16 =	stileid.u32;
	v0 =	vperm.xlane v0, v2;
	p1 =	sne.s32 @!p0 s0, s2;
	v1 =	vperm.xlane v1, v3  }
0x119: {  	vm0 =	vcmask $0x3F04;
	s6 =	simm.s32 $0xF208;
	s0 =	simm.s32 @!p0 $0x1;
	p1 =	por !p1, p0  }
0x11a: {  	s3 =	sshll.u32 s16, $0x1;
	s2 =	sshll.u32 @!p0 s4, $0x9;
	s0 =	simm.s32 @p1 $0x0;
	v0 =	vsel vm0, v1, v0  }
0x11b: {  	s5 =	sor.u32 $0x1000, s3;
	s2 =	sshra.s32 @!p0 s2, $0x2;
	s0 =	sor.u32 @!p0 s0, s3;
	[tilespmem:$0xF208] =	vst v0  }
0x11c: {  	[spmem:s5] =	stream.linear.scatter [tilespmem:s6], [sflag:$0x1], $0x2, $0x38;
	[tilespmem:$0x1F6F8] =	vst v63  }
0x11d: {  	s2 =	sadd.s32 @!p0 $0x108, s2;
	s0 =	sshll.u32 @!p0 s0, $0x7  }
0x11e: {  	[spmem:s0] =	stream.linear.scatter @!p0 [tilespmem:s2], [sflag:$0x1], $0x80, $0x38;
	[tilespmem:$0x1F6F8] =	vst v63  }
0x11f: {  	s0 =	simm.s32 @!p0 $0x82  }
0x120: {  	s28 =	simm.s32 $0x1;
	s0 =	simm.s32 @p0 $0x2  }
0x121: {  	_ =	swait.ge [sflag:s28], s0  }
0x122: {  	s0 =	ssub.s32 $0x0, s0;
	[sflag:s28] =	ssyncset.done $0x0  }
0x123: {  	p0 =	sne.s32 s16, $0x0;
	[sflag:s28] =	ssyncadd.s32 s0  }
.Ltmp17:
0x124: {  	_ =	sfence.stream.spmem;
	(pc) =	sbr.rel @p0 .LBB2_39-.Ltmp17, $4  }
0x125: {  	s29 =	simm.s32 $0x3;
	[bflag:$0x0] =	sbarrier.arrive $0xFFFF  }
0x126: {  	s30 =	simm.s32 $0x4;
	[sflag:s29] =	ssyncpa.u1 $0x1  }
0x127: {  	s31 =	simm.s32 $0x3C;
	[sflag:s30] =	ssyncpa.u1 $0x1  }
0x128: {  	s15 =	rddreg [dreg:$0x4];
	[sflag:s31] =	ssyncpa.u1 $0x1  }
0x129: {  	_ =	sfence.stream.spmem;
	s0 =	simm.s32 $0x5  }
0x12a: {  	s2 =	simm.s32 $0x1000;
	s3 =	simm.s32 $0xF218;
	[sflag:s0] =	ssyncpa.u1 $0x0  }
0x12b: {  	[tilespmem:s3], [sflag:$0x5] =	stream.linear.gather [spmem:s2], $0x20, $0x38;
	[tilespmem:$0x1F6F8] =	vst v63  }
0x12c: {  	s26 =	simm.s32 $0x0;
	s28 =	simm.s32 $0xF238  }
0x12d: {  	[tilespmem:s28], [sflag:$0x5] =	stream.linear.gather [spmem:s26], $0x1000, $0x38;
	[tilespmem:$0x1F6F8] =	vst v63  }
0x12e: {  	_ =	swait.ge [sflag:s0], $0x1020  }
0x12f: {  	[sflag:s0] =	ssyncset.done $0x0  }
0x130: {  	s29 =	simm.s32 $0x0;
	[sflag:s0] =	ssyncadd.s32 $0xFFFFEFE0  }
0x131: {  	v0 =	vld.msk [tilespmem:s29+$0xF218], $0x1;
	_ =	sdelay $0x1  }
0x132: {  	s30 =	simm.s32 $0x1  }
0x133: {  	v1 =	vld.msk [tilespmem:s30+$0xF218], $0x1;
	_ =	sdelay $0x1  }
0x134: {  	(v2sf) =	vpush v0, $0x0;
	_ =	sdelay $0x2  }
0x135: {  	(v2sf) =	vpush v1, $0x0;
	_ =	sdelay $0x2  }
0x136: {  	s31 =	simm.s32 $0x2  }
0x137: {  	v0 =	vld.msk [tilespmem:s31+$0xF218], $0x1;
	_ =	sdelay $0x2  }
0x138: {  	s4 =	simm.s32 $0xFFFFFFFF;
	s5 =	simm.s32 $0xFFFFFFFF;
	s0 =	simm.s32 $0xC  }
.LBB2_24:
0x139: {  	s2 =	smov.u32 s5;
	s3 =	smov.u32 s4  }
0x13a: {  	s4 =	sshra.s32 s0, $0x2;
	p1 =	sne.s32 s0, $0x7C;
	s0 =	sadd.s32 $0x4, s0;
	(v2sf) =	vpush v0, $0x0  }
0x13b: {  	v0 =	vld.msk [tilespmem:s4+$0xF218], $0x1  }
.Ltmp18:
0x13c: {  	(pc) =	sbr.rel @p1 .LBB2_24-.Ltmp18, $4  }
0x13d: {  	s5 =	spop (v2sf)  }
0x13e: {  	p2 =	sne.s32 s3, $0xFFFFFFFF;
	s4 =	smov.u32 s5  }
0x13f: {  	p3 =	seq.s32 s5, $0xFFFFFFFF;
	s4 =	smov.u32 @p2 s3  }
0x140: {  	s5 =	smov.u32 @p3 s2;
	s4 =	smov.u32 @p3 s3  }
0x141: {  	(v2sf) =	vpush v0, $0x0;
	_ =	sdelay $0x8  }
0x142: {  	s0 =	spop (v2sf)  }
0x143: {  	p1 =	sne.s32 s4, $0xFFFFFFFF;
	s2 =	smov.u32 s0  }
0x144: {  	s9 =	simm.s32 $0x6;
	p2 =	seq.s32 s0, $0xFFFFFFFF;
	s2 =	smov.u32 @p1 s4  }
0x145: {  	s6 =	simm.s32 $0x0;
	s2 =	smov.u32 @p2 s4;
	s3 =	spop (v2sf)  }
0x146: {  	s0 =	smov.u32 @p2 s5;
	p1 =	sne.s32 s2, $0xFFFFFFFF;
	s4 =	smov.u32 s3  }
.Ltmp19:
0x147: {  	p2 =	seq.s32 s3, $0xFFFFFFFF;
	s4 =	smov.u32 @p1 s2;
	(pc) =	sbr.rel .LBB2_26-.Ltmp19, $4  }
0x148: {  	s10 =	simm.s32 $0xF188;
	s4 =	smov.u32 @p2 s2;
	s7 =	spop (v2sf)  }
0x149: {  	s11 =	simm.s32 $0x0;
	p1 =	sne.s32 s4, $0xFFFFFFFF;
	s8 =	smov.u32 s7  }
0x14a: {  	s3 =	smov.u32 @p2 s0;
	p2 =	seq.s32 s7, $0xFFFFFFFF;
	s8 =	smov.u32 @p1 s4  }
0x14b: {  	[sflag:s9] =	ssyncpa.u1 $0x0;
	s7 =	smov.u32 @p2 s3;
	s8 =	smov.u32 @p2 s4  }
.LBB2_32:
0x14c: {  	p1 =	sgt.u32 s12, $0x27FF0  }
0x14d: {  	p2 =	seq.s32 @!p1 s12, s8  }
0x14e: {  	p1 =	por p1, p2  }
0x14f: {  	p2 =	sne.s32 @!p1 s12, s7  }
0x150: {  	p1 =	por p1, !p2  }
0x151: {  	s0 =	sshll.u32 @p1 s11, $0x9  }
0x152: {  	s0 =	sand.u32 @!p1 $0x3FFF8, s12  }
0x153: {  	s2 =	sand.u32 @!p1 $0x7, s12;
	s0 =	sadd.s32 @!p1 s1, s0  }
0x154: {  	[tilespmem:s10], [sflag:$0x6] =	stream.linear.gather @!p1 [hbm4b:s0+s2], $0x80, $0x38;
	[tilespmem:$0x1F6F8] =	vst v63  }
0x155: {  	_ =	swait.ge @!p1 [sflag:s9], $0x80  }
0x156: {  	[sflag:s9] =	ssyncset.done @!p1 $0x0  }
0x157: {  	[sflag:s9] =	ssyncadd.s32 @!p1 $0xFFFFFF80  }
0x158: {  	v1 =	vld @!p1 [tilespmem:$0xF188];
	_ =	sdelay $0x2  }
0x159: {  	s0 =	sshll.u32 @!p1 s11, $0x9  }
0x15a: {  	s2 =	sshrl.u32 @!p1 s0, $0x2  }
0x15b: {  	[tilespmem:s2+$0xF238] =	vst.add.f32.msk @!p1 $0xffff, v1  }
0x15c: {  	v1 =	vld @!p1 [tilespmem:$0xF198];
	_ =	sdelay $0x4  }
0x15d: {  	[tilespmem:s2+$0xF248] =	vst.add.f32.msk @!p1 $0xffff, v1  }
0x15e: {  	v1 =	vld @!p1 [tilespmem:$0xF1A8];
	_ =	sdelay $0x4  }
0x15f: {  	[tilespmem:s2+$0xF258] =	vst.add.f32.msk @!p1 $0xffff, v1  }
0x160: {  	v1 =	vld @!p1 [tilespmem:$0xF1B8];
	_ =	sdelay $0x4  }
0x161: {  	[tilespmem:s2+$0xF268] =	vst.add.f32.msk @!p1 $0xffff, v1  }
0x162: {  	v1 =	vld @!p1 [tilespmem:$0xF1C8];
	_ =	sdelay $0x4  }
0x163: {  	[tilespmem:s2+$0xF278] =	vst.add.f32.msk @!p1 $0xffff, v1  }
0x164: {  	v1 =	vld @!p1 [tilespmem:$0xF1D8];
	_ =	sdelay $0x4  }
0x165: {  	[tilespmem:s2+$0xF288] =	vst.add.f32.msk @!p1 $0xffff, v1  }
0x166: {  	v1 =	vld @!p1 [tilespmem:$0xF1E8];
	_ =	sdelay $0x4  }
0x167: {  	[tilespmem:s2+$0xF298] =	vst.add.f32.msk @!p1 $0xffff, v1  }
0x168: {  	v1 =	vld @!p1 [tilespmem:$0xF1F8];
	_ =	sdelay $0x4  }
0x169: {  	[tilespmem:s2+$0xF2A8] =	vst.add.f32.msk @!p1 $0xffff, v1  }
0x16a: {  	s0 =	sshrl.u32 s0, $0x2;
	[tilespmem:s6+$0xF218] =	vst.msk $0x1, v0  }
0x16b: {  	v0 =	vld [tilespmem:s0+$0xF238];
	_ =	sdelay $0x2  }
0x16c: {  	s31 =	sshll.u32 s6, $0x9  }
0x16d: {  	s2 =	sshra.s32 s31, $0x2  }
0x16e: {  	[tilespmem:s2+$0xF238] =	vst v0  }
0x16f: {  	v0 =	vld [tilespmem:s0+$0xF248];
	_ =	sdelay $0x4  }
0x170: {  	[tilespmem:s2+$0xF248] =	vst v0  }
0x171: {  	v0 =	vld [tilespmem:s0+$0xF258];
	_ =	sdelay $0x4  }
0x172: {  	[tilespmem:s2+$0xF258] =	vst v0  }
0x173: {  	v0 =	vld [tilespmem:s0+$0xF268];
	_ =	sdelay $0x4  }
0x174: {  	[tilespmem:s2+$0xF268] =	vst v0  }
0x175: {  	v0 =	vld [tilespmem:s0+$0xF278];
	_ =	sdelay $0x4  }
0x176: {  	[tilespmem:s2+$0xF278] =	vst v0  }
0x177: {  	v0 =	vld [tilespmem:s0+$0xF288];
	_ =	sdelay $0x4  }
0x178: {  	[tilespmem:s2+$0xF288] =	vst v0  }
0x179: {  	v0 =	vld [tilespmem:s0+$0xF298];
	_ =	sdelay $0x4  }
0x17a: {  	[tilespmem:s2+$0xF298] =	vst v0  }
0x17b: {  	v0 =	vld [tilespmem:s0+$0xF2A8];
	_ =	sdelay $0x4  }
0x17c: {  	s6 =	sadd.s32 $0x1, s6;
	[tilespmem:s2+$0xF2A8] =	vst v0  }
.LBB2_33:
0x17d: {  	s11 =	sadd.s32 $0x1, s11  }
0x17e: {  	p1 =	sne.s32 s11, $0x20  }
.Ltmp20:
0x17f: {  	_ = 	snop;
	(pc) =	sbr.rel @!p1 .LBB2_34-.Ltmp20, $1  }
0x180: {  	_ =	sdelay $0x3  }
.LBB2_26:
0x181: {  	v0 =	vld.msk [tilespmem:s11+$0xF218], $0x1;
	_ =	sdelay $0x4  }
0x182: {  	(v2sf) =	vpush v0, $0x0;
	_ =	sdelay $0xe  }
0x183: {  	s12 =	spop (v2sf)  }
0x184: {  	p1 =	seq.s32 s12, $0xFFFFFFFF  }
.Ltmp21:
0x185: {  	_ = 	snop;
	(pc) =	sbr.rel @p1 .LBB2_33-.Ltmp21, $1  }
0x186: {  	_ =	sdelay $0x3  }
0x187: {  	p1 =	slt.s32 s6, $0x1  }
.Ltmp22:
0x188: {  	_ = 	snop;
	(pc) =	sbr.rel @p1 .LBB2_32-.Ltmp22, $1  }
0x189: {  	_ =	sdelay $0x3  }
0x18a: {  	s13 =	simm.s32 $0xF218;
	p1 =	por $0x0, $0x0  }
0x18b: {  	v1 =	vld.msk @!p1 [tilespmem:s13+$0x0], $0x1;
	_ =	sdelay $0x4  }
0x18c: {  	(v2sf) =	vpush @!p1 v1, $0x0;
	_ =	sdelay $0xd  }
0x18d: {  	p3 =	sne.s32 s6, $0x1  }
.Ltmp23:
0x18e: {  	s0 =	spop @!p1 (v2sf);
	(pc) =	sbr.rel @!p3 .LBB2_30-.Ltmp23, $4  }
0x18f: {  	p2 =	seq.s32 @!p1 s12, s0  }
0x190: {  	s14 =	simm.s32 $0x0;
	p2 =	por !p2, p1  }
0x191: {  	s2 =	simm.s32 $0xFFFFFFFF;
	s14 =	simm.s32 @p2 $0xFFFFFFFF  }
0x192: {  	s0 =	simm.s32 $0x1;
	s14 =	smov.u32 @p1 s2  }
.LBB2_29:
0x193: {  	s2 =	smov.u32 s14;
	p1 =	sne.s32 s14, $0xFFFFFFFF  }
0x194: {  	s13 =	sadd.s32 $0x1, s13;
	s14 =	smov.u32 s0;
	s0 =	sadd.s32 $0x1, s0  }
0x195: {  	p2 =	sne.s32 s6, s0;
	v1 =	vld.msk @!p1 [tilespmem:s13+$0x0], $0x1;
	_ =	sdelay $0x4  }
0x196: {  	(v2sf) =	vpush @!p1 v1, $0x0;
	_ =	sdelay $0xe  }
.Ltmp24:
0x197: {  	s3 =	spop @!p1 (v2sf);
	(pc) =	sbr.rel @p2 .LBB2_29-.Ltmp24, $4  }
0x198: {  	p3 =	seq.s32 @!p1 s12, s3  }
0x199: {  	p3 =	por !p3, p1  }
0x19a: {  	s14 =	simm.s32 @p3 $0xFFFFFFFF  }
0x19b: {  	s14 =	smov.u32 @p1 s2  }
.LBB2_30:
0x19c: {  	p1 =	seq.s32 s14, $0xFFFFFFFF  }
.Ltmp25:
0x19d: {  	_ = 	snop;
	(pc) =	sbr.rel @p1 .LBB2_32-.Ltmp25, $1  }
0x19e: {  	_ =	sdelay $0x3  }
0x19f: {  	s0 =	sshll.u32 s11, $0x7  }
0x1a0: {  	s0 =	sand.u32 $0x3FFFFF80, s0  }
0x1a1: {  	v0 =	vld [tilespmem:s0+$0xF238];
	_ =	sdelay $0x2  }
0x1a2: {  	s2 =	sshll.u32 s14, $0x9  }
0x1a3: {  	s2 =	sshra.s32 s2, $0x2  }
0x1a4: {  	[tilespmem:s2+$0xF238] =	vst.add.f32.msk $0xffff, v0  }
0x1a5: {  	v0 =	vld [tilespmem:s0+$0xF248];
	_ =	sdelay $0x4  }
0x1a6: {  	[tilespmem:s2+$0xF248] =	vst.add.f32.msk $0xffff, v0  }
0x1a7: {  	v0 =	vld [tilespmem:s0+$0xF258];
	_ =	sdelay $0x4  }
0x1a8: {  	[tilespmem:s2+$0xF258] =	vst.add.f32.msk $0xffff, v0  }
0x1a9: {  	v0 =	vld [tilespmem:s0+$0xF268];
	_ =	sdelay $0x4  }
0x1aa: {  	[tilespmem:s2+$0xF268] =	vst.add.f32.msk $0xffff, v0  }
0x1ab: {  	v0 =	vld [tilespmem:s0+$0xF278];
	_ =	sdelay $0x4  }
0x1ac: {  	[tilespmem:s2+$0xF278] =	vst.add.f32.msk $0xffff, v0  }
0x1ad: {  	v0 =	vld [tilespmem:s0+$0xF288];
	_ =	sdelay $0x4  }
0x1ae: {  	[tilespmem:s2+$0xF288] =	vst.add.f32.msk $0xffff, v0  }
0x1af: {  	v0 =	vld [tilespmem:s0+$0xF298];
	_ =	sdelay $0x4  }
0x1b0: {  	[tilespmem:s2+$0xF298] =	vst.add.f32.msk $0xffff, v0  }
0x1b1: {  	v0 =	vld [tilespmem:s0+$0xF2A8]  }
.Ltmp26:
0x1b2: {  	_ = 	snop;
	(pc) =	sbr.rel .LBB2_33-.Ltmp26, $2  }
0x1b3: {  	_ =	sdelay $0x2  }
0x1b4: {  	[tilespmem:s2+$0xF2A8] =	vst.add.f32.msk $0xffff, v0  }
.LBB2_34:
0x1b5: {  	s0 =	simm.s32 $0x6;
	p1 =	seq.s32 s6, $0x0  }
0x1b6: {  	[sflag:s0] =	ssyncpa.u1 $0x1;
	v0 =	vimm.s32 @p1 $0xFFFFFFFF  }
0x1b7: {  	s9 =	sadd.s32 $0xFFFFFFFF, s6;
	[tilespmem:$0x10238] =	vst @p1 v0  }
0x1b8: {  	v0 =	vld.msk @!p1 [tilespmem:s9+$0xF218], $0x1;
	_ =	sdelay $0x1  }
0x1b9: {  	v1 =	vld.msk @!p1 [tilespmem:$0xF218], $0x1;
	_ =	sdelay $0x2  }
0x1ba: {  	p2 =	seq.s32 @!p1 s9, $0x0;
	v0 =	vbroadcast @!p1 v0, $0x0  }
0x1bb: {  	vm0 =	vmmov @!p1 $0x1;
	p2 =	por !p2, p1  }
0x1bc: {  	v1 =	vnsel @!p1 vm0, $0xFFFFFFFF, v1;
	vm0 =	vcmask @!p1 $0x308;
	v0 =	vpsel !p2, $0xFFFFFFFF, v0  }
0x1bd: {  	p2 =	sne.s32 @!p1 s8, s7;
	v0 =	vsel @!p1 vm0, v1, v0  }
0x1be: {  	s0 =	simm.s32 @!p1 $0xF238;
	s2 =	simm.s32 @!p1 $0x0;
	p3 =	por !p2, p1;
	[tilespmem:$0x10238] =	vst @!p1 v0  }
0x1bf: {  	[spmem:s2] =	stream.linear.scatter @!p1 [tilespmem:s0], [sflag:$0x1], $0x80, $0x38;
	[tilespmem:$0x1F6F8] =	vst v63  }
0x1c0: {  	s0 =	sshll.u32 @!p3 s9, $0x9  }
0x1c1: {  	s0 =	sshra.s32 @!p3 s0, $0x2  }
0x1c2: {  	s2 =	simm.s32 @!p3 $0x80;
	s0 =	sadd.s32 @!p3 $0xF238, s0  }
0x1c3: {  	[spmem:s2] =	stream.linear.scatter @!p3 [tilespmem:s0], [sflag:$0x1], $0x80, $0x38;
	[tilespmem:$0x1F6F8] =	vst v63  }
0x1c4: {  	s0 =	simm.s32 @!p3 $0x1  }
0x1c5: {  	_ =	swait.ge @!p3 [sflag:s0], $0x100  }
0x1c6: {  	p1 =	por p2, p1;
	[sflag:s0] =	ssyncset.done @!p3 $0x0  }
0x1c7: {  	[sflag:s0] =	ssyncadd.s32 @!p3 $0xFFFFFF00;
	s0 =	simm.s32 @!p1 $0x1  }
0x1c8: {  	_ =	swait.ge @!p1 [sflag:s0], $0x80  }
0x1c9: {  	s29 =	simm.s32 $0x10238;
	[sflag:s0] =	ssyncset.done @!p1 $0x0  }
0x1ca: {  	s30 =	simm.s32 $0x1000;
	s31 =	simm.s32 $0x1;
	[sflag:s0] =	ssyncadd.s32 @!p1 $0xFFFFFF80  }
0x1cb: {  	[spmem:s30] =	stream.linear.scatter [tilespmem:s29], [sflag:$0x1], $0x10, $0x38;
	[tilespmem:$0x1F6F8] =	vst v63  }
0x1cc: {  	_ =	swait.ge [sflag:s31], $0x10  }
0x1cd: {  	[sflag:s31] =	ssyncset.done $0x0  }
0x1ce: {  	p1 =	seq.s32 s15, $0x0;
	s8 =	rddreg [dreg:$0x1];
	[sflag:s31] =	ssyncadd.s32 $0xFFFFFFF0  }
0x1cf: {  	s2 =	sshll.u32 @p1 s8, $0xE;
	s7 =	rddreg [dreg:$0x2]  }
0x1d0: {  	s0 =	sadd.s32 @p1 $0x15C3C, s2;
	s2 =	sshll.u32 @p1 s7, $0x11  }
0x1d1: {  	_ =	sfence.stream.spmem;
	s0 =	sor.u32 @p1 s2, s0  }
0x1d2: {  	[sflag:s0] =	ssyncadd.remote.s32 @p1 $0x1;
	s0 =	simm.s32 @p1 $0x4  }
0x1d3: {  	s3 =	simm.s32 @!p1 $0x3C;
	s2 =	sand.u32 $0xFFFFFFFE, s8;
	_ =	swait.ge @p1 [sflag:s0], $0x22  }
0x1d4: {  	s4 =	simm.s32 @!p1 $0x0;
	s2 =	sadd.s32 @!p1 $0x4, s2;
	[sflag:s0] =	ssyncset.done @p1 $0x0  }
0x1d5: {  	s5 =	simm.s32 @!p1 $0x100;
	[sflag:s0] =	ssyncadd.s32 @p1 $0xFFFFFFDE;
	s0 =	sshll.u32 @!p1 s2, $0x1A  }
0x1d6: {  	s2 =	sshll.u32 @!p1 s2, $0xD;
	s0 =	sor.u32 @!p1 s0, s7;
	_ =	swait.eq @!p1 [sflag:s3], $0x1  }
0x1d7: {  	s2 =	sor.u32 @!p1 $0x1C04, s2;
	s3 =	simm.s32 @!p1 $0x1C03;
	s0 =	sor.u32 @!p1 $0x80004000, s0  }
0x1d8: {  	[spmem:s5], [sflag:s2] =	dma.general @!p1 [spmem:s4], [sflag:s3], length:$0x20, [dreg:$0x0], stride_count:$0x0, ici_dest:s0, dma_misc:DstOpCode:WRITE  }
0x1d9: {  	p2 =	slt.s32 s9, $0x2;
	s4 =	simm.s32 @!p1 $0x200;
	s5 =	simm.s32 @!p1 $0x202  }
0x1da: {  	[spmem:s5], [sflag:s2] =	dma.general @!p1 [spmem:s4], [sflag:s3], length:$0x2, [dreg:$0x0], stride_count:$0x0, ici_dest:s0, dma_misc:DstOpCode:WRITE  }
.Ltmp27:
0x1db: {  	s0 =	simm.s32 @!p1 $0x3;
	(pc) =	sbr.rel @p2 .LBB2_38-.Ltmp27, $4  }
0x1dc: {  	s2 =	sshll.u32 @!p1 s8, $0xE;
	_ =	swait.ge @!p1 [sflag:s0], $0x22  }
0x1dd: {  	s3 =	sshll.u32 @!p1 s7, $0x11;
	s2 =	sadd.s32 @!p1 $0x11C3C, s2;
	[sflag:s0] =	ssyncset.done @!p1 $0x0  }
0x1de: {  	[sflag:s0] =	ssyncadd.s32 @!p1 $0xFFFFFFDE;
	s0 =	sor.u32 @!p1 s3, s2  }
0x1df: {  	[sflag:s0] =	ssyncadd.remote.s32 @!p1 $0xFFFFFFFF;
	s0 =	simm.s32 $0x0  }
0x1e0: {  	s0 =	simm.s32 $0xF219  }
0x1e1: {  	v0 =	vld.msk [tilespmem:s0+$0x0], $0x1;
	_ =	sdelay $0x4  }
0x1e2: {  	(v2sf) =	vpush v0, $0x0;
	_ =	sdelay $0xb  }
0x1e3: {  	s31 =	sadd.s32 $0xFFFFFFFE, s6  }
0x1e4: {  	s0 =	sadd.s32 $0xFFFFFFFF, s31  }
0x1e5: {  	p2 =	sne.s32 s0, $0x0  }
.Ltmp28:
0x1e6: {  	s2 =	spop (v2sf);
	(pc) =	sbr.rel @!p2 .LBB2_37-.Ltmp28, $4  }
0x1e7: {  	s4 =	simm.s32 $0xF2B8;
	s7 =	simm.s32 $0x0;
	p1 =	sgt.u32 s2, $0x27FF0  }
0x1e8: {  	s5 =	simm.s32 $0x0;
	s6 =	simm.s32 $0xF21A;
	s3 =	sand.u32 @!p1 $0x3FFF8, s2  }
0x1e9: {  	s2 =	sand.u32 @!p1 $0x7, s2;
	s7 =	simm.s32 @!p1 $0x200;
	s3 =	sadd.s32 @!p1 s1, s3  }
0x1ea: {  	[hbm4b:s3+s2] =	stream.linear.scatter @!p1 [tilespmem:s4], [sflag:$0x5], $0x80, $0x38;
	[tilespmem:$0x1F6F8] =	vst v63  }
.LBB2_36:
0x1eb: {  	v0 =	vld.msk [tilespmem:s6+$0x0], $0x1;
	s0 =	sadd.s32 $0xFFFFFFFF, s0;
	s5 =	sadd.s32 s5, s7  }
0x1ec: {  	p1 =	sne.s32 s0, $0x0;
	_ =	sdelay $0x3  }
0x1ed: {  	(v2sf) =	vpush v0, $0x0;
	_ =	sdelay $0xe  }
.Ltmp29:
0x1ee: {  	s2 =	spop (v2sf);
	(pc) =	sbr.rel @p1 .LBB2_36-.Ltmp29, $4  }
0x1ef: {  	s7 =	simm.s32 $0x0;
	p2 =	sgt.u32 s2, $0x27FF0  }
0x1f0: {  	s4 =	sadd.s32 $0x80, s4;
	s7 =	simm.s32 @!p2 $0x200;
	s3 =	sand.u32 @!p2 $0x3FFF8, s2  }
0x1f1: {  	s6 =	sadd.s32 $0x1, s6;
	s2 =	sand.u32 @!p2 $0x7, s2;
	s3 =	sadd.s32 @!p2 s1, s3  }
0x1f2: {  	[hbm4b:s3+s2] =	stream.linear.scatter @!p2 [tilespmem:s4], [sflag:$0x5], $0x80, $0x38;
	[tilespmem:$0x1F6F8] =	vst v63  }
.LBB2_37:
0x1f3: {  	s0 =	sadd.s32 s5, s7  }
0x1f4: {  	s0 =	sshrl.u32 s0, $0x2  }
.LBB2_38:
0x1f5: {  	s2 =	simm.s32 $0x5  }
0x1f6: {  	_ =	swait.ge [sflag:s2], s0  }
0x1f7: {  	s31 =	ssub.s32 $0x0, s0;
	[sflag:s2] =	ssyncset.done $0x0  }
0x1f8: {  	[sflag:s2] =	ssyncadd.s32 s31  }
0x1f9: {  	[sflag:s2] =	ssyncpa.u1 $0x1  }
.LBB2_39:
0x1fa: {  	s0 =	sor.u32 s15, s16  }
0x1fb: {  	p1 =	sne.s32 s0, $0x0  }
.Ltmp30:
0x1fc: {  	_ = 	snop;
	(pc) =	sbr.rel @p1 .LBB2_54-.Ltmp30, $3  }
0x1fd: {  	_ =	sdelay $0x1  }
0x1fe: {  	[bflag:$0x0] =	sbarrier.arrive $0xFFFF  }
0x1ff: {  	_ =	sfence  }
0x200: {  	s0 =	simm.s32 $0x7  }
0x201: {  	s2 =	simm.s32 $0x1000;
	s3 =	simm.s32 $0xF218;
	[sflag:s0] =	ssyncpa.u1 $0x0  }
0x202: {  	[tilespmem:s3], [sflag:$0x7] =	stream.linear.gather [spmem:s2], $0x20, $0x38;
	[tilespmem:$0x1F6F8] =	vst v63  }
0x203: {  	s30 =	simm.s32 $0xF238;
	s2 =	simm.s32 $0x0  }
0x204: {  	[tilespmem:s30], [sflag:$0x7] =	stream.linear.gather [spmem:s2], $0x1000, $0x38;
	[tilespmem:$0x1F6F8] =	vst v63  }
.Ltmp31:
0x205: {  	_ = 	snop;
	(pc) =	sbr.rel .LBB2_41-.Ltmp31, $4  }
0x206: {  	_ =	swait.ge [sflag:s0], $0x1020  }
0x207: {  	[sflag:s0] =	ssyncset.done $0x0  }
0x208: {  	s31 =	simm.s32 $0x8;
	[sflag:s0] =	ssyncadd.s32 $0xFFFFEFE0  }
0x209: {  	s3 =	simm.s32 $0x0;
	[sflag:s31] =	ssyncpa.u1 $0x0  }
.LBB2_47:
0x20a: {  	p1 =	slt.u32 s4, $0x27FF1  }
0x20b: {  	s0 =	sand.u32 @p1 $0x3FFF8, s4  }
0x20c: {  	s4 =	sand.u32 @p1 $0x7, s4;
	s5 =	simm.s32 @p1 $0xF188;
	s0 =	sadd.s32 @p1 s1, s0  }
0x20d: {  	[tilespmem:s5], [sflag:$0x8] =	stream.linear.gather @p1 [hbm4b:s0+s4], $0x80, $0x38;
	[tilespmem:$0x1F6F8] =	vst v63  }
0x20e: {  	s0 =	simm.s32 @p1 $0x8  }
0x20f: {  	_ =	swait.ge @p1 [sflag:s0], $0x80  }
0x210: {  	[sflag:s0] =	ssyncset.done @p1 $0x0  }
0x211: {  	[sflag:s0] =	ssyncadd.s32 @p1 $0xFFFFFF80  }
0x212: {  	v1 =	vld @p1 [tilespmem:$0xF188];
	_ =	sdelay $0x2  }
0x213: {  	s0 =	sshll.u32 @p1 s3, $0x9  }
0x214: {  	s4 =	sshrl.u32 @p1 s0, $0x2  }
0x215: {  	[tilespmem:s4+$0xF238] =	vst.add.f32.msk @p1 $0xffff, v1  }
0x216: {  	v1 =	vld @p1 [tilespmem:$0xF198];
	_ =	sdelay $0x4  }
0x217: {  	[tilespmem:s4+$0xF248] =	vst.add.f32.msk @p1 $0xffff, v1  }
0x218: {  	v1 =	vld @p1 [tilespmem:$0xF1A8];
	_ =	sdelay $0x4  }
0x219: {  	[tilespmem:s4+$0xF258] =	vst.add.f32.msk @p1 $0xffff, v1  }
0x21a: {  	v1 =	vld @p1 [tilespmem:$0xF1B8];
	_ =	sdelay $0x4  }
0x21b: {  	[tilespmem:s4+$0xF268] =	vst.add.f32.msk @p1 $0xffff, v1  }
0x21c: {  	v1 =	vld @p1 [tilespmem:$0xF1C8];
	_ =	sdelay $0x4  }
0x21d: {  	[tilespmem:s4+$0xF278] =	vst.add.f32.msk @p1 $0xffff, v1  }
0x21e: {  	v1 =	vld @p1 [tilespmem:$0xF1D8];
	_ =	sdelay $0x4  }
0x21f: {  	[tilespmem:s4+$0xF288] =	vst.add.f32.msk @p1 $0xffff, v1  }
0x220: {  	v1 =	vld @p1 [tilespmem:$0xF1E8];
	_ =	sdelay $0x4  }
0x221: {  	[tilespmem:s4+$0xF298] =	vst.add.f32.msk @p1 $0xffff, v1  }
0x222: {  	v1 =	vld @p1 [tilespmem:$0xF1F8];
	_ =	sdelay $0x3  }
0x223: {  	s5 =	sshll.u32 @!p1 s3, $0x9  }
0x224: {  	s5 =	smov.u32 @p1 s0;
	[tilespmem:s4+$0xF2A8] =	vst.add.f32.msk @p1 $0xffff, v1  }
0x225: {  	s0 =	sshrl.u32 s5, $0x2;
	[tilespmem:s2+$0xF218] =	vst.msk $0x1, v0  }
0x226: {  	v0 =	vld [tilespmem:s0+$0xF238];
	_ =	sdelay $0x2  }
0x227: {  	s31 =	sshll.u32 s2, $0x9  }
0x228: {  	s4 =	sshra.s32 s31, $0x2  }
0x229: {  	[tilespmem:s4+$0xF238] =	vst v0  }
0x22a: {  	v0 =	vld [tilespmem:s0+$0xF248];
	_ =	sdelay $0x4  }
0x22b: {  	[tilespmem:s4+$0xF248] =	vst v0  }
0x22c: {  	v0 =	vld [tilespmem:s0+$0xF258];
	_ =	sdelay $0x4  }
0x22d: {  	[tilespmem:s4+$0xF258] =	vst v0  }
0x22e: {  	v0 =	vld [tilespmem:s0+$0xF268];
	_ =	sdelay $0x4  }
0x22f: {  	[tilespmem:s4+$0xF268] =	vst v0  }
0x230: {  	v0 =	vld [tilespmem:s0+$0xF278];
	_ =	sdelay $0x4  }
0x231: {  	[tilespmem:s4+$0xF278] =	vst v0  }
0x232: {  	v0 =	vld [tilespmem:s0+$0xF288];
	_ =	sdelay $0x4  }
0x233: {  	[tilespmem:s4+$0xF288] =	vst v0  }
0x234: {  	v0 =	vld [tilespmem:s0+$0xF298];
	_ =	sdelay $0x4  }
0x235: {  	[tilespmem:s4+$0xF298] =	vst v0  }
0x236: {  	v0 =	vld [tilespmem:s0+$0xF2A8];
	_ =	sdelay $0x4  }
0x237: {  	s2 =	sadd.s32 $0x1, s2;
	[tilespmem:s4+$0xF2A8] =	vst v0  }
.LBB2_48:
0x238: {  	s3 =	sadd.s32 $0x1, s3  }
0x239: {  	p1 =	sne.s32 s3, $0x20  }
.Ltmp32:
0x23a: {  	_ = 	snop;
	(pc) =	sbr.rel @!p1 .LBB2_49-.Ltmp32, $1  }
0x23b: {  	_ =	sdelay $0x3  }
.LBB2_41:
0x23c: {  	v0 =	vld.msk [tilespmem:s3+$0xF218], $0x1;
	_ =	sdelay $0x4  }
0x23d: {  	(v2sf) =	vpush v0, $0x0;
	_ =	sdelay $0xe  }
0x23e: {  	s4 =	spop (v2sf)  }
0x23f: {  	p1 =	seq.s32 s4, $0xFFFFFFFF  }
.Ltmp33:
0x240: {  	_ = 	snop;
	(pc) =	sbr.rel @p1 .LBB2_48-.Ltmp33, $1  }
0x241: {  	_ =	sdelay $0x3  }
0x242: {  	p1 =	slt.s32 s2, $0x1  }
.Ltmp34:
0x243: {  	_ = 	snop;
	(pc) =	sbr.rel @p1 .LBB2_47-.Ltmp34, $1  }
0x244: {  	_ =	sdelay $0x3  }
0x245: {  	s5 =	simm.s32 $0xF218;
	p1 =	por $0x0, $0x0  }
0x246: {  	v1 =	vld.msk @!p1 [tilespmem:s5+$0x0], $0x1;
	_ =	sdelay $0x4  }
0x247: {  	(v2sf) =	vpush @!p1 v1, $0x0;
	_ =	sdelay $0xd  }
0x248: {  	p3 =	sne.s32 s2, $0x1  }
.Ltmp35:
0x249: {  	s0 =	spop @!p1 (v2sf);
	(pc) =	sbr.rel @!p3 .LBB2_45-.Ltmp35, $4  }
0x24a: {  	p2 =	seq.s32 @!p1 s4, s0  }
0x24b: {  	s6 =	simm.s32 $0x0;
	p2 =	por !p2, p1  }
0x24c: {  	s7 =	simm.s32 $0xFFFFFFFF;
	s6 =	simm.s32 @p2 $0xFFFFFFFF  }
0x24d: {  	s0 =	simm.s32 $0x1;
	s6 =	smov.u32 @p1 s7  }
.LBB2_44:
0x24e: {  	s7 =	smov.u32 s6;
	p1 =	sne.s32 s6, $0xFFFFFFFF  }
0x24f: {  	s5 =	sadd.s32 $0x1, s5;
	s6 =	smov.u32 s0;
	s0 =	sadd.s32 $0x1, s0  }
0x250: {  	p2 =	sne.s32 s2, s0;
	v1 =	vld.msk @!p1 [tilespmem:s5+$0x0], $0x1;
	_ =	sdelay $0x4  }
0x251: {  	(v2sf) =	vpush @!p1 v1, $0x0;
	_ =	sdelay $0xe  }
.Ltmp36:
0x252: {  	s8 =	spop @!p1 (v2sf);
	(pc) =	sbr.rel @p2 .LBB2_44-.Ltmp36, $4  }
0x253: {  	p3 =	seq.s32 @!p1 s4, s8  }
0x254: {  	p3 =	por !p3, p1  }
0x255: {  	s6 =	simm.s32 @p3 $0xFFFFFFFF  }
0x256: {  	s6 =	smov.u32 @p1 s7  }
.LBB2_45:
0x257: {  	p1 =	seq.s32 s6, $0xFFFFFFFF  }
.Ltmp37:
0x258: {  	_ = 	snop;
	(pc) =	sbr.rel @p1 .LBB2_47-.Ltmp37, $1  }
0x259: {  	_ =	sdelay $0x3  }
0x25a: {  	s0 =	sshll.u32 s3, $0x7  }
0x25b: {  	s0 =	sand.u32 $0x3FFFFF80, s0  }
0x25c: {  	v0 =	vld [tilespmem:s0+$0xF238];
	_ =	sdelay $0x2  }
0x25d: {  	s4 =	sshll.u32 s6, $0x9  }
0x25e: {  	s4 =	sshra.s32 s4, $0x2  }
0x25f: {  	[tilespmem:s4+$0xF238] =	vst.add.f32.msk $0xffff, v0  }
0x260: {  	v0 =	vld [tilespmem:s0+$0xF248];
	_ =	sdelay $0x4  }
0x261: {  	[tilespmem:s4+$0xF248] =	vst.add.f32.msk $0xffff, v0  }
0x262: {  	v0 =	vld [tilespmem:s0+$0xF258];
	_ =	sdelay $0x4  }
0x263: {  	[tilespmem:s4+$0xF258] =	vst.add.f32.msk $0xffff, v0  }
0x264: {  	v0 =	vld [tilespmem:s0+$0xF268];
	_ =	sdelay $0x4  }
0x265: {  	[tilespmem:s4+$0xF268] =	vst.add.f32.msk $0xffff, v0  }
0x266: {  	v0 =	vld [tilespmem:s0+$0xF278];
	_ =	sdelay $0x4  }
0x267: {  	[tilespmem:s4+$0xF278] =	vst.add.f32.msk $0xffff, v0  }
0x268: {  	v0 =	vld [tilespmem:s0+$0xF288];
	_ =	sdelay $0x4  }
0x269: {  	[tilespmem:s4+$0xF288] =	vst.add.f32.msk $0xffff, v0  }
0x26a: {  	v0 =	vld [tilespmem:s0+$0xF298];
	_ =	sdelay $0x4  }
0x26b: {  	[tilespmem:s4+$0xF298] =	vst.add.f32.msk $0xffff, v0  }
0x26c: {  	v0 =	vld [tilespmem:s0+$0xF2A8]  }
.Ltmp38:
0x26d: {  	_ = 	snop;
	(pc) =	sbr.rel .LBB2_48-.Ltmp38, $2  }
0x26e: {  	_ =	sdelay $0x2  }
0x26f: {  	[tilespmem:s4+$0xF2A8] =	vst.add.f32.msk $0xffff, v0  }
.LBB2_49:
0x270: {  	p1 =	slt.s32 s2, $0x1  }
.Ltmp39:
0x271: {  	_ = 	snop;
	(pc) =	sbr.rel @p1 .LBB2_53-.Ltmp39, $3  }
0x272: {  	_ =	sdelay $0x1  }
0x273: {  	s0 =	simm.s32 $0x8  }
0x274: {  	s3 =	simm.s32 $0x0;
	[sflag:s0] =	ssyncpa.u1 $0x1  }
0x275: {  	s0 =	simm.s32 $0xF218  }
0x276: {  	v0 =	vld.msk [tilespmem:s0+$0x0], $0x1;
	_ =	sdelay $0x4  }
0x277: {  	(v2sf) =	vpush v0, $0x0;
	_ =	sdelay $0xe  }
0x278: {  	s0 =	sadd.s32 $0xFFFFFFFF, s2;
	s5 =	spop (v2sf)  }
0x279: {  	p2 =	sne.s32 s0, $0x0;
	p1 =	sgt.u32 s5, $0x27FF0  }
.Ltmp40:
0x27a: {  	s6 =	sand.u32 @!p1 $0x3FFF8, s5;
	(pc) =	sbr.rel @!p2 .LBB2_52-.Ltmp40, $4  }
0x27b: {  	s4 =	simm.s32 $0xF238;
	s5 =	sand.u32 @!p1 $0x7, s5;
	s2 =	sadd.s32 @!p1 s1, s6  }
0x27c: {  	[hbm4b:s2+s5] =	stream.linear.scatter @!p1 [tilespmem:s4], [sflag:$0x7], $0x80, $0x38;
	[tilespmem:$0x1F6F8] =	vst v63  }
0x27d: {  	s5 =	simm.s32 $0x0  }
0x27e: {  	s2 =	simm.s32 $0xF219;
	s5 =	simm.s32 @!p1 $0x200  }
.LBB2_51:
0x27f: {  	v0 =	vld.msk [tilespmem:s2+$0x0], $0x1;
	s0 =	sadd.s32 $0xFFFFFFFF, s0;
	s3 =	sadd.s32 s3, s5  }
0x280: {  	p1 =	sne.s32 s0, $0x0;
	_ =	sdelay $0x3  }
0x281: {  	(v2sf) =	vpush v0, $0x0;
	_ =	sdelay $0xe  }
.Ltmp41:
0x282: {  	s6 =	spop (v2sf);
	(pc) =	sbr.rel @p1 .LBB2_51-.Ltmp41, $4  }
0x283: {  	s5 =	simm.s32 $0x0;
	p2 =	sgt.u32 s6, $0x27FF0  }
0x284: {  	s4 =	sadd.s32 $0x80, s4;
	s5 =	simm.s32 @!p2 $0x200;
	s7 =	sand.u32 @!p2 $0x3FFF8, s6  }
0x285: {  	s2 =	sadd.s32 $0x1, s2;
	s6 =	sand.u32 @!p2 $0x7, s6;
	s7 =	sadd.s32 @!p2 s1, s7  }
0x286: {  	[hbm4b:s7+s6] =	stream.linear.scatter @!p2 [tilespmem:s4], [sflag:$0x7], $0x80, $0x38;
	[tilespmem:$0x1F6F8] =	vst v63  }
.LBB2_52:
0x287: {  	s0 =	sadd.s32 s3, s5  }
0x288: {  	s3 =	sshrl.u32 s0, $0x2  }
.LBB2_53:
0x289: {  	s0 =	simm.s32 $0x7  }
0x28a: {  	_ =	swait.ge [sflag:s0], s3  }
0x28b: {  	s1 =	ssub.s32 $0x0, s3;
	[sflag:s0] =	ssyncset.done $0x0  }
0x28c: {  	[sflag:s0] =	ssyncadd.s32 s1  }
0x28d: {  	[sflag:s0] =	ssyncpa.u1 $0x1  }
.LBB2_54:
0x28e: {  	_ =	sfence;
	s0 =	simm.s32 $0x1  }
0x28f: {  	[sflag:s0] =	ssyncpa.u1 $0x1  }
0x290: {  	_ =	strace $0x9000004A  }
0x291: {  	[bflag:$0x2] =	sbarrier.arrive $0xFFFF  }
0x292: {  	s0 =	rddreg [dreg:$0x3]  }
0x293: {  	s0 =	sadd.s32 @!p0 $0x100000, s0  }
0x294: {  	[sflag:s0] =	ssyncadd.tile.s32 @!p0 $0x1;
	_ =	shalt  }
.Lfunc_end2:
_tile_overlayer_lowered:
.L_overlay_start_2:
0x295: {  	(tag) =	ssettag $0x2  }
0x296: {  	s0 =	rddreg [dreg:$0x0];
	s2 =	stileid.u32  }
0x297: {  	s1 =	rddreg [dreg:$0x1];
	p0 =	sne.s32 s2, $0x0  }
0x298: {  	s3 =	rddreg [dreg:$0x2];
	[bflag:$0x3] =	sbarrier.arrive $0xFFFF;
	s2 =	simm.s32 @!p0 $0x1C01  }
0x299: {  	[timem:s3], [sflag:s2] =	dma.local @!p0 [hbm:s0], s1  }
0x29a: {  	s0 =	simm.s32 @!p0 $0x1  }
0x29b: {  	_ =	swait.ge @!p0 [sflag:s0], s1  }
0x29c: {  	s1 =	ssub.s32 @!p0 $0x0, s1;
	[sflag:s0] =	ssyncset.done @!p0 $0x0  }
0x29d: {  	[sflag:s0] =	ssyncadd.s32 @!p0 s1  }
0x29e: {  	[bflag:$0x3] =	sbarrier.arrive $0xFFFF  }
0x29f: {  	_ =	shalt  }

// kernel: scatter_offload_async_start.2
scs
__scs_entry_jumppad:
0x0: {  	(pc) =	sbr.rel $0x88, $3  }
0x1: {  	(tag) =	ssettag $0x0;
	lr =	simm.s32 $0x1  }
0x2: {  	[smem:$0x3F8E] =	sst lr;
	_ =	strace $0xD0000000  }
0x3: {  	_ = 	snop  }
0x4: {  	_ = 	snop  }
0x5: {  	_ = 	snop  }
0x6: {  	_ = 	snop  }
0x7: {  	_ = 	snop  }
__scs_overlays_trampoline_lowered:
0x8: {  	[smem:$0x3F9D] =	sst s0  }
0x9: {  	[smem:$0x3F9E] =	sst s1  }
0xa: {  	[smem:$0x3F9F] =	sst s2  }
0xb: {  	[smem:$0x3FA0] =	sst s3  }
0xc: {  	[smem:$0x3FA1] =	sst s4  }
0xd: {  	[smem:$0x3FA2] =	sst s5  }
0xe: {  	[smem:$0x3FA3] =	sst s6  }
0xf: {  	[smem:$0x3FA4] =	sst s7  }
0x10: {  	[smem:$0x3FA5] =	sst s8  }
0x11: {  	[smem:$0x3FA6] =	sst s9;
	s0 =	simm.s32 @!p0 $0x0  }
0x12: {  	s1 =	sld [smem:$0x3F8C];
	s0 =	simm.s32 @p0 $0x1  }
0x13: {  	[smem:$0x3FA7] =	sst s0;
	s0 =	simm.s32 @!p1 $0x0  }
0x14: {  	s2 =	sld [smem:$0x3F8B];
	s0 =	simm.s32 @p1 $0x1  }
0x15: {  	[smem:$0x3FA8] =	sst s0;
	s0 =	simm.s32 @!p2 $0x0  }
0x16: {  	s3 =	sld [smem:$0x3FDB];
	s0 =	simm.s32 @p2 $0x1  }
0x17: {  	s4 =	simm.s32 $0x1BF5;
	[smem:$0x3FAA] =	sst s0  }
0x18: {  	s0 =	sld [smem:$0x3F8D];
	_ =	swait.ge [sflag:s4], $0x0  }
0x19: {  	s7 =	sld [smem:$0x3F8E]  }
0x1a: {  	s8 =	sadd.s32 $0xFFFFE003, lr  }
0x1b: {  	s9 =	sadd.s32 $0xFFFFFEF7, lr;
	s5 =	simm.s32 $0xFFFFFFFF;
	p2 =	slt.u32 s8, $0xFFFFF086  }
0x1c: {  	p1 =	slt.u32 s9, $0xF7A;
	s5 =	simm.s32 @!p2 $0x0  }
0x1d: {  	s5 =	simm.s32 @p1 $0x1;
	p0 =	seq.s32 s7, s2  }
0x1e: {  	s7 =	smul.u32 @!p0 $0xF7A, s2;
	p2 =	seq.s32 @!p0 s5, $0x0  }
0x1f: {  	s9 =	smul.u32 $0xF7A, s1;
	s8 =	simm.s32 @!p0 $0x1BF5;
	p2 =	por !p2, p0  }
0x20: {  	[sflag:s8] =	ssyncset.s32 @!p0 $0xFFFFF086;
	s6 =	sadd.s32 @!p0 s3, s7;
	s7 =	simm.s32 @!p0 $0x108  }
0x21: {  	s3 =	sadd.s32 s3, s9;
	s6 =	sadd.s32 @!p0 $0x88, s6;
	s7 =	simm.s32 @p2 $0x1082  }
0x22: {  	[simem:s7], [sflag:s8] =	dma.local @!p0 [hbm:s6], $0xF7A  }
0x23: {  	s9 =	sor.u32 $0xD0000000, s2;
	s6 =	simm.s32 $0x108;
	_ =	swait.ge @!p0 [sflag:s8], $0x0  }
0x24: {  	s3 =	sadd.s32 $0x88, s3;
	s6 =	simm.s32 @!p1 $0x1082;
	[sflag:s4] =	ssyncset.s32 $0xFFFFF086  }
0x25: {  	[simem:s6], [sflag:s4] =	dma.local [hbm:s3], $0xF7A  }
0x26: {  	[smem:$0x3F8E] =	sst s1;
	(tag) =	ssettag s2;
	_ =	strace s9  }
0x27: {  	s1 =	sld [smem:$0x3F9E]  }
0x28: {  	s2 =	sld [smem:$0x3F9F]  }
0x29: {  	s4 =	sld [smem:$0x3FA1]  }
0x2a: {  	p0 =	seq.s32 s5, $0x0;
	s5 =	sld [smem:$0x3FA2]  }
0x2b: {  	s6 =	sld [smem:$0x3FA3]  }
0x2c: {  	s7 =	sld [smem:$0x3FA4]  }
0x2d: {  	s3 =	simm.s32 $0x108;
	s8 =	sld [smem:$0x3FA5]  }
0x2e: {  	s3 =	simm.s32 @!p0 $0x1082;
	s9 =	sld [smem:$0x3FA6]  }
0x2f: {  	lr =	sadd.s32 s0, s3;
	s0 =	sld [smem:$0x3F9D]  }
0x30: {  	s3 =	sld [smem:$0x3FA0]  }
0x31: {  	[smem:$0x3FA9] =	sst s10  }
0x32: {  	s10 =	sld [smem:$0x3FA7];
	_ =	sdelay $0x3  }
0x33: {  	p0 =	seq.s32 s10, $0x1;
	s10 =	sld [smem:$0x3FA9];
	_ =	sdelay $0x3  }
0x34: {  	[smem:$0x3FA9] =	sst s10  }
0x35: {  	s10 =	sld [smem:$0x3FA8];
	_ =	sdelay $0x3  }
0x36: {  	p1 =	seq.s32 s10, $0x1;
	s10 =	sld [smem:$0x3FA9];
	_ =	sdelay $0x3  }
0x37: {  	[smem:$0x3FA9] =	sst s10  }
0x38: {  	s10 =	sld [smem:$0x3FAA]  }
0x39: {  	_ = 	snop;
	(pc) =	sbr.ind lr, $3  }
0x3a: {  	_ = 	snop  }
0x3b: {  	_ = 	snop  }
0x3c: {  	p2 =	seq.s32 s10, $0x1;
	s10 =	sld [smem:$0x3FA9]  }
0x3d: {  	_ =	shalt  }
0x3e: {  	_ =	shalt  }
0x3f: {  	_ =	shalt  }
0x40: {  	_ =	shalt  }
0x41: {  	_ =	shalt  }
0x42: {  	_ =	shalt  }
0x43: {  	_ =	shalt  }
0x44: {  	_ =	shalt  }
0x45: {  	_ =	shalt  }
0x46: {  	_ =	shalt  }
0x47: {  	_ =	shalt  }
0x48: {  	_ =	shalt  }
0x49: {  	_ =	shalt  }
0x4a: {  	_ =	shalt  }
0x4b: {  	_ =	shalt  }
0x4c: {  	_ =	shalt  }
0x4d: {  	_ =	shalt  }
0x4e: {  	_ =	shalt  }
0x4f: {  	_ =	shalt  }
0x50: {  	_ =	shalt  }
0x51: {  	_ =	shalt  }
0x52: {  	_ =	shalt  }
0x53: {  	_ =	shalt  }
0x54: {  	_ =	shalt  }
0x55: {  	_ =	shalt  }
0x56: {  	_ =	shalt  }
0x57: {  	_ =	shalt  }
0x58: {  	_ =	shalt  }
0x59: {  	_ =	shalt  }
0x5a: {  	_ =	shalt  }
0x5b: {  	_ =	shalt  }
0x5c: {  	_ =	shalt  }
0x5d: {  	_ =	shalt  }
0x5e: {  	_ =	shalt  }
0x5f: {  	_ =	shalt  }
0x60: {  	_ =	shalt  }
0x61: {  	_ =	shalt  }
0x62: {  	_ =	shalt  }
0x63: {  	_ =	shalt  }
0x64: {  	_ =	shalt  }
0x65: {  	_ =	shalt  }
0x66: {  	_ =	shalt  }
0x67: {  	_ =	shalt  }
0x68: {  	_ =	shalt  }
0x69: {  	_ =	shalt  }
0x6a: {  	_ =	shalt  }
0x6b: {  	_ =	shalt  }
0x6c: {  	_ =	shalt  }
0x6d: {  	_ =	shalt  }
0x6e: {  	_ =	shalt  }
0x6f: {  	_ =	shalt  }
0x70: {  	_ =	shalt  }
0x71: {  	_ =	shalt  }
0x72: {  	_ =	shalt  }
0x73: {  	_ =	shalt  }
0x74: {  	_ =	shalt  }
0x75: {  	_ =	shalt  }
0x76: {  	_ =	shalt  }
0x77: {  	_ =	shalt  }
0x78: {  	_ =	shalt  }
0x79: {  	_ =	shalt  }
0x7a: {  	_ =	shalt  }
0x7b: {  	_ =	shalt  }
0x7c: {  	_ =	shalt  }
0x7d: {  	_ =	shalt  }
0x7e: {  	_ =	shalt  }
0x7f: {  	_ =	shalt  }
0x80: {  	_ =	shalt  }
0x81: {  	_ =	shalt  }
0x82: {  	_ =	shalt  }
0x83: {  	_ =	shalt  }
0x84: {  	_ =	shalt  }
0x85: {  	_ =	shalt  }
0x86: {  	_ =	shalt  }
0x87: {  	_ =	shalt  }
.Lfunc_end0:
.L_simem_size_0:
called_computation.2_lowered:
.L_overlay_start_0:
0x88: {  	s2 =	sld [smem:$0x3FD9]  }
0x89: {  	s3 =	sld [smem:$0x3FFE];
	_ =	sdelay $0x1  }
0x8a: {  	s1 =	srdreg.scid  }
0x8b: {  	s0 =	sand.u32 $0x1, s1  }
0x8c: {  	s15 =	sshll.u32 s0, $0xA;
	s2 =	sadd.s32 s3, s2  }
0x8d: {  	s2 =	sadd.s32 s2, s15  }
0x8e: {  	[smem:$0x3FB5] =	sst s2  }
0x8f: {  	_ = 	snop  }
0x90: {  	(tm) =	ssettm $0x1  }
0x91: {  	s16 =	sld [smem:$0x3FFB];
	_ =	sdelay $0x3  }
0x92: {  	_ =	strace s16  }
0x93: {  	s2 =	sld [smem:$0x3FFC];
	_ =	sdelay $0x3  }
0x94: {  	_ =	strace s2  }
0x95: {  	s2 =	sld [smem:$0x3FFD];
	_ =	sdelay $0x3  }
0x96: {  	_ =	strace s2  }
0x97: {  	_ =	strace $0x8FFFFFFF  }
0x98: {  	s17 =	sld [smem:$0x3FDB];
	_ =	sdelay $0x1  }
0x99: {  	s18 =	simm.s32 $_scs_section_size  }
0x9a: {  	s4 =	simm.s32 $_size__tile_overlayer_lowered;
	s5 =	simm.s32 $_tile_overlayer_lowered  }
0x9b: {  	s21 =	simm.s32 $0x1BFF;
	s20 =	sshll.u32 s5, $0x1;
	s2 =	sadd.s32 s18, s17  }
0x9c: {  	s6 =	simm.s32 $0x0;
	s19 =	sshll.u32 s4, $0x1;
	s4 =	sadd.s32 s20, s2  }
0x9d: {  	[timem:s6], [sflag:s21] =	dma.local [hbm:s4], s19  }
0x9e: {  	_ =	swait.ge [sflag:s21], s19  }
0x9f: {  	s3 =	ssub.s32 $0x0, s19;
	[sflag:s21] =	ssyncset.done $0x0  }
0xa0: {  	[sflag:s21] =	ssyncadd.s32 s3;
	_ =	sdelay $0x1  }
0xa1: {  	s22 =	simm.s32 $0x1B8B  }
0xa2: {  	_ =	swait.ge [sflag:s22], $0x1  }
0xa3: {  	[sflag:s22] =	ssyncset.done $0x0  }
0xa4: {  	s23 =	sld [smem:$0x3FFE];
	[sflag:s22] =	ssyncadd.s32 $0xFFFFFFFF  }
0xa5: {  	s25 =	simm.s32 $0x1B8E;
	s24 =	sld [smem:$0x0]  }
0xa6: {  	s26 =	simm.s32 $execute0_lowered;
	[smem:$0x3FD2] =	sst s25  }
0xa7: {  	s5 =	sshll.u32 s26, $0x1;
	_ =	strace $0x8000005B;
	[dreg:$0x1] =	wrdreg $0xFFFFFFFF  }
0xa8: {  	s28 =	simm.s32 $_size_execute0_lowered;
	s2 =	sadd.s32 s2, s5;
	[dreg:$0x0] =	wrdreg $0x0  }
0xa9: {  	s5 =	sshll.u32 s28, $0x1;
	[dreg:$0x2] =	wrdreg s2  }
0xaa: {  	[dreg:$0x3] =	wrdreg s5  }
0xab: {  	[dreg:$0x4] =	wrdreg $0xC0  }
0xac: {  	_ =	task [dreg:s6], $0x5FFFF  }
0xad: {  	[dreg:$0x1] =	wrdreg $0xFFFFFFFF  }
0xae: {  	[dreg:$0x0] =	wrdreg $0x60  }
0xaf: {  	[dreg:$0x2] =	wrdreg s23  }
0xb0: {  	[dreg:$0x3] =	wrdreg s1  }
0xb1: {  	[dreg:$0x4] =	wrdreg s24  }
0xb2: {  	[dreg:$0x5] =	wrdreg $0x9  }
0xb3: {  	_ =	task.clear_ibuf [dreg:s6], $0x6FFFF;
	_ =	strace $0x9000005B  }
0xb4: {  	s29 =	simm.s32 $0x9;
	_ =	strace $0x8000005D  }
0xb5: {  	_ =	swait.ge [sflag:s29], $0x1  }
0xb6: {  	[sflag:s29] =	ssyncadd.s32 $0xFFFFFFFF  }
0xb7: {  	_ =	strace $0x9000005D  }
0xb8: {  	_ =	sfence  }
0xb9: {  	s30 =	sld [smem:$0x0];
	_ =	sdelay $0x2  }
0xba: {  	s31 =	sshll.u32 s1, $0xD;
	s1 =	sshrl.u32 s1, $0x2  }
0xbb: {  	s3 =	sand.u32 $0x4000, s31;
	s1 =	sadd.s32 s1, s30  }
0xbc: {  	s0 =	sor.u32 s3, s0;
	s1 =	sshll.u32 s1, $0x11  }
0xbd: {  	s0 =	sor.u32 s1, s0  }
0xbe: {  	s0 =	sadd.s32 $0x8F2B, s0  }
0xbf: {  	[sflag:s0] =	ssyncadd.remote.s32 $0x1  }
0xc0: {  	_ =	sfence.sel $0xFFFF  }
0xc1: {  	[dreg:$0x0] =	wrdreg $0xFFFFFFFF;
	(pc) =	sbr.abs _section_cstart, $3  }
0xc2: {  	[dreg:$0x1] =	wrdreg $0xFFFFFFFF  }
0xc3: {  	_ =	task.clear_ibuf [dreg:s6], $0x2FFFF;
	_ =	strace $0x9FFFFFFF  }
0xc4: {  	(tm) =	ssettm $0x7FFFFFFF  }
0xc5: {  	_ =	shalt  }
tec
execute0_lowered:
.L_overlay_start_1:
0x0: {  	(tag) =	ssettag $0x1  }
0x1: {  	s1 =	rddreg [dreg:$0x0]  }
0x2: {  	s2 =	rddreg [dreg:$0x1];
	_ =	strace $0x8000005C;
	s0 =	simm.s32 $0x1  }
0x3: {  	v0 =	vimm.s32 $0x0;
	[sflag:s0] =	ssyncpa.u1 $0x0;
	s0 =	simm.s32 $0x108  }
0x4: {  	[tilespmem:s0+$0x70] =	vst v0  }
0x5: {  	[tilespmem:s0+$0x60] =	vst v0  }
0x6: {  	[tilespmem:s0+$0x50] =	vst v0  }
0x7: {  	[tilespmem:s0+$0x40] =	vst v0  }
0x8: {  	[tilespmem:s0+$0x30] =	vst v0  }
0x9: {  	s3 =	simm.s32 $0x40;
	s15 =	sadd.s32 $0x50000, s1;
	[tilespmem:s0+$0x20] =	vst v0  }
0xa: {  	s6 =	sadd.s32 $0x63C00, s1;
	s14 =	sadd.s32 $0x59E00, s1;
	s5 =	sand.u32 $0x1, s2;
	[tilespmem:s0+$0x10] =	vst v0  }
.LBB2_1:
0xb: {  	s3 =	sadd.s32 $0x40, s3;
	[tilespmem:s0+$0x0] =	vst v0;
	s0 =	sadd.s32 $0x80, s0  }
0xc: {  	p0 =	slt.u32 s3, $0x3C40;
	[tilespmem:s0+$0x70] =	vst v0  }
0xd: {  	[tilespmem:s0+$0x60] =	vst v0  }
.Ltmp0:
0xe: {  	[tilespmem:s0+$0x50] =	vst v0;
	(pc) =	sbr.rel @p0 .LBB2_1-.Ltmp0, $4  }
0xf: {  	[tilespmem:s0+$0x40] =	vst v0  }
0x10: {  	[tilespmem:s0+$0x30] =	vst v0  }
0x11: {  	[tilespmem:s0+$0x20] =	vst v0  }
0x12: {  	[tilespmem:s0+$0x10] =	vst v0  }
0x13: {  	s9 =	stileid.u32  }
0x14: {  	s2 =	smul.u32 $0x29, s9  }
0x15: {  	s3 =	smin.u32 s9, $0xB  }
0x16: {  	s2 =	sadd.s32 s3, s2  }
0x17: {  	p0 =	slt.u32 s9, $0xB;
	s7 =	smul.u32 $0xF0, s2;
	s2 =	simm.s32 $0x2760  }
0x18: {  	s2 =	simm.s32 @!p0 $0x2670  }
0x19: {  	s2 =	sadd.s32 s2, s7  }
0x1a: {  	s8 =	smin.u32 s2, $0x27100  }
0x1b: {  	s2 =	ssub.s32 s8, s7  }
0x1c: {  	p0 =	sgt.s32 s2, $0x0  }
0x1d: {  	s29 =	simm.s32 $0x2;
	s10 =	simm.s32 $0x9;
	s2 =	simm.s32 @!p0 $0x0  }
0x1e: {  	s4 =	simm.s32 $0xA;
	s11 =	simm.s32 $0xB;
	s28 =	smulhi.u32 $0x88888889, s2  }
0x1f: {  	[dreg:$0x4] =	wrdreg s5;
	s31 =	smul.u32 $0x4E20, s5;
	s12 =	simm.s32 $0x1  }
0x20: {  	s22 =	simm.s32 $0x0;
	s18 =	simm.s32 $0xC;
	s30 =	sshrl.u32 s28, $0x7  }
0x21: {  	s20 =	simm.s32 $0x0;
	s21 =	simm.s32 $0x0;
	s3 =	smul.u32 $0xF0, s30  }
.Ltmp1:
0x22: {  	[tilespmem:s0+$0x0] =	vst v0;
	v0 =	vimm.s32 $0xFFFFFFFF;
	[sflag:s29] =	ssyncpa.u1 $0x0;
	s16 =	sshll.u32 s9, $0x8;
	(pc) =	sbr.rel .LBB2_3-.Ltmp1, $4  }
0x23: {  	[tilespmem:$0xF208] =	vst v0;
	[sflag:s10] =	ssyncpa.u1 $0x0;
	p0 =	sne.s32 s2, s3;
	s2 =	simm.s32 $0x1  }
0x24: {  	s14 =	sadd.s32 s31, s14;
	[sflag:s4] =	ssyncpa.u1 $0x0;
	s2 =	simm.s32 @!p0 $0x0  }
0x25: {  	s15 =	sadd.s32 s31, s15;
	[sflag:s11] =	ssyncpa.u1 $0x0;
	s13 =	sadd.s32 s2, s30  }
0x26: {  	v0 =	vlaneseq.u32;
	s19 =	smov.u32 s7;
	p0 =	por $0x0, $0x0;
	s17 =	sadd.s32 $0x1, s13  }
.LBB2_18:
0x27: {  	s0 =	sshrl.u32 s31, $0x2  }
.LBB2_20:
0x28: {  	_ =	swait.ge [sflag:s18], s0  }
0x29: {  	s31 =	ssub.s32 $0x0, s0;
	v1 =	vmov s24;
	vm0 =	veq.s32 v0, $0x0;
	[sflag:s18] =	ssyncset.done $0x0  }
0x2a: {  	vm15 =	veq.s32 v0, $0x2;
	v1 =	vsel vm0, s30, v1;
	[sflag:s18] =	ssyncadd.s32 s31  }
0x2b: {  	v1 =	vsel vm15, s22, v1;
	[sflag:s18] =	ssyncpa.u1 $0x1  }
0x2c: {  	[tilespmem:$0xF208] =	vst v1  }
.LBB2_21:
0x2d: {  	s0 =	sadd.s32 $0xF0, s19  }
0x2e: {  	s2 =	smov.u32 s7;
	p1 =	slt.s32 s0, s8  }
0x2f: {  	s2 =	smov.u32 @p1 s0;
	p1 =	sne.s32 s21, s17  }
.Ltmp2:
0x30: {  	_ = 	snop;
	(pc) =	sbr.rel @!p1 .LBB2_22-.Ltmp2, $3  }
0x31: {  	_ =	sdelay $0x1  }
0x32: {  	s22 =	smov.u32 s20;
	s31 =	sadd.s32 $0x1, s21;
	s20 =	smov.u32 s19  }
0x33: {  	p0 =	por !p0, !p0;
	s21 =	smov.u32 s31;
	s19 =	smov.u32 s2  }
.LBB2_3:
0x34: {  	p1 =	sge.u32 s21, s13  }
0x35: {  	s0 =	smulhi.u32 @!p1 $0xAAAAAAAB, s21  }
0x36: {  	s2 =	smov.u32 s19;
	p2 =	sgt.s32 @!p1 s19, $0x27010  }
0x37: {  	s3 =	sshra.s32 @!p1 s19, $0x1F;
	p2 =	por !p2, p1;
	s0 =	sshrl.u32 @!p1 s0, $0x1  }
0x38: {  	s3 =	sand.u32 @!p1 s3, s19;
	s2 =	simm.s32 @p2 $0x27010;
	s0 =	smul.u32 @!p1 $0x3, s0  }
0x39: {  	s2 =	ssub.s32 @!p1 s2, s3  }
0x3a: {  	s2 =	sadd.s32 @!p1 $0xFFFD8FF0, s2;
	s0 =	ssub.s32 @!p1 s21, s0  }
0x3b: {  	s3 =	sshll.u32 @!p1 s2, $0x2;
	p2 =	sgt.s32 @!p1 s2, $0xEF;
	s0 =	smul.u32 @!p1 $0x3C0, s0  }
0x3c: {  	s4 =	sand.u32 @!p1 $0x7, s19;
	s2 =	ssub.s32 @!p1 $0x3C0, s3;
	p2 =	por !p2, p1  }
0x3d: {  	s3 =	sshrl.u32 @!p1 s19, $0x3;
	s2 =	sshrl.u32 @!p1 s2, $0x2;
	s0 =	sshrl.u32 @!p1 s0, $0x2  }
0x3e: {  	s3 =	sadd.s32 @!p1 s3, s14;
	s2 =	simm.s32 @!p2 $0x0;
	s0 =	sadd.s32 @!p1 $0x10248, s0  }
0x3f: {  	[tilespmem:s0], [sflag:$0xA] =	stream.linear.gather @!p1 [hbm4b:s3+s4], s2, $0x38;
	[tilespmem:$0x1F6F8] =	vst v63  }
0x40: {  	s0 =	sadd.s32 $0xFFFFFFFF, s21  }
0x41: {  	p1 =	sge.u32 s0, s13  }
0x42: {  	p2 =	sgt.s32 @!p1 s20, $0x27010  }
0x43: {  	s2 =	smov.u32 s20;
	s3 =	sshra.s32 @!p1 s20, $0x1F;
	p2 =	por !p2, p1  }
0x44: {  	s3 =	sand.u32 @!p1 s3, s20;
	s2 =	simm.s32 @p2 $0x27010  }
0x45: {  	s2 =	ssub.s32 @!p1 s2, s3  }
0x46: {  	s2 =	sadd.s32 @!p1 $0xFFFD8FF0, s2  }
0x47: {  	s4 =	sand.u32 @!p1 $0x1, s0;
	s3 =	sshll.u32 @!p1 s2, $0x2  }
0x48: {  	p2 =	sgt.s32 @!p1 s2, $0xEF;
	s2 =	ssub.s32 @!p1 $0x3C0, s3;
	s3 =	smulhi.u32 @!p1 $0xAAAAAAAB, s0  }
0x49: {  	s23 =	smul.u32 @!p1 $0x3C0, s4;
	p2 =	por !p2, p1;
	s2 =	sshrl.u32 @!p1 s2, $0x2  }
0x4a: {  	s5 =	simm.s32 @!p1 $0xA;
	s2 =	simm.s32 @!p2 $0x0;
	s3 =	sshrl.u32 @!p1 s3, $0x1  }
0x4b: {  	s23 =	sshrl.u32 @!p1 s23, $0x2;
	_ =	swait.ge @!p1 [sflag:s5], s2;
	s3 =	smul.u32 @!p1 $0x3, s3  }
0x4c: {  	s23 =	sadd.s32 @!p1 $0x10518, s23;
	s24 =	ssub.s32 @!p1 $0x0, s2;
	[sflag:s5] =	ssyncset.done @!p1 $0x0  }
0x4d: {  	[sflag:s5] =	ssyncadd.s32 @!p1 s24;
	s5 =	sshrl.u32 @!p1 s20, $0x3;
	s0 =	ssub.s32 @!p1 s0, s3  }
0x4e: {  	s24 =	sand.u32 @!p1 $0x7, s20;
	s5 =	sadd.s32 @!p1 s5, s15;
	s0 =	smul.u32 @!p1 $0x3C0, s0  }
0x4f: {  	[tilespmem:s23], [sflag:$0xB] =	stream.linear.gather @!p1 [hbm4b:s5+s24], s2, $0x38;
	[tilespmem:$0x1F6F8] =	vst v63  }
0x50: {  	s3 =	ssub.s32 @!p1 $0x27100, s20;
	s2 =	smul.u32 @!p1 $0x1E000, s4  }
0x51: {  	p2 =	slt.s32 @!p1 s3, $0xF0  }
0x52: {  	p2 =	por !p2, p1;
	s0 =	sshrl.u32 @!p1 s0, $0x2;
	s2 =	sshrl.u32 @!p1 s2, $0x2  }
0x53: {  	s3 =	simm.s32 @p2 $0xF0;
	s0 =	sadd.s32 @!p1 $0x10248, s0;
	s2 =	sor.u32 @!p1 $0x106F8, s2  }
0x54: {  	[tilespmem:s2], [sflag:$0x9] =	stream.indirect.gather @!p1 [hbm4b:s6+s3], $0x80, s0, s3, $0xb8;
	[tilespmem:$0x1F6F8] =	vst v63  }
0x55: {  	p1 =	slt.u32 s21, $0x2  }
.Ltmp3:
0x56: {  	_ = 	snop;
	(pc) =	sbr.rel @p1 .LBB2_21-.Ltmp3, $1  }
0x57: {  	_ =	sdelay $0x3  }
0x58: {  	p1 =	sgt.s32 s22, $0x27010  }
0x59: {  	s0 =	smov.u32 s22;
	s2 =	sshra.s32 s22, $0x1F;
	s3 =	ssub.s32 $0x27100, s22  }
0x5a: {  	s0 =	simm.s32 @!p1 $0x27010;
	s2 =	sand.u32 s2, s22;
	p1 =	slt.s32 s3, $0xF0  }
0x5b: {  	s0 =	ssub.s32 s0, s2;
	s3 =	simm.s32 @!p1 $0xF0  }
0x5c: {  	s0 =	sadd.s32 $0xFFFD8FF0, s0;
	s25 =	sshll.u32 s3, $0x7  }
0x5d: {  	s26 =	sshll.u32 s0, $0x2;
	s2 =	sand.u32 $0x3FFFFF80, s25  }
0x5e: {  	p1 =	sgt.s32 s0, $0xEF;
	s29 =	ssub.s32 $0x3C0, s26;
	_ =	swait.ge [sflag:s10], s2  }
0x5f: {  	s2 =	ssub.s32 $0x0, s2;
	[sflag:s10] =	ssyncset.done $0x0;
	s0 =	sshrl.u32 s29, $0x2  }
0x60: {  	[sflag:s10] =	ssyncadd.s32 s2;
	s0 =	simm.s32 @p1 $0x0  }
0x61: {  	_ =	swait.ge [sflag:s11], s0  }
0x62: {  	s0 =	ssub.s32 $0x0, s0;
	[sflag:s11] =	ssyncset.done $0x0  }
0x63: {  	[sflag:s11] =	ssyncadd.s32 s0  }
0x64: {  	v1 =	vld [tilespmem:$0xF208];
	_ =	sdelay $0x4  }
0x65: {  	(v2sf) =	vpush v1, $0x0  }
0x66: {  	(v2sf) =	vpush v1, $0x1  }
0x67: {  	(v2sf) =	vpush v1, $0x2;
	_ =	sdelay $0x3  }
0x68: {  	s0 =	sadd.s32 $0xF0, s22  }
0x69: {  	s2 =	ssub.s32 $0x4E200, s22;
	p1 =	slt.s32 s8, s0  }
0x6a: {  	s0 =	smov.u32 @p1 s8;
	p1 =	sgt.s32 s2, $0x0  }
0x6b: {  	s26 =	ssub.s32 s0, s22;
	s2 =	simm.s32 @!p1 $0x0  }
0x6c: {  	p1 =	slt.s32 s2, s26  }
0x6d: {  	s26 =	smov.u32 @p1 s2  }
0x6e: {  	s25 =	simm.s32 $0x1;
	p1 =	slt.s32 s26, $0x1  }
.Ltmp4:
0x6f: {  	s25 =	simm.s32 @!p0 $0x0;
	(pc) =	sbr.rel @p1 .LBB2_8-.Ltmp4, $4  }
0x70: {  	s31 =	smul.u32 $0x3C0, s25  }
0x71: {  	s28 =	spop (v2sf)  }
0x72: {  	s0 =	sshrl.u32 s31, $0x2;
	s30 =	spop (v2sf)  }
0x73: {  	s23 =	sadd.s32 $0x10518, s0;
	s22 =	spop (v2sf)  }
0x74: {  	s0 =	smin.u32 s26, $0x10  }
0x75: {  	v1 =	vmov s0  }
0x76: {  	p2 =	sgt.s32 s26, $0x10;
	vm1 =	vgt.u32 v1, v0  }
.Ltmp5:
0x77: {  	_ = 	snop;
	(pc) =	sbr.rel @!p2 .LBB2_7-.Ltmp5, $2  }
0x78: {  	_ =	sdelay $0x2  }
0x79: {  	s4 =	simm.s32 $0x10;
	s24 =	sadd.s32 $0xFFFFFFF0, s26;
	s0 =	smov.u32 s23;
	vm0 =	vmmov vm1  }
.LBB2_6:
0x7a: {  	s2 =	smin.u32 s24, $0x10;
	s4 =	sadd.s32 $0x10, s4;
	v1 =	vld.msk [tilespmem:s0+$0x0 ss:$0x1], vm1  }
0x7b: {  	v2 =	vmov s2;
	p2 =	slt.s32 s4, s26  }
0x7c: {  	vm1 =	vgt.u32 v2, v0  }
.Ltmp6:
0x7d: {  	(pc) =	sbr.rel @p2 .LBB2_6-.Ltmp6, $3  }
0x7e: {  	_ =	sdelay $0x1  }
0x7f: {  	v1 =	vshll.u32 v1, $0x4  }
0x80: {  	s24 =	sadd.s32 $0xFFFFFFF0, s24;
	[tilespmem:s0+$0x0] =	vst.msk vm0, v1;
	s0 =	sadd.s32 $0x10, s0;
	vm0 =	vmmov vm1  }
.LBB2_7:
0x81: {  	_ =	sdelay $0x4  }
0x82: {  	v1 =	vld.msk [tilespmem:s0+$0x0 ss:$0x1], vm1;
	_ =	sdelay $0x4  }
0x83: {  	v1 =	vshll.u32 v1, $0x4  }
0x84: {  	[tilespmem:s0+$0x0] =	vst.msk vm0, v1  }
.LBB2_8:
0x85: {  	s0 =	sand.u32 $0x1, s21  }
0x86: {  	s0 =	smul.u32 $0xF0, s0  }
0x87: {  	p2 =	sne.s32 s30, $0xFFFFFFFF  }
0x88: {  	v1 =	vld.msk @!p2 [tilespmem:s0+$0x10518], $0x1;
	_ =	sdelay $0x4  }
0x89: {  	(v2sf) =	vpush @!p2 v1, $0x0;
	_ =	sdelay $0xc  }
.Ltmp7:
0x8a: {  	_ = 	snop;
	(pc) =	sbr.rel @p1 .LBB2_19-.Ltmp7, $4  }
0x8b: {  	_ = 	snop  }
0x8c: {  	s29 =	spop @!p2 (v2sf)  }
0x8d: {  	s22 =	simm.s32 @!p2 $0x0;
	s24 =	smov.u32 s29  }
0x8e: {  	[sflag:s18] =	ssyncpa.u1 $0x0;
	s29 =	smov.u32 @p2 s28;
	s24 =	smov.u32 @p2 s30  }
0x8f: {  	v1 =	vld.msk [tilespmem:s23+$0x0], $0x1;
	_ =	sdelay $0x4  }
0x90: {  	(v2sf) =	vpush v1, $0x0;
	_ =	sdelay $0xe  }
0x91: {  	s2 =	smul.u32 $0x1E000, s25;
	s0 =	spop (v2sf)  }
0x92: {  	s26 =	ssub.s32 $0x0, s26;
	p1 =	seq.s32 s29, s0  }
0x93: {  	s30 =	sadd.s32 $0x1, s26;
	s2 =	sshrl.u32 s2, $0x2;
	p2 =	sgt.s32 @!p1 s29, $0x0  }
0x94: {  	s25 =	sor.u32 $0x10738, s2;
	s2 =	smov.u32 s29;
	p2 =	por !p2, p1  }
0x95: {  	s2 =	simm.s32 @p2 $0x0;
	p2 =	seq.s32 s30, $0x0  }
.Ltmp8:
0x96: {  	_ = 	snop;
	(pc) =	sbr.rel @p2 .LBB2_11-.Ltmp8, $4  }
0x97: {  	_ = 	snop  }
0x98: {  	s28 =	simm.s32 $0x0;
	s31 =	sadd.s32 $0x1, s23;
	s2 =	smin.u32 @!p1 s2, $0x27FF0  }
0x99: {  	s4 =	simm.s32 @!p1 $0x1;
	s5 =	simm.s32 @!p1 $0x7988;
	s3 =	sand.u32 @!p1 $0x3FFF8, s2  }
0x9a: {  	s4 =	smov.u32 @p1 s28;
	s2 =	sand.u32 @!p1 $0x7, s2;
	s3 =	sadd.s32 @!p1 s1, s3  }
.LBB2_10:
0x9b: {  	s9 =	smov.u32 s4  }
0x9c: {  	[tilespmem:s5], [sflag:$0x2] =	stream.linear.gather @!p1 [hbm4b:s3+s2], $0x80, $0x38;
	[tilespmem:$0x1F6F8] =	vst v63  }
0x9d: {  	s30 =	sadd.s32 $0x1, s30;
	s2 =	smov.u32 s0;
	v1 =	vld.msk [tilespmem:s31+$0x0], $0x1  }
0x9e: {  	p2 =	seq.s32 s30, $0x0;
	_ =	sdelay $0x3  }
0x9f: {  	(v2sf) =	vpush v1, $0x0;
	_ =	sdelay $0xe  }
0xa0: {  	s0 =	spop (v2sf)  }
0xa1: {  	p1 =	seq.s32 s2, s0  }
0xa2: {  	p3 =	sgt.s32 @!p1 s2, $0x0;
	s3 =	sshll.u32 @!p1 s4, $0x9;
	s4 =	sadd.s32 @!p1 $0x1, s4  }
.Ltmp9:
0xa3: {  	p3 =	por !p3, p1;
	s3 =	sshra.s32 @!p1 s3, $0x2;
	(pc) =	sbr.rel @!p2 .LBB2_10-.Ltmp9, $4  }
0xa4: {  	s4 =	smov.u32 @p1 s9;
	s2 =	simm.s32 @p3 $0x0;
	s5 =	sadd.s32 @!p1 $0x7988, s3  }
0xa5: {  	s2 =	smin.u32 @!p1 s2, $0x27FF0  }
0xa6: {  	s3 =	sand.u32 @!p1 $0x3FFF8, s2;
	s2 =	sand.u32 @!p1 $0x7, s2  }
0xa7: {  	s31 =	sadd.s32 $0x1, s31;
	s3 =	sadd.s32 @!p1 s1, s3  }
.LBB2_11:
0xa8: {  	[tilespmem:s5], [sflag:$0x2] =	stream.linear.gather @!p1 [hbm4b:s3+s2], $0x80, $0x38;
	[tilespmem:$0x1F6F8] =	vst v63  }
.Ltmp10:
0xa9: {  	s0 =	sshll.u32 s4, $0x7;
	(pc) =	sbr.rel .LBB2_12-.Ltmp10, $4  }
0xaa: {  	s30 =	simm.s32 $0x2;
	s0 =	sand.u32 $0x3FFFFF80, s0  }
0xab: {  	_ =	swait.ge [sflag:s30], s0  }
0xac: {  	s0 =	ssub.s32 $0x0, s0;
	[sflag:s30] =	ssyncset.done $0x0  }
0xad: {  	s31 =	simm.s32 $0x0;
	[sflag:s30] =	ssyncadd.s32 s0  }
.LBB2_13:
0xae: {  	v1 =	vld [tilespmem:s25+$0xFFFFFFC0];
	_ =	sdelay $0x3  }
0xaf: {  	s0 =	sshra.s32 s0, $0x2  }
0xb0: {  	[tilespmem:s0+$0x108] =	vst.add.f32.msk $0xffff, v1  }
0xb1: {  	v1 =	vld [tilespmem:s25+$0xFFFFFFD0];
	_ =	sdelay $0x4  }
0xb2: {  	[tilespmem:s0+$0x118] =	vst.add.f32.msk $0xffff, v1  }
0xb3: {  	v1 =	vld [tilespmem:s25+$0xFFFFFFE0];
	_ =	sdelay $0x4  }
0xb4: {  	[tilespmem:s0+$0x128] =	vst.add.f32.msk $0xffff, v1  }
0xb5: {  	v1 =	vld [tilespmem:s25+$0xFFFFFFF0];
	_ =	sdelay $0x4  }
0xb6: {  	[tilespmem:s0+$0x138] =	vst.add.f32.msk $0xffff, v1  }
0xb7: {  	v1 =	vld [tilespmem:s25+$0x0];
	_ =	sdelay $0x4  }
0xb8: {  	[tilespmem:s0+$0x148] =	vst.add.f32.msk $0xffff, v1  }
0xb9: {  	v1 =	vld [tilespmem:s25+$0x10];
	_ =	sdelay $0x4  }
0xba: {  	[tilespmem:s0+$0x158] =	vst.add.f32.msk $0xffff, v1  }
0xbb: {  	v1 =	vld [tilespmem:s25+$0x20];
	_ =	sdelay $0x4  }
0xbc: {  	[tilespmem:s0+$0x168] =	vst.add.f32.msk $0xffff, v1  }
0xbd: {  	v1 =	vld [tilespmem:s25+$0x30];
	_ =	sdelay $0x4  }
0xbe: {  	[tilespmem:s0+$0x178] =	vst.add.f32.msk $0xffff, v1  }
.LBB2_17:
0xbf: {  	s26 =	sadd.s32 $0x1, s26  }
0xc0: {  	p1 =	seq.s32 s26, $0x0  }
.Ltmp11:
0xc1: {  	_ = 	snop;
	(pc) =	sbr.rel @p1 .LBB2_18-.Ltmp11, $2  }
0xc2: {  	_ =	sdelay $0x2  }
0xc3: {  	s23 =	sadd.s32 $0x1, s23;
	s25 =	sadd.s32 $0x80, s25;
	s29 =	smov.u32 s30  }
.LBB2_12:
0xc4: {  	v1 =	vld.msk [tilespmem:s23+$0x0], $0x1;
	_ =	sdelay $0x4  }
0xc5: {  	(v2sf) =	vpush v1, $0x0;
	_ =	sdelay $0xe  }
0xc6: {  	s30 =	spop (v2sf)  }
0xc7: {  	p1 =	sne.s32 s29, s30  }
.Ltmp12:
0xc8: {  	_ = 	snop;
	(pc) =	sbr.rel @!p1 .LBB2_13-.Ltmp12, $2  }
0xc9: {  	_ =	sdelay $0x2  }
0xca: {  	s0 =	sshll.u32 s22, $0x9  }
0xcb: {  	p1 =	seq.s32 s29, s24  }
.Ltmp13:
0xcc: {  	_ = 	snop;
	(pc) =	sbr.rel @!p1 .LBB2_15-.Ltmp13, $1  }
0xcd: {  	_ =	sdelay $0x3  }
0xce: {  	s0 =	sshra.s32 s0, $0x2  }
.Ltmp14:
0xcf: {  	s0 =	sadd.s32 $0x108, s0;
	(pc) =	sbr.rel .LBB2_16-.Ltmp14, $4  }
0xd0: {  	[spmem:s16] =	stream.linear.scatter [tilespmem:s0], [sflag:$0x1], $0x80, $0x38;
	[tilespmem:$0x1F6F8] =	vst v63  }
0xd1: {  	_ =	swait.ge [sflag:s12], $0x80  }
0xd2: {  	[sflag:s12] =	ssyncset.done $0x0  }
0xd3: {  	[sflag:s12] =	ssyncadd.s32 $0xFFFFFF80  }
.LBB2_15:
0xd4: {  	s2 =	sshll.u32 s28, $0x9  }
0xd5: {  	s2 =	sshra.s32 s2, $0x2  }
0xd6: {  	v1 =	vld [tilespmem:s2+$0x7988];
	_ =	sdelay $0x3  }
0xd7: {  	s0 =	sshra.s32 s0, $0x2  }
0xd8: {  	[tilespmem:s0+$0x108] =	vst.add.f32.msk $0xffff, v1  }
0xd9: {  	v1 =	vld [tilespmem:s2+$0x7998];
	_ =	sdelay $0x4  }
0xda: {  	[tilespmem:s0+$0x118] =	vst.add.f32.msk $0xffff, v1  }
0xdb: {  	v1 =	vld [tilespmem:s2+$0x79A8];
	_ =	sdelay $0x4  }
0xdc: {  	[tilespmem:s0+$0x128] =	vst.add.f32.msk $0xffff, v1  }
0xdd: {  	v1 =	vld [tilespmem:s2+$0x79B8];
	_ =	sdelay $0x4  }
0xde: {  	[tilespmem:s0+$0x138] =	vst.add.f32.msk $0xffff, v1  }
0xdf: {  	v1 =	vld [tilespmem:s2+$0x79C8];
	_ =	sdelay $0x4  }
0xe0: {  	[tilespmem:s0+$0x148] =	vst.add.f32.msk $0xffff, v1  }
0xe1: {  	v1 =	vld [tilespmem:s2+$0x79D8];
	_ =	sdelay $0x4  }
0xe2: {  	[tilespmem:s0+$0x158] =	vst.add.f32.msk $0xffff, v1  }
0xe3: {  	v1 =	vld [tilespmem:s2+$0x79E8];
	_ =	sdelay $0x4  }
0xe4: {  	[tilespmem:s0+$0x168] =	vst.add.f32.msk $0xffff, v1  }
0xe5: {  	v1 =	vld [tilespmem:s2+$0x79F8];
	_ =	sdelay $0x2  }
0xe6: {  	p1 =	sgt.u32 s29, $0x27FF0  }
0xe7: {  	s2 =	sand.u32 @!p1 $0x3FFF8, s29  }
0xe8: {  	s3 =	sadd.s32 $0x108, s0;
	[tilespmem:s0+$0x178] =	vst.add.f32.msk $0xffff, v1;
	s0 =	sadd.s32 @!p1 s1, s2;
	s2 =	sand.u32 @!p1 $0x7, s29  }
0xe9: {  	[hbm4b:s0+s2] =	stream.linear.scatter @!p1 [tilespmem:s3], [sflag:$0xC], $0x80, $0x38;
	[tilespmem:$0x1F6F8] =	vst v63  }
0xea: {  	s0 =	simm.s32 $0x0  }
0xeb: {  	s0 =	simm.s32 @!p1 $0x200  }
0xec: {  	s31 =	sadd.s32 s0, s31  }
.LBB2_16:
0xed: {  	s0 =	sadd.s32 $0x1, s22  }
0xee: {  	s2 =	smulhi.u32 $0x88888889, s0;
	_ =	sdelay $0x1  }
0xef: {  	v1 =	vld [tilespmem:s25+$0xFFFFFFC0];
	s2 =	sshrl.u32 s2, $0x7  }
0xf0: {  	s2 =	smul.u32 $0xF0, s2;
	_ =	sdelay $0x1  }
0xf1: {  	s22 =	ssub.s32 s0, s2  }
0xf2: {  	s0 =	sshll.u32 s22, $0x7  }
0xf3: {  	[tilespmem:s0+$0x108] =	vst v1  }
0xf4: {  	v1 =	vld [tilespmem:s25+$0xFFFFFFD0];
	_ =	sdelay $0x4  }
0xf5: {  	[tilespmem:s0+$0x118] =	vst v1  }
0xf6: {  	v1 =	vld [tilespmem:s25+$0xFFFFFFE0];
	_ =	sdelay $0x4  }
0xf7: {  	[tilespmem:s0+$0x128] =	vst v1  }
0xf8: {  	v1 =	vld [tilespmem:s25+$0xFFFFFFF0];
	_ =	sdelay $0x4  }
0xf9: {  	[tilespmem:s0+$0x138] =	vst v1  }
0xfa: {  	v1 =	vld [tilespmem:s25+$0x0];
	_ =	sdelay $0x4  }
0xfb: {  	[tilespmem:s0+$0x148] =	vst v1  }
0xfc: {  	v1 =	vld [tilespmem:s25+$0x10];
	_ =	sdelay $0x4  }
0xfd: {  	[tilespmem:s0+$0x158] =	vst v1  }
0xfe: {  	v1 =	vld [tilespmem:s25+$0x20];
	_ =	sdelay $0x4  }
0xff: {  	[tilespmem:s0+$0x168] =	vst v1  }
0x100: {  	v1 =	vld [tilespmem:s25+$0x30]  }
.Ltmp15:
0x101: {  	_ = 	snop;
	(pc) =	sbr.rel .LBB2_17-.Ltmp15, $2  }
0x102: {  	_ =	sdelay $0x2  }
0x103: {  	s28 =	sadd.s32 $0x1, s28;
	[tilespmem:s0+$0x178] =	vst v1  }
.LBB2_19:
.Ltmp16:
0x104: {  	(pc) =	sbr.rel .LBB2_20-.Ltmp16, $4  }
0x105: {  	_ = 	snop  }
0x106: {  	s0 =	simm.s32 $0x2  }
0x107: {  	_ =	swait.ge [sflag:s0], $0x0  }
0x108: {  	s30 =	smov.u32 s29;
	[sflag:s0] =	ssyncset.done $0x0;
	s0 =	simm.s32 $0x0  }
.LBB2_22:
0x109: {  	_ =	sfence.sel $0x180000  }
0x10a: {  	s0 =	simm.s32 $0x9;
	[bflag:$0x0] =	sbarrier.arrive $0xFFFF  }
0x10b: {  	s24 =	simm.s32 $0xA;
	[sflag:s0] =	ssyncpa.u1 $0x1  }
0x10c: {  	s25 =	simm.s32 $0xB;
	[sflag:s24] =	ssyncpa.u1 $0x1  }
0x10d: {  	s26 =	simm.s32 $0x2;
	[sflag:s25] =	ssyncpa.u1 $0x1  }
0x10e: {  	[sflag:s26] =	ssyncpa.u1 $0x1  }
0x10f: {  	v0 =	vld [tilespmem:$0xF208];
	_ =	sdelay $0x4  }
0x110: {  	(v2sf) =	vpush v0, $0x0  }
0x111: {  	(v2sf) =	vpush v0, $0x1;
	_ =	sdelay $0x1  }
0x112: {  	(v2sf) =	vpush v0, $0x2;
	_ =	sdelay $0xb  }
0x113: {  	s0 =	spop (v2sf)  }
0x114: {  	s2 =	spop (v2sf)  }
0x115: {  	s3 =	smov.u32 s0;
	p0 =	sne.s32 s0, s2  }
0x116: {  	s4 =	spop (v2sf);
	s3 =	simm.s32 @!p0 $0xFFFFFFFF  }
0x117: {  	v2 =	vimm.s32 $0x1;
	v3 =	vlaneseq.u32;
	p0 =	seq.s32 s4, $0xFFFFFFFF;
	v1 =	vmov s3  }
0x118: {  	s16 =	stileid.u32;
	v0 =	vperm.xlane v0, v2;
	p1 =	sne.s32 @!p0 s0, s2;
	v1 =	vperm.xlane v1, v3  }
0x119: {  	vm0 =	vcmask $0x3F04;
	s6 =	simm.s32 $0xF208;
	s0 =	simm.s32 @!p0 $0x1;
	p1 =	por !p1, p0  }
0x11a: {  	s3 =	sshll.u32 s16, $0x1;
	s2 =	sshll.u32 @!p0 s4, $0x9;
	s0 =	simm.s32 @p1 $0x0;
	v0 =	vsel vm0, v1, v0  }
0x11b: {  	s5 =	sor.u32 $0x1000, s3;
	s2 =	sshra.s32 @!p0 s2, $0x2;
	s0 =	sor.u32 @!p0 s0, s3;
	[tilespmem:$0xF208] =	vst v0  }
0x11c: {  	[spmem:s5] =	stream.linear.scatter [tilespmem:s6], [sflag:$0x1], $0x2, $0x38;
	[tilespmem:$0x1F6F8] =	vst v63  }
0x11d: {  	s2 =	sadd.s32 @!p0 $0x108, s2;
	s0 =	sshll.u32 @!p0 s0, $0x7  }
0x11e: {  	[spmem:s0] =	stream.linear.scatter @!p0 [tilespmem:s2], [sflag:$0x1], $0x80, $0x38;
	[tilespmem:$0x1F6F8] =	vst v63  }
0x11f: {  	s0 =	simm.s32 @!p0 $0x82  }
0x120: {  	s28 =	simm.s32 $0x1;
	s0 =	simm.s32 @p0 $0x2  }
0x121: {  	_ =	swait.ge [sflag:s28], s0  }
0x122: {  	s0 =	ssub.s32 $0x0, s0;
	[sflag:s28] =	ssyncset.done $0x0  }
0x123: {  	p0 =	sne.s32 s16, $0x0;
	[sflag:s28] =	ssyncadd.s32 s0  }
.Ltmp17:
0x124: {  	_ =	sfence.stream.spmem;
	(pc) =	sbr.rel @p0 .LBB2_39-.Ltmp17, $4  }
0x125: {  	s29 =	simm.s32 $0x3;
	[bflag:$0x0] =	sbarrier.arrive $0xFFFF  }
0x126: {  	s30 =	simm.s32 $0x4;
	[sflag:s29] =	ssyncpa.u1 $0x1  }
0x127: {  	s31 =	simm.s32 $0x3C;
	[sflag:s30] =	ssyncpa.u1 $0x1  }
0x128: {  	s15 =	rddreg [dreg:$0x4];
	[sflag:s31] =	ssyncpa.u1 $0x1  }
0x129: {  	_ =	sfence.stream.spmem;
	s0 =	simm.s32 $0x5  }
0x12a: {  	s2 =	simm.s32 $0x1000;
	s3 =	simm.s32 $0xF218;
	[sflag:s0] =	ssyncpa.u1 $0x0  }
0x12b: {  	[tilespmem:s3], [sflag:$0x5] =	stream.linear.gather [spmem:s2], $0x20, $0x38;
	[tilespmem:$0x1F6F8] =	vst v63  }
0x12c: {  	s26 =	simm.s32 $0x0;
	s28 =	simm.s32 $0xF238  }
0x12d: {  	[tilespmem:s28], [sflag:$0x5] =	stream.linear.gather [spmem:s26], $0x1000, $0x38;
	[tilespmem:$0x1F6F8] =	vst v63  }
0x12e: {  	_ =	swait.ge [sflag:s0], $0x1020  }
0x12f: {  	[sflag:s0] =	ssyncset.done $0x0  }
0x130: {  	s29 =	simm.s32 $0x0;
	[sflag:s0] =	ssyncadd.s32 $0xFFFFEFE0  }
0x131: {  	v0 =	vld.msk [tilespmem:s29+$0xF218], $0x1;
	_ =	sdelay $0x1  }
0x132: {  	s30 =	simm.s32 $0x1  }
0x133: {  	v1 =	vld.msk [tilespmem:s30+$0xF218], $0x1;
	_ =	sdelay $0x1  }
0x134: {  	(v2sf) =	vpush v0, $0x0;
	_ =	sdelay $0x2  }
0x135: {  	(v2sf) =	vpush v1, $0x0;
	_ =	sdelay $0x2  }
0x136: {  	s31 =	simm.s32 $0x2  }
0x137: {  	v0 =	vld.msk [tilespmem:s31+$0xF218], $0x1;
	_ =	sdelay $0x2  }
0x138: {  	s4 =	simm.s32 $0xFFFFFFFF;
	s5 =	simm.s32 $0xFFFFFFFF;
	s0 =	simm.s32 $0xC  }
.LBB2_24:
0x139: {  	s2 =	smov.u32 s5;
	s3 =	smov.u32 s4  }
0x13a: {  	s4 =	sshra.s32 s0, $0x2;
	p1 =	sne.s32 s0, $0x7C;
	s0 =	sadd.s32 $0x4, s0;
	(v2sf) =	vpush v0, $0x0  }
0x13b: {  	v0 =	vld.msk [tilespmem:s4+$0xF218], $0x1  }
.Ltmp18:
0x13c: {  	(pc) =	sbr.rel @p1 .LBB2_24-.Ltmp18, $4  }
0x13d: {  	s5 =	spop (v2sf)  }
0x13e: {  	p2 =	sne.s32 s3, $0xFFFFFFFF;
	s4 =	smov.u32 s5  }
0x13f: {  	p3 =	seq.s32 s5, $0xFFFFFFFF;
	s4 =	smov.u32 @p2 s3  }
0x140: {  	s5 =	smov.u32 @p3 s2;
	s4 =	smov.u32 @p3 s3  }
0x141: {  	(v2sf) =	vpush v0, $0x0;
	_ =	sdelay $0x8  }
0x142: {  	s0 =	spop (v2sf)  }
0x143: {  	p1 =	sne.s32 s4, $0xFFFFFFFF;
	s2 =	smov.u32 s0  }
0x144: {  	s9 =	simm.s32 $0x6;
	p2 =	seq.s32 s0, $0xFFFFFFFF;
	s2 =	smov.u32 @p1 s4  }
0x145: {  	s6 =	simm.s32 $0x0;
	s2 =	smov.u32 @p2 s4;
	s3 =	spop (v2sf)  }
0x146: {  	s0 =	smov.u32 @p2 s5;
	p1 =	sne.s32 s2, $0xFFFFFFFF;
	s4 =	smov.u32 s3  }
.Ltmp19:
0x147: {  	p2 =	seq.s32 s3, $0xFFFFFFFF;
	s4 =	smov.u32 @p1 s2;
	(pc) =	sbr.rel .LBB2_26-.Ltmp19, $4  }
0x148: {  	s10 =	simm.s32 $0xF188;
	s4 =	smov.u32 @p2 s2;
	s7 =	spop (v2sf)  }
0x149: {  	s11 =	simm.s32 $0x0;
	p1 =	sne.s32 s4, $0xFFFFFFFF;
	s8 =	smov.u32 s7  }
0x14a: {  	s3 =	smov.u32 @p2 s0;
	p2 =	seq.s32 s7, $0xFFFFFFFF;
	s8 =	smov.u32 @p1 s4  }
0x14b: {  	[sflag:s9] =	ssyncpa.u1 $0x0;
	s7 =	smov.u32 @p2 s3;
	s8 =	smov.u32 @p2 s4  }
.LBB2_32:
0x14c: {  	p1 =	sgt.u32 s12, $0x27FF0  }
0x14d: {  	p2 =	seq.s32 @!p1 s12, s8  }
0x14e: {  	p1 =	por p1, p2  }
0x14f: {  	p2 =	sne.s32 @!p1 s12, s7  }
0x150: {  	p1 =	por p1, !p2  }
0x151: {  	s0 =	sshll.u32 @p1 s11, $0x9  }
0x152: {  	s0 =	sand.u32 @!p1 $0x3FFF8, s12  }
0x153: {  	s2 =	sand.u32 @!p1 $0x7, s12;
	s0 =	sadd.s32 @!p1 s1, s0  }
0x154: {  	[tilespmem:s10], [sflag:$0x6] =	stream.linear.gather @!p1 [hbm4b:s0+s2], $0x80, $0x38;
	[tilespmem:$0x1F6F8] =	vst v63  }
0x155: {  	_ =	swait.ge @!p1 [sflag:s9], $0x80  }
0x156: {  	[sflag:s9] =	ssyncset.done @!p1 $0x0  }
0x157: {  	[sflag:s9] =	ssyncadd.s32 @!p1 $0xFFFFFF80  }
0x158: {  	v1 =	vld @!p1 [tilespmem:$0xF188];
	_ =	sdelay $0x2  }
0x159: {  	s0 =	sshll.u32 @!p1 s11, $0x9  }
0x15a: {  	s2 =	sshrl.u32 @!p1 s0, $0x2  }
0x15b: {  	[tilespmem:s2+$0xF238] =	vst.add.f32.msk @!p1 $0xffff, v1  }
0x15c: {  	v1 =	vld @!p1 [tilespmem:$0xF198];
	_ =	sdelay $0x4  }
0x15d: {  	[tilespmem:s2+$0xF248] =	vst.add.f32.msk @!p1 $0xffff, v1  }
0x15e: {  	v1 =	vld @!p1 [tilespmem:$0xF1A8];
	_ =	sdelay $0x4  }
0x15f: {  	[tilespmem:s2+$0xF258] =	vst.add.f32.msk @!p1 $0xffff, v1  }
0x160: {  	v1 =	vld @!p1 [tilespmem:$0xF1B8];
	_ =	sdelay $0x4  }
0x161: {  	[tilespmem:s2+$0xF268] =	vst.add.f32.msk @!p1 $0xffff, v1  }
0x162: {  	v1 =	vld @!p1 [tilespmem:$0xF1C8];
	_ =	sdelay $0x4  }
0x163: {  	[tilespmem:s2+$0xF278] =	vst.add.f32.msk @!p1 $0xffff, v1  }
0x164: {  	v1 =	vld @!p1 [tilespmem:$0xF1D8];
	_ =	sdelay $0x4  }
0x165: {  	[tilespmem:s2+$0xF288] =	vst.add.f32.msk @!p1 $0xffff, v1  }
0x166: {  	v1 =	vld @!p1 [tilespmem:$0xF1E8];
	_ =	sdelay $0x4  }
0x167: {  	[tilespmem:s2+$0xF298] =	vst.add.f32.msk @!p1 $0xffff, v1  }
0x168: {  	v1 =	vld @!p1 [tilespmem:$0xF1F8];
	_ =	sdelay $0x4  }
0x169: {  	[tilespmem:s2+$0xF2A8] =	vst.add.f32.msk @!p1 $0xffff, v1  }
0x16a: {  	s0 =	sshrl.u32 s0, $0x2;
	[tilespmem:s6+$0xF218] =	vst.msk $0x1, v0  }
0x16b: {  	v0 =	vld [tilespmem:s0+$0xF238];
	_ =	sdelay $0x2  }
0x16c: {  	s31 =	sshll.u32 s6, $0x9  }
0x16d: {  	s2 =	sshra.s32 s31, $0x2  }
0x16e: {  	[tilespmem:s2+$0xF238] =	vst v0  }
0x16f: {  	v0 =	vld [tilespmem:s0+$0xF248];
	_ =	sdelay $0x4  }
0x170: {  	[tilespmem:s2+$0xF248] =	vst v0  }
0x171: {  	v0 =	vld [tilespmem:s0+$0xF258];
	_ =	sdelay $0x4  }
0x172: {  	[tilespmem:s2+$0xF258] =	vst v0  }
0x173: {  	v0 =	vld [tilespmem:s0+$0xF268];
	_ =	sdelay $0x4  }
0x174: {  	[tilespmem:s2+$0xF268] =	vst v0  }
0x175: {  	v0 =	vld [tilespmem:s0+$0xF278];
	_ =	sdelay $0x4  }
0x176: {  	[tilespmem:s2+$0xF278] =	vst v0  }
0x177: {  	v0 =	vld [tilespmem:s0+$0xF288];
	_ =	sdelay $0x4  }
0x178: {  	[tilespmem:s2+$0xF288] =	vst v0  }
0x179: {  	v0 =	vld [tilespmem:s0+$0xF298];
	_ =	sdelay $0x4  }
0x17a: {  	[tilespmem:s2+$0xF298] =	vst v0  }
0x17b: {  	v0 =	vld [tilespmem:s0+$0xF2A8];
	_ =	sdelay $0x4  }
0x17c: {  	s6 =	sadd.s32 $0x1, s6;
	[tilespmem:s2+$0xF2A8] =	vst v0  }
.LBB2_33:
0x17d: {  	s11 =	sadd.s32 $0x1, s11  }
0x17e: {  	p1 =	sne.s32 s11, $0x20  }
.Ltmp20:
0x17f: {  	_ = 	snop;
	(pc) =	sbr.rel @!p1 .LBB2_34-.Ltmp20, $1  }
0x180: {  	_ =	sdelay $0x3  }
.LBB2_26:
0x181: {  	v0 =	vld.msk [tilespmem:s11+$0xF218], $0x1;
	_ =	sdelay $0x4  }
0x182: {  	(v2sf) =	vpush v0, $0x0;
	_ =	sdelay $0xe  }
0x183: {  	s12 =	spop (v2sf)  }
0x184: {  	p1 =	seq.s32 s12, $0xFFFFFFFF  }
.Ltmp21:
0x185: {  	_ = 	snop;
	(pc) =	sbr.rel @p1 .LBB2_33-.Ltmp21, $1  }
0x186: {  	_ =	sdelay $0x3  }
0x187: {  	p1 =	slt.s32 s6, $0x1  }
.Ltmp22:
0x188: {  	_ = 	snop;
	(pc) =	sbr.rel @p1 .LBB2_32-.Ltmp22, $1  }
0x189: {  	_ =	sdelay $0x3  }
0x18a: {  	s13 =	simm.s32 $0xF218;
	p1 =	por $0x0, $0x0  }
0x18b: {  	v1 =	vld.msk @!p1 [tilespmem:s13+$0x0], $0x1;
	_ =	sdelay $0x4  }
0x18c: {  	(v2sf) =	vpush @!p1 v1, $0x0;
	_ =	sdelay $0xd  }
0x18d: {  	p3 =	sne.s32 s6, $0x1  }
.Ltmp23:
0x18e: {  	s0 =	spop @!p1 (v2sf);
	(pc) =	sbr.rel @!p3 .LBB2_30-.Ltmp23, $4  }
0x18f: {  	p2 =	seq.s32 @!p1 s12, s0  }
0x190: {  	s14 =	simm.s32 $0x0;
	p2 =	por !p2, p1  }
0x191: {  	s2 =	simm.s32 $0xFFFFFFFF;
	s14 =	simm.s32 @p2 $0xFFFFFFFF  }
0x192: {  	s0 =	simm.s32 $0x1;
	s14 =	smov.u32 @p1 s2  }
.LBB2_29:
0x193: {  	s2 =	smov.u32 s14;
	p1 =	sne.s32 s14, $0xFFFFFFFF  }
0x194: {  	s13 =	sadd.s32 $0x1, s13;
	s14 =	smov.u32 s0;
	s0 =	sadd.s32 $0x1, s0  }
0x195: {  	p2 =	sne.s32 s6, s0;
	v1 =	vld.msk @!p1 [tilespmem:s13+$0x0], $0x1;
	_ =	sdelay $0x4  }
0x196: {  	(v2sf) =	vpush @!p1 v1, $0x0;
	_ =	sdelay $0xe  }
.Ltmp24:
0x197: {  	s3 =	spop @!p1 (v2sf);
	(pc) =	sbr.rel @p2 .LBB2_29-.Ltmp24, $4  }
0x198: {  	p3 =	seq.s32 @!p1 s12, s3  }
0x199: {  	p3 =	por !p3, p1  }
0x19a: {  	s14 =	simm.s32 @p3 $0xFFFFFFFF  }
0x19b: {  	s14 =	smov.u32 @p1 s2  }
.LBB2_30:
0x19c: {  	p1 =	seq.s32 s14, $0xFFFFFFFF  }
.Ltmp25:
0x19d: {  	_ = 	snop;
	(pc) =	sbr.rel @p1 .LBB2_32-.Ltmp25, $1  }
0x19e: {  	_ =	sdelay $0x3  }
0x19f: {  	s0 =	sshll.u32 s11, $0x7  }
0x1a0: {  	s0 =	sand.u32 $0x3FFFFF80, s0  }
0x1a1: {  	v0 =	vld [tilespmem:s0+$0xF238];
	_ =	sdelay $0x2  }
0x1a2: {  	s2 =	sshll.u32 s14, $0x9  }
0x1a3: {  	s2 =	sshra.s32 s2, $0x2  }
0x1a4: {  	[tilespmem:s2+$0xF238] =	vst.add.f32.msk $0xffff, v0  }
0x1a5: {  	v0 =	vld [tilespmem:s0+$0xF248];
	_ =	sdelay $0x4  }
0x1a6: {  	[tilespmem:s2+$0xF248] =	vst.add.f32.msk $0xffff, v0  }
0x1a7: {  	v0 =	vld [tilespmem:s0+$0xF258];
	_ =	sdelay $0x4  }
0x1a8: {  	[tilespmem:s2+$0xF258] =	vst.add.f32.msk $0xffff, v0  }
0x1a9: {  	v0 =	vld [tilespmem:s0+$0xF268];
	_ =	sdelay $0x4  }
0x1aa: {  	[tilespmem:s2+$0xF268] =	vst.add.f32.msk $0xffff, v0  }
0x1ab: {  	v0 =	vld [tilespmem:s0+$0xF278];
	_ =	sdelay $0x4  }
0x1ac: {  	[tilespmem:s2+$0xF278] =	vst.add.f32.msk $0xffff, v0  }
0x1ad: {  	v0 =	vld [tilespmem:s0+$0xF288];
	_ =	sdelay $0x4  }
0x1ae: {  	[tilespmem:s2+$0xF288] =	vst.add.f32.msk $0xffff, v0  }
0x1af: {  	v0 =	vld [tilespmem:s0+$0xF298];
	_ =	sdelay $0x4  }
0x1b0: {  	[tilespmem:s2+$0xF298] =	vst.add.f32.msk $0xffff, v0  }
0x1b1: {  	v0 =	vld [tilespmem:s0+$0xF2A8]  }
.Ltmp26:
0x1b2: {  	_ = 	snop;
	(pc) =	sbr.rel .LBB2_33-.Ltmp26, $2  }
0x1b3: {  	_ =	sdelay $0x2  }
0x1b4: {  	[tilespmem:s2+$0xF2A8] =	vst.add.f32.msk $0xffff, v0  }
.LBB2_34:
0x1b5: {  	s0 =	simm.s32 $0x6;
	p1 =	seq.s32 s6, $0x0  }
0x1b6: {  	[sflag:s0] =	ssyncpa.u1 $0x1;
	v0 =	vimm.s32 @p1 $0xFFFFFFFF  }
0x1b7: {  	s9 =	sadd.s32 $0xFFFFFFFF, s6;
	[tilespmem:$0x10238] =	vst @p1 v0  }
0x1b8: {  	v0 =	vld.msk @!p1 [tilespmem:s9+$0xF218], $0x1;
	_ =	sdelay $0x1  }
0x1b9: {  	v1 =	vld.msk @!p1 [tilespmem:$0xF218], $0x1;
	_ =	sdelay $0x2  }
0x1ba: {  	p2 =	seq.s32 @!p1 s9, $0x0;
	v0 =	vbroadcast @!p1 v0, $0x0  }
0x1bb: {  	vm0 =	vmmov @!p1 $0x1;
	p2 =	por !p2, p1  }
0x1bc: {  	v1 =	vnsel @!p1 vm0, $0xFFFFFFFF, v1;
	vm0 =	vcmask @!p1 $0x308;
	v0 =	vpsel !p2, $0xFFFFFFFF, v0  }
0x1bd: {  	p2 =	sne.s32 @!p1 s8, s7;
	v0 =	vsel @!p1 vm0, v1, v0  }
0x1be: {  	s0 =	simm.s32 @!p1 $0xF238;
	s2 =	simm.s32 @!p1 $0x0;
	p3 =	por !p2, p1;
	[tilespmem:$0x10238] =	vst @!p1 v0  }
0x1bf: {  	[spmem:s2] =	stream.linear.scatter @!p1 [tilespmem:s0], [sflag:$0x1], $0x80, $0x38;
	[tilespmem:$0x1F6F8] =	vst v63  }
0x1c0: {  	s0 =	sshll.u32 @!p3 s9, $0x9  }
0x1c1: {  	s0 =	sshra.s32 @!p3 s0, $0x2  }
0x1c2: {  	s2 =	simm.s32 @!p3 $0x80;
	s0 =	sadd.s32 @!p3 $0xF238, s0  }
0x1c3: {  	[spmem:s2] =	stream.linear.scatter @!p3 [tilespmem:s0], [sflag:$0x1], $0x80, $0x38;
	[tilespmem:$0x1F6F8] =	vst v63  }
0x1c4: {  	s0 =	simm.s32 @!p3 $0x1  }
0x1c5: {  	_ =	swait.ge @!p3 [sflag:s0], $0x100  }
0x1c6: {  	p1 =	por p2, p1;
	[sflag:s0] =	ssyncset.done @!p3 $0x0  }
0x1c7: {  	[sflag:s0] =	ssyncadd.s32 @!p3 $0xFFFFFF00;
	s0 =	simm.s32 @!p1 $0x1  }
0x1c8: {  	_ =	swait.ge @!p1 [sflag:s0], $0x80  }
0x1c9: {  	s29 =	simm.s32 $0x10238;
	[sflag:s0] =	ssyncset.done @!p1 $0x0  }
0x1ca: {  	s30 =	simm.s32 $0x1000;
	s31 =	simm.s32 $0x1;
	[sflag:s0] =	ssyncadd.s32 @!p1 $0xFFFFFF80  }
0x1cb: {  	[spmem:s30] =	stream.linear.scatter [tilespmem:s29], [sflag:$0x1], $0x10, $0x38;
	[tilespmem:$0x1F6F8] =	vst v63  }
0x1cc: {  	_ =	swait.ge [sflag:s31], $0x10  }
0x1cd: {  	[sflag:s31] =	ssyncset.done $0x0  }
0x1ce: {  	p1 =	seq.s32 s15, $0x0;
	s8 =	rddreg [dreg:$0x1];
	[sflag:s31] =	ssyncadd.s32 $0xFFFFFFF0  }
0x1cf: {  	s2 =	sshll.u32 @p1 s8, $0xE;
	s7 =	rddreg [dreg:$0x2]  }
0x1d0: {  	s0 =	sadd.s32 @p1 $0x15C3C, s2;
	s2 =	sshll.u32 @p1 s7, $0x11  }
0x1d1: {  	_ =	sfence.stream.spmem;
	s0 =	sor.u32 @p1 s2, s0  }
0x1d2: {  	[sflag:s0] =	ssyncadd.remote.s32 @p1 $0x1;
	s0 =	simm.s32 @p1 $0x4  }
0x1d3: {  	s3 =	simm.s32 @!p1 $0x3C;
	s2 =	sand.u32 $0xFFFFFFFE, s8;
	_ =	swait.ge @p1 [sflag:s0], $0x22  }
0x1d4: {  	s4 =	simm.s32 @!p1 $0x0;
	s2 =	sadd.s32 @!p1 $0x4, s2;
	[sflag:s0] =	ssyncset.done @p1 $0x0  }
0x1d5: {  	s5 =	simm.s32 @!p1 $0x100;
	[sflag:s0] =	ssyncadd.s32 @p1 $0xFFFFFFDE;
	s0 =	sshll.u32 @!p1 s2, $0x1A  }
0x1d6: {  	s2 =	sshll.u32 @!p1 s2, $0xD;
	s0 =	sor.u32 @!p1 s0, s7;
	_ =	swait.eq @!p1 [sflag:s3], $0x1  }
0x1d7: {  	s2 =	sor.u32 @!p1 $0x1C04, s2;
	s3 =	simm.s32 @!p1 $0x1C03;
	s0 =	sor.u32 @!p1 $0x80004000, s0  }
0x1d8: {  	[spmem:s5], [sflag:s2] =	dma.general @!p1 [spmem:s4], [sflag:s3], length:$0x20, [dreg:$0x0], stride_count:$0x0, ici_dest:s0, dma_misc:DstOpCode:WRITE  }
0x1d9: {  	p2 =	slt.s32 s9, $0x2;
	s4 =	simm.s32 @!p1 $0x200;
	s5 =	simm.s32 @!p1 $0x202  }
0x1da: {  	[spmem:s5], [sflag:s2] =	dma.general @!p1 [spmem:s4], [sflag:s3], length:$0x2, [dreg:$0x0], stride_count:$0x0, ici_dest:s0, dma_misc:DstOpCode:WRITE  }
.Ltmp27:
0x1db: {  	s0 =	simm.s32 @!p1 $0x3;
	(pc) =	sbr.rel @p2 .LBB2_38-.Ltmp27, $4  }
0x1dc: {  	s2 =	sshll.u32 @!p1 s8, $0xE;
	_ =	swait.ge @!p1 [sflag:s0], $0x22  }
0x1dd: {  	s3 =	sshll.u32 @!p1 s7, $0x11;
	s2 =	sadd.s32 @!p1 $0x11C3C, s2;
	[sflag:s0] =	ssyncset.done @!p1 $0x0  }
0x1de: {  	[sflag:s0] =	ssyncadd.s32 @!p1 $0xFFFFFFDE;
	s0 =	sor.u32 @!p1 s3, s2  }
0x1df: {  	[sflag:s0] =	ssyncadd.remote.s32 @!p1 $0xFFFFFFFF;
	s0 =	simm.s32 $0x0  }
0x1e0: {  	s0 =	simm.s32 $0xF219  }
0x1e1: {  	v0 =	vld.msk [tilespmem:s0+$0x0], $0x1;
	_ =	sdelay $0x4  }
0x1e2: {  	(v2sf) =	vpush v0, $0x0;
	_ =	sdelay $0xb  }
0x1e3: {  	s31 =	sadd.s32 $0xFFFFFFFE, s6  }
0x1e4: {  	s0 =	sadd.s32 $0xFFFFFFFF, s31  }
0x1e5: {  	p2 =	sne.s32 s0, $0x0  }
.Ltmp28:
0x1e6: {  	s2 =	spop (v2sf);
	(pc) =	sbr.rel @!p2 .LBB2_37-.Ltmp28, $4  }
0x1e7: {  	s4 =	simm.s32 $0xF2B8;
	s7 =	simm.s32 $0x0;
	p1 =	sgt.u32 s2, $0x27FF0  }
0x1e8: {  	s5 =	simm.s32 $0x0;
	s6 =	simm.s32 $0xF21A;
	s3 =	sand.u32 @!p1 $0x3FFF8, s2  }
0x1e9: {  	s2 =	sand.u32 @!p1 $0x7, s2;
	s7 =	simm.s32 @!p1 $0x200;
	s3 =	sadd.s32 @!p1 s1, s3  }
0x1ea: {  	[hbm4b:s3+s2] =	stream.linear.scatter @!p1 [tilespmem:s4], [sflag:$0x5], $0x80, $0x38;
	[tilespmem:$0x1F6F8] =	vst v63  }
.LBB2_36:
0x1eb: {  	v0 =	vld.msk [tilespmem:s6+$0x0], $0x1;
	s0 =	sadd.s32 $0xFFFFFFFF, s0;
	s5 =	sadd.s32 s5, s7  }
0x1ec: {  	p1 =	sne.s32 s0, $0x0;
	_ =	sdelay $0x3  }
0x1ed: {  	(v2sf) =	vpush v0, $0x0;
	_ =	sdelay $0xe  }
.Ltmp29:
0x1ee: {  	s2 =	spop (v2sf);
	(pc) =	sbr.rel @p1 .LBB2_36-.Ltmp29, $4  }
0x1ef: {  	s7 =	simm.s32 $0x0;
	p2 =	sgt.u32 s2, $0x27FF0  }
0x1f0: {  	s4 =	sadd.s32 $0x80, s4;
	s7 =	simm.s32 @!p2 $0x200;
	s3 =	sand.u32 @!p2 $0x3FFF8, s2  }
0x1f1: {  	s6 =	sadd.s32 $0x1, s6;
	s2 =	sand.u32 @!p2 $0x7, s2;
	s3 =	sadd.s32 @!p2 s1, s3  }
0x1f2: {  	[hbm4b:s3+s2] =	stream.linear.scatter @!p2 [tilespmem:s4], [sflag:$0x5], $0x80, $0x38;
	[tilespmem:$0x1F6F8] =	vst v63  }
.LBB2_37:
0x1f3: {  	s0 =	sadd.s32 s5, s7  }
0x1f4: {  	s0 =	sshrl.u32 s0, $0x2  }
.LBB2_38:
0x1f5: {  	s2 =	simm.s32 $0x5  }
0x1f6: {  	_ =	swait.ge [sflag:s2], s0  }
0x1f7: {  	s31 =	ssub.s32 $0x0, s0;
	[sflag:s2] =	ssyncset.done $0x0  }
0x1f8: {  	[sflag:s2] =	ssyncadd.s32 s31  }
0x1f9: {  	[sflag:s2] =	ssyncpa.u1 $0x1  }
.LBB2_39:
0x1fa: {  	s0 =	sor.u32 s15, s16  }
0x1fb: {  	p1 =	sne.s32 s0, $0x0  }
.Ltmp30:
0x1fc: {  	_ = 	snop;
	(pc) =	sbr.rel @p1 .LBB2_54-.Ltmp30, $3  }
0x1fd: {  	_ =	sdelay $0x1  }
0x1fe: {  	[bflag:$0x0] =	sbarrier.arrive $0xFFFF  }
0x1ff: {  	_ =	sfence  }
0x200: {  	s0 =	simm.s32 $0x7  }
0x201: {  	s2 =	simm.s32 $0x1000;
	s3 =	simm.s32 $0xF218;
	[sflag:s0] =	ssyncpa.u1 $0x0  }
0x202: {  	[tilespmem:s3], [sflag:$0x7] =	stream.linear.gather [spmem:s2], $0x20, $0x38;
	[tilespmem:$0x1F6F8] =	vst v63  }
0x203: {  	s30 =	simm.s32 $0xF238;
	s2 =	simm.s32 $0x0  }
0x204: {  	[tilespmem:s30], [sflag:$0x7] =	stream.linear.gather [spmem:s2], $0x1000, $0x38;
	[tilespmem:$0x1F6F8] =	vst v63  }
.Ltmp31:
0x205: {  	_ = 	snop;
	(pc) =	sbr.rel .LBB2_41-.Ltmp31, $4  }
0x206: {  	_ =	swait.ge [sflag:s0], $0x1020  }
0x207: {  	[sflag:s0] =	ssyncset.done $0x0  }
0x208: {  	s31 =	simm.s32 $0x8;
	[sflag:s0] =	ssyncadd.s32 $0xFFFFEFE0  }
0x209: {  	s3 =	simm.s32 $0x0;
	[sflag:s31] =	ssyncpa.u1 $0x0  }
.LBB2_47:
0x20a: {  	p1 =	slt.u32 s4, $0x27FF1  }
0x20b: {  	s0 =	sand.u32 @p1 $0x3FFF8, s4  }
0x20c: {  	s4 =	sand.u32 @p1 $0x7, s4;
	s5 =	simm.s32 @p1 $0xF188;
	s0 =	sadd.s32 @p1 s1, s0  }
0x20d: {  	[tilespmem:s5], [sflag:$0x8] =	stream.linear.gather @p1 [hbm4b:s0+s4], $0x80, $0x38;
	[tilespmem:$0x1F6F8] =	vst v63  }
0x20e: {  	s0 =	simm.s32 @p1 $0x8  }
0x20f: {  	_ =	swait.ge @p1 [sflag:s0], $0x80  }
0x210: {  	[sflag:s0] =	ssyncset.done @p1 $0x0  }
0x211: {  	[sflag:s0] =	ssyncadd.s32 @p1 $0xFFFFFF80  }
0x212: {  	v1 =	vld @p1 [tilespmem:$0xF188];
	_ =	sdelay $0x2  }
0x213: {  	s0 =	sshll.u32 @p1 s3, $0x9  }
0x214: {  	s4 =	sshrl.u32 @p1 s0, $0x2  }
0x215: {  	[tilespmem:s4+$0xF238] =	vst.add.f32.msk @p1 $0xffff, v1  }
0x216: {  	v1 =	vld @p1 [tilespmem:$0xF198];
	_ =	sdelay $0x4  }
0x217: {  	[tilespmem:s4+$0xF248] =	vst.add.f32.msk @p1 $0xffff, v1  }
0x218: {  	v1 =	vld @p1 [tilespmem:$0xF1A8];
	_ =	sdelay $0x4  }
0x219: {  	[tilespmem:s4+$0xF258] =	vst.add.f32.msk @p1 $0xffff, v1  }
0x21a: {  	v1 =	vld @p1 [tilespmem:$0xF1B8];
	_ =	sdelay $0x4  }
0x21b: {  	[tilespmem:s4+$0xF268] =	vst.add.f32.msk @p1 $0xffff, v1  }
0x21c: {  	v1 =	vld @p1 [tilespmem:$0xF1C8];
	_ =	sdelay $0x4  }
0x21d: {  	[tilespmem:s4+$0xF278] =	vst.add.f32.msk @p1 $0xffff, v1  }
0x21e: {  	v1 =	vld @p1 [tilespmem:$0xF1D8];
	_ =	sdelay $0x4  }
0x21f: {  	[tilespmem:s4+$0xF288] =	vst.add.f32.msk @p1 $0xffff, v1  }
0x220: {  	v1 =	vld @p1 [tilespmem:$0xF1E8];
	_ =	sdelay $0x4  }
0x221: {  	[tilespmem:s4+$0xF298] =	vst.add.f32.msk @p1 $0xffff, v1  }
0x222: {  	v1 =	vld @p1 [tilespmem:$0xF1F8];
	_ =	sdelay $0x3  }
0x223: {  	s5 =	sshll.u32 @!p1 s3, $0x9  }
0x224: {  	s5 =	smov.u32 @p1 s0;
	[tilespmem:s4+$0xF2A8] =	vst.add.f32.msk @p1 $0xffff, v1  }
0x225: {  	s0 =	sshrl.u32 s5, $0x2;
	[tilespmem:s2+$0xF218] =	vst.msk $0x1, v0  }
0x226: {  	v0 =	vld [tilespmem:s0+$0xF238];
	_ =	sdelay $0x2  }
0x227: {  	s31 =	sshll.u32 s2, $0x9  }
0x228: {  	s4 =	sshra.s32 s31, $0x2  }
0x229: {  	[tilespmem:s4+$0xF238] =	vst v0  }
0x22a: {  	v0 =	vld [tilespmem:s0+$0xF248];
	_ =	sdelay $0x4  }
0x22b: {  	[tilespmem:s4+$0xF248] =	vst v0  }
0x22c: {  	v0 =	vld [tilespmem:s0+$0xF258];
	_ =	sdelay $0x4  }
0x22d: {  	[tilespmem:s4+$0xF258] =	vst v0  }
0x22e: {  	v0 =	vld [tilespmem:s0+$0xF268];
	_ =	sdelay $0x4  }
0x22f: {  	[tilespmem:s4+$0xF268] =	vst v0  }
0x230: {  	v0 =	vld [tilespmem:s0+$0xF278];
	_ =	sdelay $0x4  }
0x231: {  	[tilespmem:s4+$0xF278] =	vst v0  }
0x232: {  	v0 =	vld [tilespmem:s0+$0xF288];
	_ =	sdelay $0x4  }
0x233: {  	[tilespmem:s4+$0xF288] =	vst v0  }
0x234: {  	v0 =	vld [tilespmem:s0+$0xF298];
	_ =	sdelay $0x4  }
0x235: {  	[tilespmem:s4+$0xF298] =	vst v0  }
0x236: {  	v0 =	vld [tilespmem:s0+$0xF2A8];
	_ =	sdelay $0x4  }
0x237: {  	s2 =	sadd.s32 $0x1, s2;
	[tilespmem:s4+$0xF2A8] =	vst v0  }
.LBB2_48:
0x238: {  	s3 =	sadd.s32 $0x1, s3  }
0x239: {  	p1 =	sne.s32 s3, $0x20  }
.Ltmp32:
0x23a: {  	_ = 	snop;
	(pc) =	sbr.rel @!p1 .LBB2_49-.Ltmp32, $1  }
0x23b: {  	_ =	sdelay $0x3  }
.LBB2_41:
0x23c: {  	v0 =	vld.msk [tilespmem:s3+$0xF218], $0x1;
	_ =	sdelay $0x4  }
0x23d: {  	(v2sf) =	vpush v0, $0x0;
	_ =	sdelay $0xe  }
0x23e: {  	s4 =	spop (v2sf)  }
0x23f: {  	p1 =	seq.s32 s4, $0xFFFFFFFF  }
.Ltmp33:
0x240: {  	_ = 	snop;
	(pc) =	sbr.rel @p1 .LBB2_48-.Ltmp33, $1  }
0x241: {  	_ =	sdelay $0x3  }
0x242: {  	p1 =	slt.s32 s2, $0x1  }
.Ltmp34:
0x243: {  	_ = 	snop;
	(pc) =	sbr.rel @p1 .LBB2_47-.Ltmp34, $1  }
0x244: {  	_ =	sdelay $0x3  }
0x245: {  	s5 =	simm.s32 $0xF218;
	p1 =	por $0x0, $0x0  }
0x246: {  	v1 =	vld.msk @!p1 [tilespmem:s5+$0x0], $0x1;
	_ =	sdelay $0x4  }
0x247: {  	(v2sf) =	vpush @!p1 v1, $0x0;
	_ =	sdelay $0xd  }
0x248: {  	p3 =	sne.s32 s2, $0x1  }
.Ltmp35:
0x249: {  	s0 =	spop @!p1 (v2sf);
	(pc) =	sbr.rel @!p3 .LBB2_45-.Ltmp35, $4  }
0x24a: {  	p2 =	seq.s32 @!p1 s4, s0  }
0x24b: {  	s6 =	simm.s32 $0x0;
	p2 =	por !p2, p1  }
0x24c: {  	s7 =	simm.s32 $0xFFFFFFFF;
	s6 =	simm.s32 @p2 $0xFFFFFFFF  }
0x24d: {  	s0 =	simm.s32 $0x1;
	s6 =	smov.u32 @p1 s7  }
.LBB2_44:
0x24e: {  	s7 =	smov.u32 s6;
	p1 =	sne.s32 s6, $0xFFFFFFFF  }
0x24f: {  	s5 =	sadd.s32 $0x1, s5;
	s6 =	smov.u32 s0;
	s0 =	sadd.s32 $0x1, s0  }
0x250: {  	p2 =	sne.s32 s2, s0;
	v1 =	vld.msk @!p1 [tilespmem:s5+$0x0], $0x1;
	_ =	sdelay $0x4  }
0x251: {  	(v2sf) =	vpush @!p1 v1, $0x0;
	_ =	sdelay $0xe  }
.Ltmp36:
0x252: {  	s8 =	spop @!p1 (v2sf);
	(pc) =	sbr.rel @p2 .LBB2_44-.Ltmp36, $4  }
0x253: {  	p3 =	seq.s32 @!p1 s4, s8  }
0x254: {  	p3 =	por !p3, p1  }
0x255: {  	s6 =	simm.s32 @p3 $0xFFFFFFFF  }
0x256: {  	s6 =	smov.u32 @p1 s7  }
.LBB2_45:
0x257: {  	p1 =	seq.s32 s6, $0xFFFFFFFF  }
.Ltmp37:
0x258: {  	_ = 	snop;
	(pc) =	sbr.rel @p1 .LBB2_47-.Ltmp37, $1  }
0x259: {  	_ =	sdelay $0x3  }
0x25a: {  	s0 =	sshll.u32 s3, $0x7  }
0x25b: {  	s0 =	sand.u32 $0x3FFFFF80, s0  }
0x25c: {  	v0 =	vld [tilespmem:s0+$0xF238];
	_ =	sdelay $0x2  }
0x25d: {  	s4 =	sshll.u32 s6, $0x9  }
0x25e: {  	s4 =	sshra.s32 s4, $0x2  }
0x25f: {  	[tilespmem:s4+$0xF238] =	vst.add.f32.msk $0xffff, v0  }
0x260: {  	v0 =	vld [tilespmem:s0+$0xF248];
	_ =	sdelay $0x4  }
0x261: {  	[tilespmem:s4+$0xF248] =	vst.add.f32.msk $0xffff, v0  }
0x262: {  	v0 =	vld [tilespmem:s0+$0xF258];
	_ =	sdelay $0x4  }
0x263: {  	[tilespmem:s4+$0xF258] =	vst.add.f32.msk $0xffff, v0  }
0x264: {  	v0 =	vld [tilespmem:s0+$0xF268];
	_ =	sdelay $0x4  }
0x265: {  	[tilespmem:s4+$0xF268] =	vst.add.f32.msk $0xffff, v0  }
0x266: {  	v0 =	vld [tilespmem:s0+$0xF278];
	_ =	sdelay $0x4  }
0x267: {  	[tilespmem:s4+$0xF278] =	vst.add.f32.msk $0xffff, v0  }
0x268: {  	v0 =	vld [tilespmem:s0+$0xF288];
	_ =	sdelay $0x4  }
0x269: {  	[tilespmem:s4+$0xF288] =	vst.add.f32.msk $0xffff, v0  }
0x26a: {  	v0 =	vld [tilespmem:s0+$0xF298];
	_ =	sdelay $0x4  }
0x26b: {  	[tilespmem:s4+$0xF298] =	vst.add.f32.msk $0xffff, v0  }
0x26c: {  	v0 =	vld [tilespmem:s0+$0xF2A8]  }
.Ltmp38:
0x26d: {  	_ = 	snop;
	(pc) =	sbr.rel .LBB2_48-.Ltmp38, $2  }
0x26e: {  	_ =	sdelay $0x2  }
0x26f: {  	[tilespmem:s4+$0xF2A8] =	vst.add.f32.msk $0xffff, v0  }
.LBB2_49:
0x270: {  	p1 =	slt.s32 s2, $0x1  }
.Ltmp39:
0x271: {  	_ = 	snop;
	(pc) =	sbr.rel @p1 .LBB2_53-.Ltmp39, $3  }
0x272: {  	_ =	sdelay $0x1  }
0x273: {  	s0 =	simm.s32 $0x8  }
0x274: {  	s3 =	simm.s32 $0x0;
	[sflag:s0] =	ssyncpa.u1 $0x1  }
0x275: {  	s0 =	simm.s32 $0xF218  }
0x276: {  	v0 =	vld.msk [tilespmem:s0+$0x0], $0x1;
	_ =	sdelay $0x4  }
0x277: {  	(v2sf) =	vpush v0, $0x0;
	_ =	sdelay $0xe  }
0x278: {  	s0 =	sadd.s32 $0xFFFFFFFF, s2;
	s5 =	spop (v2sf)  }
0x279: {  	p2 =	sne.s32 s0, $0x0;
	p1 =	sgt.u32 s5, $0x27FF0  }
.Ltmp40:
0x27a: {  	s6 =	sand.u32 @!p1 $0x3FFF8, s5;
	(pc) =	sbr.rel @!p2 .LBB2_52-.Ltmp40, $4  }
0x27b: {  	s4 =	simm.s32 $0xF238;
	s5 =	sand.u32 @!p1 $0x7, s5;
	s2 =	sadd.s32 @!p1 s1, s6  }
0x27c: {  	[hbm4b:s2+s5] =	stream.linear.scatter @!p1 [tilespmem:s4], [sflag:$0x7], $0x80, $0x38;
	[tilespmem:$0x1F6F8] =	vst v63  }
0x27d: {  	s5 =	simm.s32 $0x0  }
0x27e: {  	s2 =	simm.s32 $0xF219;
	s5 =	simm.s32 @!p1 $0x200  }
.LBB2_51:
0x27f: {  	v0 =	vld.msk [tilespmem:s2+$0x0], $0x1;
	s0 =	sadd.s32 $0xFFFFFFFF, s0;
	s3 =	sadd.s32 s3, s5  }
0x280: {  	p1 =	sne.s32 s0, $0x0;
	_ =	sdelay $0x3  }
0x281: {  	(v2sf) =	vpush v0, $0x0;
	_ =	sdelay $0xe  }
.Ltmp41:
0x282: {  	s6 =	spop (v2sf);
	(pc) =	sbr.rel @p1 .LBB2_51-.Ltmp41, $4  }
0x283: {  	s5 =	simm.s32 $0x0;
	p2 =	sgt.u32 s6, $0x27FF0  }
0x284: {  	s4 =	sadd.s32 $0x80, s4;
	s5 =	simm.s32 @!p2 $0x200;
	s7 =	sand.u32 @!p2 $0x3FFF8, s6  }
0x285: {  	s2 =	sadd.s32 $0x1, s2;
	s6 =	sand.u32 @!p2 $0x7, s6;
	s7 =	sadd.s32 @!p2 s1, s7  }
0x286: {  	[hbm4b:s7+s6] =	stream.linear.scatter @!p2 [tilespmem:s4], [sflag:$0x7], $0x80, $0x38;
	[tilespmem:$0x1F6F8] =	vst v63  }
.LBB2_52:
0x287: {  	s0 =	sadd.s32 s3, s5  }
0x288: {  	s3 =	sshrl.u32 s0, $0x2  }
.LBB2_53:
0x289: {  	s0 =	simm.s32 $0x7  }
0x28a: {  	_ =	swait.ge [sflag:s0], s3  }
0x28b: {  	s1 =	ssub.s32 $0x0, s3;
	[sflag:s0] =	ssyncset.done $0x0  }
0x28c: {  	[sflag:s0] =	ssyncadd.s32 s1  }
0x28d: {  	[sflag:s0] =	ssyncpa.u1 $0x1  }
.LBB2_54:
0x28e: {  	_ =	sfence;
	s0 =	simm.s32 $0x1  }
0x28f: {  	[sflag:s0] =	ssyncpa.u1 $0x1  }
0x290: {  	_ =	strace $0x9000005C  }
0x291: {  	[bflag:$0x2] =	sbarrier.arrive $0xFFFF  }
0x292: {  	s0 =	rddreg [dreg:$0x3]  }
0x293: {  	s0 =	sadd.s32 @!p0 $0x100000, s0  }
0x294: {  	[sflag:s0] =	ssyncadd.tile.s32 @!p0 $0x1;
	_ =	shalt  }
.Lfunc_end2:
_tile_overlayer_lowered:
.L_overlay_start_2:
0x295: {  	(tag) =	ssettag $0x2  }
0x296: {  	s0 =	rddreg [dreg:$0x0];
	s2 =	stileid.u32  }
0x297: {  	s1 =	rddreg [dreg:$0x1];
	p0 =	sne.s32 s2, $0x0  }
0x298: {  	s3 =	rddreg [dreg:$0x2];
	[bflag:$0x3] =	sbarrier.arrive $0xFFFF;
	s2 =	simm.s32 @!p0 $0x1C01  }
0x299: {  	[timem:s3], [sflag:s2] =	dma.local @!p0 [hbm:s0], s1  }
0x29a: {  	s0 =	simm.s32 @!p0 $0x1  }
0x29b: {  	_ =	swait.ge @!p0 [sflag:s0], s1  }
0x29c: {  	s1 =	ssub.s32 @!p0 $0x0, s1;
	[sflag:s0] =	ssyncset.done @!p0 $0x0  }
0x29d: {  	[sflag:s0] =	ssyncadd.s32 @!p0 s1  }
0x29e: {  	[bflag:$0x3] =	sbarrier.arrive $0xFFFF  }
0x29f: {  	_ =	shalt  }

// kernel: scatter_offload_async_start.3
scs
__scs_entry_jumppad:
0x0: {  	(pc) =	sbr.rel $0x88, $3  }
0x1: {  	(tag) =	ssettag $0x0;
	lr =	simm.s32 $0x1  }
0x2: {  	[smem:$0x3F8E] =	sst lr;
	_ =	strace $0xD0000000  }
0x3: {  	_ = 	snop  }
0x4: {  	_ = 	snop  }
0x5: {  	_ = 	snop  }
0x6: {  	_ = 	snop  }
0x7: {  	_ = 	snop  }
__scs_overlays_trampoline_lowered:
0x8: {  	[smem:$0x3F9D] =	sst s0  }
0x9: {  	[smem:$0x3F9E] =	sst s1  }
0xa: {  	[smem:$0x3F9F] =	sst s2  }
0xb: {  	[smem:$0x3FA0] =	sst s3  }
0xc: {  	[smem:$0x3FA1] =	sst s4  }
0xd: {  	[smem:$0x3FA2] =	sst s5  }
0xe: {  	[smem:$0x3FA3] =	sst s6  }
0xf: {  	[smem:$0x3FA4] =	sst s7  }
0x10: {  	[smem:$0x3FA5] =	sst s8  }
0x11: {  	[smem:$0x3FA6] =	sst s9;
	s0 =	simm.s32 @!p0 $0x0  }
0x12: {  	s1 =	sld [smem:$0x3F8C];
	s0 =	simm.s32 @p0 $0x1  }
0x13: {  	[smem:$0x3FA7] =	sst s0;
	s0 =	simm.s32 @!p1 $0x0  }
0x14: {  	s2 =	sld [smem:$0x3F8B];
	s0 =	simm.s32 @p1 $0x1  }
0x15: {  	[smem:$0x3FA8] =	sst s0;
	s0 =	simm.s32 @!p2 $0x0  }
0x16: {  	s3 =	sld [smem:$0x3FDB];
	s0 =	simm.s32 @p2 $0x1  }
0x17: {  	s4 =	simm.s32 $0x1BF5;
	[smem:$0x3FAA] =	sst s0  }
0x18: {  	s0 =	sld [smem:$0x3F8D];
	_ =	swait.ge [sflag:s4], $0x0  }
0x19: {  	s7 =	sld [smem:$0x3F8E]  }
0x1a: {  	s8 =	sadd.s32 $0xFFFFE003, lr  }
0x1b: {  	s9 =	sadd.s32 $0xFFFFFEF7, lr;
	s5 =	simm.s32 $0xFFFFFFFF;
	p2 =	slt.u32 s8, $0xFFFFF086  }
0x1c: {  	p1 =	slt.u32 s9, $0xF7A;
	s5 =	simm.s32 @!p2 $0x0  }
0x1d: {  	s5 =	simm.s32 @p1 $0x1;
	p0 =	seq.s32 s7, s2  }
0x1e: {  	s7 =	smul.u32 @!p0 $0xF7A, s2;
	p2 =	seq.s32 @!p0 s5, $0x0  }
0x1f: {  	s9 =	smul.u32 $0xF7A, s1;
	s8 =	simm.s32 @!p0 $0x1BF5;
	p2 =	por !p2, p0  }
0x20: {  	[sflag:s8] =	ssyncset.s32 @!p0 $0xFFFFF086;
	s6 =	sadd.s32 @!p0 s3, s7;
	s7 =	simm.s32 @!p0 $0x108  }
0x21: {  	s3 =	sadd.s32 s3, s9;
	s6 =	sadd.s32 @!p0 $0x88, s6;
	s7 =	simm.s32 @p2 $0x1082  }
0x22: {  	[simem:s7], [sflag:s8] =	dma.local @!p0 [hbm:s6], $0xF7A  }
0x23: {  	s9 =	sor.u32 $0xD0000000, s2;
	s6 =	simm.s32 $0x108;
	_ =	swait.ge @!p0 [sflag:s8], $0x0  }
0x24: {  	s3 =	sadd.s32 $0x88, s3;
	s6 =	simm.s32 @!p1 $0x1082;
	[sflag:s4] =	ssyncset.s32 $0xFFFFF086  }
0x25: {  	[simem:s6], [sflag:s4] =	dma.local [hbm:s3], $0xF7A  }
0x26: {  	[smem:$0x3F8E] =	sst s1;
	(tag) =	ssettag s2;
	_ =	strace s9  }
0x27: {  	s1 =	sld [smem:$0x3F9E]  }
0x28: {  	s2 =	sld [smem:$0x3F9F]  }
0x29: {  	s4 =	sld [smem:$0x3FA1]  }
0x2a: {  	p0 =	seq.s32 s5, $0x0;
	s5 =	sld [smem:$0x3FA2]  }
0x2b: {  	s6 =	sld [smem:$0x3FA3]  }
0x2c: {  	s7 =	sld [smem:$0x3FA4]  }
0x2d: {  	s3 =	simm.s32 $0x108;
	s8 =	sld [smem:$0x3FA5]  }
0x2e: {  	s3 =	simm.s32 @!p0 $0x1082;
	s9 =	sld [smem:$0x3FA6]  }
0x2f: {  	lr =	sadd.s32 s0, s3;
	s0 =	sld [smem:$0x3F9D]  }
0x30: {  	s3 =	sld [smem:$0x3FA0]  }
0x31: {  	[smem:$0x3FA9] =	sst s10  }
0x32: {  	s10 =	sld [smem:$0x3FA7];
	_ =	sdelay $0x3  }
0x33: {  	p0 =	seq.s32 s10, $0x1;
	s10 =	sld [smem:$0x3FA9];
	_ =	sdelay $0x3  }
0x34: {  	[smem:$0x3FA9] =	sst s10  }
0x35: {  	s10 =	sld [smem:$0x3FA8];
	_ =	sdelay $0x3  }
0x36: {  	p1 =	seq.s32 s10, $0x1;
	s10 =	sld [smem:$0x3FA9];
	_ =	sdelay $0x3  }
0x37: {  	[smem:$0x3FA9] =	sst s10  }
0x38: {  	s10 =	sld [smem:$0x3FAA]  }
0x39: {  	_ = 	snop;
	(pc) =	sbr.ind lr, $3  }
0x3a: {  	_ = 	snop  }
0x3b: {  	_ = 	snop  }
0x3c: {  	p2 =	seq.s32 s10, $0x1;
	s10 =	sld [smem:$0x3FA9]  }
0x3d: {  	_ =	shalt  }
0x3e: {  	_ =	shalt  }
0x3f: {  	_ =	shalt  }
0x40: {  	_ =	shalt  }
0x41: {  	_ =	shalt  }
0x42: {  	_ =	shalt  }
0x43: {  	_ =	shalt  }
0x44: {  	_ =	shalt  }
0x45: {  	_ =	shalt  }
0x46: {  	_ =	shalt  }
0x47: {  	_ =	shalt  }
0x48: {  	_ =	shalt  }
0x49: {  	_ =	shalt  }
0x4a: {  	_ =	shalt  }
0x4b: {  	_ =	shalt  }
0x4c: {  	_ =	shalt  }
0x4d: {  	_ =	shalt  }
0x4e: {  	_ =	shalt  }
0x4f: {  	_ =	shalt  }
0x50: {  	_ =	shalt  }
0x51: {  	_ =	shalt  }
0x52: {  	_ =	shalt  }
0x53: {  	_ =	shalt  }
0x54: {  	_ =	shalt  }
0x55: {  	_ =	shalt  }
0x56: {  	_ =	shalt  }
0x57: {  	_ =	shalt  }
0x58: {  	_ =	shalt  }
0x59: {  	_ =	shalt  }
0x5a: {  	_ =	shalt  }
0x5b: {  	_ =	shalt  }
0x5c: {  	_ =	shalt  }
0x5d: {  	_ =	shalt  }
0x5e: {  	_ =	shalt  }
0x5f: {  	_ =	shalt  }
0x60: {  	_ =	shalt  }
0x61: {  	_ =	shalt  }
0x62: {  	_ =	shalt  }
0x63: {  	_ =	shalt  }
0x64: {  	_ =	shalt  }
0x65: {  	_ =	shalt  }
0x66: {  	_ =	shalt  }
0x67: {  	_ =	shalt  }
0x68: {  	_ =	shalt  }
0x69: {  	_ =	shalt  }
0x6a: {  	_ =	shalt  }
0x6b: {  	_ =	shalt  }
0x6c: {  	_ =	shalt  }
0x6d: {  	_ =	shalt  }
0x6e: {  	_ =	shalt  }
0x6f: {  	_ =	shalt  }
0x70: {  	_ =	shalt  }
0x71: {  	_ =	shalt  }
0x72: {  	_ =	shalt  }
0x73: {  	_ =	shalt  }
0x74: {  	_ =	shalt  }
0x75: {  	_ =	shalt  }
0x76: {  	_ =	shalt  }
0x77: {  	_ =	shalt  }
0x78: {  	_ =	shalt  }
0x79: {  	_ =	shalt  }
0x7a: {  	_ =	shalt  }
0x7b: {  	_ =	shalt  }
0x7c: {  	_ =	shalt  }
0x7d: {  	_ =	shalt  }
0x7e: {  	_ =	shalt  }
0x7f: {  	_ =	shalt  }
0x80: {  	_ =	shalt  }
0x81: {  	_ =	shalt  }
0x82: {  	_ =	shalt  }
0x83: {  	_ =	shalt  }
0x84: {  	_ =	shalt  }
0x85: {  	_ =	shalt  }
0x86: {  	_ =	shalt  }
0x87: {  	_ =	shalt  }
.Lfunc_end0:
.L_simem_size_0:
called_computation.3_lowered:
.L_overlay_start_0:
0x88: {  	s0 =	sld [smem:$0x3FD9]  }
0x89: {  	s1 =	sld [smem:$0x3FFE];
	_ =	sdelay $0x3  }
0x8a: {  	s0 =	sadd.s32 s1, s0  }
0x8b: {  	[smem:$0x3FB5] =	sst s0  }
0x8c: {  	_ = 	snop  }
0x8d: {  	(tm) =	ssettm $0x1  }
0x8e: {  	s14 =	sld [smem:$0x3FFB];
	_ =	sdelay $0x3  }
0x8f: {  	_ =	strace s14  }
0x90: {  	s0 =	sld [smem:$0x3FFC];
	_ =	sdelay $0x3  }
0x91: {  	_ =	strace s0  }
0x92: {  	s0 =	sld [smem:$0x3FFD];
	_ =	sdelay $0x3  }
0x93: {  	_ =	strace s0  }
0x94: {  	_ =	strace $0x8FFFFFFF  }
0x95: {  	s15 =	sld [smem:$0x3FDB];
	_ =	sdelay $0x1  }
0x96: {  	s16 =	simm.s32 $_scs_section_size  }
0x97: {  	s2 =	simm.s32 $_size__tile_overlayer_lowered;
	s3 =	simm.s32 $_tile_overlayer_lowered  }
0x98: {  	s4 =	simm.s32 $0x1BFF;
	s17 =	sshll.u32 s3, $0x1;
	s1 =	sadd.s32 s16, s15  }
0x99: {  	s18 =	simm.s32 $0x0;
	s2 =	sshll.u32 s2, $0x1;
	s3 =	sadd.s32 s17, s1  }
0x9a: {  	[timem:s18], [sflag:s4] =	dma.local [hbm:s3], s2  }
0x9b: {  	_ =	swait.ge [sflag:s4], s2  }
0x9c: {  	s2 =	ssub.s32 $0x0, s2;
	[sflag:s4] =	ssyncset.done $0x0  }
0x9d: {  	[sflag:s4] =	ssyncadd.s32 s2;
	_ =	sdelay $0x1  }
0x9e: {  	s19 =	simm.s32 $0x1B8B  }
0x9f: {  	_ =	swait.ge [sflag:s19], $0x1  }
0xa0: {  	[sflag:s19] =	ssyncset.done $0x0  }
0xa1: {  	s21 =	simm.s32 $0x1B8E;
	s20 =	sld [smem:$0x3FFE];
	[sflag:s19] =	ssyncadd.s32 $0xFFFFFFFF  }
0xa2: {  	s22 =	simm.s32 $execute0_lowered;
	[smem:$0x3FD2] =	sst s21  }
0xa3: {  	s3 =	sshll.u32 s22, $0x1;
	_ =	strace $0x80000052;
	[dreg:$0x1] =	wrdreg $0xFFFFFFFF  }
0xa4: {  	s23 =	simm.s32 $_size_execute0_lowered;
	s3 =	sadd.s32 s1, s3;
	[dreg:$0x0] =	wrdreg $0x0  }
0xa5: {  	s4 =	sshll.u32 s23, $0x1;
	[dreg:$0x2] =	wrdreg s3  }
0xa6: {  	[dreg:$0x3] =	wrdreg s4  }
0xa7: {  	[dreg:$0x4] =	wrdreg $0xC0  }
0xa8: {  	s24 =	simm.s32 $execute1_lowered;
	_ =	task [dreg:s18], $0x5FFFF  }
0xa9: {  	s3 =	sshll.u32 s24, $0x1;
	[dreg:$0x1] =	wrdreg $0xFFFFFFFF  }
0xaa: {  	s1 =	sadd.s32 s1, s3;
	[dreg:$0x0] =	wrdreg $0x60  }
0xab: {  	[dreg:$0x2] =	wrdreg s1  }
0xac: {  	[dreg:$0x3] =	wrdreg s20  }
0xad: {  	[dreg:$0x4] =	wrdreg $0x9  }
0xae: {  	_ =	task.clear_ibuf [dreg:s18], $0x5FFFF;
	_ =	strace $0x90000052  }
0xaf: {  	s25 =	simm.s32 $0x9;
	_ =	strace $0x80000054  }
0xb0: {  	_ =	swait.ge [sflag:s25], $0x1  }
0xb1: {  	[sflag:s25] =	ssyncadd.s32 $0xFFFFFFFF  }
0xb2: {  	_ =	strace $0x90000054  }
0xb3: {  	_ =	strace $0x80000055;
	[dreg:$0x1] =	wrdreg $0xFFFFFFFF  }
0xb4: {  	[dreg:$0x0] =	wrdreg $0x2030  }
0xb5: {  	[dreg:$0x2] =	wrdreg s20  }
0xb6: {  	[dreg:$0x3] =	wrdreg $0xA  }
0xb7: {  	_ =	task.clear_ibuf [dreg:s18], $0x4FFFF;
	_ =	strace $0x90000055  }
0xb8: {  	s26 =	simm.s32 $0xA;
	_ =	strace $0x80000057  }
0xb9: {  	_ =	swait.ge [sflag:s26], $0x1  }
0xba: {  	[sflag:s26] =	ssyncadd.s32 $0xFFFFFFFF  }
0xbb: {  	_ =	strace $0x90000057  }
0xbc: {  	_ =	sfence  }
0xbd: {  	s28 =	sld [smem:$0x0];
	_ =	sdelay $0x1  }
0xbe: {  	s29 =	srdreg.scid  }
0xbf: {  	s30 =	sshll.u32 s29, $0xD;
	s31 =	sshrl.u32 s29, $0x2  }
0xc0: {  	s2 =	sand.u32 $0x1, s29;
	s3 =	sand.u32 $0x4000, s30;
	s1 =	sadd.s32 s31, s28  }
0xc1: {  	s2 =	sor.u32 s3, s2;
	s1 =	sshll.u32 s1, $0x11  }
0xc2: {  	s1 =	sor.u32 s1, s2  }
0xc3: {  	s1 =	sadd.s32 $0x8F2B, s1  }
0xc4: {  	[sflag:s1] =	ssyncadd.remote.s32 $0x1  }
0xc5: {  	_ =	sfence.sel $0xFFFF  }
0xc6: {  	[dreg:$0x0] =	wrdreg $0xFFFFFFFF;
	(pc) =	sbr.abs _section_cstart, $3  }
0xc7: {  	[dreg:$0x1] =	wrdreg $0xFFFFFFFF  }
0xc8: {  	_ =	task.clear_ibuf [dreg:s18], $0x2FFFF;
	_ =	strace $0x9FFFFFFF  }
0xc9: {  	(tm) =	ssettm $0x7FFFFFFF  }
tec
execute0_lowered:
.L_overlay_start_1:
0x0: {  	(tag) =	ssettag $0x1  }
0x1: {  	s2 =	rddreg [dreg:$0x0]  }
0x2: {  	s6 =	rddreg [dreg:$0x1]  }
0x3: {  	s0 =	rddreg [dreg:$0x2];
	s3 =	stileid.u32  }
0x4: {  	[bflag:$0x3] =	sbarrier.arrive $0xFFFF;
	s1 =	simm.s32 $_size_execute1_lowered;
	p0 =	sne.s32 s3, $0x0  }
0x5: {  	s1 =	sshll.u32 s1, $0x1;
	s4 =	simm.s32 @!p0 $0x1C3F;
	s5 =	simm.s32 @!p0 $0x4060  }
0x6: {  	[timem:s5], [sflag:s4] =	dma.local @!p0 [hbm:s2], s1  }
0x7: {  	s7 =	simm.s32 $0x1;
	s8 =	simm.s32 $0x2;
	s2 =	sshll.u32 s3, $0xE  }
0x8: {  	s10 =	simm.s32 $0x0;
	s9 =	simm.s32 $0x0;
	s30 =	ssub.s32 $0x1900000, s2  }
.Ltmp0:
0x9: {  	s3 =	sadd.s32 $0xA9600, s6;
	s31 =	sand.u32 $0x3C000, s30;
	(pc) =	sbr.rel .LBB2_1-.Ltmp0, $4  }
0xa: {  	s4 =	simm.s32 $0x1;
	_ =	strace $0x80000053;
	p1 =	sne.s32 s31, $0x0  }
0xb: {  	s5 =	sshrl.u32 s30, $0x12;
	[sflag:s4] =	ssyncpa.u1 $0x0;
	s7 =	simm.s32 @!p1 $0x0  }
0xc: {  	s6 =	sadd.s32 $0x6E9600, s6;
	[sflag:s8] =	ssyncpa.u1 $0x0;
	s5 =	sadd.s32 s7, s5  }
0xd: {  	s8 =	smov.u32 s2;
	p1 =	por $0x0, $0x0;
	s7 =	sadd.s32 $0x1, s5  }
.LBB2_4:
0xe: {  	[tilespmem:s11+$0xB0] =	vst v0  }
0xf: {  	[tilespmem:s11+$0xC0] =	vst v1  }
0x10: {  	[tilespmem:s11+$0xD0] =	vst v2  }
0x11: {  	[tilespmem:s11+$0xE0] =	vst v3;
	s13 =	sshrl.u32 s10, $0x3  }
0x12: {  	[tilespmem:s11+$0xFFFFFF00] =	vst v4;
	s31 =	sand.u32 $0x7, s10;
	s30 =	sadd.s32 s6, s13  }
0x13: {  	[hbm4b:s30+s31] =	stream.linear.scatter [tilespmem:s12], [sflag:$0x2], $0x4000, $0x38;
	[tilespmem:$0x10000] =	vst v63  }
.LBB2_5:
0x14: {  	s12 =	sadd.s32 $0x40000, s8  }
0x15: {  	p3 =	sgt.s32 s12, $0x18FFFFF  }
0x16: {  	s12 =	smov.u32 @p3 s2;
	p3 =	sne.s32 s9, s7  }
.Ltmp1:
0x17: {  	p2 =	slt.u32 s9, $0x2;
	(pc) =	sbr.rel @!p3 .LBB2_6-.Ltmp1, $4  }
0x18: {  	s11 =	simm.s32 @!p2 $0x2  }
0x19: {  	s13 =	sadd.s32 $0x1, s9;
	_ =	swait.ge @!p2 [sflag:s11], $0x4000  }
0x1a: {  	s10 =	smov.u32 s8;
	p1 =	por !p1, !p1;
	[sflag:s11] =	ssyncset.done @!p2 $0x0  }
0x1b: {  	s9 =	smov.u32 s13;
	s8 =	smov.u32 s12;
	[sflag:s11] =	ssyncadd.s32 @!p2 $0xFFFFC000  }
.LBB2_1:
0x1c: {  	p2 =	sge.u32 s9, s5  }
0x1d: {  	s11 =	sxor.u32 @!p2 $0xFFFFFFFF, s9  }
0x1e: {  	s31 =	sadd.s32 $0xFFFFFFFF, s9;
	s12 =	sshrl.u32 @!p2 s8, $0x3;
	s11 =	sshll.u32 @!p2 s11, $0xE  }
0x1f: {  	s13 =	sand.u32 @!p2 $0x7, s8;
	s12 =	sadd.s32 @!p2 s3, s12;
	s11 =	sand.u32 @!p2 $0x4000, s11  }
0x20: {  	[tilespmem:s11], [sflag:$0x1] =	stream.linear.gather @!p2 [hbm4b:s12+s13], $0x4000, $0x38;
	[tilespmem:$0x10000] =	vst v63  }
0x21: {  	p2 =	sge.u32 s31, s5  }
.Ltmp2:
0x22: {  	_ = 	snop;
	(pc) =	sbr.rel @p2 .LBB2_5-.Ltmp2, $1  }
0x23: {  	_ =	sdelay $0x3  }
0x24: {  	s11 =	simm.s32 $0x1  }
0x25: {  	_ =	swait.ge [sflag:s4], $0x4000;
	s11 =	simm.s32 @!p1 $0x0  }
0x26: {  	[sflag:s4] =	ssyncset.done $0x0;
	s11 =	sshll.u32 s11, $0xE  }
0x27: {  	[sflag:s4] =	ssyncadd.s32 $0xFFFFC000;
	s14 =	sor.u32 $0x100, s11  }
0x28: {  	v0 =	vld [tilespmem:s14+$0xF0]  }
0x29: {  	v1 =	vld [tilespmem:s14+$0xFFFFFF10]  }
0x2a: {  	v2 =	vld [tilespmem:s14+$0xFFFFFF20]  }
0x2b: {  	v3 =	vld [tilespmem:s14+$0xFFFFFF30]  }
0x2c: {  	s11 =	sor.u32 $0x8100, s11;
	v4 =	vld [tilespmem:s14+$0xFFFFFF40]  }
0x2d: {  	v5 =	vld [tilespmem:s14+$0xFFFFFF50];
	[tilespmem:s11+$0xF0] =	vst v0  }
0x2e: {  	[tilespmem:s11+$0xFFFFFF10] =	vst v1;
	v0 =	vld [tilespmem:s14+$0xFFFFFF60]  }
0x2f: {  	[tilespmem:s11+$0xFFFFFF20] =	vst v2;
	v1 =	vld [tilespmem:s14+$0xFFFFFF70]  }
0x30: {  	[tilespmem:s11+$0xFFFFFF30] =	vst v3;
	v2 =	vld [tilespmem:s14+$0xFFFFFF80]  }
0x31: {  	[tilespmem:s11+$0xFFFFFF40] =	vst v4;
	v3 =	vld [tilespmem:s14+$0xFFFFFF90]  }
0x32: {  	[tilespmem:s11+$0xFFFFFF50] =	vst v5;
	v4 =	vld [tilespmem:s14+$0xFFFFFFA0]  }
0x33: {  	v5 =	vld [tilespmem:s14+$0xA0];
	[tilespmem:s11+$0xFFFFFF60] =	vst v0  }
0x34: {  	v0 =	vld [tilespmem:s14+$0xFFFFFFB0];
	[tilespmem:s11+$0xFFFFFF70] =	vst v1  }
0x35: {  	v1 =	vld [tilespmem:s14+$0xFFFFFFC0];
	[tilespmem:s11+$0xFFFFFF80] =	vst v2  }
0x36: {  	v2 =	vld [tilespmem:s14+$0xFFFFFFD0];
	[tilespmem:s11+$0xFFFFFF90] =	vst v3  }
0x37: {  	v3 =	vld [tilespmem:s14+$0xFFFFFFE0];
	[tilespmem:s11+$0xFFFFFFA0] =	vst v4  }
0x38: {  	v4 =	vld [tilespmem:s14+$0xFFFFFFF0];
	[tilespmem:s11+$0xA0] =	vst v5  }
0x39: {  	[tilespmem:s11+$0xFFFFFFB0] =	vst v0;
	v0 =	vld [tilespmem:s14+$0x0]  }
0x3a: {  	[tilespmem:s11+$0xFFFFFFC0] =	vst v1;
	v1 =	vld [tilespmem:s14+$0x10]  }
0x3b: {  	[tilespmem:s11+$0xFFFFFFD0] =	vst v2;
	v2 =	vld [tilespmem:s14+$0x20]  }
0x3c: {  	[tilespmem:s11+$0xFFFFFFE0] =	vst v3;
	v3 =	vld [tilespmem:s14+$0x30]  }
0x3d: {  	[tilespmem:s11+$0xFFFFFFF0] =	vst v4;
	v4 =	vld [tilespmem:s14+$0x40]  }
0x3e: {  	[tilespmem:s11+$0x0] =	vst v0;
	v0 =	vld [tilespmem:s14+$0x50]  }
0x3f: {  	[tilespmem:s11+$0x10] =	vst v1;
	v1 =	vld [tilespmem:s14+$0x60]  }
0x40: {  	[tilespmem:s11+$0x20] =	vst v2;
	v2 =	vld [tilespmem:s14+$0x70]  }
0x41: {  	[tilespmem:s11+$0x30] =	vst v3;
	v3 =	vld [tilespmem:s14+$0x80]  }
0x42: {  	[tilespmem:s11+$0x40] =	vst v4;
	v4 =	vld [tilespmem:s14+$0x90]  }
0x43: {  	[tilespmem:s11+$0x50] =	vst v0;
	v0 =	vld [tilespmem:s14+$0xB0]  }
0x44: {  	[tilespmem:s11+$0x60] =	vst v1;
	v1 =	vld [tilespmem:s14+$0xC0]  }
0x45: {  	s12 =	sshll.u32 s9, $0xE;
	[tilespmem:s11+$0x70] =	vst v2;
	v2 =	vld [tilespmem:s14+$0xD0]  }
0x46: {  	s12 =	sand.u32 $0x4000, s12;
	[tilespmem:s11+$0x80] =	vst v3;
	v3 =	vld [tilespmem:s14+$0xE0]  }
0x47: {  	s13 =	simm.s32 $0x0;
	s12 =	sor.u32 $0x8000, s12;
	[tilespmem:s11+$0x90] =	vst v4;
	v4 =	vld [tilespmem:s14+$0xFFFFFF00];
	s14 =	sadd.s32 $0x200, s14  }
.LBB2_3:
0x48: {  	v5 =	vld [tilespmem:s14+$0xF0];
	s13 =	sadd.s32 $0x200, s13;
	[tilespmem:s11+$0xB0] =	vst v0  }
0x49: {  	v0 =	vld [tilespmem:s14+$0xFFFFFF10];
	p2 =	slt.u32 s13, $0x3E00;
	[tilespmem:s11+$0xC0] =	vst v1  }
0x4a: {  	v1 =	vld [tilespmem:s14+$0xFFFFFF20];
	[tilespmem:s11+$0xD0] =	vst v2  }
0x4b: {  	v2 =	vld [tilespmem:s14+$0xFFFFFF30];
	[tilespmem:s11+$0xE0] =	vst v3  }
0x4c: {  	v3 =	vld [tilespmem:s14+$0xFFFFFF40];
	[tilespmem:s11+$0xFFFFFF00] =	vst v4;
	s11 =	sadd.s32 $0x200, s11  }
0x4d: {  	v4 =	vld [tilespmem:s14+$0xFFFFFF50];
	[tilespmem:s11+$0xF0] =	vst v5  }
0x4e: {  	[tilespmem:s11+$0xFFFFFF10] =	vst v0;
	v0 =	vld [tilespmem:s14+$0xFFFFFF60]  }
0x4f: {  	[tilespmem:s11+$0xFFFFFF20] =	vst v1;
	v1 =	vld [tilespmem:s14+$0xFFFFFF70]  }
0x50: {  	[tilespmem:s11+$0xFFFFFF30] =	vst v2;
	v2 =	vld [tilespmem:s14+$0xFFFFFF80]  }
0x51: {  	[tilespmem:s11+$0xFFFFFF40] =	vst v3;
	v3 =	vld [tilespmem:s14+$0xFFFFFF90]  }
0x52: {  	[tilespmem:s11+$0xFFFFFF50] =	vst v4;
	v4 =	vld [tilespmem:s14+$0xFFFFFFA0]  }
0x53: {  	[tilespmem:s11+$0xFFFFFF60] =	vst v0;
	v0 =	vld [tilespmem:s14+$0xFFFFFFB0]  }
0x54: {  	[tilespmem:s11+$0xFFFFFF70] =	vst v1;
	v1 =	vld [tilespmem:s14+$0xFFFFFFC0]  }
0x55: {  	[tilespmem:s11+$0xFFFFFF80] =	vst v2;
	v2 =	vld [tilespmem:s14+$0xFFFFFFD0]  }
0x56: {  	[tilespmem:s11+$0xFFFFFF90] =	vst v3;
	v3 =	vld [tilespmem:s14+$0xFFFFFFE0]  }
0x57: {  	[tilespmem:s11+$0xFFFFFFA0] =	vst v4;
	v4 =	vld [tilespmem:s14+$0xFFFFFFF0]  }
0x58: {  	[tilespmem:s11+$0xFFFFFFB0] =	vst v0;
	v0 =	vld [tilespmem:s14+$0x0]  }
0x59: {  	[tilespmem:s11+$0xFFFFFFC0] =	vst v1;
	v1 =	vld [tilespmem:s14+$0x10]  }
0x5a: {  	[tilespmem:s11+$0xFFFFFFD0] =	vst v2;
	v2 =	vld [tilespmem:s14+$0x20]  }
0x5b: {  	[tilespmem:s11+$0xFFFFFFE0] =	vst v3;
	v3 =	vld [tilespmem:s14+$0x30]  }
0x5c: {  	[tilespmem:s11+$0xFFFFFFF0] =	vst v4;
	v4 =	vld [tilespmem:s14+$0x40]  }
0x5d: {  	[tilespmem:s11+$0x0] =	vst v0;
	v0 =	vld [tilespmem:s14+$0x50]  }
0x5e: {  	[tilespmem:s11+$0x10] =	vst v1;
	v1 =	vld [tilespmem:s14+$0x60]  }
0x5f: {  	[tilespmem:s11+$0x20] =	vst v2;
	v2 =	vld [tilespmem:s14+$0x70]  }
0x60: {  	[tilespmem:s11+$0x30] =	vst v3;
	v3 =	vld [tilespmem:s14+$0x80]  }
0x61: {  	[tilespmem:s11+$0x40] =	vst v4;
	v4 =	vld [tilespmem:s14+$0x90]  }
0x62: {  	[tilespmem:s11+$0x50] =	vst v0;
	v5 =	vld [tilespmem:s14+$0xA0]  }
.Ltmp3:
0x63: {  	[tilespmem:s11+$0x60] =	vst v1;
	v0 =	vld [tilespmem:s14+$0xB0];
	(pc) =	sbr.rel @p2 .LBB2_3-.Ltmp3, $4  }
0x64: {  	[tilespmem:s11+$0x70] =	vst v2;
	v1 =	vld [tilespmem:s14+$0xC0]  }
0x65: {  	[tilespmem:s11+$0x80] =	vst v3;
	v2 =	vld [tilespmem:s14+$0xD0]  }
0x66: {  	[tilespmem:s11+$0x90] =	vst v4;
	v3 =	vld [tilespmem:s14+$0xE0]  }
0x67: {  	v4 =	vld [tilespmem:s14+$0xFFFFFF00];
	[tilespmem:s11+$0xA0] =	vst v5;
	s14 =	sadd.s32 $0x200, s14  }
.Ltmp4:
0x68: {  	_ = 	snop;
	(pc) =	sbr.rel .LBB2_4-.Ltmp4, $1  }
0x69: {  	_ =	sdelay $0x3  }
.LBB2_6:
0x6a: {  	_ =	sfence.sel $0x180000  }
0x6b: {  	s2 =	simm.s32 $0x1;
	[bflag:$0x0] =	sbarrier.arrive $0xFFFF  }
0x6c: {  	s31 =	simm.s32 $0x2;
	[sflag:s2] =	ssyncpa.u1 $0x1  }
0x6d: {  	[sflag:s31] =	ssyncpa.u1 $0x1  }
0x6e: {  	_ =	strace $0x90000053  }
0x6f: {  	s0 =	sadd.s32 @!p0 $0x100000, s0;
	[bflag:$0x2] =	sbarrier.arrive $0xFFFF  }
0x70: {  	[sflag:s0] =	ssyncadd.tile.s32 @!p0 $0x1;
	s0 =	simm.s32 @!p0 $0x3F  }
0x71: {  	_ =	swait.ge @!p0 [sflag:s0], s1  }
0x72: {  	s1 =	ssub.s32 @!p0 $0x0, s1;
	[sflag:s0] =	ssyncset.done @!p0 $0x0  }
0x73: {  	[sflag:s0] =	ssyncadd.s32 @!p0 s1  }
0x74: {  	[bflag:$0x3] =	sbarrier.arrive $0xFFFF  }
0x75: {  	_ =	shalt  }
.Lfunc_end2:
execute1_lowered:
.L_overlay_start_2:
0x76: {  	(tag) =	ssettag $0x2  }
0x77: {  	s0 =	rddreg [dreg:$0x0];
	_ =	strace $0x80000056;
	s15 =	stileid.u32  }
0x78: {  	s2 =	simm.s32 $0x1;
	s1 =	smin.u32 s15, $0x8;
	s3 =	sshll.u32 s15, $0x1  }
0x79: {  	v1 =	vimm.s32 $0xFFFFFFFF;
	[sflag:s2] =	ssyncpa.u1 $0x0;
	s1 =	sadd.s32 s1, s3  }
0x7a: {  	p0 =	slt.u32 s15, $0x8;
	[tilespmem:$0x10] =	vst v1;
	s4 =	smul.u32 $0x1F40, s1;
	s1 =	simm.s32 $0x5DC0  }
0x7b: {  	v0 =	vimm.f32 $0.0e+00;
	[tilespmem:$0x20] =	vst v1;
	s1 =	simm.s32 @!p0 $0x3E80  }
0x7c: {  	[tilespmem:$0x30] =	vst v0;
	s1 =	sadd.s32 s1, s4  }
0x7d: {  	[tilespmem:$0x40] =	vst v0;
	s5 =	smin.u32 s1, $0x4E200  }
0x7e: {  	s7 =	simm.s32 $0x2;
	s8 =	simm.s32 $0x8;
	[tilespmem:$0x50] =	vst v0;
	s9 =	ssub.s32 s5, s4  }
0x7f: {  	s31 =	simm.s32 $0x9;
	s16 =	simm.s32 $0x0;
	[tilespmem:$0x60] =	vst v1;
	p0 =	sgt.s32 s9, $0x0  }
0x80: {  	s17 =	simm.s32 $0xF0;
	s18 =	simm.s32 $0xFFFFFFFF;
	[tilespmem:$0x70] =	vst v1;
	s9 =	simm.s32 @!p0 $0x0  }
0x81: {  	s19 =	simm.s32 $0xFFFFC280;
	s20 =	simm.s32 $0xFFFFFFFE;
	[tilespmem:$0x80] =	vst v1;
	s30 =	smulhi.u32 $0x10624DD3, s9  }
0x82: {  	s21 =	simm.s32 $0xF;
	s25 =	simm.s32 $0x0;
	s24 =	simm.s32 $0x0;
	v1 =	vimm.s32 $0x0;
	[tilespmem:$0xB0] =	vst v0  }
0x83: {  	s6 =	sadd.s32 $0x3C400, s0;
	s15 =	sshllo.u32 s15, $0x1;
	[tilespmem:$0x90] =	vst v1;
	s10 =	sshrl.u32 s30, $0x9  }
0x84: {  	[tilespmem:$0xA0] =	vst v1;
	[sflag:s7] =	ssyncpa.u1 $0x0;
	s7 =	simm.s32 $0x7;
	s11 =	smul.u32 $0x1F40, s10  }
.Ltmp5:
0x85: {  	s13 =	sor.u32 $0x80, s3;
	[sflag:s7] =	ssyncpa.u1 $0x0;
	(pc) =	sbr.rel .LBB3_1-.Ltmp5, $4  }
0x86: {  	s14 =	sor.u32 $0x81, s3;
	[sflag:s8] =	ssyncpa.u1 $0x0;
	p0 =	sne.s32 s9, s11  }
0x87: {  	s23 =	smov.u32 s4;
	s1 =	sadd.s32 $0x6E9600, s0;
	s2 =	simm.s32 @!p0 $0x0  }
0x88: {  	vm0 =	vmmov $0xffff;
	v2 =	vlaneseq.u32;
	[sflag:s31] =	ssyncpa.u1 $0x0;
	s9 =	sadd.s32 $0x95A00, s0;
	s10 =	sadd.s32 s2, s10  }
0x89: {  	vm1 =	vmxor vm1, vm1;
	vm2 =	vmmov $0x1;
	vm3 =	vcmask $0x3F3C;
	p0 =	por $0x0, $0x0;
	s11 =	sadd.s32 $0x1, s10;
	s12 =	sadd.s32 $0x2, s10  }
.LBB3_9:
0x8a: {  	p1 =	slt.u32 s24, $0x3  }
0x8b: {  	s0 =	simm.s32 @!p1 $0x2  }
0x8c: {  	_ =	swait.ge @!p1 [sflag:s0], $0x1F40  }
0x8d: {  	[sflag:s0] =	ssyncset.done @!p1 $0x0  }
0x8e: {  	[sflag:s0] =	ssyncadd.s32 @!p1 $0xFFFFE0C0;
	s0 =	simm.s32 @!p1 $0x9  }
0x8f: {  	_ =	swait.ge @!p1 [sflag:s0], $0x10  }
0x90: {  	[sflag:s0] =	ssyncset.done @!p1 $0x0  }
0x91: {  	[sflag:s0] =	ssyncadd.s32 @!p1 $0xFFFFFFF0;
	p1 =	sne.s32 s24, s12  }
.Ltmp6:
0x92: {  	s2 =	sadd.s32 $0x1F40, s23;
	(pc) =	sbr.rel @!p1 .LBB3_10-.Ltmp6, $4  }
0x93: {  	s22 =	smov.u32 s4;
	s31 =	sadd.s32 $0x1, s24;
	s17 =	sadd.s32 $0x1F40, s17  }
0x94: {  	s18 =	sadd.s32 $0x1, s18;
	s25 =	smov.u32 s23;
	p2 =	slt.s32 s2, s5  }
0x95: {  	p0 =	por !p0, !p0;
	s19 =	sadd.s32 $0x1F40, s19;
	s22 =	smov.u32 @p2 s2  }
0x96: {  	s20 =	sadd.s32 $0x1, s20;
	s23 =	smov.u32 s22;
	s24 =	smov.u32 s31  }
.LBB3_1:
0x97: {  	p1 =	sge.u32 s24, s10  }
0x98: {  	s0 =	smulhi.u32 @!p1 $0xAAAAAAAB, s24;
	_ =	sdelay $0x1  }
0x99: {  	s0 =	sshrl.u32 @!p1 s0, $0x1  }
0x9a: {  	s0 =	smul.u32 @!p1 $0x3, s0;
	_ =	sdelay $0x1  }
0x9b: {  	s0 =	ssub.s32 @!p1 s24, s0  }
0x9c: {  	s0 =	smul.u32 @!p1 $0x7D00, s0;
	_ =	sdelay $0x1  }
0x9d: {  	s2 =	sshrl.u32 @!p1 s23, $0x3;
	s0 =	sshrl.u32 @!p1 s0, $0x2  }
0x9e: {  	s22 =	sand.u32 @!p1 $0x7, s23;
	s2 =	sadd.s32 @!p1 s6, s2;
	s0 =	sadd.s32 @!p1 $0x100, s0  }
0x9f: {  	[tilespmem:s0], [sflag:$0x7] =	stream.linear.gather @!p1 [hbm4b:s2+s22], $0x1F40, $0x38;
	[tilespmem:$0x11A60] =	vst v63  }
0xa0: {  	s0 =	sadd.s32 $0xFFFFFFFF, s24  }
0xa1: {  	p1 =	sge.u32 s0, s10  }
.Ltmp7:
0xa2: {  	_ = 	snop;
	(pc) =	sbr.rel @p1 .LBB3_5-.Ltmp7, $1  }
0xa3: {  	_ =	sdelay $0x3  }
0xa4: {  	s2 =	smulhi.u32 $0xAAAAAAAB, s0;
	_ =	sdelay $0x1  }
0xa5: {  	s2 =	sshrl.u32 s2, $0x1  }
0xa6: {  	s2 =	smul.u32 $0x3, s2;
	_ =	sdelay $0x1  }
0xa7: {  	s2 =	ssub.s32 s0, s2  }
0xa8: {  	s2 =	smul.u32 $0x7D00, s2  }
0xa9: {  	_ =	swait.ge [sflag:s7], $0x1F40  }
0xaa: {  	[sflag:s7] =	ssyncset.done $0x0;
	s2 =	sshrl.u32 s2, $0x2  }
0xab: {  	[sflag:s7] =	ssyncadd.s32 $0xFFFFE0C0;
	(ifvalue) =	ssetifvalue $0xFFFFFFFF;
	v3 =	vld.msk [tilespmem:s2+$0x100 ss:$0x1], $0xffff;
	_ =	sdelay $0x2  }
0xac: {  	s30 =	smulhi.u32 $0xAAAAAAAB, s18;
	p1 =	sne.s32 s24, $0x1  }
0xad: {  	v4 =	vimm.s32 @!p1 $0x0  }
0xae: {  	s2 =	sshrl.u32 s30, $0x1;
	v4 =	vperm.xlane @!p1 v3, v4  }
0xaf: {  	s22 =	sshll.u32 s24, $0x4;
	s2 =	smul.u32 $0xFFFE8900, s2;
	vm4 =	vlt.u32 v3, $0x1900000  }
0xb0: {  	s22 =	sand.u32 $0x10, s22;
	v3 =	vnsel vm4, $0xFFFFFFFE, v3;
	vm4 =	vlt.u32 @!p1 v4, $0x1900000  }
0xb1: {  	s2 =	sshra.s32 s2, $0x2;
	[tilespmem:s22+$0x60] =	vst v3;
	v3 =	vnsel @!p1 vm4, $0xFFFFFFFE, v4  }
0xb2: {  	s28 =	sadd.s32 s2, s17;
	[tilespmem:$0x80] =	vst @!p1 v3  }
0xb3: {  	v3 =	vld.msk [tilespmem:s28+$0x0 ss:$0x1], $0xffff;
	_ =	sdelay $0x4  }
0xb4: {  	(xrf1) =	vunique.msk.u32 $0xffff, v3;
	_ =	sdelay $0xd  }
0xb5: {  	v4 =	vimm.s32 $0xFFFFFFFF;
	v5, _, _ =	vpop (xrf1)  }
0xb6: {  	vm5 =	vne.s32 v3, v4;
	vm4 =	veq.s32 v5, v2  }
0xb7: {  	vm6 =	vlt.u32 v3, $0x1900000;
	vm4 =	vmand vm5, vm4  }
0xb8: {  	vm4 =	vmand vm6, vm4  }
0xb9: {  	v4 =	vnsel vm4, $0xFFFFFFFF, v3  }
0xba: {  	s31 =	sand.u32 $0x1, s0  }
0xbb: {  	s0 =	simm.s32 $0x1F40;
	p1 =	seq.s32 s31, $0x1  }
0xbc: {  	s0 =	simm.s32 @!p1 $0x0  }
0xbd: {  	s26 =	sadd.s32 $0x7DF0, s0;
	(ifvalue) =	ssetifvalue $0xFFFFFFFF  }
0xbe: {  	v3 =	vperm.xlane v3, v1;
	[tilespmem:s26], [sflag:$0x8] =	stream.indirect_vreg.gather [hbm4b:s1+s16], $0x1, v4, vm0, $0x4038;
	v4 =	vnsel vm6, $0xFFFFFFFE, v4;
	[tilespmem:$0x11A60] =	vst v63  }
0xbf: {  	s2 =	simm.s32 $0x0;
	s22 =	sadd.s32 $0xFFFFFFF0, s28;
	[tilespmem:s28+$0x0] =	vst v4  }
.LBB3_3:
0xc0: {  	v4 =	vld.msk [tilespmem:s22+$0x0 ss:$0x1], $0xffff;
	s2 =	sadd.s32 $0x10, s2;
	v5 =	vmov v3;
	s28 =	smov.u32 s22  }
0xc1: {  	p1 =	slt.u32 s2, $0x1F30;
	_ =	sdelay $0x4  }
0xc2: {  	v3 =	vperm.xlane v4, v1;
	(xrf1) =	vunique.msk.u32 $0xffff, v4;
	_ =	sdelay $0xd  }
0xc3: {  	v6, _, _ =	vpop (xrf1)  }
0xc4: {  	vm5 =	vne.s32 v4, v5;
	vm4 =	veq.s32 v6, v2  }
0xc5: {  	vm6 =	vlt.u32 v4, $0x1900000;
	vm4 =	vmand vm5, vm4  }
0xc6: {  	vm4 =	vmand vm6, vm4  }
0xc7: {  	v4 =	vnsel vm4, $0xFFFFFFFF, v4  }
.Ltmp8:
0xc8: {  	v5 =	vnsel vm6, $0xFFFFFFFE, v4;
	(pc) =	sbr.rel @p1 .LBB3_3-.Ltmp8, $3  }
0xc9: {  	_ =	sdelay $0x1  }
0xca: {  	s22 =	sadd.s32 $0xFFFFFFF0, s22;
	s26 =	sadd.s32 $0xFFFFFFF0, s26;
	(ifvalue) =	ssetifvalue $0xFFFFFFFF  }
0xcb: {  	[tilespmem:s26], [sflag:$0x8] =	stream.indirect_vreg.gather [hbm4b:s1+s16], $0x1, v4, vm0, $0x4038;
	[tilespmem:s28+$0x0] =	vst v5  }
0xcc: {  	s2 =	sshrl.u32 s25, $0x3  }
0xcd: {  	s0 =	sadd.s32 $0x9D40, s0;
	s2 =	sadd.s32 s9, s2  }
0xce: {  	[tilespmem:s0], [sflag:$0x8] =	stream.linear.gather [hbm:s2], $0x1F40, $0x38;
	[tilespmem:$0x11A60] =	vst v63  }
.LBB3_5:
0xcf: {  	p1 =	slt.u32 s24, $0x2  }
0xd0: {  	p2 =	sge.u32 @!p1 s24, s12  }
0xd1: {  	p1 =	por p1, p2  }
.Ltmp9:
0xd2: {  	_ = 	snop;
	(pc) =	sbr.rel @p1 .LBB3_9-.Ltmp9, $1  }
0xd3: {  	_ =	sdelay $0x3  }
0xd4: {  	s0 =	sadd.s32 $0xFFFFFFFE, s24  }
0xd5: {  	s2 =	smulhi.u32 $0xAAAAAAAB, s0;
	_ =	sdelay $0x1  }
0xd6: {  	s2 =	sshrl.u32 s2, $0x1  }
0xd7: {  	s2 =	smul.u32 $0x3, s2;
	_ =	sdelay $0x1  }
0xd8: {  	s0 =	ssub.s32 s0, s2  }
0xd9: {  	_ =	swait.ge [sflag:s8], $0x3E80;
	s0 =	smul.u32 $0x1F40, s0  }
0xda: {  	p1 =	sne.s32 s24, s11;
	[sflag:s8] =	ssyncset.done $0x0  }
0xdb: {  	[sflag:s8] =	ssyncadd.s32 $0xFFFFC180;
	s2 =	sadd.s32 @!p1 $0x203F, s0  }
0xdc: {  	[spmem:s14] =	stream.linear.scatter @!p1 [tilespmem:s2], [sflag:$0x1], $0x1, $0x38;
	[tilespmem:$0x11A60] =	vst v63  }
0xdd: {  	s2 =	simm.s32 @!p1 $0x1  }
0xde: {  	_ =	swait.ge @!p1 [sflag:s2], $0x1  }
0xdf: {  	s22 =	sshll.u32 s24, $0x4;
	[sflag:s2] =	ssyncset.done @!p1 $0x0  }
0xe0: {  	s25 =	sand.u32 $0x10, s22;
	[sflag:s2] =	ssyncadd.s32 @!p1 $0xFFFFFFFF  }
0xe1: {  	s2 =	sxor.u32 $0x10, s25;
	v4 =	vld [tilespmem:s25+$0x10]  }
0xe2: {  	v5 =	vld [tilespmem:s2+$0x60]  }
0xe3: {  	v3 =	vld [tilespmem:$0x80];
	_ =	sdelay $0x2  }
0xe4: {  	(v2sf) =	vpush v4, $0x0  }
0xe5: {  	(v2sf) =	vpush v5, $0x0  }
0xe6: {  	(v2sf) =	vpush v3, $0x0;
	_ =	sdelay $0xc  }
0xe7: {  	s22 =	spop (v2sf)  }
0xe8: {  	s26 =	spop (v2sf)  }
0xe9: {  	s28 =	spop (v2sf)  }
0xea: {  	p2 =	seq.s32 s22, s26;
	p3 =	seq.s32 s28, s22  }
0xeb: {  	p3 =	por p2, p3  }
0xec: {  	s26 =	sand.u32 $0x1, s24;
	v4 =	vpsel p3, $0xFFFFFFFF, v4  }
0xed: {  	s29 =	smul.u32 $0x1F40, s26;
	[tilespmem:s25+$0x10] =	vst.msk $0x1, v4  }
0xee: {  	v4 =	vld [tilespmem:$0x30]  }
0xef: {  	v5 =	vld [tilespmem:s29+$0x9D40]  }
0xf0: {  	v6 =	vld [tilespmem:s25+$0x40];
	_ =	sdelay $0x3  }
0xf1: {  	vm4 =	vmmov vm1;
	v5 =	vadd.f32 v5, v4  }
0xf2: {  	vm5 =	vmmov vm2;
	vm4 =	vmmov @p2 vm2;
	s22 =	sshll.u32 s26, $0x4;
	v4 =	vadd.f32 v6, v4  }
0xf3: {  	s26 =	sor.u32 $0x11A40, s22;
	vm5 =	vmmov @p3 vm1;
	[tilespmem:s29+$0x9D40] =	vst.msk vm4, v5  }
0xf4: {  	[tilespmem:s26+$0x0] =	vst.msk vm5, v4  }
0xf5: {  	v4 =	vld [tilespmem:s29+$0x7DF0];
	_ =	sdelay $0x3  }
0xf6: {  	v5 =	vimm.f32 $0.0e+00  }
0xf7: {  	v4 =	vshift.insert v4, v5, s21  }
0xf8: {  	s22 =	sor.u32 $0x40, s2  }
0xf9: {  	[tilespmem:s22+$0x0] =	vst.msk $0x1, v4  }
0xfa: {  	[tilespmem:s29+$0x7DFF] =	vst.msk $0x1, v5  }
0xfb: {  	v4 =	vld [tilespmem:s0+$0x2030];
	_ =	sdelay $0x1  }
0xfc: {  	s22 =	smulhi.u32 $0xAAAAAAAB, s20;
	s0 =	simm.s32 $0x1  }
0xfd: {  	s0 =	simm.s32 @!p0 $0x0  }
0xfe: {  	s22 =	sshrl.u32 s22, $0x1;
	s0 =	smul.u32 $0x7D00, s0  }
0xff: {  	s22 =	smul.u32 $0xFFFE8900, s22;
	v4 =	vshift.insert v4, v1, s21  }
0x100: {  	s0 =	sshrl.u32 s0, $0x2  }
0x101: {  	s22 =	sshra.s32 s22, $0x2;
	s30 =	sadd.s32 $0x9D40, s0;
	[tilespmem:s2+$0x10] =	vst.msk $0x1, v4  }
0x102: {  	s22 =	sadd.s32 s22, s19;
	v6 =	vld [tilespmem:s30+$0x0]  }
0x103: {  	v7 =	vld [tilespmem:s22+$0x0];
	_ =	sdelay $0x3  }
0x104: {  	v5 =	vadd.f32 v6, v5  }
0x105: {  	vm4 =	vne.s32 v7, $0xFFFFFFFF  }
0x106: {  	(xrf2) =	vadd.seg.scan.f32 vm4, v5;
	_ =	sdelay $0x3  }
0x107: {  	s31 =	sadd.s32 $0x5EC0, s0;
	v5 =	vperm.xlane v4, v1  }
0x108: {  	v6 =	vld [tilespmem:s31+$0x0]  }
0x109: {  	vm5 =	veq.s32 v7, v3;
	vm6 =	veq.s32 v7, v5  }
0x10a: {  	vm7 =	vgt.u32 v7, $0xFFFFFFFD;
	vm6 =	vmor vm6, vm5  }
0x10b: {  	vm6 =	vmor vm6, vm7  }
0x10c: {  	v9 =	vld [tilespmem:$0xA0];
	v7 =	vsel vm6, $0xFFFFFFFF, v7  }
0x10d: {  	v10 =	vld [tilespmem:$0x90];
	v6 =	vsel vm5, $0x0, v6;
	v8, _, _ =	vpop (xrf2)  }
0x10e: {  	v6 =	vadd.f32 v8, v6  }
0x10f: {  	s0 =	sadd.s32 $0xDBC0, s0  }
0x110: {  	vm4 =	vmand vm4, vm3;
	[tilespmem:s0+$0x0] =	vst v6;
	(ifvalue) =	ssetifvalue $0xFFFFFFFF  }
0x111: {  	vm6 =	veq.s32 v9, $0x1;
	[hbm4b:s1+s16] =	stream.indirect_vreg.scatter [tilespmem:s0], [sflag:$0x2], $0x1, v7, vm0, $0x4038;
	v7 =	vsel vm4, $0x0, v8;
	[tilespmem:$0x11A60] =	vst v63  }
0x112: {  	s2 =	simm.s32 $0x0;
	s22 =	sadd.s32 $0x10, s22;
	vm4 =	vmor vm6, vm5;
	v6 =	vsel vm5, v8, v10;
	v7 =	vshift.insert v7, v0, s21  }
.LBB3_7:
0x113: {  	v8 =	vld [tilespmem:s22+$0x0];
	s30 =	sadd.s32 $0x10, s30  }
0x114: {  	s31 =	sadd.s32 $0x10, s31;
	v9 =	vld [tilespmem:s30+$0x0]  }
0x115: {  	s2 =	sadd.s32 $0x10, s2;
	v10 =	vld [tilespmem:s31+$0x0]  }
0x116: {  	p2 =	slt.u32 s2, $0x1F30;
	_ =	sdelay $0x2  }
0x117: {  	v7 =	vadd.f32 v9, v7  }
0x118: {  	vm5 =	vne.s32 v8, $0xFFFFFFFF  }
0x119: {  	vm6 =	vmand vm5, vm3;
	(xrf2) =	vadd.seg.scan.f32 vm5, v7;
	_ =	sdelay $0x5  }
0x11a: {  	vm7 =	veq.s32 v8, v5;
	vm5 =	veq.s32 v8, v3  }
0x11b: {  	vm8 =	vgt.u32 v8, $0xFFFFFFFD;
	vm4 =	vmor vm4, vm5;
	vm7 =	vmor vm7, vm5  }
0x11c: {  	vm7 =	vmor vm7, vm8  }
0x11d: {  	v8 =	vsel vm7, $0xFFFFFFFF, v8  }
.Ltmp10:
0x11e: {  	v7 =	vsel vm5, $0x0, v10;
	v9, _, _ =	vpop (xrf2);
	(pc) =	sbr.rel @p2 .LBB3_7-.Ltmp10, $4  }
0x11f: {  	v6 =	vsel vm5, v9, v6;
	v10 =	vadd.f32 v9, v7;
	v7 =	vsel vm6, $0x0, v9  }
0x120: {  	s0 =	sadd.s32 $0x10, s0;
	v7 =	vshift.insert v7, v0, s21  }
0x121: {  	s22 =	sadd.s32 $0x10, s22;
	[tilespmem:s0+$0x0] =	vst v10;
	(ifvalue) =	ssetifvalue $0xFFFFFFFF  }
0x122: {  	[hbm4b:s1+s16] =	stream.indirect_vreg.scatter [tilespmem:s0], [sflag:$0x2], $0x1, v8, vm0, $0x4038;
	[tilespmem:$0x11A60] =	vst v63  }
0x123: {  	v3 =	vld [tilespmem:s29+$0xFAF0];
	_ =	sdelay $0x4  }
0x124: {  	v3 =	vshift.insert v3, v0, s21  }
0x125: {  	s0 =	simm.s32 $0x30  }
0x126: {  	[tilespmem:s0+$0x0] =	vst.msk $0x1, v3  }
0x127: {  	v3 =	vsel vm4, $0x1, v1;
	[tilespmem:$0x90] =	vst v6  }
0x128: {  	s0 =	sadd.s32 @!p1 $0xFAFF, s29;
	[tilespmem:$0xA0] =	vst v3  }
0x129: {  	[spmem:s15] =	stream.linear.scatter @!p1 [tilespmem:s0], [sflag:$0x1], $0x1, $0x38;
	[tilespmem:$0x11A60] =	vst v63  }
0x12a: {  	s0 =	simm.s32 @!p1 $0x1  }
0x12b: {  	v3 =	vmctz.xlane @!p1 vm4;
	_ =	swait.ge @!p1 [sflag:s0], $0x1  }
0x12c: {  	(v2sf) =	vpush @!p1 v4, $0x0  }
0x12d: {  	(v2sf) =	vpush @!p1 v3, $0x0;
	_ =	sdelay $0xd  }
0x12e: {  	s2 =	spop @!p1 (v2sf)  }
0x12f: {  	s22 =	spop @!p1 (v2sf)  }
0x130: {  	p2 =	sne.s32 @!p1 s28, s2;
	p3 =	slt.s32 @!p1 s22, $0xF  }
0x131: {  	[sflag:s0] =	ssyncset.done @!p1 $0x0;
	p2 =	por p2, p1;
	p3 =	por !p3, p1  }
0x132: {  	[sflag:s0] =	ssyncadd.s32 @!p1 $0xFFFFFFFF;
	v3 =	vimm.s32 @!p2 $0xFFFFFFFF;
	s22 =	simm.s32 @p3 $0xF  }
0x133: {  	[tilespmem:$0x80] =	vst @!p2 v3;
	s2 =	sadd.s32 @!p1 $0x90, s22  }
0x134: {  	[spmem:s3] =	stream.linear.scatter @!p1 [tilespmem:s2], [sflag:$0x1], $0x1, $0x38;
	[tilespmem:$0x11A60] =	vst v63  }
0x135: {  	_ =	swait.ge @!p1 [sflag:s0], $0x1  }
0x136: {  	[sflag:s0] =	ssyncset.done @!p1 $0x0  }
0x137: {  	s2 =	simm.s32 @!p1 $0x80;
	[sflag:s0] =	ssyncadd.s32 @!p1 $0xFFFFFFFF  }
0x138: {  	[spmem:s13] =	stream.linear.scatter @!p1 [tilespmem:s2], [sflag:$0x1], $0x1, $0x38;
	[tilespmem:$0x11A60] =	vst v63  }
0x139: {  	_ =	swait.ge @!p1 [sflag:s0], $0x1  }
0x13a: {  	[sflag:s0] =	ssyncset.done @!p1 $0x0  }
0x13b: {  	[sflag:s0] =	ssyncadd.s32 @!p1 $0xFFFFFFFF;
	(ifvalue) =	ssetifvalue $0xFFFFFFFF;
	v3 =	vld [tilespmem:s25+$0x10];
	_ =	sdelay $0x3  }
.Ltmp11:
0x13c: {  	_ = 	snop;
	(pc) =	sbr.rel .LBB3_9-.Ltmp11, $3  }
0x13d: {  	_ =	sdelay $0x1  }
0x13e: {  	(ifvalue) =	ssetifvalue $0xFFFFFFFF  }
0x13f: {  	[hbm4b:s1+s16] =	stream.indirect_vreg.scatter [tilespmem:s26], [sflag:$0x9], $0x1, v3, vm0, $0x4038;
	[tilespmem:$0x11A60] =	vst v63  }
.LBB3_10:
0x140: {  	_ =	sfence.sel $0x180000  }
0x141: {  	s0 =	simm.s32 $0x7;
	[bflag:$0x0] =	sbarrier.arrive $0xFFFF  }
0x142: {  	s26 =	simm.s32 $0x8;
	[sflag:s0] =	ssyncpa.u1 $0x1  }
0x143: {  	s28 =	simm.s32 $0x9;
	[sflag:s26] =	ssyncpa.u1 $0x1  }
0x144: {  	[sflag:s28] =	ssyncpa.u1 $0x1  }
0x145: {  	_ =	sfence.stream.spmem  }
0x146: {  	s29 =	simm.s32 $0x3;
	[bflag:$0x0] =	sbarrier.arrive $0xFFFF  }
0x147: {  	s30 =	simm.s32 $0x4;
	[sflag:s29] =	ssyncpa.u1 $0x1  }
0x148: {  	s31 =	simm.s32 $0x3C;
	s2 =	stileid.u32;
	[sflag:s30] =	ssyncpa.u1 $0x1  }
0x149: {  	p0 =	sne.s32 s2, $0x0;
	[sflag:s31] =	ssyncpa.u1 $0x1  }
0x14a: {  	s0 =	simm.s32 @p0 $0x1;
	_ =	sfence @p0  }
0x14b: {  	[sflag:s0] =	ssyncpa.u1 @p0 $0x1;
	s0 =	simm.s32 @p0 $0x2  }
0x14c: {  	[sflag:s0] =	ssyncpa.u1 @p0 $0x1  }
0x14d: {  	_ =	strace @p0 $0x90000056  }
0x14e: {  	[bflag:$0x2] =	sbarrier.arrive @p0 $0xFFFF  }
0x14f: {  	_ =	shalt @p0  }
.LBB3_11:
0x150: {  	_ =	sfence.stream.spmem;
	s0 =	simm.s32 $0x5  }
0x151: {  	s2 =	simm.s32 $0x80;
	s3 =	simm.s32 $0xC0;
	[sflag:s0] =	ssyncpa.u1 $0x0  }
0x152: {  	[tilespmem:s3], [sflag:$0x5] =	stream.linear.gather [spmem:s2], $0x20, $0x38;
	[tilespmem:$0x11A60] =	vst v63  }
0x153: {  	s2 =	simm.s32 $0x0;
	s3 =	simm.s32 $0xE0  }
0x154: {  	[tilespmem:s3], [sflag:$0x5] =	stream.linear.gather [spmem:s2], $0x20, $0x38;
	[tilespmem:$0x11A60] =	vst v63  }
.Ltmp12:
0x155: {  	_ = 	snop;
	(pc) =	sbr.rel .LBB3_12-.Ltmp12, $4  }
0x156: {  	_ =	swait.ge [sflag:s0], $0x40  }
0x157: {  	[sflag:s0] =	ssyncset.done $0x0  }
0x158: {  	s31 =	simm.s32 $0x6;
	[sflag:s0] =	ssyncadd.s32 $0xFFFFFFC0  }
0x159: {  	s4 =	simm.s32 $0x0;
	[sflag:s31] =	ssyncpa.u1 $0x0  }
.LBB3_17:
0x15a: {  	p0 =	sgt.u32 s5, $0x18FFFFF  }
0x15b: {  	s0 =	sshrl.u32 @!p0 s5, $0x3  }
0x15c: {  	s5 =	sand.u32 @!p0 $0x7, s5;
	s6 =	simm.s32 @!p0 $0xB0;
	s0 =	sadd.s32 @!p0 s1, s0  }
0x15d: {  	[tilespmem:s6], [sflag:$0x6] =	stream.linear.gather @!p0 [hbm4b:s0+s5], $0x1, $0x38;
	[tilespmem:$0x11A60] =	vst v63  }
0x15e: {  	s0 =	simm.s32 @!p0 $0x6  }
0x15f: {  	_ =	swait.ge @!p0 [sflag:s0], $0x1  }
0x160: {  	[sflag:s0] =	ssyncset.done @!p0 $0x0  }
0x161: {  	[sflag:s0] =	ssyncadd.s32 @!p0 $0xFFFFFFFF  }
0x162: {  	v2 =	vmov @!p0 s4;
	v1 =	vld.msk @!p0 [tilespmem:$0xB0], $0x1;
	_ =	sdelay $0x3  }
0x163: {  	s0 =	simm.s32 @!p0 $0xE0  }
0x164: {  	[tilespmem:v2+s0+$0x0], v1 =	vst.idx.ret.add.f32.msk @!p0 $0x1, v1  }
0x165: {  	[tilespmem:s2+$0xC0] =	vst.msk $0x1, v0  }
0x166: {  	v0 =	vld.msk [tilespmem:s4+$0xE0], $0x1;
	_ =	sdelay $0x4  }
0x167: {  	[tilespmem:s2+$0xE0] =	vst.msk $0x1, v0;
	s2 =	sadd.s32 $0x1, s2  }
.LBB3_19:
0x168: {  	s4 =	sadd.s32 $0x1, s4  }
0x169: {  	p0 =	sne.s32 s4, $0x20  }
.Ltmp13:
0x16a: {  	_ = 	snop;
	(pc) =	sbr.rel @!p0 .LBB3_20-.Ltmp13, $1  }
0x16b: {  	_ =	sdelay $0x3  }
.LBB3_12:
0x16c: {  	v0 =	vld.msk [tilespmem:s4+$0xC0], $0x1;
	_ =	sdelay $0x4  }
0x16d: {  	(v2sf) =	vpush v0, $0x0;
	_ =	sdelay $0xe  }
0x16e: {  	s5 =	spop (v2sf)  }
0x16f: {  	p0 =	seq.s32 s5, $0xFFFFFFFF  }
.Ltmp14:
0x170: {  	_ = 	snop;
	(pc) =	sbr.rel @p0 .LBB3_19-.Ltmp14, $1  }
0x171: {  	_ =	sdelay $0x3  }
0x172: {  	p0 =	slt.s32 s2, $0x1  }
.Ltmp15:
0x173: {  	_ = 	snop;
	(pc) =	sbr.rel @p0 .LBB3_17-.Ltmp15, $1  }
0x174: {  	_ =	sdelay $0x3  }
0x175: {  	s0 =	simm.s32 $0xC0;
	p0 =	por $0x0, $0x0  }
0x176: {  	v1 =	vld.msk @!p0 [tilespmem:s0+$0x0], $0x1;
	_ =	sdelay $0x4  }
0x177: {  	(v2sf) =	vpush @!p0 v1, $0x0;
	_ =	sdelay $0xd  }
0x178: {  	p2 =	sne.s32 s2, $0x1  }
.Ltmp16:
0x179: {  	s6 =	spop @!p0 (v2sf);
	(pc) =	sbr.rel @!p2 .LBB3_16-.Ltmp16, $4  }
0x17a: {  	p1 =	seq.s32 @!p0 s5, s6  }
0x17b: {  	s6 =	simm.s32 $0x0;
	p1 =	por !p1, p0  }
0x17c: {  	s8 =	simm.s32 $0xFFFFFFFF;
	s6 =	simm.s32 @p1 $0xFFFFFFFF  }
0x17d: {  	s7 =	simm.s32 $0x1;
	s6 =	smov.u32 @p0 s8  }
.LBB3_15:
0x17e: {  	s8 =	smov.u32 s6;
	p0 =	sne.s32 s6, $0xFFFFFFFF  }
0x17f: {  	s0 =	sadd.s32 $0x1, s0;
	s6 =	smov.u32 s7;
	s7 =	sadd.s32 $0x1, s7  }
0x180: {  	p1 =	sne.s32 s2, s7;
	v1 =	vld.msk @!p0 [tilespmem:s0+$0x0], $0x1;
	_ =	sdelay $0x4  }
0x181: {  	(v2sf) =	vpush @!p0 v1, $0x0;
	_ =	sdelay $0xe  }
.Ltmp17:
0x182: {  	s9 =	spop @!p0 (v2sf);
	(pc) =	sbr.rel @p1 .LBB3_15-.Ltmp17, $4  }
0x183: {  	p2 =	seq.s32 @!p0 s5, s9  }
0x184: {  	p2 =	por !p2, p0  }
0x185: {  	s6 =	simm.s32 @p2 $0xFFFFFFFF  }
0x186: {  	s6 =	smov.u32 @p0 s8  }
.LBB3_16:
0x187: {  	p0 =	sne.s32 s6, $0xFFFFFFFF  }
.Ltmp18:
0x188: {  	_ = 	snop;
	(pc) =	sbr.rel @!p0 .LBB3_17-.Ltmp18, $1  }
0x189: {  	_ =	sdelay $0x3  }
0x18a: {  	v0 =	vld.msk [tilespmem:s4+$0xE0], $0x1;
	v1 =	vmov s6  }
.Ltmp19:
0x18b: {  	_ = 	snop;
	(pc) =	sbr.rel .LBB3_19-.Ltmp19, $2  }
0x18c: {  	_ =	sdelay $0x2  }
0x18d: {  	[tilespmem:v1+s3+$0x0], v0 =	vst.idx.ret.add.f32.msk $0x1, v0  }
.LBB3_20:
0x18e: {  	p0 =	slt.s32 s2, $0x1  }
.Ltmp20:
0x18f: {  	_ = 	snop;
	(pc) =	sbr.rel @p0 .LBB3_24-.Ltmp20, $3  }
0x190: {  	_ =	sdelay $0x1  }
0x191: {  	s0 =	simm.s32 $0x6  }
0x192: {  	s3 =	simm.s32 $0x0;
	[sflag:s0] =	ssyncpa.u1 $0x1  }
0x193: {  	s0 =	simm.s32 $0xC0  }
0x194: {  	v0 =	vld.msk [tilespmem:s0+$0x0], $0x1;
	_ =	sdelay $0x4  }
0x195: {  	(v2sf) =	vpush v0, $0x0;
	_ =	sdelay $0xe  }
0x196: {  	s2 =	sadd.s32 $0xFFFFFFFF, s2;
	s4 =	spop (v2sf)  }
0x197: {  	p1 =	sne.s32 s2, $0x0;
	p0 =	sgt.u32 s4, $0x18FFFFF  }
.Ltmp21:
0x198: {  	s5 =	sshrl.u32 @!p0 s4, $0x3;
	(pc) =	sbr.rel @!p1 .LBB3_23-.Ltmp21, $4  }
0x199: {  	s0 =	simm.s32 $0xE0;
	s4 =	sand.u32 @!p0 $0x7, s4;
	s5 =	sadd.s32 @!p0 s1, s5  }
0x19a: {  	[hbm4b:s5+s4] =	stream.linear.scatter @!p0 [tilespmem:s0], [sflag:$0x5], $0x1, $0x38;
	[tilespmem:$0x11A60] =	vst v63  }
0x19b: {  	s5 =	simm.s32 $0x0  }
0x19c: {  	s4 =	simm.s32 $0xC1;
	s5 =	simm.s32 @!p0 $0x4  }
.LBB3_22:
0x19d: {  	v0 =	vld.msk [tilespmem:s4+$0x0], $0x1;
	s2 =	sadd.s32 $0xFFFFFFFF, s2;
	s3 =	sadd.s32 s3, s5  }
0x19e: {  	p0 =	sne.s32 s2, $0x0;
	_ =	sdelay $0x3  }
0x19f: {  	(v2sf) =	vpush v0, $0x0;
	_ =	sdelay $0xe  }
.Ltmp22:
0x1a0: {  	s6 =	spop (v2sf);
	(pc) =	sbr.rel @p0 .LBB3_22-.Ltmp22, $4  }
0x1a1: {  	s5 =	simm.s32 $0x0;
	p1 =	sgt.u32 s6, $0x18FFFFF  }
0x1a2: {  	s0 =	sadd.s32 $0x1, s0;
	s5 =	simm.s32 @!p1 $0x4;
	s7 =	sshrl.u32 @!p1 s6, $0x3  }
0x1a3: {  	s4 =	sadd.s32 $0x1, s4;
	s6 =	sand.u32 @!p1 $0x7, s6;
	s7 =	sadd.s32 @!p1 s1, s7  }
0x1a4: {  	[hbm4b:s7+s6] =	stream.linear.scatter @!p1 [tilespmem:s0], [sflag:$0x5], $0x1, $0x38;
	[tilespmem:$0x11A60] =	vst v63  }
.LBB3_23:
0x1a5: {  	s0 =	sadd.s32 s3, s5  }
0x1a6: {  	s3 =	sshrl.u32 s0, $0x2  }
.LBB3_24:
0x1a7: {  	s0 =	simm.s32 $0x5  }
0x1a8: {  	_ =	swait.ge [sflag:s0], s3  }
0x1a9: {  	s1 =	ssub.s32 $0x0, s3;
	[sflag:s0] =	ssyncset.done $0x0  }
0x1aa: {  	[sflag:s0] =	ssyncadd.s32 s1  }
0x1ab: {  	[sflag:s0] =	ssyncpa.u1 $0x1  }
0x1ac: {  	s29 =	simm.s32 $0x1;
	_ =	sfence  }
0x1ad: {  	s30 =	simm.s32 $0x2;
	[sflag:s29] =	ssyncpa.u1 $0x1  }
0x1ae: {  	[sflag:s30] =	ssyncpa.u1 $0x1  }
0x1af: {  	_ =	strace $0x90000056  }
0x1b0: {  	[bflag:$0x2] =	sbarrier.arrive $0xFFFF  }
0x1b1: {  	s31 =	rddreg [dreg:$0x1]  }
0x1b2: {  	s0 =	sadd.s32 $0x100000, s31  }
0x1b3: {  	[sflag:s0] =	ssyncadd.tile.s32 $0x1;
	_ =	shalt  }
.Lfunc_end3:
_tile_overlayer_lowered:
.L_overlay_start_3:
0x1b4: {  	(tag) =	ssettag $0x3  }
0x1b5: {  	s0 =	rddreg [dreg:$0x0];
	s2 =	stileid.u32  }
0x1b6: {  	s1 =	rddreg [dreg:$0x1];
	p0 =	sne.s32 s2, $0x0  }
0x1b7: {  	s3 =	rddreg [dreg:$0x2];
	[bflag:$0x3] =	sbarrier.arrive $0xFFFF;
	s2 =	simm.s32 @!p0 $0x1C01  }
0x1b8: {  	[timem:s3], [sflag:s2] =	dma.local @!p0 [hbm:s0], s1  }
0x1b9: {  	s0 =	simm.s32 @!p0 $0x1  }
0x1ba: {  	_ =	swait.ge @!p0 [sflag:s0], s1  }
0x1bb: {  	s1 =	ssub.s32 @!p0 $0x0, s1;
	[sflag:s0] =	ssyncset.done @!p0 $0x0  }
0x1bc: {  	[sflag:s0] =	ssyncadd.s32 @!p0 s1  }
0x1bd: {  	[bflag:$0x3] =	sbarrier.arrive $0xFFFF  }
0x1be: {  	_ =	shalt  }

// kernel: scatter_offload_async_start.4
scs
__scs_entry_jumppad:
0x0: {  	(pc) =	sbr.rel $0x88, $3  }
0x1: {  	(tag) =	ssettag $0x0;
	lr =	simm.s32 $0x1  }
0x2: {  	[smem:$0x3F8E] =	sst lr;
	_ =	strace $0xD0000000  }
0x3: {  	_ = 	snop  }
0x4: {  	_ = 	snop  }
0x5: {  	_ = 	snop  }
0x6: {  	_ = 	snop  }
0x7: {  	_ = 	snop  }
__scs_overlays_trampoline_lowered:
0x8: {  	[smem:$0x3F9D] =	sst s0  }
0x9: {  	[smem:$0x3F9E] =	sst s1  }
0xa: {  	[smem:$0x3F9F] =	sst s2  }
0xb: {  	[smem:$0x3FA0] =	sst s3  }
0xc: {  	[smem:$0x3FA1] =	sst s4  }
0xd: {  	[smem:$0x3FA2] =	sst s5  }
0xe: {  	[smem:$0x3FA3] =	sst s6  }
0xf: {  	[smem:$0x3FA4] =	sst s7  }
0x10: {  	[smem:$0x3FA5] =	sst s8  }
0x11: {  	[smem:$0x3FA6] =	sst s9;
	s0 =	simm.s32 @!p0 $0x0  }
0x12: {  	s1 =	sld [smem:$0x3F8C];
	s0 =	simm.s32 @p0 $0x1  }
0x13: {  	[smem:$0x3FA7] =	sst s0;
	s0 =	simm.s32 @!p1 $0x0  }
0x14: {  	s2 =	sld [smem:$0x3F8B];
	s0 =	simm.s32 @p1 $0x1  }
0x15: {  	[smem:$0x3FA8] =	sst s0;
	s0 =	simm.s32 @!p2 $0x0  }
0x16: {  	s3 =	sld [smem:$0x3FDB];
	s0 =	simm.s32 @p2 $0x1  }
0x17: {  	s4 =	simm.s32 $0x1BF5;
	[smem:$0x3FAA] =	sst s0  }
0x18: {  	s0 =	sld [smem:$0x3F8D];
	_ =	swait.ge [sflag:s4], $0x0  }
0x19: {  	s7 =	sld [smem:$0x3F8E]  }
0x1a: {  	s8 =	sadd.s32 $0xFFFFE003, lr  }
0x1b: {  	s9 =	sadd.s32 $0xFFFFFEF7, lr;
	s5 =	simm.s32 $0xFFFFFFFF;
	p2 =	slt.u32 s8, $0xFFFFF086  }
0x1c: {  	p1 =	slt.u32 s9, $0xF7A;
	s5 =	simm.s32 @!p2 $0x0  }
0x1d: {  	s5 =	simm.s32 @p1 $0x1;
	p0 =	seq.s32 s7, s2  }
0x1e: {  	s7 =	smul.u32 @!p0 $0xF7A, s2;
	p2 =	seq.s32 @!p0 s5, $0x0  }
0x1f: {  	s9 =	smul.u32 $0xF7A, s1;
	s8 =	simm.s32 @!p0 $0x1BF5;
	p2 =	por !p2, p0  }
0x20: {  	[sflag:s8] =	ssyncset.s32 @!p0 $0xFFFFF086;
	s6 =	sadd.s32 @!p0 s3, s7;
	s7 =	simm.s32 @!p0 $0x108  }
0x21: {  	s3 =	sadd.s32 s3, s9;
	s6 =	sadd.s32 @!p0 $0x88, s6;
	s7 =	simm.s32 @p2 $0x1082  }
0x22: {  	[simem:s7], [sflag:s8] =	dma.local @!p0 [hbm:s6], $0xF7A  }
0x23: {  	s9 =	sor.u32 $0xD0000000, s2;
	s6 =	simm.s32 $0x108;
	_ =	swait.ge @!p0 [sflag:s8], $0x0  }
0x24: {  	s3 =	sadd.s32 $0x88, s3;
	s6 =	simm.s32 @!p1 $0x1082;
	[sflag:s4] =	ssyncset.s32 $0xFFFFF086  }
0x25: {  	[simem:s6], [sflag:s4] =	dma.local [hbm:s3], $0xF7A  }
0x26: {  	[smem:$0x3F8E] =	sst s1;
	(tag) =	ssettag s2;
	_ =	strace s9  }
0x27: {  	s1 =	sld [smem:$0x3F9E]  }
0x28: {  	s2 =	sld [smem:$0x3F9F]  }
0x29: {  	s4 =	sld [smem:$0x3FA1]  }
0x2a: {  	p0 =	seq.s32 s5, $0x0;
	s5 =	sld [smem:$0x3FA2]  }
0x2b: {  	s6 =	sld [smem:$0x3FA3]  }
0x2c: {  	s7 =	sld [smem:$0x3FA4]  }
0x2d: {  	s3 =	simm.s32 $0x108;
	s8 =	sld [smem:$0x3FA5]  }
0x2e: {  	s3 =	simm.s32 @!p0 $0x1082;
	s9 =	sld [smem:$0x3FA6]  }
0x2f: {  	lr =	sadd.s32 s0, s3;
	s0 =	sld [smem:$0x3F9D]  }
0x30: {  	s3 =	sld [smem:$0x3FA0]  }
0x31: {  	[smem:$0x3FA9] =	sst s10  }
0x32: {  	s10 =	sld [smem:$0x3FA7];
	_ =	sdelay $0x3  }
0x33: {  	p0 =	seq.s32 s10, $0x1;
	s10 =	sld [smem:$0x3FA9];
	_ =	sdelay $0x3  }
0x34: {  	[smem:$0x3FA9] =	sst s10  }
0x35: {  	s10 =	sld [smem:$0x3FA8];
	_ =	sdelay $0x3  }
0x36: {  	p1 =	seq.s32 s10, $0x1;
	s10 =	sld [smem:$0x3FA9];
	_ =	sdelay $0x3  }
0x37: {  	[smem:$0x3FA9] =	sst s10  }
0x38: {  	s10 =	sld [smem:$0x3FAA]  }
0x39: {  	_ = 	snop;
	(pc) =	sbr.ind lr, $3  }
0x3a: {  	_ = 	snop  }
0x3b: {  	_ = 	snop  }
0x3c: {  	p2 =	seq.s32 s10, $0x1;
	s10 =	sld [smem:$0x3FA9]  }
0x3d: {  	_ =	shalt  }
0x3e: {  	_ =	shalt  }
0x3f: {  	_ =	shalt  }
0x40: {  	_ =	shalt  }
0x41: {  	_ =	shalt  }
0x42: {  	_ =	shalt  }
0x43: {  	_ =	shalt  }
0x44: {  	_ =	shalt  }
0x45: {  	_ =	shalt  }
0x46: {  	_ =	shalt  }
0x47: {  	_ =	shalt  }
0x48: {  	_ =	shalt  }
0x49: {  	_ =	shalt  }
0x4a: {  	_ =	shalt  }
0x4b: {  	_ =	shalt  }
0x4c: {  	_ =	shalt  }
0x4d: {  	_ =	shalt  }
0x4e: {  	_ =	shalt  }
0x4f: {  	_ =	shalt  }
0x50: {  	_ =	shalt  }
0x51: {  	_ =	shalt  }
0x52: {  	_ =	shalt  }
0x53: {  	_ =	shalt  }
0x54: {  	_ =	shalt  }
0x55: {  	_ =	shalt  }
0x56: {  	_ =	shalt  }
0x57: {  	_ =	shalt  }
0x58: {  	_ =	shalt  }
0x59: {  	_ =	shalt  }
0x5a: {  	_ =	shalt  }
0x5b: {  	_ =	shalt  }
0x5c: {  	_ =	shalt  }
0x5d: {  	_ =	shalt  }
0x5e: {  	_ =	shalt  }
0x5f: {  	_ =	shalt  }
0x60: {  	_ =	shalt  }
0x61: {  	_ =	shalt  }
0x62: {  	_ =	shalt  }
0x63: {  	_ =	shalt  }
0x64: {  	_ =	shalt  }
0x65: {  	_ =	shalt  }
0x66: {  	_ =	shalt  }
0x67: {  	_ =	shalt  }
0x68: {  	_ =	shalt  }
0x69: {  	_ =	shalt  }
0x6a: {  	_ =	shalt  }
0x6b: {  	_ =	shalt  }
0x6c: {  	_ =	shalt  }
0x6d: {  	_ =	shalt  }
0x6e: {  	_ =	shalt  }
0x6f: {  	_ =	shalt  }
0x70: {  	_ =	shalt  }
0x71: {  	_ =	shalt  }
0x72: {  	_ =	shalt  }
0x73: {  	_ =	shalt  }
0x74: {  	_ =	shalt  }
0x75: {  	_ =	shalt  }
0x76: {  	_ =	shalt  }
0x77: {  	_ =	shalt  }
0x78: {  	_ =	shalt  }
0x79: {  	_ =	shalt  }
0x7a: {  	_ =	shalt  }
0x7b: {  	_ =	shalt  }
0x7c: {  	_ =	shalt  }
0x7d: {  	_ =	shalt  }
0x7e: {  	_ =	shalt  }
0x7f: {  	_ =	shalt  }
0x80: {  	_ =	shalt  }
0x81: {  	_ =	shalt  }
0x82: {  	_ =	shalt  }
0x83: {  	_ =	shalt  }
0x84: {  	_ =	shalt  }
0x85: {  	_ =	shalt  }
0x86: {  	_ =	shalt  }
0x87: {  	_ =	shalt  }
.Lfunc_end0:
.L_simem_size_0:
called_computation.4_lowered:
.L_overlay_start_0:
0x88: {  	s0 =	sld [smem:$0x3FD9]  }
0x89: {  	s1 =	sld [smem:$0x3FFE];
	_ =	sdelay $0x3  }
0x8a: {  	s0 =	sadd.s32 s1, s0  }
0x8b: {  	[smem:$0x3FB5] =	sst s0  }
0x8c: {  	_ = 	snop  }
0x8d: {  	(tm) =	ssettm $0x1  }
0x8e: {  	s14 =	sld [smem:$0x3FFB];
	_ =	sdelay $0x3  }
0x8f: {  	_ =	strace s14  }
0x90: {  	s0 =	sld [smem:$0x3FFC];
	_ =	sdelay $0x3  }
0x91: {  	_ =	strace s0  }
0x92: {  	s0 =	sld [smem:$0x3FFD];
	_ =	sdelay $0x3  }
0x93: {  	_ =	strace s0  }
0x94: {  	_ =	strace $0x8FFFFFFF  }
0x95: {  	s15 =	sld [smem:$0x3FDB];
	_ =	sdelay $0x1  }
0x96: {  	s16 =	simm.s32 $_scs_section_size  }
0x97: {  	s2 =	simm.s32 $_size__tile_overlayer_lowered;
	s3 =	simm.s32 $_tile_overlayer_lowered  }
0x98: {  	s4 =	simm.s32 $0x1BFF;
	s17 =	sshll.u32 s3, $0x1;
	s1 =	sadd.s32 s16, s15  }
0x99: {  	s18 =	simm.s32 $0x0;
	s2 =	sshll.u32 s2, $0x1;
	s3 =	sadd.s32 s17, s1  }
0x9a: {  	[timem:s18], [sflag:s4] =	dma.local [hbm:s3], s2  }
0x9b: {  	_ =	swait.ge [sflag:s4], s2  }
0x9c: {  	s2 =	ssub.s32 $0x0, s2;
	[sflag:s4] =	ssyncset.done $0x0  }
0x9d: {  	[sflag:s4] =	ssyncadd.s32 s2;
	_ =	sdelay $0x1  }
0x9e: {  	s19 =	simm.s32 $0x1B8B  }
0x9f: {  	_ =	swait.ge [sflag:s19], $0x1  }
0xa0: {  	[sflag:s19] =	ssyncset.done $0x0  }
0xa1: {  	s21 =	simm.s32 $0x1B8E;
	s20 =	sld [smem:$0x3FFE];
	[sflag:s19] =	ssyncadd.s32 $0xFFFFFFFF  }
0xa2: {  	s22 =	simm.s32 $execute0_lowered;
	[smem:$0x3FD2] =	sst s21  }
0xa3: {  	s3 =	sshll.u32 s22, $0x1;
	_ =	strace $0x8000004C;
	[dreg:$0x1] =	wrdreg $0xFFFFFFFF  }
0xa4: {  	s23 =	simm.s32 $_size_execute0_lowered;
	s3 =	sadd.s32 s1, s3;
	[dreg:$0x0] =	wrdreg $0x0  }
0xa5: {  	s4 =	sshll.u32 s23, $0x1;
	[dreg:$0x2] =	wrdreg s3  }
0xa6: {  	[dreg:$0x3] =	wrdreg s4  }
0xa7: {  	[dreg:$0x4] =	wrdreg $0xC0  }
0xa8: {  	s24 =	simm.s32 $execute1_lowered;
	_ =	task [dreg:s18], $0x5FFFF  }
0xa9: {  	s3 =	sshll.u32 s24, $0x1;
	[dreg:$0x1] =	wrdreg $0xFFFFFFFF  }
0xaa: {  	s1 =	sadd.s32 s1, s3;
	[dreg:$0x0] =	wrdreg $0x60  }
0xab: {  	[dreg:$0x2] =	wrdreg s1  }
0xac: {  	[dreg:$0x3] =	wrdreg s20  }
0xad: {  	[dreg:$0x4] =	wrdreg $0xB  }
0xae: {  	_ =	task.clear_ibuf [dreg:s18], $0x5FFFF;
	_ =	strace $0x9000004C  }
0xaf: {  	s25 =	simm.s32 $0xB;
	_ =	strace $0x8000004E  }
0xb0: {  	_ =	swait.ge [sflag:s25], $0x1  }
0xb1: {  	[sflag:s25] =	ssyncadd.s32 $0xFFFFFFFF  }
0xb2: {  	_ =	strace $0x9000004E  }
0xb3: {  	_ =	strace $0x8000004F;
	[dreg:$0x1] =	wrdreg $0xFFFFFFFF  }
0xb4: {  	[dreg:$0x0] =	wrdreg $0x2030  }
0xb5: {  	[dreg:$0x2] =	wrdreg s20  }
0xb6: {  	[dreg:$0x3] =	wrdreg $0xC  }
0xb7: {  	_ =	task.clear_ibuf [dreg:s18], $0x4FFFF;
	_ =	strace $0x9000004F  }
0xb8: {  	s26 =	simm.s32 $0xC;
	_ =	strace $0x80000051  }
0xb9: {  	_ =	swait.ge [sflag:s26], $0x1  }
0xba: {  	[sflag:s26] =	ssyncadd.s32 $0xFFFFFFFF  }
0xbb: {  	_ =	strace $0x90000051  }
0xbc: {  	_ =	sfence  }
0xbd: {  	s28 =	sld [smem:$0x0];
	_ =	sdelay $0x1  }
0xbe: {  	s29 =	srdreg.scid  }
0xbf: {  	s30 =	sshll.u32 s29, $0xD;
	s31 =	sshrl.u32 s29, $0x2  }
0xc0: {  	s2 =	sand.u32 $0x1, s29;
	s3 =	sand.u32 $0x4000, s30;
	s1 =	sadd.s32 s31, s28  }
0xc1: {  	s2 =	sor.u32 s3, s2;
	s1 =	sshll.u32 s1, $0x11  }
0xc2: {  	s1 =	sor.u32 s1, s2  }
0xc3: {  	s1 =	sadd.s32 $0x8F2B, s1  }
0xc4: {  	[sflag:s1] =	ssyncadd.remote.s32 $0x1  }
0xc5: {  	_ =	sfence.sel $0xFFFF  }
0xc6: {  	[dreg:$0x0] =	wrdreg $0xFFFFFFFF;
	(pc) =	sbr.abs _section_cstart, $3  }
0xc7: {  	[dreg:$0x1] =	wrdreg $0xFFFFFFFF  }
0xc8: {  	_ =	task.clear_ibuf [dreg:s18], $0x2FFFF;
	_ =	strace $0x9FFFFFFF  }
0xc9: {  	(tm) =	ssettm $0x7FFFFFFF  }
tec
execute0_lowered:
.L_overlay_start_1:
0x0: {  	(tag) =	ssettag $0x1  }
0x1: {  	s2 =	rddreg [dreg:$0x0]  }
0x2: {  	s6 =	rddreg [dreg:$0x1]  }
0x3: {  	s0 =	rddreg [dreg:$0x2];
	s3 =	stileid.u32  }
0x4: {  	[bflag:$0x3] =	sbarrier.arrive $0xFFFF;
	s1 =	simm.s32 $_size_execute1_lowered;
	p0 =	sne.s32 s3, $0x0  }
0x5: {  	s1 =	sshll.u32 s1, $0x1;
	s4 =	simm.s32 @!p0 $0x1C3F;
	s5 =	simm.s32 @!p0 $0x4060  }
0x6: {  	[timem:s5], [sflag:s4] =	dma.local @!p0 [hbm:s2], s1  }
0x7: {  	s7 =	simm.s32 $0x1;
	s8 =	simm.s32 $0x2;
	s2 =	sshll.u32 s3, $0xE  }
0x8: {  	s10 =	simm.s32 $0x0;
	s9 =	simm.s32 $0x0;
	s30 =	ssub.s32 $0x1900000, s2  }
.Ltmp0:
0x9: {  	s3 =	sadd.s32 $0xA9600, s6;
	s31 =	sand.u32 $0x3C000, s30;
	(pc) =	sbr.rel .LBB2_1-.Ltmp0, $4  }
0xa: {  	s4 =	simm.s32 $0x1;
	_ =	strace $0x8000004D;
	p1 =	sne.s32 s31, $0x0  }
0xb: {  	s5 =	sshrl.u32 s30, $0x12;
	[sflag:s4] =	ssyncpa.u1 $0x0;
	s7 =	simm.s32 @!p1 $0x0  }
0xc: {  	s6 =	sadd.s32 $0x3C9600, s6;
	[sflag:s8] =	ssyncpa.u1 $0x0;
	s5 =	sadd.s32 s7, s5  }
0xd: {  	s8 =	smov.u32 s2;
	p1 =	por $0x0, $0x0;
	s7 =	sadd.s32 $0x1, s5  }
.LBB2_4:
0xe: {  	[tilespmem:s11+$0xB0] =	vst v0  }
0xf: {  	[tilespmem:s11+$0xC0] =	vst v1  }
0x10: {  	[tilespmem:s11+$0xD0] =	vst v2  }
0x11: {  	[tilespmem:s11+$0xE0] =	vst v3;
	s13 =	sshrl.u32 s10, $0x3  }
0x12: {  	[tilespmem:s11+$0xFFFFFF00] =	vst v4;
	s31 =	sand.u32 $0x7, s10;
	s30 =	sadd.s32 s6, s13  }
0x13: {  	[hbm4b:s30+s31] =	stream.linear.scatter [tilespmem:s12], [sflag:$0x2], $0x4000, $0x38;
	[tilespmem:$0x10000] =	vst v63  }
.LBB2_5:
0x14: {  	s12 =	sadd.s32 $0x40000, s8  }
0x15: {  	p3 =	sgt.s32 s12, $0x18FFFFF  }
0x16: {  	s12 =	smov.u32 @p3 s2;
	p3 =	sne.s32 s9, s7  }
.Ltmp1:
0x17: {  	p2 =	slt.u32 s9, $0x2;
	(pc) =	sbr.rel @!p3 .LBB2_6-.Ltmp1, $4  }
0x18: {  	s11 =	simm.s32 @!p2 $0x2  }
0x19: {  	s13 =	sadd.s32 $0x1, s9;
	_ =	swait.ge @!p2 [sflag:s11], $0x4000  }
0x1a: {  	s10 =	smov.u32 s8;
	p1 =	por !p1, !p1;
	[sflag:s11] =	ssyncset.done @!p2 $0x0  }
0x1b: {  	s9 =	smov.u32 s13;
	s8 =	smov.u32 s12;
	[sflag:s11] =	ssyncadd.s32 @!p2 $0xFFFFC000  }
.LBB2_1:
0x1c: {  	p2 =	sge.u32 s9, s5  }
0x1d: {  	s11 =	sxor.u32 @!p2 $0xFFFFFFFF, s9  }
0x1e: {  	s31 =	sadd.s32 $0xFFFFFFFF, s9;
	s12 =	sshrl.u32 @!p2 s8, $0x3;
	s11 =	sshll.u32 @!p2 s11, $0xE  }
0x1f: {  	s13 =	sand.u32 @!p2 $0x7, s8;
	s12 =	sadd.s32 @!p2 s3, s12;
	s11 =	sand.u32 @!p2 $0x4000, s11  }
0x20: {  	[tilespmem:s11], [sflag:$0x1] =	stream.linear.gather @!p2 [hbm4b:s12+s13], $0x4000, $0x38;
	[tilespmem:$0x10000] =	vst v63  }
0x21: {  	p2 =	sge.u32 s31, s5  }
.Ltmp2:
0x22: {  	_ = 	snop;
	(pc) =	sbr.rel @p2 .LBB2_5-.Ltmp2, $1  }
0x23: {  	_ =	sdelay $0x3  }
0x24: {  	s11 =	simm.s32 $0x1  }
0x25: {  	_ =	swait.ge [sflag:s4], $0x4000;
	s11 =	simm.s32 @!p1 $0x0  }
0x26: {  	[sflag:s4] =	ssyncset.done $0x0;
	s11 =	sshll.u32 s11, $0xE  }
0x27: {  	[sflag:s4] =	ssyncadd.s32 $0xFFFFC000;
	s14 =	sor.u32 $0x100, s11  }
0x28: {  	v0 =	vld [tilespmem:s14+$0xF0]  }
0x29: {  	v1 =	vld [tilespmem:s14+$0xFFFFFF10]  }
0x2a: {  	v2 =	vld [tilespmem:s14+$0xFFFFFF20]  }
0x2b: {  	v3 =	vld [tilespmem:s14+$0xFFFFFF30]  }
0x2c: {  	s11 =	sor.u32 $0x8100, s11;
	v4 =	vld [tilespmem:s14+$0xFFFFFF40]  }
0x2d: {  	v5 =	vld [tilespmem:s14+$0xFFFFFF50];
	[tilespmem:s11+$0xF0] =	vst v0  }
0x2e: {  	[tilespmem:s11+$0xFFFFFF10] =	vst v1;
	v0 =	vld [tilespmem:s14+$0xFFFFFF60]  }
0x2f: {  	[tilespmem:s11+$0xFFFFFF20] =	vst v2;
	v1 =	vld [tilespmem:s14+$0xFFFFFF70]  }
0x30: {  	[tilespmem:s11+$0xFFFFFF30] =	vst v3;
	v2 =	vld [tilespmem:s14+$0xFFFFFF80]  }
0x31: {  	[tilespmem:s11+$0xFFFFFF40] =	vst v4;
	v3 =	vld [tilespmem:s14+$0xFFFFFF90]  }
0x32: {  	[tilespmem:s11+$0xFFFFFF50] =	vst v5;
	v4 =	vld [tilespmem:s14+$0xFFFFFFA0]  }
0x33: {  	v5 =	vld [tilespmem:s14+$0xA0];
	[tilespmem:s11+$0xFFFFFF60] =	vst v0  }
0x34: {  	v0 =	vld [tilespmem:s14+$0xFFFFFFB0];
	[tilespmem:s11+$0xFFFFFF70] =	vst v1  }
0x35: {  	v1 =	vld [tilespmem:s14+$0xFFFFFFC0];
	[tilespmem:s11+$0xFFFFFF80] =	vst v2  }
0x36: {  	v2 =	vld [tilespmem:s14+$0xFFFFFFD0];
	[tilespmem:s11+$0xFFFFFF90] =	vst v3  }
0x37: {  	v3 =	vld [tilespmem:s14+$0xFFFFFFE0];
	[tilespmem:s11+$0xFFFFFFA0] =	vst v4  }
0x38: {  	v4 =	vld [tilespmem:s14+$0xFFFFFFF0];
	[tilespmem:s11+$0xA0] =	vst v5  }
0x39: {  	[tilespmem:s11+$0xFFFFFFB0] =	vst v0;
	v0 =	vld [tilespmem:s14+$0x0]  }
0x3a: {  	[tilespmem:s11+$0xFFFFFFC0] =	vst v1;
	v1 =	vld [tilespmem:s14+$0x10]  }
0x3b: {  	[tilespmem:s11+$0xFFFFFFD0] =	vst v2;
	v2 =	vld [tilespmem:s14+$0x20]  }
0x3c: {  	[tilespmem:s11+$0xFFFFFFE0] =	vst v3;
	v3 =	vld [tilespmem:s14+$0x30]  }
0x3d: {  	[tilespmem:s11+$0xFFFFFFF0] =	vst v4;
	v4 =	vld [tilespmem:s14+$0x40]  }
0x3e: {  	[tilespmem:s11+$0x0] =	vst v0;
	v0 =	vld [tilespmem:s14+$0x50]  }
0x3f: {  	[tilespmem:s11+$0x10] =	vst v1;
	v1 =	vld [tilespmem:s14+$0x60]  }
0x40: {  	[tilespmem:s11+$0x20] =	vst v2;
	v2 =	vld [tilespmem:s14+$0x70]  }
0x41: {  	[tilespmem:s11+$0x30] =	vst v3;
	v3 =	vld [tilespmem:s14+$0x80]  }
0x42: {  	[tilespmem:s11+$0x40] =	vst v4;
	v4 =	vld [tilespmem:s14+$0x90]  }
0x43: {  	[tilespmem:s11+$0x50] =	vst v0;
	v0 =	vld [tilespmem:s14+$0xB0]  }
0x44: {  	[tilespmem:s11+$0x60] =	vst v1;
	v1 =	vld [tilespmem:s14+$0xC0]  }
0x45: {  	s12 =	sshll.u32 s9, $0xE;
	[tilespmem:s11+$0x70] =	vst v2;
	v2 =	vld [tilespmem:s14+$0xD0]  }
0x46: {  	s12 =	sand.u32 $0x4000, s12;
	[tilespmem:s11+$0x80] =	vst v3;
	v3 =	vld [tilespmem:s14+$0xE0]  }
0x47: {  	s13 =	simm.s32 $0x0;
	s12 =	sor.u32 $0x8000, s12;
	[tilespmem:s11+$0x90] =	vst v4;
	v4 =	vld [tilespmem:s14+$0xFFFFFF00];
	s14 =	sadd.s32 $0x200, s14  }
.LBB2_3:
0x48: {  	v5 =	vld [tilespmem:s14+$0xF0];
	s13 =	sadd.s32 $0x200, s13;
	[tilespmem:s11+$0xB0] =	vst v0  }
0x49: {  	v0 =	vld [tilespmem:s14+$0xFFFFFF10];
	p2 =	slt.u32 s13, $0x3E00;
	[tilespmem:s11+$0xC0] =	vst v1  }
0x4a: {  	v1 =	vld [tilespmem:s14+$0xFFFFFF20];
	[tilespmem:s11+$0xD0] =	vst v2  }
0x4b: {  	v2 =	vld [tilespmem:s14+$0xFFFFFF30];
	[tilespmem:s11+$0xE0] =	vst v3  }
0x4c: {  	v3 =	vld [tilespmem:s14+$0xFFFFFF40];
	[tilespmem:s11+$0xFFFFFF00] =	vst v4;
	s11 =	sadd.s32 $0x200, s11  }
0x4d: {  	v4 =	vld [tilespmem:s14+$0xFFFFFF50];
	[tilespmem:s11+$0xF0] =	vst v5  }
0x4e: {  	[tilespmem:s11+$0xFFFFFF10] =	vst v0;
	v0 =	vld [tilespmem:s14+$0xFFFFFF60]  }
0x4f: {  	[tilespmem:s11+$0xFFFFFF20] =	vst v1;
	v1 =	vld [tilespmem:s14+$0xFFFFFF70]  }
0x50: {  	[tilespmem:s11+$0xFFFFFF30] =	vst v2;
	v2 =	vld [tilespmem:s14+$0xFFFFFF80]  }
0x51: {  	[tilespmem:s11+$0xFFFFFF40] =	vst v3;
	v3 =	vld [tilespmem:s14+$0xFFFFFF90]  }
0x52: {  	[tilespmem:s11+$0xFFFFFF50] =	vst v4;
	v4 =	vld [tilespmem:s14+$0xFFFFFFA0]  }
0x53: {  	[tilespmem:s11+$0xFFFFFF60] =	vst v0;
	v0 =	vld [tilespmem:s14+$0xFFFFFFB0]  }
0x54: {  	[tilespmem:s11+$0xFFFFFF70] =	vst v1;
	v1 =	vld [tilespmem:s14+$0xFFFFFFC0]  }
0x55: {  	[tilespmem:s11+$0xFFFFFF80] =	vst v2;
	v2 =	vld [tilespmem:s14+$0xFFFFFFD0]  }
0x56: {  	[tilespmem:s11+$0xFFFFFF90] =	vst v3;
	v3 =	vld [tilespmem:s14+$0xFFFFFFE0]  }
0x57: {  	[tilespmem:s11+$0xFFFFFFA0] =	vst v4;
	v4 =	vld [tilespmem:s14+$0xFFFFFFF0]  }
0x58: {  	[tilespmem:s11+$0xFFFFFFB0] =	vst v0;
	v0 =	vld [tilespmem:s14+$0x0]  }
0x59: {  	[tilespmem:s11+$0xFFFFFFC0] =	vst v1;
	v1 =	vld [tilespmem:s14+$0x10]  }
0x5a: {  	[tilespmem:s11+$0xFFFFFFD0] =	vst v2;
	v2 =	vld [tilespmem:s14+$0x20]  }
0x5b: {  	[tilespmem:s11+$0xFFFFFFE0] =	vst v3;
	v3 =	vld [tilespmem:s14+$0x30]  }
0x5c: {  	[tilespmem:s11+$0xFFFFFFF0] =	vst v4;
	v4 =	vld [tilespmem:s14+$0x40]  }
0x5d: {  	[tilespmem:s11+$0x0] =	vst v0;
	v0 =	vld [tilespmem:s14+$0x50]  }
0x5e: {  	[tilespmem:s11+$0x10] =	vst v1;
	v1 =	vld [tilespmem:s14+$0x60]  }
0x5f: {  	[tilespmem:s11+$0x20] =	vst v2;
	v2 =	vld [tilespmem:s14+$0x70]  }
0x60: {  	[tilespmem:s11+$0x30] =	vst v3;
	v3 =	vld [tilespmem:s14+$0x80]  }
0x61: {  	[tilespmem:s11+$0x40] =	vst v4;
	v4 =	vld [tilespmem:s14+$0x90]  }
0x62: {  	[tilespmem:s11+$0x50] =	vst v0;
	v5 =	vld [tilespmem:s14+$0xA0]  }
.Ltmp3:
0x63: {  	[tilespmem:s11+$0x60] =	vst v1;
	v0 =	vld [tilespmem:s14+$0xB0];
	(pc) =	sbr.rel @p2 .LBB2_3-.Ltmp3, $4  }
0x64: {  	[tilespmem:s11+$0x70] =	vst v2;
	v1 =	vld [tilespmem:s14+$0xC0]  }
0x65: {  	[tilespmem:s11+$0x80] =	vst v3;
	v2 =	vld [tilespmem:s14+$0xD0]  }
0x66: {  	[tilespmem:s11+$0x90] =	vst v4;
	v3 =	vld [tilespmem:s14+$0xE0]  }
0x67: {  	v4 =	vld [tilespmem:s14+$0xFFFFFF00];
	[tilespmem:s11+$0xA0] =	vst v5;
	s14 =	sadd.s32 $0x200, s14  }
.Ltmp4:
0x68: {  	_ = 	snop;
	(pc) =	sbr.rel .LBB2_4-.Ltmp4, $1  }
0x69: {  	_ =	sdelay $0x3  }
.LBB2_6:
0x6a: {  	_ =	sfence.sel $0x180000  }
0x6b: {  	s2 =	simm.s32 $0x1;
	[bflag:$0x0] =	sbarrier.arrive $0xFFFF  }
0x6c: {  	s31 =	simm.s32 $0x2;
	[sflag:s2] =	ssyncpa.u1 $0x1  }
0x6d: {  	[sflag:s31] =	ssyncpa.u1 $0x1  }
0x6e: {  	_ =	strace $0x9000004D  }
0x6f: {  	s0 =	sadd.s32 @!p0 $0x100000, s0;
	[bflag:$0x2] =	sbarrier.arrive $0xFFFF  }
0x70: {  	[sflag:s0] =	ssyncadd.tile.s32 @!p0 $0x1;
	s0 =	simm.s32 @!p0 $0x3F  }
0x71: {  	_ =	swait.ge @!p0 [sflag:s0], s1  }
0x72: {  	s1 =	ssub.s32 @!p0 $0x0, s1;
	[sflag:s0] =	ssyncset.done @!p0 $0x0  }
0x73: {  	[sflag:s0] =	ssyncadd.s32 @!p0 s1  }
0x74: {  	[bflag:$0x3] =	sbarrier.arrive $0xFFFF  }
0x75: {  	_ =	shalt  }
.Lfunc_end2:
execute1_lowered:
.L_overlay_start_2:
0x76: {  	(tag) =	ssettag $0x2  }
0x77: {  	s0 =	rddreg [dreg:$0x0];
	_ =	strace $0x80000050;
	s15 =	stileid.u32  }
0x78: {  	s2 =	simm.s32 $0x1;
	s1 =	smin.u32 s15, $0x8;
	s3 =	sshll.u32 s15, $0x1  }
0x79: {  	v1 =	vimm.s32 $0xFFFFFFFF;
	[sflag:s2] =	ssyncpa.u1 $0x0;
	s1 =	sadd.s32 s1, s3  }
0x7a: {  	p0 =	slt.u32 s15, $0x8;
	[tilespmem:$0x10] =	vst v1;
	s4 =	smul.u32 $0x1F40, s1;
	s1 =	simm.s32 $0x5DC0  }
0x7b: {  	v0 =	vimm.f32 $0.0e+00;
	[tilespmem:$0x20] =	vst v1;
	s1 =	simm.s32 @!p0 $0x3E80  }
0x7c: {  	[tilespmem:$0x30] =	vst v0;
	s1 =	sadd.s32 s1, s4  }
0x7d: {  	[tilespmem:$0x40] =	vst v0;
	s5 =	smin.u32 s1, $0x4E200  }
0x7e: {  	s7 =	simm.s32 $0x2;
	s8 =	simm.s32 $0x8;
	[tilespmem:$0x50] =	vst v0;
	s9 =	ssub.s32 s5, s4  }
0x7f: {  	s31 =	simm.s32 $0x9;
	s16 =	simm.s32 $0x0;
	[tilespmem:$0x60] =	vst v1;
	p0 =	sgt.s32 s9, $0x0  }
0x80: {  	s17 =	simm.s32 $0xF0;
	s18 =	simm.s32 $0xFFFFFFFF;
	[tilespmem:$0x70] =	vst v1;
	s9 =	simm.s32 @!p0 $0x0  }
0x81: {  	s19 =	simm.s32 $0xFFFFC280;
	s20 =	simm.s32 $0xFFFFFFFE;
	[tilespmem:$0x80] =	vst v1;
	s30 =	smulhi.u32 $0x10624DD3, s9  }
0x82: {  	s21 =	simm.s32 $0xF;
	s25 =	simm.s32 $0x0;
	s24 =	simm.s32 $0x0;
	v1 =	vimm.s32 $0x0;
	[tilespmem:$0xB0] =	vst v0  }
0x83: {  	s6 =	sadd.s32 $0x28800, s0;
	s15 =	sshllo.u32 s15, $0x1;
	[tilespmem:$0x90] =	vst v1;
	s10 =	sshrl.u32 s30, $0x9  }
0x84: {  	[tilespmem:$0xA0] =	vst v1;
	[sflag:s7] =	ssyncpa.u1 $0x0;
	s7 =	simm.s32 $0x7;
	s11 =	smul.u32 $0x1F40, s10  }
.Ltmp5:
0x85: {  	s13 =	sor.u32 $0x80, s3;
	[sflag:s7] =	ssyncpa.u1 $0x0;
	(pc) =	sbr.rel .LBB3_1-.Ltmp5, $4  }
0x86: {  	s14 =	sor.u32 $0x81, s3;
	[sflag:s8] =	ssyncpa.u1 $0x0;
	p0 =	sne.s32 s9, s11  }
0x87: {  	s23 =	smov.u32 s4;
	s1 =	sadd.s32 $0x3C9600, s0;
	s2 =	simm.s32 @!p0 $0x0  }
0x88: {  	vm0 =	vmmov $0xffff;
	v2 =	vlaneseq.u32;
	[sflag:s31] =	ssyncpa.u1 $0x0;
	s9 =	sadd.s32 $0x32600, s0;
	s10 =	sadd.s32 s2, s10  }
0x89: {  	vm1 =	vmxor vm1, vm1;
	vm2 =	vmmov $0x1;
	vm3 =	vcmask $0x3F3C;
	p0 =	por $0x0, $0x0;
	s11 =	sadd.s32 $0x1, s10;
	s12 =	sadd.s32 $0x2, s10  }
.LBB3_9:
0x8a: {  	p1 =	slt.u32 s24, $0x3  }
0x8b: {  	s0 =	simm.s32 @!p1 $0x2  }
0x8c: {  	_ =	swait.ge @!p1 [sflag:s0], $0x1F40  }
0x8d: {  	[sflag:s0] =	ssyncset.done @!p1 $0x0  }
0x8e: {  	[sflag:s0] =	ssyncadd.s32 @!p1 $0xFFFFE0C0;
	s0 =	simm.s32 @!p1 $0x9  }
0x8f: {  	_ =	swait.ge @!p1 [sflag:s0], $0x10  }
0x90: {  	[sflag:s0] =	ssyncset.done @!p1 $0x0  }
0x91: {  	[sflag:s0] =	ssyncadd.s32 @!p1 $0xFFFFFFF0;
	p1 =	sne.s32 s24, s12  }
.Ltmp6:
0x92: {  	s2 =	sadd.s32 $0x1F40, s23;
	(pc) =	sbr.rel @!p1 .LBB3_10-.Ltmp6, $4  }
0x93: {  	s22 =	smov.u32 s4;
	s31 =	sadd.s32 $0x1, s24;
	s17 =	sadd.s32 $0x1F40, s17  }
0x94: {  	s18 =	sadd.s32 $0x1, s18;
	s25 =	smov.u32 s23;
	p2 =	slt.s32 s2, s5  }
0x95: {  	p0 =	por !p0, !p0;
	s19 =	sadd.s32 $0x1F40, s19;
	s22 =	smov.u32 @p2 s2  }
0x96: {  	s20 =	sadd.s32 $0x1, s20;
	s23 =	smov.u32 s22;
	s24 =	smov.u32 s31  }
.LBB3_1:
0x97: {  	p1 =	sge.u32 s24, s10  }
0x98: {  	s0 =	smulhi.u32 @!p1 $0xAAAAAAAB, s24;
	_ =	sdelay $0x1  }
0x99: {  	s0 =	sshrl.u32 @!p1 s0, $0x1  }
0x9a: {  	s0 =	smul.u32 @!p1 $0x3, s0;
	_ =	sdelay $0x1  }
0x9b: {  	s0 =	ssub.s32 @!p1 s24, s0  }
0x9c: {  	s0 =	smul.u32 @!p1 $0x7D00, s0;
	_ =	sdelay $0x1  }
0x9d: {  	s2 =	sshrl.u32 @!p1 s23, $0x3;
	s0 =	sshrl.u32 @!p1 s0, $0x2  }
0x9e: {  	s22 =	sand.u32 @!p1 $0x7, s23;
	s2 =	sadd.s32 @!p1 s6, s2;
	s0 =	sadd.s32 @!p1 $0x100, s0  }
0x9f: {  	[tilespmem:s0], [sflag:$0x7] =	stream.linear.gather @!p1 [hbm4b:s2+s22], $0x1F40, $0x38;
	[tilespmem:$0x11A60] =	vst v63  }
0xa0: {  	s0 =	sadd.s32 $0xFFFFFFFF, s24  }
0xa1: {  	p1 =	sge.u32 s0, s10  }
.Ltmp7:
0xa2: {  	_ = 	snop;
	(pc) =	sbr.rel @p1 .LBB3_5-.Ltmp7, $1  }
0xa3: {  	_ =	sdelay $0x3  }
0xa4: {  	s2 =	smulhi.u32 $0xAAAAAAAB, s0;
	_ =	sdelay $0x1  }
0xa5: {  	s2 =	sshrl.u32 s2, $0x1  }
0xa6: {  	s2 =	smul.u32 $0x3, s2;
	_ =	sdelay $0x1  }
0xa7: {  	s2 =	ssub.s32 s0, s2  }
0xa8: {  	s2 =	smul.u32 $0x7D00, s2  }
0xa9: {  	_ =	swait.ge [sflag:s7], $0x1F40  }
0xaa: {  	[sflag:s7] =	ssyncset.done $0x0;
	s2 =	sshrl.u32 s2, $0x2  }
0xab: {  	[sflag:s7] =	ssyncadd.s32 $0xFFFFE0C0;
	(ifvalue) =	ssetifvalue $0xFFFFFFFF;
	v3 =	vld.msk [tilespmem:s2+$0x100 ss:$0x1], $0xffff;
	_ =	sdelay $0x2  }
0xac: {  	s30 =	smulhi.u32 $0xAAAAAAAB, s18;
	p1 =	sne.s32 s24, $0x1  }
0xad: {  	v4 =	vimm.s32 @!p1 $0x0  }
0xae: {  	s2 =	sshrl.u32 s30, $0x1;
	v4 =	vperm.xlane @!p1 v3, v4  }
0xaf: {  	s22 =	sshll.u32 s24, $0x4;
	s2 =	smul.u32 $0xFFFE8900, s2;
	vm4 =	vlt.u32 v3, $0x1900000  }
0xb0: {  	s22 =	sand.u32 $0x10, s22;
	v3 =	vnsel vm4, $0xFFFFFFFE, v3;
	vm4 =	vlt.u32 @!p1 v4, $0x1900000  }
0xb1: {  	s2 =	sshra.s32 s2, $0x2;
	[tilespmem:s22+$0x60] =	vst v3;
	v3 =	vnsel @!p1 vm4, $0xFFFFFFFE, v4  }
0xb2: {  	s28 =	sadd.s32 s2, s17;
	[tilespmem:$0x80] =	vst @!p1 v3  }
0xb3: {  	v3 =	vld.msk [tilespmem:s28+$0x0 ss:$0x1], $0xffff;
	_ =	sdelay $0x4  }
0xb4: {  	(xrf1) =	vunique.msk.u32 $0xffff, v3;
	_ =	sdelay $0xd  }
0xb5: {  	v4 =	vimm.s32 $0xFFFFFFFF;
	v5, _, _ =	vpop (xrf1)  }
0xb6: {  	vm5 =	vne.s32 v3, v4;
	vm4 =	veq.s32 v5, v2  }
0xb7: {  	vm6 =	vlt.u32 v3, $0x1900000;
	vm4 =	vmand vm5, vm4  }
0xb8: {  	vm4 =	vmand vm6, vm4  }
0xb9: {  	v4 =	vnsel vm4, $0xFFFFFFFF, v3  }
0xba: {  	s31 =	sand.u32 $0x1, s0  }
0xbb: {  	s0 =	simm.s32 $0x1F40;
	p1 =	seq.s32 s31, $0x1  }
0xbc: {  	s0 =	simm.s32 @!p1 $0x0  }
0xbd: {  	s26 =	sadd.s32 $0x7DF0, s0;
	(ifvalue) =	ssetifvalue $0xFFFFFFFF  }
0xbe: {  	v3 =	vperm.xlane v3, v1;
	[tilespmem:s26], [sflag:$0x8] =	stream.indirect_vreg.gather [hbm4b:s1+s16], $0x1, v4, vm0, $0x4038;
	v4 =	vnsel vm6, $0xFFFFFFFE, v4;
	[tilespmem:$0x11A60] =	vst v63  }
0xbf: {  	s2 =	simm.s32 $0x0;
	s22 =	sadd.s32 $0xFFFFFFF0, s28;
	[tilespmem:s28+$0x0] =	vst v4  }
.LBB3_3:
0xc0: {  	v4 =	vld.msk [tilespmem:s22+$0x0 ss:$0x1], $0xffff;
	s2 =	sadd.s32 $0x10, s2;
	v5 =	vmov v3;
	s28 =	smov.u32 s22  }
0xc1: {  	p1 =	slt.u32 s2, $0x1F30;
	_ =	sdelay $0x4  }
0xc2: {  	v3 =	vperm.xlane v4, v1;
	(xrf1) =	vunique.msk.u32 $0xffff, v4;
	_ =	sdelay $0xd  }
0xc3: {  	v6, _, _ =	vpop (xrf1)  }
0xc4: {  	vm5 =	vne.s32 v4, v5;
	vm4 =	veq.s32 v6, v2  }
0xc5: {  	vm6 =	vlt.u32 v4, $0x1900000;
	vm4 =	vmand vm5, vm4  }
0xc6: {  	vm4 =	vmand vm6, vm4  }
0xc7: {  	v4 =	vnsel vm4, $0xFFFFFFFF, v4  }
.Ltmp8:
0xc8: {  	v5 =	vnsel vm6, $0xFFFFFFFE, v4;
	(pc) =	sbr.rel @p1 .LBB3_3-.Ltmp8, $3  }
0xc9: {  	_ =	sdelay $0x1  }
0xca: {  	s22 =	sadd.s32 $0xFFFFFFF0, s22;
	s26 =	sadd.s32 $0xFFFFFFF0, s26;
	(ifvalue) =	ssetifvalue $0xFFFFFFFF  }
0xcb: {  	[tilespmem:s26], [sflag:$0x8] =	stream.indirect_vreg.gather [hbm4b:s1+s16], $0x1, v4, vm0, $0x4038;
	[tilespmem:s28+$0x0] =	vst v5  }
0xcc: {  	s2 =	sshrl.u32 s25, $0x3  }
0xcd: {  	s0 =	sadd.s32 $0x9D40, s0;
	s2 =	sadd.s32 s9, s2  }
0xce: {  	[tilespmem:s0], [sflag:$0x8] =	stream.linear.gather [hbm:s2], $0x1F40, $0x38;
	[tilespmem:$0x11A60] =	vst v63  }
.LBB3_5:
0xcf: {  	p1 =	slt.u32 s24, $0x2  }
0xd0: {  	p2 =	sge.u32 @!p1 s24, s12  }
0xd1: {  	p1 =	por p1, p2  }
.Ltmp9:
0xd2: {  	_ = 	snop;
	(pc) =	sbr.rel @p1 .LBB3_9-.Ltmp9, $1  }
0xd3: {  	_ =	sdelay $0x3  }
0xd4: {  	s0 =	sadd.s32 $0xFFFFFFFE, s24  }
0xd5: {  	s2 =	smulhi.u32 $0xAAAAAAAB, s0;
	_ =	sdelay $0x1  }
0xd6: {  	s2 =	sshrl.u32 s2, $0x1  }
0xd7: {  	s2 =	smul.u32 $0x3, s2;
	_ =	sdelay $0x1  }
0xd8: {  	s0 =	ssub.s32 s0, s2  }
0xd9: {  	_ =	swait.ge [sflag:s8], $0x3E80;
	s0 =	smul.u32 $0x1F40, s0  }
0xda: {  	p1 =	sne.s32 s24, s11;
	[sflag:s8] =	ssyncset.done $0x0  }
0xdb: {  	[sflag:s8] =	ssyncadd.s32 $0xFFFFC180;
	s2 =	sadd.s32 @!p1 $0x203F, s0  }
0xdc: {  	[spmem:s14] =	stream.linear.scatter @!p1 [tilespmem:s2], [sflag:$0x1], $0x1, $0x38;
	[tilespmem:$0x11A60] =	vst v63  }
0xdd: {  	s2 =	simm.s32 @!p1 $0x1  }
0xde: {  	_ =	swait.ge @!p1 [sflag:s2], $0x1  }
0xdf: {  	s22 =	sshll.u32 s24, $0x4;
	[sflag:s2] =	ssyncset.done @!p1 $0x0  }
0xe0: {  	s25 =	sand.u32 $0x10, s22;
	[sflag:s2] =	ssyncadd.s32 @!p1 $0xFFFFFFFF  }
0xe1: {  	s2 =	sxor.u32 $0x10, s25;
	v4 =	vld [tilespmem:s25+$0x10]  }
0xe2: {  	v5 =	vld [tilespmem:s2+$0x60]  }
0xe3: {  	v3 =	vld [tilespmem:$0x80];
	_ =	sdelay $0x2  }
0xe4: {  	(v2sf) =	vpush v4, $0x0  }
0xe5: {  	(v2sf) =	vpush v5, $0x0  }
0xe6: {  	(v2sf) =	vpush v3, $0x0;
	_ =	sdelay $0xc  }
0xe7: {  	s22 =	spop (v2sf)  }
0xe8: {  	s26 =	spop (v2sf)  }
0xe9: {  	s28 =	spop (v2sf)  }
0xea: {  	p2 =	seq.s32 s22, s26;
	p3 =	seq.s32 s28, s22  }
0xeb: {  	p3 =	por p2, p3  }
0xec: {  	s26 =	sand.u32 $0x1, s24;
	v4 =	vpsel p3, $0xFFFFFFFF, v4  }
0xed: {  	s29 =	smul.u32 $0x1F40, s26;
	[tilespmem:s25+$0x10] =	vst.msk $0x1, v4  }
0xee: {  	v4 =	vld [tilespmem:$0x30]  }
0xef: {  	v5 =	vld [tilespmem:s29+$0x9D40]  }
0xf0: {  	v6 =	vld [tilespmem:s25+$0x40];
	_ =	sdelay $0x3  }
0xf1: {  	vm4 =	vmmov vm1;
	v5 =	vadd.f32 v5, v4  }
0xf2: {  	vm5 =	vmmov vm2;
	vm4 =	vmmov @p2 vm2;
	s22 =	sshll.u32 s26, $0x4;
	v4 =	vadd.f32 v6, v4  }
0xf3: {  	s26 =	sor.u32 $0x11A40, s22;
	vm5 =	vmmov @p3 vm1;
	[tilespmem:s29+$0x9D40] =	vst.msk vm4, v5  }
0xf4: {  	[tilespmem:s26+$0x0] =	vst.msk vm5, v4  }
0xf5: {  	v4 =	vld [tilespmem:s29+$0x7DF0];
	_ =	sdelay $0x3  }
0xf6: {  	v5 =	vimm.f32 $0.0e+00  }
0xf7: {  	v4 =	vshift.insert v4, v5, s21  }
0xf8: {  	s22 =	sor.u32 $0x40, s2  }
0xf9: {  	[tilespmem:s22+$0x0] =	vst.msk $0x1, v4  }
0xfa: {  	[tilespmem:s29+$0x7DFF] =	vst.msk $0x1, v5  }
0xfb: {  	v4 =	vld [tilespmem:s0+$0x2030];
	_ =	sdelay $0x1  }
0xfc: {  	s22 =	smulhi.u32 $0xAAAAAAAB, s20;
	s0 =	simm.s32 $0x1  }
0xfd: {  	s0 =	simm.s32 @!p0 $0x0  }
0xfe: {  	s22 =	sshrl.u32 s22, $0x1;
	s0 =	smul.u32 $0x7D00, s0  }
0xff: {  	s22 =	smul.u32 $0xFFFE8900, s22;
	v4 =	vshift.insert v4, v1, s21  }
0x100: {  	s0 =	sshrl.u32 s0, $0x2  }
0x101: {  	s22 =	sshra.s32 s22, $0x2;
	s30 =	sadd.s32 $0x9D40, s0;
	[tilespmem:s2+$0x10] =	vst.msk $0x1, v4  }
0x102: {  	s22 =	sadd.s32 s22, s19;
	v6 =	vld [tilespmem:s30+$0x0]  }
0x103: {  	v7 =	vld [tilespmem:s22+$0x0];
	_ =	sdelay $0x3  }
0x104: {  	v5 =	vadd.f32 v6, v5  }
0x105: {  	vm4 =	vne.s32 v7, $0xFFFFFFFF  }
0x106: {  	(xrf2) =	vadd.seg.scan.f32 vm4, v5;
	_ =	sdelay $0x3  }
0x107: {  	s31 =	sadd.s32 $0x5EC0, s0;
	v5 =	vperm.xlane v4, v1  }
0x108: {  	v6 =	vld [tilespmem:s31+$0x0]  }
0x109: {  	vm5 =	veq.s32 v7, v3;
	vm6 =	veq.s32 v7, v5  }
0x10a: {  	vm7 =	vgt.u32 v7, $0xFFFFFFFD;
	vm6 =	vmor vm6, vm5  }
0x10b: {  	vm6 =	vmor vm6, vm7  }
0x10c: {  	v9 =	vld [tilespmem:$0xA0];
	v7 =	vsel vm6, $0xFFFFFFFF, v7  }
0x10d: {  	v10 =	vld [tilespmem:$0x90];
	v6 =	vsel vm5, $0x0, v6;
	v8, _, _ =	vpop (xrf2)  }
0x10e: {  	v6 =	vadd.f32 v8, v6  }
0x10f: {  	s0 =	sadd.s32 $0xDBC0, s0  }
0x110: {  	vm4 =	vmand vm4, vm3;
	[tilespmem:s0+$0x0] =	vst v6;
	(ifvalue) =	ssetifvalue $0xFFFFFFFF  }
0x111: {  	vm6 =	veq.s32 v9, $0x1;
	[hbm4b:s1+s16] =	stream.indirect_vreg.scatter [tilespmem:s0], [sflag:$0x2], $0x1, v7, vm0, $0x4038;
	v7 =	vsel vm4, $0x0, v8;
	[tilespmem:$0x11A60] =	vst v63  }
0x112: {  	s2 =	simm.s32 $0x0;
	s22 =	sadd.s32 $0x10, s22;
	vm4 =	vmor vm6, vm5;
	v6 =	vsel vm5, v8, v10;
	v7 =	vshift.insert v7, v0, s21  }
.LBB3_7:
0x113: {  	v8 =	vld [tilespmem:s22+$0x0];
	s30 =	sadd.s32 $0x10, s30  }
0x114: {  	s31 =	sadd.s32 $0x10, s31;
	v9 =	vld [tilespmem:s30+$0x0]  }
0x115: {  	s2 =	sadd.s32 $0x10, s2;
	v10 =	vld [tilespmem:s31+$0x0]  }
0x116: {  	p2 =	slt.u32 s2, $0x1F30;
	_ =	sdelay $0x2  }
0x117: {  	v7 =	vadd.f32 v9, v7  }
0x118: {  	vm5 =	vne.s32 v8, $0xFFFFFFFF  }
0x119: {  	vm6 =	vmand vm5, vm3;
	(xrf2) =	vadd.seg.scan.f32 vm5, v7;
	_ =	sdelay $0x5  }
0x11a: {  	vm7 =	veq.s32 v8, v5;
	vm5 =	veq.s32 v8, v3  }
0x11b: {  	vm8 =	vgt.u32 v8, $0xFFFFFFFD;
	vm4 =	vmor vm4, vm5;
	vm7 =	vmor vm7, vm5  }
0x11c: {  	vm7 =	vmor vm7, vm8  }
0x11d: {  	v8 =	vsel vm7, $0xFFFFFFFF, v8  }
.Ltmp10:
0x11e: {  	v7 =	vsel vm5, $0x0, v10;
	v9, _, _ =	vpop (xrf2);
	(pc) =	sbr.rel @p2 .LBB3_7-.Ltmp10, $4  }
0x11f: {  	v6 =	vsel vm5, v9, v6;
	v10 =	vadd.f32 v9, v7;
	v7 =	vsel vm6, $0x0, v9  }
0x120: {  	s0 =	sadd.s32 $0x10, s0;
	v7 =	vshift.insert v7, v0, s21  }
0x121: {  	s22 =	sadd.s32 $0x10, s22;
	[tilespmem:s0+$0x0] =	vst v10;
	(ifvalue) =	ssetifvalue $0xFFFFFFFF  }
0x122: {  	[hbm4b:s1+s16] =	stream.indirect_vreg.scatter [tilespmem:s0], [sflag:$0x2], $0x1, v8, vm0, $0x4038;
	[tilespmem:$0x11A60] =	vst v63  }
0x123: {  	v3 =	vld [tilespmem:s29+$0xFAF0];
	_ =	sdelay $0x4  }
0x124: {  	v3 =	vshift.insert v3, v0, s21  }
0x125: {  	s0 =	simm.s32 $0x30  }
0x126: {  	[tilespmem:s0+$0x0] =	vst.msk $0x1, v3  }
0x127: {  	v3 =	vsel vm4, $0x1, v1;
	[tilespmem:$0x90] =	vst v6  }
0x128: {  	s0 =	sadd.s32 @!p1 $0xFAFF, s29;
	[tilespmem:$0xA0] =	vst v3  }
0x129: {  	[spmem:s15] =	stream.linear.scatter @!p1 [tilespmem:s0], [sflag:$0x1], $0x1, $0x38;
	[tilespmem:$0x11A60] =	vst v63  }
0x12a: {  	s0 =	simm.s32 @!p1 $0x1  }
0x12b: {  	v3 =	vmctz.xlane @!p1 vm4;
	_ =	swait.ge @!p1 [sflag:s0], $0x1  }
0x12c: {  	(v2sf) =	vpush @!p1 v4, $0x0  }
0x12d: {  	(v2sf) =	vpush @!p1 v3, $0x0;
	_ =	sdelay $0xd  }
0x12e: {  	s2 =	spop @!p1 (v2sf)  }
0x12f: {  	s22 =	spop @!p1 (v2sf)  }
0x130: {  	p2 =	sne.s32 @!p1 s28, s2;
	p3 =	slt.s32 @!p1 s22, $0xF  }
0x131: {  	[sflag:s0] =	ssyncset.done @!p1 $0x0;
	p2 =	por p2, p1;
	p3 =	por !p3, p1  }
0x132: {  	[sflag:s0] =	ssyncadd.s32 @!p1 $0xFFFFFFFF;
	v3 =	vimm.s32 @!p2 $0xFFFFFFFF;
	s22 =	simm.s32 @p3 $0xF  }
0x133: {  	[tilespmem:$0x80] =	vst @!p2 v3;
	s2 =	sadd.s32 @!p1 $0x90, s22  }
0x134: {  	[spmem:s3] =	stream.linear.scatter @!p1 [tilespmem:s2], [sflag:$0x1], $0x1, $0x38;
	[tilespmem:$0x11A60] =	vst v63  }
0x135: {  	_ =	swait.ge @!p1 [sflag:s0], $0x1  }
0x136: {  	[sflag:s0] =	ssyncset.done @!p1 $0x0  }
0x137: {  	s2 =	simm.s32 @!p1 $0x80;
	[sflag:s0] =	ssyncadd.s32 @!p1 $0xFFFFFFFF  }
0x138: {  	[spmem:s13] =	stream.linear.scatter @!p1 [tilespmem:s2], [sflag:$0x1], $0x1, $0x38;
	[tilespmem:$0x11A60] =	vst v63  }
0x139: {  	_ =	swait.ge @!p1 [sflag:s0], $0x1  }
0x13a: {  	[sflag:s0] =	ssyncset.done @!p1 $0x0  }
0x13b: {  	[sflag:s0] =	ssyncadd.s32 @!p1 $0xFFFFFFFF;
	(ifvalue) =	ssetifvalue $0xFFFFFFFF;
	v3 =	vld [tilespmem:s25+$0x10];
	_ =	sdelay $0x3  }
.Ltmp11:
0x13c: {  	_ = 	snop;
	(pc) =	sbr.rel .LBB3_9-.Ltmp11, $3  }
0x13d: {  	_ =	sdelay $0x1  }
0x13e: {  	(ifvalue) =	ssetifvalue $0xFFFFFFFF  }
0x13f: {  	[hbm4b:s1+s16] =	stream.indirect_vreg.scatter [tilespmem:s26], [sflag:$0x9], $0x1, v3, vm0, $0x4038;
	[tilespmem:$0x11A60] =	vst v63  }
.LBB3_10:
0x140: {  	_ =	sfence.sel $0x180000  }
0x141: {  	s0 =	simm.s32 $0x7;
	[bflag:$0x0] =	sbarrier.arrive $0xFFFF  }
0x142: {  	s26 =	simm.s32 $0x8;
	[sflag:s0] =	ssyncpa.u1 $0x1  }
0x143: {  	s28 =	simm.s32 $0x9;
	[sflag:s26] =	ssyncpa.u1 $0x1  }
0x144: {  	[sflag:s28] =	ssyncpa.u1 $0x1  }
0x145: {  	_ =	sfence.stream.spmem  }
0x146: {  	s29 =	simm.s32 $0x3;
	[bflag:$0x0] =	sbarrier.arrive $0xFFFF  }
0x147: {  	s30 =	simm.s32 $0x4;
	[sflag:s29] =	ssyncpa.u1 $0x1  }
0x148: {  	s31 =	simm.s32 $0x3C;
	s2 =	stileid.u32;
	[sflag:s30] =	ssyncpa.u1 $0x1  }
0x149: {  	p0 =	sne.s32 s2, $0x0;
	[sflag:s31] =	ssyncpa.u1 $0x1  }
0x14a: {  	s0 =	simm.s32 @p0 $0x1;
	_ =	sfence @p0  }
0x14b: {  	[sflag:s0] =	ssyncpa.u1 @p0 $0x1;
	s0 =	simm.s32 @p0 $0x2  }
0x14c: {  	[sflag:s0] =	ssyncpa.u1 @p0 $0x1  }
0x14d: {  	_ =	strace @p0 $0x90000050  }
0x14e: {  	[bflag:$0x2] =	sbarrier.arrive @p0 $0xFFFF  }
0x14f: {  	_ =	shalt @p0  }
.LBB3_11:
0x150: {  	_ =	sfence.stream.spmem;
	s0 =	simm.s32 $0x5  }
0x151: {  	s2 =	simm.s32 $0x80;
	s3 =	simm.s32 $0xC0;
	[sflag:s0] =	ssyncpa.u1 $0x0  }
0x152: {  	[tilespmem:s3], [sflag:$0x5] =	stream.linear.gather [spmem:s2], $0x20, $0x38;
	[tilespmem:$0x11A60] =	vst v63  }
0x153: {  	s2 =	simm.s32 $0x0;
	s3 =	simm.s32 $0xE0  }
0x154: {  	[tilespmem:s3], [sflag:$0x5] =	stream.linear.gather [spmem:s2], $0x20, $0x38;
	[tilespmem:$0x11A60] =	vst v63  }
.Ltmp12:
0x155: {  	_ = 	snop;
	(pc) =	sbr.rel .LBB3_12-.Ltmp12, $4  }
0x156: {  	_ =	swait.ge [sflag:s0], $0x40  }
0x157: {  	[sflag:s0] =	ssyncset.done $0x0  }
0x158: {  	s31 =	simm.s32 $0x6;
	[sflag:s0] =	ssyncadd.s32 $0xFFFFFFC0  }
0x159: {  	s4 =	simm.s32 $0x0;
	[sflag:s31] =	ssyncpa.u1 $0x0  }
.LBB3_17:
0x15a: {  	p0 =	sgt.u32 s5, $0x18FFFFF  }
0x15b: {  	s0 =	sshrl.u32 @!p0 s5, $0x3  }
0x15c: {  	s5 =	sand.u32 @!p0 $0x7, s5;
	s6 =	simm.s32 @!p0 $0xB0;
	s0 =	sadd.s32 @!p0 s1, s0  }
0x15d: {  	[tilespmem:s6], [sflag:$0x6] =	stream.linear.gather @!p0 [hbm4b:s0+s5], $0x1, $0x38;
	[tilespmem:$0x11A60] =	vst v63  }
0x15e: {  	s0 =	simm.s32 @!p0 $0x6  }
0x15f: {  	_ =	swait.ge @!p0 [sflag:s0], $0x1  }
0x160: {  	[sflag:s0] =	ssyncset.done @!p0 $0x0  }
0x161: {  	[sflag:s0] =	ssyncadd.s32 @!p0 $0xFFFFFFFF  }
0x162: {  	v2 =	vmov @!p0 s4;
	v1 =	vld.msk @!p0 [tilespmem:$0xB0], $0x1;
	_ =	sdelay $0x3  }
0x163: {  	s0 =	simm.s32 @!p0 $0xE0  }
0x164: {  	[tilespmem:v2+s0+$0x0], v1 =	vst.idx.ret.add.f32.msk @!p0 $0x1, v1  }
0x165: {  	[tilespmem:s2+$0xC0] =	vst.msk $0x1, v0  }
0x166: {  	v0 =	vld.msk [tilespmem:s4+$0xE0], $0x1;
	_ =	sdelay $0x4  }
0x167: {  	[tilespmem:s2+$0xE0] =	vst.msk $0x1, v0;
	s2 =	sadd.s32 $0x1, s2  }
.LBB3_19:
0x168: {  	s4 =	sadd.s32 $0x1, s4  }
0x169: {  	p0 =	sne.s32 s4, $0x20  }
.Ltmp13:
0x16a: {  	_ = 	snop;
	(pc) =	sbr.rel @!p0 .LBB3_20-.Ltmp13, $1  }
0x16b: {  	_ =	sdelay $0x3  }
.LBB3_12:
0x16c: {  	v0 =	vld.msk [tilespmem:s4+$0xC0], $0x1;
	_ =	sdelay $0x4  }
0x16d: {  	(v2sf) =	vpush v0, $0x0;
	_ =	sdelay $0xe  }
0x16e: {  	s5 =	spop (v2sf)  }
0x16f: {  	p0 =	seq.s32 s5, $0xFFFFFFFF  }
.Ltmp14:
0x170: {  	_ = 	snop;
	(pc) =	sbr.rel @p0 .LBB3_19-.Ltmp14, $1  }
0x171: {  	_ =	sdelay $0x3  }
0x172: {  	p0 =	slt.s32 s2, $0x1  }
.Ltmp15:
0x173: {  	_ = 	snop;
	(pc) =	sbr.rel @p0 .LBB3_17-.Ltmp15, $1  }
0x174: {  	_ =	sdelay $0x3  }
0x175: {  	s0 =	simm.s32 $0xC0;
	p0 =	por $0x0, $0x0  }
0x176: {  	v1 =	vld.msk @!p0 [tilespmem:s0+$0x0], $0x1;
	_ =	sdelay $0x4  }
0x177: {  	(v2sf) =	vpush @!p0 v1, $0x0;
	_ =	sdelay $0xd  }
0x178: {  	p2 =	sne.s32 s2, $0x1  }
.Ltmp16:
0x179: {  	s6 =	spop @!p0 (v2sf);
	(pc) =	sbr.rel @!p2 .LBB3_16-.Ltmp16, $4  }
0x17a: {  	p1 =	seq.s32 @!p0 s5, s6  }
0x17b: {  	s6 =	simm.s32 $0x0;
	p1 =	por !p1, p0  }
0x17c: {  	s8 =	simm.s32 $0xFFFFFFFF;
	s6 =	simm.s32 @p1 $0xFFFFFFFF  }
0x17d: {  	s7 =	simm.s32 $0x1;
	s6 =	smov.u32 @p0 s8  }
.LBB3_15:
0x17e: {  	s8 =	smov.u32 s6;
	p0 =	sne.s32 s6, $0xFFFFFFFF  }
0x17f: {  	s0 =	sadd.s32 $0x1, s0;
	s6 =	smov.u32 s7;
	s7 =	sadd.s32 $0x1, s7  }
0x180: {  	p1 =	sne.s32 s2, s7;
	v1 =	vld.msk @!p0 [tilespmem:s0+$0x0], $0x1;
	_ =	sdelay $0x4  }
0x181: {  	(v2sf) =	vpush @!p0 v1, $0x0;
	_ =	sdelay $0xe  }
.Ltmp17:
0x182: {  	s9 =	spop @!p0 (v2sf);
	(pc) =	sbr.rel @p1 .LBB3_15-.Ltmp17, $4  }
0x183: {  	p2 =	seq.s32 @!p0 s5, s9  }
0x184: {  	p2 =	por !p2, p0  }
0x185: {  	s6 =	simm.s32 @p2 $0xFFFFFFFF  }
0x186: {  	s6 =	smov.u32 @p0 s8  }
.LBB3_16:
0x187: {  	p0 =	sne.s32 s6, $0xFFFFFFFF  }
.Ltmp18:
0x188: {  	_ = 	snop;
	(pc) =	sbr.rel @!p0 .LBB3_17-.Ltmp18, $1  }
0x189: {  	_ =	sdelay $0x3  }
0x18a: {  	v0 =	vld.msk [tilespmem:s4+$0xE0], $0x1;
	v1 =	vmov s6  }
.Ltmp19:
0x18b: {  	_ = 	snop;
	(pc) =	sbr.rel .LBB3_19-.Ltmp19, $2  }
0x18c: {  	_ =	sdelay $0x2  }
0x18d: {  	[tilespmem:v1+s3+$0x0], v0 =	vst.idx.ret.add.f32.msk $0x1, v0  }
.LBB3_20:
0x18e: {  	p0 =	slt.s32 s2, $0x1  }
.Ltmp20:
0x18f: {  	_ = 	snop;
	(pc) =	sbr.rel @p0 .LBB3_24-.Ltmp20, $3  }
0x190: {  	_ =	sdelay $0x1  }
0x191: {  	s0 =	simm.s32 $0x6  }
0x192: {  	s3 =	simm.s32 $0x0;
	[sflag:s0] =	ssyncpa.u1 $0x1  }
0x193: {  	s0 =	simm.s32 $0xC0  }
0x194: {  	v0 =	vld.msk [tilespmem:s0+$0x0], $0x1;
	_ =	sdelay $0x4  }
0x195: {  	(v2sf) =	vpush v0, $0x0;
	_ =	sdelay $0xe  }
0x196: {  	s2 =	sadd.s32 $0xFFFFFFFF, s2;
	s4 =	spop (v2sf)  }
0x197: {  	p1 =	sne.s32 s2, $0x0;
	p0 =	sgt.u32 s4, $0x18FFFFF  }
.Ltmp21:
0x198: {  	s5 =	sshrl.u32 @!p0 s4, $0x3;
	(pc) =	sbr.rel @!p1 .LBB3_23-.Ltmp21, $4  }
0x199: {  	s0 =	simm.s32 $0xE0;
	s4 =	sand.u32 @!p0 $0x7, s4;
	s5 =	sadd.s32 @!p0 s1, s5  }
0x19a: {  	[hbm4b:s5+s4] =	stream.linear.scatter @!p0 [tilespmem:s0], [sflag:$0x5], $0x1, $0x38;
	[tilespmem:$0x11A60] =	vst v63  }
0x19b: {  	s5 =	simm.s32 $0x0  }
0x19c: {  	s4 =	simm.s32 $0xC1;
	s5 =	simm.s32 @!p0 $0x4  }
.LBB3_22:
0x19d: {  	v0 =	vld.msk [tilespmem:s4+$0x0], $0x1;
	s2 =	sadd.s32 $0xFFFFFFFF, s2;
	s3 =	sadd.s32 s3, s5  }
0x19e: {  	p0 =	sne.s32 s2, $0x0;
	_ =	sdelay $0x3  }
0x19f: {  	(v2sf) =	vpush v0, $0x0;
	_ =	sdelay $0xe  }
.Ltmp22:
0x1a0: {  	s6 =	spop (v2sf);
	(pc) =	sbr.rel @p0 .LBB3_22-.Ltmp22, $4  }
0x1a1: {  	s5 =	simm.s32 $0x0;
	p1 =	sgt.u32 s6, $0x18FFFFF  }
0x1a2: {  	s0 =	sadd.s32 $0x1, s0;
	s5 =	simm.s32 @!p1 $0x4;
	s7 =	sshrl.u32 @!p1 s6, $0x3  }
0x1a3: {  	s4 =	sadd.s32 $0x1, s4;
	s6 =	sand.u32 @!p1 $0x7, s6;
	s7 =	sadd.s32 @!p1 s1, s7  }
0x1a4: {  	[hbm4b:s7+s6] =	stream.linear.scatter @!p1 [tilespmem:s0], [sflag:$0x5], $0x1, $0x38;
	[tilespmem:$0x11A60] =	vst v63  }
.LBB3_23:
0x1a5: {  	s0 =	sadd.s32 s3, s5  }
0x1a6: {  	s3 =	sshrl.u32 s0, $0x2  }
.LBB3_24:
0x1a7: {  	s0 =	simm.s32 $0x5  }
0x1a8: {  	_ =	swait.ge [sflag:s0], s3  }
0x1a9: {  	s1 =	ssub.s32 $0x0, s3;
	[sflag:s0] =	ssyncset.done $0x0  }
0x1aa: {  	[sflag:s0] =	ssyncadd.s32 s1  }
0x1ab: {  	[sflag:s0] =	ssyncpa.u1 $0x1  }
0x1ac: {  	s29 =	simm.s32 $0x1;
	_ =	sfence  }
0x1ad: {  	s30 =	simm.s32 $0x2;
	[sflag:s29] =	ssyncpa.u1 $0x1  }
0x1ae: {  	[sflag:s30] =	ssyncpa.u1 $0x1  }
0x1af: {  	_ =	strace $0x90000050  }
0x1b0: {  	[bflag:$0x2] =	sbarrier.arrive $0xFFFF  }
0x1b1: {  	s31 =	rddreg [dreg:$0x1]  }
0x1b2: {  	s0 =	sadd.s32 $0x100000, s31  }
0x1b3: {  	[sflag:s0] =	ssyncadd.tile.s32 $0x1;
	_ =	shalt  }
.Lfunc_end3:
_tile_overlayer_lowered:
.L_overlay_start_3:
0x1b4: {  	(tag) =	ssettag $0x3  }
0x1b5: {  	s0 =	rddreg [dreg:$0x0];
	s2 =	stileid.u32  }
0x1b6: {  	s1 =	rddreg [dreg:$0x1];
	p0 =	sne.s32 s2, $0x0  }
0x1b7: {  	s3 =	rddreg [dreg:$0x2];
	[bflag:$0x3] =	sbarrier.arrive $0xFFFF;
	s2 =	simm.s32 @!p0 $0x1C01  }
0x1b8: {  	[timem:s3], [sflag:s2] =	dma.local @!p0 [hbm:s0], s1  }
0x1b9: {  	s0 =	simm.s32 @!p0 $0x1  }
0x1ba: {  	_ =	swait.ge @!p0 [sflag:s0], s1  }
0x1bb: {  	s1 =	ssub.s32 @!p0 $0x0, s1;
	[sflag:s0] =	ssyncset.done @!p0 $0x0  }
0x1bc: {  	[sflag:s0] =	ssyncadd.s32 @!p0 s1  }
0x1bd: {  	[bflag:$0x3] =	sbarrier.arrive $0xFFFF  }
0x1be: {  	_ =	shalt  }

// kernel: scatter_offload_async_start
scs
__scs_entry_jumppad:
0x0: {  	(pc) =	sbr.rel $0x88, $3  }
0x1: {  	(tag) =	ssettag $0x0;
	lr =	simm.s32 $0x1  }
0x2: {  	[smem:$0x3F8E] =	sst lr;
	_ =	strace $0xD0000000  }
0x3: {  	_ = 	snop  }
0x4: {  	_ = 	snop  }
0x5: {  	_ = 	snop  }
0x6: {  	_ = 	snop  }
0x7: {  	_ = 	snop  }
__scs_overlays_trampoline_lowered:
0x8: {  	[smem:$0x3F9D] =	sst s0  }
0x9: {  	[smem:$0x3F9E] =	sst s1  }
0xa: {  	[smem:$0x3F9F] =	sst s2  }
0xb: {  	[smem:$0x3FA0] =	sst s3  }
0xc: {  	[smem:$0x3FA1] =	sst s4  }
0xd: {  	[smem:$0x3FA2] =	sst s5  }
0xe: {  	[smem:$0x3FA3] =	sst s6  }
0xf: {  	[smem:$0x3FA4] =	sst s7  }
0x10: {  	[smem:$0x3FA5] =	sst s8  }
0x11: {  	[smem:$0x3FA6] =	sst s9;
	s0 =	simm.s32 @!p0 $0x0  }
0x12: {  	s1 =	sld [smem:$0x3F8C];
	s0 =	simm.s32 @p0 $0x1  }
0x13: {  	[smem:$0x3FA7] =	sst s0;
	s0 =	simm.s32 @!p1 $0x0  }
0x14: {  	s2 =	sld [smem:$0x3F8B];
	s0 =	simm.s32 @p1 $0x1  }
0x15: {  	[smem:$0x3FA8] =	sst s0;
	s0 =	simm.s32 @!p2 $0x0  }
0x16: {  	s3 =	sld [smem:$0x3FDB];
	s0 =	simm.s32 @p2 $0x1  }
0x17: {  	s4 =	simm.s32 $0x1BF5;
	[smem:$0x3FAA] =	sst s0  }
0x18: {  	s0 =	sld [smem:$0x3F8D];
	_ =	swait.ge [sflag:s4], $0x0  }
0x19: {  	s7 =	sld [smem:$0x3F8E]  }
0x1a: {  	s8 =	sadd.s32 $0xFFFFE003, lr  }
0x1b: {  	s9 =	sadd.s32 $0xFFFFFEF7, lr;
	s5 =	simm.s32 $0xFFFFFFFF;
	p2 =	slt.u32 s8, $0xFFFFF086  }
0x1c: {  	p1 =	slt.u32 s9, $0xF7A;
	s5 =	simm.s32 @!p2 $0x0  }
0x1d: {  	s5 =	simm.s32 @p1 $0x1;
	p0 =	seq.s32 s7, s2  }
0x1e: {  	s7 =	smul.u32 @!p0 $0xF7A, s2;
	p2 =	seq.s32 @!p0 s5, $0x0  }
0x1f: {  	s9 =	smul.u32 $0xF7A, s1;
	s8 =	simm.s32 @!p0 $0x1BF5;
	p2 =	por !p2, p0  }
0x20: {  	[sflag:s8] =	ssyncset.s32 @!p0 $0xFFFFF086;
	s6 =	sadd.s32 @!p0 s3, s7;
	s7 =	simm.s32 @!p0 $0x108  }
0x21: {  	s3 =	sadd.s32 s3, s9;
	s6 =	sadd.s32 @!p0 $0x88, s6;
	s7 =	simm.s32 @p2 $0x1082  }
0x22: {  	[simem:s7], [sflag:s8] =	dma.local @!p0 [hbm:s6], $0xF7A  }
0x23: {  	s9 =	sor.u32 $0xD0000000, s2;
	s6 =	simm.s32 $0x108;
	_ =	swait.ge @!p0 [sflag:s8], $0x0  }
0x24: {  	s3 =	sadd.s32 $0x88, s3;
	s6 =	simm.s32 @!p1 $0x1082;
	[sflag:s4] =	ssyncset.s32 $0xFFFFF086  }
0x25: {  	[simem:s6], [sflag:s4] =	dma.local [hbm:s3], $0xF7A  }
0x26: {  	[smem:$0x3F8E] =	sst s1;
	(tag) =	ssettag s2;
	_ =	strace s9  }
0x27: {  	s1 =	sld [smem:$0x3F9E]  }
0x28: {  	s2 =	sld [smem:$0x3F9F]  }
0x29: {  	s4 =	sld [smem:$0x3FA1]  }
0x2a: {  	p0 =	seq.s32 s5, $0x0;
	s5 =	sld [smem:$0x3FA2]  }
0x2b: {  	s6 =	sld [smem:$0x3FA3]  }
0x2c: {  	s7 =	sld [smem:$0x3FA4]  }
0x2d: {  	s3 =	simm.s32 $0x108;
	s8 =	sld [smem:$0x3FA5]  }
0x2e: {  	s3 =	simm.s32 @!p0 $0x1082;
	s9 =	sld [smem:$0x3FA6]  }
0x2f: {  	lr =	sadd.s32 s0, s3;
	s0 =	sld [smem:$0x3F9D]  }
0x30: {  	s3 =	sld [smem:$0x3FA0]  }
0x31: {  	[smem:$0x3FA9] =	sst s10  }
0x32: {  	s10 =	sld [smem:$0x3FA7];
	_ =	sdelay $0x3  }
0x33: {  	p0 =	seq.s32 s10, $0x1;
	s10 =	sld [smem:$0x3FA9];
	_ =	sdelay $0x3  }
0x34: {  	[smem:$0x3FA9] =	sst s10  }
0x35: {  	s10 =	sld [smem:$0x3FA8];
	_ =	sdelay $0x3  }
0x36: {  	p1 =	seq.s32 s10, $0x1;
	s10 =	sld [smem:$0x3FA9];
	_ =	sdelay $0x3  }
0x37: {  	[smem:$0x3FA9] =	sst s10  }
0x38: {  	s10 =	sld [smem:$0x3FAA]  }
0x39: {  	_ = 	snop;
	(pc) =	sbr.ind lr, $3  }
0x3a: {  	_ = 	snop  }
0x3b: {  	_ = 	snop  }
0x3c: {  	p2 =	seq.s32 s10, $0x1;
	s10 =	sld [smem:$0x3FA9]  }
0x3d: {  	_ =	shalt  }
0x3e: {  	_ =	shalt  }
0x3f: {  	_ =	shalt  }
0x40: {  	_ =	shalt  }
0x41: {  	_ =	shalt  }
0x42: {  	_ =	shalt  }
0x43: {  	_ =	shalt  }
0x44: {  	_ =	shalt  }
0x45: {  	_ =	shalt  }
0x46: {  	_ =	shalt  }
0x47: {  	_ =	shalt  }
0x48: {  	_ =	shalt  }
0x49: {  	_ =	shalt  }
0x4a: {  	_ =	shalt  }
0x4b: {  	_ =	shalt  }
0x4c: {  	_ =	shalt  }
0x4d: {  	_ =	shalt  }
0x4e: {  	_ =	shalt  }
0x4f: {  	_ =	shalt  }
0x50: {  	_ =	shalt  }
0x51: {  	_ =	shalt  }
0x52: {  	_ =	shalt  }
0x53: {  	_ =	shalt  }
0x54: {  	_ =	shalt  }
0x55: {  	_ =	shalt  }
0x56: {  	_ =	shalt  }
0x57: {  	_ =	shalt  }
0x58: {  	_ =	shalt  }
0x59: {  	_ =	shalt  }
0x5a: {  	_ =	shalt  }
0x5b: {  	_ =	shalt  }
0x5c: {  	_ =	shalt  }
0x5d: {  	_ =	shalt  }
0x5e: {  	_ =	shalt  }
0x5f: {  	_ =	shalt  }
0x60: {  	_ =	shalt  }
0x61: {  	_ =	shalt  }
0x62: {  	_ =	shalt  }
0x63: {  	_ =	shalt  }
0x64: {  	_ =	shalt  }
0x65: {  	_ =	shalt  }
0x66: {  	_ =	shalt  }
0x67: {  	_ =	shalt  }
0x68: {  	_ =	shalt  }
0x69: {  	_ =	shalt  }
0x6a: {  	_ =	shalt  }
0x6b: {  	_ =	shalt  }
0x6c: {  	_ =	shalt  }
0x6d: {  	_ =	shalt  }
0x6e: {  	_ =	shalt  }
0x6f: {  	_ =	shalt  }
0x70: {  	_ =	shalt  }
0x71: {  	_ =	shalt  }
0x72: {  	_ =	shalt  }
0x73: {  	_ =	shalt  }
0x74: {  	_ =	shalt  }
0x75: {  	_ =	shalt  }
0x76: {  	_ =	shalt  }
0x77: {  	_ =	shalt  }
0x78: {  	_ =	shalt  }
0x79: {  	_ =	shalt  }
0x7a: {  	_ =	shalt  }
0x7b: {  	_ =	shalt  }
0x7c: {  	_ =	shalt  }
0x7d: {  	_ =	shalt  }
0x7e: {  	_ =	shalt  }
0x7f: {  	_ =	shalt  }
0x80: {  	_ =	shalt  }
0x81: {  	_ =	shalt  }
0x82: {  	_ =	shalt  }
0x83: {  	_ =	shalt  }
0x84: {  	_ =	shalt  }
0x85: {  	_ =	shalt  }
0x86: {  	_ =	shalt  }
0x87: {  	_ =	shalt  }
.Lfunc_end0:
.L_simem_size_0:
called_computation_lowered:
.L_overlay_start_0:
0x88: {  	s0 =	sld [smem:$0x3FD9]  }
0x89: {  	s1 =	sld [smem:$0x3FFE];
	_ =	sdelay $0x3  }
0x8a: {  	s0 =	sadd.s32 s1, s0  }
0x8b: {  	[smem:$0x3FB5] =	sst s0  }
0x8c: {  	_ = 	snop  }
0x8d: {  	s0 =	sld [smem:$0x3FD0];
	(tm) =	ssettm $0x1  }
0x8e: {  	s16 =	sld [smem:$0x3FFB];
	_ =	sdelay $0x3  }
0x8f: {  	_ =	strace s16  }
0x90: {  	s1 =	sld [smem:$0x3FFC];
	_ =	sdelay $0x3  }
0x91: {  	_ =	strace s1  }
0x92: {  	s1 =	sld [smem:$0x3FFD];
	_ =	sdelay $0x3  }
0x93: {  	_ =	strace s1  }
0x94: {  	_ =	strace $0x8FFFFFFF  }
0x95: {  	s17 =	sld [smem:$0x3FDB];
	_ =	sdelay $0x1  }
0x96: {  	s2 =	simm.s32 $_scs_section_size  }
0x97: {  	s3 =	simm.s32 $_size__tile_overlayer_lowered;
	s4 =	simm.s32 $_tile_overlayer_lowered  }
0x98: {  	s20 =	simm.s32 $0x1BFF;
	s19 =	sshll.u32 s4, $0x1;
	s1 =	sadd.s32 s2, s17  }
0x99: {  	s5 =	simm.s32 $0x0;
	s18 =	sshll.u32 s3, $0x1;
	s3 =	sadd.s32 s19, s1  }
0x9a: {  	[timem:s5], [sflag:s20] =	dma.local [hbm:s3], s18  }
0x9b: {  	_ =	swait.ge [sflag:s20], s18  }
0x9c: {  	s2 =	ssub.s32 $0x0, s18;
	[sflag:s20] =	ssyncset.done $0x0  }
0x9d: {  	[sflag:s20] =	ssyncadd.s32 s2;
	_ =	sdelay $0x1  }
0x9e: {  	s21 =	simm.s32 $0x1B8B  }
0x9f: {  	_ =	swait.ge [sflag:s21], $0x1  }
0xa0: {  	[sflag:s21] =	ssyncset.done $0x0  }
0xa1: {  	s23 =	simm.s32 $0x1B8E;
	s22 =	sld [smem:$0x3FFE];
	[sflag:s21] =	ssyncadd.s32 $0xFFFFFFFF  }
0xa2: {  	s24 =	simm.s32 $execute0_lowered;
	[smem:$0x3FD2] =	sst s23  }
0xa3: {  	s3 =	sshll.u32 s24, $0x1;
	_ =	strace $0x80000046;
	[dreg:$0x1] =	wrdreg $0xFFFFFFFF  }
0xa4: {  	s25 =	simm.s32 $_size_execute0_lowered;
	s1 =	sadd.s32 s1, s3;
	[dreg:$0x0] =	wrdreg $0x0  }
0xa5: {  	s3 =	sshll.u32 s25, $0x1;
	[dreg:$0x2] =	wrdreg s1  }
0xa6: {  	[dreg:$0x3] =	wrdreg s3  }
0xa7: {  	[dreg:$0x4] =	wrdreg $0xC0  }
0xa8: {  	_ =	task [dreg:s5], $0x5FFFF  }
0xa9: {  	[dreg:$0x1] =	wrdreg $0xFFFFFFFF  }
0xaa: {  	[dreg:$0x0] =	wrdreg $0x60  }
0xab: {  	[dreg:$0x2] =	wrdreg s22  }
0xac: {  	[dreg:$0x3] =	wrdreg s0  }
0xad: {  	[dreg:$0x4] =	wrdreg $0x9  }
0xae: {  	_ =	task.clear_ibuf [dreg:s5], $0x5FFFF;
	_ =	strace $0x90000046  }
0xaf: {  	s26 =	simm.s32 $0x9;
	_ =	strace $0x80000048  }
0xb0: {  	_ =	swait.ge [sflag:s26], $0x1  }
0xb1: {  	[sflag:s26] =	ssyncadd.s32 $0xFFFFFFFF  }
0xb2: {  	_ =	strace $0x90000048  }
0xb3: {  	_ =	sfence  }
0xb4: {  	s28 =	sld [smem:$0x0];
	_ =	sdelay $0x1  }
0xb5: {  	s29 =	srdreg.scid  }
0xb6: {  	s30 =	sshll.u32 s29, $0xD;
	s31 =	sshrl.u32 s29, $0x2  }
0xb7: {  	s2 =	sand.u32 $0x4000, s30;
	s1 =	sand.u32 $0x1, s29;
	s0 =	sadd.s32 s31, s28  }
0xb8: {  	s1 =	sor.u32 s2, s1;
	s0 =	sshll.u32 s0, $0x11  }
0xb9: {  	s0 =	sor.u32 s0, s1  }
0xba: {  	s0 =	sadd.s32 $0x8F2B, s0  }
0xbb: {  	[sflag:s0] =	ssyncadd.remote.s32 $0x1  }
0xbc: {  	_ =	sfence.sel $0xFFFF  }
0xbd: {  	[dreg:$0x0] =	wrdreg $0xFFFFFFFF;
	(pc) =	sbr.abs _section_cstart, $3  }
0xbe: {  	[dreg:$0x1] =	wrdreg $0xFFFFFFFF  }
0xbf: {  	_ =	task.clear_ibuf [dreg:s5], $0x2FFFF;
	_ =	strace $0x9FFFFFFF  }
0xc0: {  	(tm) =	ssettm $0x7FFFFFFF  }
0xc1: {  	_ =	shalt  }
tec
execute0_lowered:
.L_overlay_start_1:
0x0: {  	(tag) =	ssettag $0x1  }
0x1: {  	s0 =	rddreg [dreg:$0x0]  }
0x2: {  	s3 =	rddreg [dreg:$0x1];
	_ =	strace $0x80000047;
	s15 =	stileid.u32  }
0x3: {  	s2 =	simm.s32 $0x1;
	s1 =	smin.u32 s15, $0x8;
	s4 =	sshll.u32 s15, $0x1  }
0x4: {  	v1 =	vimm.s32 $0xFFFFFFFF;
	[sflag:s2] =	ssyncpa.u1 $0x0;
	s1 =	sadd.s32 s1, s4  }
0x5: {  	p0 =	slt.u32 s15, $0x8;
	[tilespmem:$0x10] =	vst v1;
	s5 =	smul.u32 $0x1F40, s1;
	s1 =	simm.s32 $0x5DC0  }
0x6: {  	v0 =	vimm.f32 $0.0e+00;
	[tilespmem:$0x20] =	vst v1;
	s1 =	simm.s32 @!p0 $0x3E80  }
0x7: {  	[tilespmem:$0x30] =	vst v0;
	s1 =	sadd.s32 s1, s5  }
0x8: {  	[tilespmem:$0x40] =	vst v0;
	s6 =	smin.u32 s1, $0x4E200  }
0x9: {  	s7 =	simm.s32 $0x2;
	[tilespmem:$0x50] =	vst v0;
	s9 =	ssub.s32 s6, s5  }
0xa: {  	s8 =	simm.s32 $0x8;
	s31 =	simm.s32 $0x9;
	[tilespmem:$0x60] =	vst v1;
	p0 =	sgt.s32 s9, $0x0  }
0xb: {  	s16 =	simm.s32 $0x0;
	s17 =	simm.s32 $0xF0;
	[tilespmem:$0x70] =	vst v1;
	s9 =	simm.s32 @!p0 $0x0  }
0xc: {  	s18 =	simm.s32 $0xFFFFFFFF;
	s19 =	simm.s32 $0xFFFFC280;
	[tilespmem:$0x80] =	vst v1;
	s30 =	smulhi.u32 $0x10624DD3, s9  }
0xd: {  	s20 =	simm.s32 $0xFFFFFFFE;
	s21 =	simm.s32 $0xF;
	s25 =	simm.s32 $0x0;
	v1 =	vimm.s32 $0x0;
	[tilespmem:$0xB0] =	vst v0  }
0xe: {  	s24 =	simm.s32 $0x0;
	s15 =	sshllo.u32 s15, $0x1;
	[tilespmem:$0x90] =	vst v1;
	s10 =	sshrl.u32 s30, $0x9  }
0xf: {  	[tilespmem:$0xA0] =	vst v1;
	[sflag:s7] =	ssyncpa.u1 $0x0;
	s7 =	simm.s32 $0x7;
	s11 =	smul.u32 $0x1F40, s10  }
.Ltmp0:
0x10: {  	s13 =	sor.u32 $0x80, s4;
	[sflag:s7] =	ssyncpa.u1 $0x0;
	(pc) =	sbr.rel .LBB2_1-.Ltmp0, $4  }
0x11: {  	s14 =	sor.u32 $0x81, s4;
	[sflag:s8] =	ssyncpa.u1 $0x0;
	p0 =	sne.s32 s9, s11  }
0x12: {  	s23 =	smov.u32 s5;
	s1 =	sadd.s32 $0x6DA00, s0;
	s2 =	simm.s32 @!p0 $0x0  }
0x13: {  	vm0 =	vmmov $0xffff;
	v2 =	vlaneseq.u32;
	[sflag:s31] =	ssyncpa.u1 $0x0;
	s9 =	sadd.s32 $0x46200, s0;
	s10 =	sadd.s32 s2, s10  }
0x14: {  	vm1 =	vmxor vm1, vm1;
	vm2 =	vmmov $0x1;
	vm3 =	vcmask $0x3F3C;
	p0 =	por $0x0, $0x0;
	s11 =	sadd.s32 $0x1, s10;
	s12 =	sadd.s32 $0x2, s10  }
.LBB2_9:
0x15: {  	p1 =	slt.u32 s24, $0x3  }
0x16: {  	s0 =	simm.s32 @!p1 $0x2  }
0x17: {  	_ =	swait.ge @!p1 [sflag:s0], $0x1F40  }
0x18: {  	[sflag:s0] =	ssyncset.done @!p1 $0x0  }
0x19: {  	[sflag:s0] =	ssyncadd.s32 @!p1 $0xFFFFE0C0;
	s0 =	simm.s32 @!p1 $0x9  }
0x1a: {  	_ =	swait.ge @!p1 [sflag:s0], $0x10  }
0x1b: {  	[sflag:s0] =	ssyncset.done @!p1 $0x0  }
0x1c: {  	[sflag:s0] =	ssyncadd.s32 @!p1 $0xFFFFFFF0;
	p1 =	sne.s32 s24, s12  }
.Ltmp1:
0x1d: {  	s2 =	sadd.s32 $0x1F40, s23;
	(pc) =	sbr.rel @!p1 .LBB2_10-.Ltmp1, $4  }
0x1e: {  	s22 =	smov.u32 s5;
	s31 =	sadd.s32 $0x1, s24;
	s17 =	sadd.s32 $0x1F40, s17  }
0x1f: {  	s18 =	sadd.s32 $0x1, s18;
	s25 =	smov.u32 s23;
	p2 =	slt.s32 s2, s6  }
0x20: {  	p0 =	por !p0, !p0;
	s19 =	sadd.s32 $0x1F40, s19;
	s22 =	smov.u32 @p2 s2  }
0x21: {  	s20 =	sadd.s32 $0x1, s20;
	s23 =	smov.u32 s22;
	s24 =	smov.u32 s31  }
.LBB2_1:
0x22: {  	p1 =	sge.u32 s24, s10  }
0x23: {  	s0 =	smulhi.u32 @!p1 $0xAAAAAAAB, s24;
	_ =	sdelay $0x1  }
0x24: {  	s0 =	sshrl.u32 @!p1 s0, $0x1  }
0x25: {  	s0 =	smul.u32 @!p1 $0x3, s0;
	_ =	sdelay $0x1  }
0x26: {  	s0 =	ssub.s32 @!p1 s24, s0  }
0x27: {  	s0 =	smul.u32 @!p1 $0x7D00, s0;
	_ =	sdelay $0x1  }
0x28: {  	s2 =	sshrl.u32 @!p1 s23, $0x3;
	s0 =	sshrl.u32 @!p1 s0, $0x2  }
0x29: {  	s22 =	sand.u32 @!p1 $0x7, s23;
	s2 =	sadd.s32 @!p1 s3, s2;
	s0 =	sadd.s32 @!p1 $0x100, s0  }
0x2a: {  	[tilespmem:s0], [sflag:$0x7] =	stream.linear.gather @!p1 [hbm4b:s2+s22], $0x1F40, $0x38;
	[tilespmem:$0x11A60] =	vst v63  }
0x2b: {  	s0 =	sadd.s32 $0xFFFFFFFF, s24  }
0x2c: {  	p1 =	sge.u32 s0, s10  }
.Ltmp2:
0x2d: {  	_ = 	snop;
	(pc) =	sbr.rel @p1 .LBB2_5-.Ltmp2, $1  }
0x2e: {  	_ =	sdelay $0x3  }
0x2f: {  	s2 =	smulhi.u32 $0xAAAAAAAB, s0;
	_ =	sdelay $0x1  }
0x30: {  	s2 =	sshrl.u32 s2, $0x1  }
0x31: {  	s2 =	smul.u32 $0x3, s2;
	_ =	sdelay $0x1  }
0x32: {  	s2 =	ssub.s32 s0, s2  }
0x33: {  	s2 =	smul.u32 $0x7D00, s2  }
0x34: {  	_ =	swait.ge [sflag:s7], $0x1F40  }
0x35: {  	[sflag:s7] =	ssyncset.done $0x0;
	s2 =	sshrl.u32 s2, $0x2  }
0x36: {  	[sflag:s7] =	ssyncadd.s32 $0xFFFFE0C0;
	(ifvalue) =	ssetifvalue $0xFFFFFFFF;
	v3 =	vld.msk [tilespmem:s2+$0x100 ss:$0x1], $0xffff;
	_ =	sdelay $0x2  }
0x37: {  	s30 =	smulhi.u32 $0xAAAAAAAB, s18;
	p1 =	sne.s32 s24, $0x1  }
0x38: {  	v4 =	vimm.s32 @!p1 $0x0  }
0x39: {  	s2 =	sshrl.u32 s30, $0x1;
	v4 =	vperm.xlane @!p1 v3, v4  }
0x3a: {  	s22 =	sshll.u32 s24, $0x4;
	s2 =	smul.u32 $0xFFFE8900, s2;
	vm4 =	vlt.u32 v3, $0x2800  }
0x3b: {  	s22 =	sand.u32 $0x10, s22;
	v3 =	vnsel vm4, $0xFFFFFFFE, v3;
	vm4 =	vlt.u32 @!p1 v4, $0x2800  }
0x3c: {  	s2 =	sshra.s32 s2, $0x2;
	[tilespmem:s22+$0x60] =	vst v3;
	v3 =	vnsel @!p1 vm4, $0xFFFFFFFE, v4  }
0x3d: {  	s28 =	sadd.s32 s2, s17;
	[tilespmem:$0x80] =	vst @!p1 v3  }
0x3e: {  	v3 =	vld.msk [tilespmem:s28+$0x0 ss:$0x1], $0xffff;
	_ =	sdelay $0x4  }
0x3f: {  	(xrf1) =	vunique.msk.u32 $0xffff, v3;
	_ =	sdelay $0xd  }
0x40: {  	v4 =	vimm.s32 $0xFFFFFFFF;
	v5, _, _ =	vpop (xrf1)  }
0x41: {  	vm5 =	vne.s32 v3, v4;
	vm4 =	veq.s32 v5, v2  }
0x42: {  	vm6 =	vlt.u32 v3, $0x2800;
	vm4 =	vmand vm5, vm4  }
0x43: {  	vm4 =	vmand vm6, vm4  }
0x44: {  	v4 =	vnsel vm4, $0xFFFFFFFF, v3  }
0x45: {  	s31 =	sand.u32 $0x1, s0  }
0x46: {  	s0 =	simm.s32 $0x1F40;
	p1 =	seq.s32 s31, $0x1  }
0x47: {  	s0 =	simm.s32 @!p1 $0x0  }
0x48: {  	s26 =	sadd.s32 $0x7DF0, s0;
	(ifvalue) =	ssetifvalue $0xFFFFFFFF  }
0x49: {  	v3 =	vperm.xlane v3, v1;
	[tilespmem:s26], [sflag:$0x8] =	stream.indirect_vreg.gather [hbm4b:s1+s16], $0x1, v4, vm0, $0x4038;
	v4 =	vnsel vm6, $0xFFFFFFFE, v4;
	[tilespmem:$0x11A60] =	vst v63  }
0x4a: {  	s2 =	simm.s32 $0x0;
	s22 =	sadd.s32 $0xFFFFFFF0, s28;
	[tilespmem:s28+$0x0] =	vst v4  }
.LBB2_3:
0x4b: {  	v4 =	vld.msk [tilespmem:s22+$0x0 ss:$0x1], $0xffff;
	s2 =	sadd.s32 $0x10, s2;
	v5 =	vmov v3;
	s28 =	smov.u32 s22  }
0x4c: {  	p1 =	slt.u32 s2, $0x1F30;
	_ =	sdelay $0x4  }
0x4d: {  	v3 =	vperm.xlane v4, v1;
	(xrf1) =	vunique.msk.u32 $0xffff, v4;
	_ =	sdelay $0xd  }
0x4e: {  	v6, _, _ =	vpop (xrf1)  }
0x4f: {  	vm5 =	vne.s32 v4, v5;
	vm4 =	veq.s32 v6, v2  }
0x50: {  	vm6 =	vlt.u32 v4, $0x2800;
	vm4 =	vmand vm5, vm4  }
0x51: {  	vm4 =	vmand vm6, vm4  }
0x52: {  	v4 =	vnsel vm4, $0xFFFFFFFF, v4  }
.Ltmp3:
0x53: {  	v5 =	vnsel vm6, $0xFFFFFFFE, v4;
	(pc) =	sbr.rel @p1 .LBB2_3-.Ltmp3, $3  }
0x54: {  	_ =	sdelay $0x1  }
0x55: {  	s22 =	sadd.s32 $0xFFFFFFF0, s22;
	s26 =	sadd.s32 $0xFFFFFFF0, s26;
	(ifvalue) =	ssetifvalue $0xFFFFFFFF  }
0x56: {  	[tilespmem:s26], [sflag:$0x8] =	stream.indirect_vreg.gather [hbm4b:s1+s16], $0x1, v4, vm0, $0x4038;
	[tilespmem:s28+$0x0] =	vst v5  }
0x57: {  	s2 =	sshrl.u32 s25, $0x3  }
0x58: {  	s0 =	sadd.s32 $0x9D40, s0;
	s2 =	sadd.s32 s9, s2  }
0x59: {  	[tilespmem:s0], [sflag:$0x8] =	stream.linear.gather [hbm:s2], $0x1F40, $0x38;
	[tilespmem:$0x11A60] =	vst v63  }
.LBB2_5:
0x5a: {  	p1 =	slt.u32 s24, $0x2  }
0x5b: {  	p2 =	sge.u32 @!p1 s24, s12  }
0x5c: {  	p1 =	por p1, p2  }
.Ltmp4:
0x5d: {  	_ = 	snop;
	(pc) =	sbr.rel @p1 .LBB2_9-.Ltmp4, $1  }
0x5e: {  	_ =	sdelay $0x3  }
0x5f: {  	s0 =	sadd.s32 $0xFFFFFFFE, s24  }
0x60: {  	s2 =	smulhi.u32 $0xAAAAAAAB, s0;
	_ =	sdelay $0x1  }
0x61: {  	s2 =	sshrl.u32 s2, $0x1  }
0x62: {  	s2 =	smul.u32 $0x3, s2;
	_ =	sdelay $0x1  }
0x63: {  	s0 =	ssub.s32 s0, s2  }
0x64: {  	_ =	swait.ge [sflag:s8], $0x3E80;
	s0 =	smul.u32 $0x1F40, s0  }
0x65: {  	p1 =	sne.s32 s24, s11;
	[sflag:s8] =	ssyncset.done $0x0  }
0x66: {  	[sflag:s8] =	ssyncadd.s32 $0xFFFFC180;
	s2 =	sadd.s32 @!p1 $0x203F, s0  }
0x67: {  	[spmem:s14] =	stream.linear.scatter @!p1 [tilespmem:s2], [sflag:$0x1], $0x1, $0x38;
	[tilespmem:$0x11A60] =	vst v63  }
0x68: {  	s2 =	simm.s32 @!p1 $0x1  }
0x69: {  	_ =	swait.ge @!p1 [sflag:s2], $0x1  }
0x6a: {  	s22 =	sshll.u32 s24, $0x4;
	[sflag:s2] =	ssyncset.done @!p1 $0x0  }
0x6b: {  	s25 =	sand.u32 $0x10, s22;
	[sflag:s2] =	ssyncadd.s32 @!p1 $0xFFFFFFFF  }
0x6c: {  	s2 =	sxor.u32 $0x10, s25;
	v4 =	vld [tilespmem:s25+$0x10]  }
0x6d: {  	v5 =	vld [tilespmem:s2+$0x60]  }
0x6e: {  	v3 =	vld [tilespmem:$0x80];
	_ =	sdelay $0x2  }
0x6f: {  	(v2sf) =	vpush v4, $0x0  }
0x70: {  	(v2sf) =	vpush v5, $0x0  }
0x71: {  	(v2sf) =	vpush v3, $0x0;
	_ =	sdelay $0xc  }
0x72: {  	s22 =	spop (v2sf)  }
0x73: {  	s26 =	spop (v2sf)  }
0x74: {  	s28 =	spop (v2sf)  }
0x75: {  	p2 =	seq.s32 s22, s26;
	p3 =	seq.s32 s28, s22  }
0x76: {  	p3 =	por p2, p3  }
0x77: {  	s26 =	sand.u32 $0x1, s24;
	v4 =	vpsel p3, $0xFFFFFFFF, v4  }
0x78: {  	s29 =	smul.u32 $0x1F40, s26;
	[tilespmem:s25+$0x10] =	vst.msk $0x1, v4  }
0x79: {  	v4 =	vld [tilespmem:$0x30]  }
0x7a: {  	v5 =	vld [tilespmem:s29+$0x9D40]  }
0x7b: {  	v6 =	vld [tilespmem:s25+$0x40];
	_ =	sdelay $0x3  }
0x7c: {  	vm4 =	vmmov vm1;
	v5 =	vadd.f32 v5, v4  }
0x7d: {  	vm5 =	vmmov vm2;
	vm4 =	vmmov @p2 vm2;
	s22 =	sshll.u32 s26, $0x4;
	v4 =	vadd.f32 v6, v4  }
0x7e: {  	s26 =	sor.u32 $0x11A40, s22;
	vm5 =	vmmov @p3 vm1;
	[tilespmem:s29+$0x9D40] =	vst.msk vm4, v5  }
0x7f: {  	[tilespmem:s26+$0x0] =	vst.msk vm5, v4  }
0x80: {  	v4 =	vld [tilespmem:s29+$0x7DF0];
	_ =	sdelay $0x3  }
0x81: {  	v5 =	vimm.f32 $0.0e+00  }
0x82: {  	v4 =	vshift.insert v4, v5, s21  }
0x83: {  	s22 =	sor.u32 $0x40, s2  }
0x84: {  	[tilespmem:s22+$0x0] =	vst.msk $0x1, v4  }
0x85: {  	[tilespmem:s29+$0x7DFF] =	vst.msk $0x1, v5  }
0x86: {  	v4 =	vld [tilespmem:s0+$0x2030];
	_ =	sdelay $0x1  }
0x87: {  	s22 =	smulhi.u32 $0xAAAAAAAB, s20;
	s0 =	simm.s32 $0x1  }
0x88: {  	s0 =	simm.s32 @!p0 $0x0  }
0x89: {  	s22 =	sshrl.u32 s22, $0x1;
	s0 =	smul.u32 $0x7D00, s0  }
0x8a: {  	s22 =	smul.u32 $0xFFFE8900, s22;
	v4 =	vshift.insert v4, v1, s21  }
0x8b: {  	s0 =	sshrl.u32 s0, $0x2  }
0x8c: {  	s22 =	sshra.s32 s22, $0x2;
	s30 =	sadd.s32 $0x9D40, s0;
	[tilespmem:s2+$0x10] =	vst.msk $0x1, v4  }
0x8d: {  	s22 =	sadd.s32 s22, s19;
	v6 =	vld [tilespmem:s30+$0x0]  }
0x8e: {  	v7 =	vld [tilespmem:s22+$0x0];
	_ =	sdelay $0x3  }
0x8f: {  	v5 =	vadd.f32 v6, v5  }
0x90: {  	vm4 =	vne.s32 v7, $0xFFFFFFFF  }
0x91: {  	(xrf2) =	vadd.seg.scan.f32 vm4, v5;
	_ =	sdelay $0x3  }
0x92: {  	s31 =	sadd.s32 $0x5EC0, s0;
	v5 =	vperm.xlane v4, v1  }
0x93: {  	v6 =	vld [tilespmem:s31+$0x0]  }
0x94: {  	vm5 =	veq.s32 v7, v3;
	vm6 =	veq.s32 v7, v5  }
0x95: {  	vm7 =	vgt.u32 v7, $0xFFFFFFFD;
	vm6 =	vmor vm6, vm5  }
0x96: {  	vm6 =	vmor vm6, vm7  }
0x97: {  	v9 =	vld [tilespmem:$0xA0];
	v7 =	vsel vm6, $0xFFFFFFFF, v7  }
0x98: {  	v10 =	vld [tilespmem:$0x90];
	v6 =	vsel vm5, $0x0, v6;
	v8, _, _ =	vpop (xrf2)  }
0x99: {  	v6 =	vadd.f32 v8, v6  }
0x9a: {  	s0 =	sadd.s32 $0xDBC0, s0  }
0x9b: {  	vm4 =	vmand vm4, vm3;
	[tilespmem:s0+$0x0] =	vst v6;
	(ifvalue) =	ssetifvalue $0xFFFFFFFF  }
0x9c: {  	vm6 =	veq.s32 v9, $0x1;
	[hbm4b:s1+s16] =	stream.indirect_vreg.scatter [tilespmem:s0], [sflag:$0x2], $0x1, v7, vm0, $0x4038;
	v7 =	vsel vm4, $0x0, v8;
	[tilespmem:$0x11A60] =	vst v63  }
0x9d: {  	s2 =	simm.s32 $0x0;
	s22 =	sadd.s32 $0x10, s22;
	vm4 =	vmor vm6, vm5;
	v6 =	vsel vm5, v8, v10;
	v7 =	vshift.insert v7, v0, s21  }
.LBB2_7:
0x9e: {  	v8 =	vld [tilespmem:s22+$0x0];
	s30 =	sadd.s32 $0x10, s30  }
0x9f: {  	s31 =	sadd.s32 $0x10, s31;
	v9 =	vld [tilespmem:s30+$0x0]  }
0xa0: {  	s2 =	sadd.s32 $0x10, s2;
	v10 =	vld [tilespmem:s31+$0x0]  }
0xa1: {  	p2 =	slt.u32 s2, $0x1F30;
	_ =	sdelay $0x2  }
0xa2: {  	v7 =	vadd.f32 v9, v7  }
0xa3: {  	vm5 =	vne.s32 v8, $0xFFFFFFFF  }
0xa4: {  	vm6 =	vmand vm5, vm3;
	(xrf2) =	vadd.seg.scan.f32 vm5, v7;
	_ =	sdelay $0x5  }
0xa5: {  	vm7 =	veq.s32 v8, v5;
	vm5 =	veq.s32 v8, v3  }
0xa6: {  	vm8 =	vgt.u32 v8, $0xFFFFFFFD;
	vm4 =	vmor vm4, vm5;
	vm7 =	vmor vm7, vm5  }
0xa7: {  	vm7 =	vmor vm7, vm8  }
0xa8: {  	v8 =	vsel vm7, $0xFFFFFFFF, v8  }
.Ltmp5:
0xa9: {  	v7 =	vsel vm5, $0x0, v10;
	v9, _, _ =	vpop (xrf2);
	(pc) =	sbr.rel @p2 .LBB2_7-.Ltmp5, $4  }
0xaa: {  	v6 =	vsel vm5, v9, v6;
	v10 =	vadd.f32 v9, v7;
	v7 =	vsel vm6, $0x0, v9  }
0xab: {  	s0 =	sadd.s32 $0x10, s0;
	v7 =	vshift.insert v7, v0, s21  }
0xac: {  	s22 =	sadd.s32 $0x10, s22;
	[tilespmem:s0+$0x0] =	vst v10;
	(ifvalue) =	ssetifvalue $0xFFFFFFFF  }
0xad: {  	[hbm4b:s1+s16] =	stream.indirect_vreg.scatter [tilespmem:s0], [sflag:$0x2], $0x1, v8, vm0, $0x4038;
	[tilespmem:$0x11A60] =	vst v63  }
0xae: {  	v3 =	vld [tilespmem:s29+$0xFAF0];
	_ =	sdelay $0x4  }
0xaf: {  	v3 =	vshift.insert v3, v0, s21  }
0xb0: {  	s0 =	simm.s32 $0x30  }
0xb1: {  	[tilespmem:s0+$0x0] =	vst.msk $0x1, v3  }
0xb2: {  	v3 =	vsel vm4, $0x1, v1;
	[tilespmem:$0x90] =	vst v6  }
0xb3: {  	s0 =	sadd.s32 @!p1 $0xFAFF, s29;
	[tilespmem:$0xA0] =	vst v3  }
0xb4: {  	[spmem:s15] =	stream.linear.scatter @!p1 [tilespmem:s0], [sflag:$0x1], $0x1, $0x38;
	[tilespmem:$0x11A60] =	vst v63  }
0xb5: {  	s0 =	simm.s32 @!p1 $0x1  }
0xb6: {  	v3 =	vmctz.xlane @!p1 vm4;
	_ =	swait.ge @!p1 [sflag:s0], $0x1  }
0xb7: {  	(v2sf) =	vpush @!p1 v4, $0x0  }
0xb8: {  	(v2sf) =	vpush @!p1 v3, $0x0;
	_ =	sdelay $0xd  }
0xb9: {  	s2 =	spop @!p1 (v2sf)  }
0xba: {  	s22 =	spop @!p1 (v2sf)  }
0xbb: {  	p2 =	sne.s32 @!p1 s28, s2;
	p3 =	slt.s32 @!p1 s22, $0xF  }
0xbc: {  	[sflag:s0] =	ssyncset.done @!p1 $0x0;
	p2 =	por p2, p1;
	p3 =	por !p3, p1  }
0xbd: {  	[sflag:s0] =	ssyncadd.s32 @!p1 $0xFFFFFFFF;
	v3 =	vimm.s32 @!p2 $0xFFFFFFFF;
	s22 =	simm.s32 @p3 $0xF  }
0xbe: {  	[tilespmem:$0x80] =	vst @!p2 v3;
	s2 =	sadd.s32 @!p1 $0x90, s22  }
0xbf: {  	[spmem:s4] =	stream.linear.scatter @!p1 [tilespmem:s2], [sflag:$0x1], $0x1, $0x38;
	[tilespmem:$0x11A60] =	vst v63  }
0xc0: {  	_ =	swait.ge @!p1 [sflag:s0], $0x1  }
0xc1: {  	[sflag:s0] =	ssyncset.done @!p1 $0x0  }
0xc2: {  	s2 =	simm.s32 @!p1 $0x80;
	[sflag:s0] =	ssyncadd.s32 @!p1 $0xFFFFFFFF  }
0xc3: {  	[spmem:s13] =	stream.linear.scatter @!p1 [tilespmem:s2], [sflag:$0x1], $0x1, $0x38;
	[tilespmem:$0x11A60] =	vst v63  }
0xc4: {  	_ =	swait.ge @!p1 [sflag:s0], $0x1  }
0xc5: {  	[sflag:s0] =	ssyncset.done @!p1 $0x0  }
0xc6: {  	[sflag:s0] =	ssyncadd.s32 @!p1 $0xFFFFFFFF;
	(ifvalue) =	ssetifvalue $0xFFFFFFFF;
	v3 =	vld [tilespmem:s25+$0x10];
	_ =	sdelay $0x3  }
.Ltmp6:
0xc7: {  	_ = 	snop;
	(pc) =	sbr.rel .LBB2_9-.Ltmp6, $3  }
0xc8: {  	_ =	sdelay $0x1  }
0xc9: {  	(ifvalue) =	ssetifvalue $0xFFFFFFFF  }
0xca: {  	[hbm4b:s1+s16] =	stream.indirect_vreg.scatter [tilespmem:s26], [sflag:$0x9], $0x1, v3, vm0, $0x4038;
	[tilespmem:$0x11A60] =	vst v63  }
.LBB2_10:
0xcb: {  	_ =	sfence.sel $0x180000  }
0xcc: {  	s0 =	simm.s32 $0x7;
	[bflag:$0x0] =	sbarrier.arrive $0xFFFF  }
0xcd: {  	s26 =	simm.s32 $0x8;
	[sflag:s0] =	ssyncpa.u1 $0x1  }
0xce: {  	s28 =	simm.s32 $0x9;
	[sflag:s26] =	ssyncpa.u1 $0x1  }
0xcf: {  	[sflag:s28] =	ssyncpa.u1 $0x1  }
0xd0: {  	_ =	sfence.stream.spmem  }
0xd1: {  	s29 =	simm.s32 $0x3;
	[bflag:$0x0] =	sbarrier.arrive $0xFFFF  }
0xd2: {  	s30 =	simm.s32 $0x4;
	[sflag:s29] =	ssyncpa.u1 $0x1  }
0xd3: {  	s31 =	simm.s32 $0x3C;
	s2 =	stileid.u32;
	[sflag:s30] =	ssyncpa.u1 $0x1  }
0xd4: {  	p0 =	sne.s32 s2, $0x0;
	[sflag:s31] =	ssyncpa.u1 $0x1  }
0xd5: {  	s0 =	simm.s32 @p0 $0x1;
	_ =	sfence @p0  }
0xd6: {  	[sflag:s0] =	ssyncpa.u1 @p0 $0x1;
	s0 =	simm.s32 @p0 $0x2  }
0xd7: {  	[sflag:s0] =	ssyncpa.u1 @p0 $0x1  }
0xd8: {  	_ =	strace @p0 $0x90000047  }
0xd9: {  	[bflag:$0x2] =	sbarrier.arrive @p0 $0xFFFF  }
0xda: {  	_ =	shalt @p0  }
.LBB2_11:
0xdb: {  	_ =	sfence.stream.spmem;
	s0 =	simm.s32 $0x5  }
0xdc: {  	s2 =	simm.s32 $0x80;
	s3 =	simm.s32 $0xC0;
	[sflag:s0] =	ssyncpa.u1 $0x0  }
0xdd: {  	[tilespmem:s3], [sflag:$0x5] =	stream.linear.gather [spmem:s2], $0x20, $0x38;
	[tilespmem:$0x11A60] =	vst v63  }
0xde: {  	s2 =	simm.s32 $0x0;
	s3 =	simm.s32 $0xE0  }
0xdf: {  	[tilespmem:s3], [sflag:$0x5] =	stream.linear.gather [spmem:s2], $0x20, $0x38;
	[tilespmem:$0x11A60] =	vst v63  }
.Ltmp7:
0xe0: {  	_ = 	snop;
	(pc) =	sbr.rel .LBB2_12-.Ltmp7, $4  }
0xe1: {  	_ =	swait.ge [sflag:s0], $0x40  }
0xe2: {  	[sflag:s0] =	ssyncset.done $0x0  }
0xe3: {  	s31 =	simm.s32 $0x6;
	[sflag:s0] =	ssyncadd.s32 $0xFFFFFFC0  }
0xe4: {  	s4 =	simm.s32 $0x0;
	[sflag:s31] =	ssyncpa.u1 $0x0  }
.LBB2_17:
0xe5: {  	p0 =	sgt.u32 s5, $0x27FF  }
0xe6: {  	s0 =	sshrl.u32 @!p0 s5, $0x3  }
0xe7: {  	s5 =	sand.u32 @!p0 $0x7, s5;
	s6 =	simm.s32 @!p0 $0xB0;
	s0 =	sadd.s32 @!p0 s1, s0  }
0xe8: {  	[tilespmem:s6], [sflag:$0x6] =	stream.linear.gather @!p0 [hbm4b:s0+s5], $0x1, $0x38;
	[tilespmem:$0x11A60] =	vst v63  }
0xe9: {  	s0 =	simm.s32 @!p0 $0x6  }
0xea: {  	_ =	swait.ge @!p0 [sflag:s0], $0x1  }
0xeb: {  	[sflag:s0] =	ssyncset.done @!p0 $0x0  }
0xec: {  	[sflag:s0] =	ssyncadd.s32 @!p0 $0xFFFFFFFF  }
0xed: {  	v2 =	vmov @!p0 s4;
	v1 =	vld.msk @!p0 [tilespmem:$0xB0], $0x1;
	_ =	sdelay $0x3  }
0xee: {  	s0 =	simm.s32 @!p0 $0xE0  }
0xef: {  	[tilespmem:v2+s0+$0x0], v1 =	vst.idx.ret.add.f32.msk @!p0 $0x1, v1  }
0xf0: {  	[tilespmem:s2+$0xC0] =	vst.msk $0x1, v0  }
0xf1: {  	v0 =	vld.msk [tilespmem:s4+$0xE0], $0x1;
	_ =	sdelay $0x4  }
0xf2: {  	[tilespmem:s2+$0xE0] =	vst.msk $0x1, v0;
	s2 =	sadd.s32 $0x1, s2  }
.LBB2_19:
0xf3: {  	s4 =	sadd.s32 $0x1, s4  }
0xf4: {  	p0 =	sne.s32 s4, $0x20  }
.Ltmp8:
0xf5: {  	_ = 	snop;
	(pc) =	sbr.rel @!p0 .LBB2_20-.Ltmp8, $1  }
0xf6: {  	_ =	sdelay $0x3  }
.LBB2_12:
0xf7: {  	v0 =	vld.msk [tilespmem:s4+$0xC0], $0x1;
	_ =	sdelay $0x4  }
0xf8: {  	(v2sf) =	vpush v0, $0x0;
	_ =	sdelay $0xe  }
0xf9: {  	s5 =	spop (v2sf)  }
0xfa: {  	p0 =	seq.s32 s5, $0xFFFFFFFF  }
.Ltmp9:
0xfb: {  	_ = 	snop;
	(pc) =	sbr.rel @p0 .LBB2_19-.Ltmp9, $1  }
0xfc: {  	_ =	sdelay $0x3  }
0xfd: {  	p0 =	slt.s32 s2, $0x1  }
.Ltmp10:
0xfe: {  	_ = 	snop;
	(pc) =	sbr.rel @p0 .LBB2_17-.Ltmp10, $1  }
0xff: {  	_ =	sdelay $0x3  }
0x100: {  	s0 =	simm.s32 $0xC0;
	p0 =	por $0x0, $0x0  }
0x101: {  	v1 =	vld.msk @!p0 [tilespmem:s0+$0x0], $0x1;
	_ =	sdelay $0x4  }
0x102: {  	(v2sf) =	vpush @!p0 v1, $0x0;
	_ =	sdelay $0xd  }
0x103: {  	p2 =	sne.s32 s2, $0x1  }
.Ltmp11:
0x104: {  	s6 =	spop @!p0 (v2sf);
	(pc) =	sbr.rel @!p2 .LBB2_16-.Ltmp11, $4  }
0x105: {  	p1 =	seq.s32 @!p0 s5, s6  }
0x106: {  	s6 =	simm.s32 $0x0;
	p1 =	por !p1, p0  }
0x107: {  	s8 =	simm.s32 $0xFFFFFFFF;
	s6 =	simm.s32 @p1 $0xFFFFFFFF  }
0x108: {  	s7 =	simm.s32 $0x1;
	s6 =	smov.u32 @p0 s8  }
.LBB2_15:
0x109: {  	s8 =	smov.u32 s6;
	p0 =	sne.s32 s6, $0xFFFFFFFF  }
0x10a: {  	s0 =	sadd.s32 $0x1, s0;
	s6 =	smov.u32 s7;
	s7 =	sadd.s32 $0x1, s7  }
0x10b: {  	p1 =	sne.s32 s2, s7;
	v1 =	vld.msk @!p0 [tilespmem:s0+$0x0], $0x1;
	_ =	sdelay $0x4  }
0x10c: {  	(v2sf) =	vpush @!p0 v1, $0x0;
	_ =	sdelay $0xe  }
.Ltmp12:
0x10d: {  	s9 =	spop @!p0 (v2sf);
	(pc) =	sbr.rel @p1 .LBB2_15-.Ltmp12, $4  }
0x10e: {  	p2 =	seq.s32 @!p0 s5, s9  }
0x10f: {  	p2 =	por !p2, p0  }
0x110: {  	s6 =	simm.s32 @p2 $0xFFFFFFFF  }
0x111: {  	s6 =	smov.u32 @p0 s8  }
.LBB2_16:
0x112: {  	p0 =	sne.s32 s6, $0xFFFFFFFF  }
.Ltmp13:
0x113: {  	_ = 	snop;
	(pc) =	sbr.rel @!p0 .LBB2_17-.Ltmp13, $1  }
0x114: {  	_ =	sdelay $0x3  }
0x115: {  	v0 =	vld.msk [tilespmem:s4+$0xE0], $0x1;
	v1 =	vmov s6  }
.Ltmp14:
0x116: {  	_ = 	snop;
	(pc) =	sbr.rel .LBB2_19-.Ltmp14, $2  }
0x117: {  	_ =	sdelay $0x2  }
0x118: {  	[tilespmem:v1+s3+$0x0], v0 =	vst.idx.ret.add.f32.msk $0x1, v0  }
.LBB2_20:
0x119: {  	p0 =	slt.s32 s2, $0x1  }
.Ltmp15:
0x11a: {  	_ = 	snop;
	(pc) =	sbr.rel @p0 .LBB2_24-.Ltmp15, $3  }
0x11b: {  	_ =	sdelay $0x1  }
0x11c: {  	s0 =	simm.s32 $0x6  }
0x11d: {  	s3 =	simm.s32 $0x0;
	[sflag:s0] =	ssyncpa.u1 $0x1  }
0x11e: {  	s0 =	simm.s32 $0xC0  }
0x11f: {  	v0 =	vld.msk [tilespmem:s0+$0x0], $0x1;
	_ =	sdelay $0x4  }
0x120: {  	(v2sf) =	vpush v0, $0x0;
	_ =	sdelay $0xe  }
0x121: {  	s2 =	sadd.s32 $0xFFFFFFFF, s2;
	s4 =	spop (v2sf)  }
0x122: {  	p1 =	sne.s32 s2, $0x0;
	p0 =	sgt.u32 s4, $0x27FF  }
.Ltmp16:
0x123: {  	s5 =	sshrl.u32 @!p0 s4, $0x3;
	(pc) =	sbr.rel @!p1 .LBB2_23-.Ltmp16, $4  }
0x124: {  	s0 =	simm.s32 $0xE0;
	s4 =	sand.u32 @!p0 $0x7, s4;
	s5 =	sadd.s32 @!p0 s1, s5  }
0x125: {  	[hbm4b:s5+s4] =	stream.linear.scatter @!p0 [tilespmem:s0], [sflag:$0x5], $0x1, $0x38;
	[tilespmem:$0x11A60] =	vst v63  }
0x126: {  	s5 =	simm.s32 $0x0  }
0x127: {  	s4 =	simm.s32 $0xC1;
	s5 =	simm.s32 @!p0 $0x4  }
.LBB2_22:
0x128: {  	v0 =	vld.msk [tilespmem:s4+$0x0], $0x1;
	s2 =	sadd.s32 $0xFFFFFFFF, s2;
	s3 =	sadd.s32 s3, s5  }
0x129: {  	p0 =	sne.s32 s2, $0x0;
	_ =	sdelay $0x3  }
0x12a: {  	(v2sf) =	vpush v0, $0x0;
	_ =	sdelay $0xe  }
.Ltmp17:
0x12b: {  	s6 =	spop (v2sf);
	(pc) =	sbr.rel @p0 .LBB2_22-.Ltmp17, $4  }
0x12c: {  	s5 =	simm.s32 $0x0;
	p1 =	sgt.u32 s6, $0x27FF  }
0x12d: {  	s0 =	sadd.s32 $0x1, s0;
	s5 =	simm.s32 @!p1 $0x4;
	s7 =	sshrl.u32 @!p1 s6, $0x3  }
0x12e: {  	s4 =	sadd.s32 $0x1, s4;
	s6 =	sand.u32 @!p1 $0x7, s6;
	s7 =	sadd.s32 @!p1 s1, s7  }
0x12f: {  	[hbm4b:s7+s6] =	stream.linear.scatter @!p1 [tilespmem:s0], [sflag:$0x5], $0x1, $0x38;
	[tilespmem:$0x11A60] =	vst v63  }
.LBB2_23:
0x130: {  	s0 =	sadd.s32 s3, s5  }
0x131: {  	s3 =	sshrl.u32 s0, $0x2  }
.LBB2_24:
0x132: {  	s0 =	simm.s32 $0x5  }
0x133: {  	_ =	swait.ge [sflag:s0], s3  }
0x134: {  	s1 =	ssub.s32 $0x0, s3;
	[sflag:s0] =	ssyncset.done $0x0  }
0x135: {  	[sflag:s0] =	ssyncadd.s32 s1  }
0x136: {  	[sflag:s0] =	ssyncpa.u1 $0x1  }
0x137: {  	s29 =	simm.s32 $0x1;
	_ =	sfence  }
0x138: {  	s30 =	simm.s32 $0x2;
	[sflag:s29] =	ssyncpa.u1 $0x1  }
0x139: {  	[sflag:s30] =	ssyncpa.u1 $0x1  }
0x13a: {  	_ =	strace $0x90000047  }
0x13b: {  	[bflag:$0x2] =	sbarrier.arrive $0xFFFF  }
0x13c: {  	s31 =	rddreg [dreg:$0x2]  }
0x13d: {  	s0 =	sadd.s32 $0x100000, s31  }
0x13e: {  	[sflag:s0] =	ssyncadd.tile.s32 $0x1;
	_ =	shalt  }
.Lfunc_end2:
_tile_overlayer_lowered:
.L_overlay_start_2:
0x13f: {  	(tag) =	ssettag $0x2  }
0x140: {  	s0 =	rddreg [dreg:$0x0];
	s2 =	stileid.u32  }
0x141: {  	s1 =	rddreg [dreg:$0x1];
	p0 =	sne.s32 s2, $0x0  }
0x142: {  	s3 =	rddreg [dreg:$0x2];
	[bflag:$0x3] =	sbarrier.arrive $0xFFFF;
	s2 =	simm.s32 @!p0 $0x1C01  }
0x143: {  	[timem:s3], [sflag:s2] =	dma.local @!p0 [hbm:s0], s1  }
0x144: {  	s0 =	simm.s32 @!p0 $0x1  }
0x145: {  	_ =	swait.ge @!p0 [sflag:s0], s1  }
0x146: {  	s1 =	ssub.s32 @!p0 $0x0, s1;
	[sflag:s0] =	ssyncset.done @!p0 $0x0  }
0x147: {  	[sflag:s0] =	ssyncadd.s32 @!p0 s1  }
0x148: {  	[bflag:$0x3] =	sbarrier.arrive $0xFFFF  }
0x149: {  	_ =	shalt  }

</sc_bundles>
